<compile_context>
chip_gen: v7x
topology: tpu7x:2x2x1
jax: 0.10.2.dev20260603
libtpu: 0.0.44.dev20260713+nightly
codegen_flags: <defaults>
</compile_context>

<pallas_src>
import jax
import jax.numpy as jnp
from jax import lax
from jax.experimental import pallas as pl
from jax.experimental.pallas import tpu as pltpu, tpu_sc as plsc

N_NODES = 10000
N_EDGES = 320000
D = 128
DH = D // 2
N_REL = 100

NC = 2
NS = 16
E_PER_T = N_EDGES // NS
CHUNK = 80
N_CHUNKS = E_PER_T // CHUNK
ROWS_MAIN = 624

_mesh = plsc.VectorSubcoreMesh(
    core_axis_name="c", subcore_axis_name="s", num_cores=NC, num_subcores=NS)


def _gnn_body(ha, hb, ra0, rb0, ra1, rb1, src1, dst1, et1, outa, outb,
              rows0, rows1, rows2, rows3, relr0, relr1, relr2, relr3,
              sb0, sb1, sb2, sb3, eb0, eb1, eb2, eb3, db0, db1, db2, db3,
              acc1, acc2, rel_sp0, rel_sp1,
              sgh0, sgh1, sgh2, sgh3, sgr0, sgr1, sgr2, sgr3,
              sse0, sse1, sse2, sse3, sd0, sd1, sd2, sd3,
              ss0, ss1, ss2, ss3):
  cid = lax.axis_index("c")
  sid = lax.axis_index("s")

  @pl.when(jnp.logical_and(cid == 0, sid == 0))
  def _():
    pltpu.sync_copy(ra0, rel_sp0)
    pltpu.sync_copy(ra1, rel_sp1)

  @pl.when(jnp.logical_and(cid == 1, sid == 0))
  def _():
    pltpu.sync_copy(rb0, rel_sp0)
    pltpu.sync_copy(rb1, rel_sp1)

  zv = jnp.zeros((16,), jnp.float32)

  @plsc.parallel_loop(0, CHUNK)
  def _(r):
    for c in range(DH // 16):
      rows0[r, pl.ds(c * 16, 16)] = zv

  row0 = sid * ROWS_MAIN
  tail = N_NODES - NS * ROWS_MAIN
  for acc in (acc1, acc2):
    for k in range(ROWS_MAIN // CHUNK):
      pltpu.sync_copy(rows0, acc.at[pl.ds(row0 + k * CHUNK, CHUNK)])
    rem = ROWS_MAIN % CHUNK
    pltpu.sync_copy(rows0.at[pl.ds(0, rem)],
                    acc.at[pl.ds(row0 + ROWS_MAIN - rem, rem)])

    @pl.when(sid == NS - 1)
    def _():
      pltpu.sync_copy(rows0.at[pl.ds(0, tail)],
                      acc.at[pl.ds(NS * ROWS_MAIN, tail)])

  plsc.subcore_barrier()

  base_e = sid * E_PER_T

  bufs = ((rows0, relr0, sb0, eb0, db0, sgh0, sgr0, sse0, sd0, ss0),
          (rows1, relr1, sb1, eb1, db1, sgh1, sgr1, sse1, sd1, ss1),
          (rows2, relr2, sb2, eb2, db2, sgh2, sgr2, sse2, sd2, ss2),
          (rows3, relr3, sb3, eb3, db3, sgh3, sgr3, sse3, sd3, ss3))

  def refill_se(i, b):
    sb, eb, sse = bufs[b][2], bufs[b][3], bufs[b][7]
    pltpu.async_copy(src1.at[pl.ds(base_e + i * CHUNK, CHUNK)], sb, sse)
    pltpu.async_copy(et1.at[pl.ds(base_e + i * CHUNK, CHUNK)], eb, sse)

  def wait_se(i, b):
    sb, eb, sse = bufs[b][2], bufs[b][3], bufs[b][7]
    pltpu.make_async_copy(src1.at[pl.ds(base_e + i * CHUNK, CHUNK)], sb,
                          sse).wait()
    pltpu.make_async_copy(et1.at[pl.ds(base_e + i * CHUNK, CHUNK)], eb,
                          sse).wait()

  def refill_d(i, b):
    db, sd = bufs[b][4], bufs[b][8]
    pltpu.async_copy(dst1.at[pl.ds(base_e + i * CHUNK, CHUNK)], db, sd)

  def wait_d(i, b):
    db, sd = bufs[b][4], bufs[b][8]
    pltpu.make_async_copy(dst1.at[pl.ds(base_e + i * CHUNK, CHUNK)], db,
                          sd).wait()

  def mul(b):
    rows, relr = bufs[b][0], bufs[b][1]

    @plsc.parallel_loop(0, CHUNK, unroll=4)
    def _(r):
      for c in range(DH // 16):
        s = pl.ds(c * 16, 16)
        rows[r, s] = rows[r, s] * relr[r, s]

  def make_phase(src_tab, rel_sp, acc):
    per_core = isinstance(src_tab, tuple)

    def issue_gather(b):
      rows, relr = bufs[b][0], bufs[b][1]
      sb, eb = bufs[b][2], bufs[b][3]
      sgh, sgr = bufs[b][5], bufs[b][6]
      if per_core:
        @pl.when(cid == 0)
        def _():
          pltpu.async_copy(src_tab[0].at[sb], rows, sgh)

        @pl.when(cid == 1)
        def _():
          pltpu.async_copy(src_tab[1].at[sb], rows, sgh)
      else:
        pltpu.async_copy(src_tab.at[sb], rows, sgh)
      pltpu.async_copy(rel_sp.at[eb], relr, sgr)

    def wait_gather(b):
      rows, relr = bufs[b][0], bufs[b][1]
      sb, eb = bufs[b][2], bufs[b][3]
      sgh, sgr = bufs[b][5], bufs[b][6]
      ref = src_tab[0] if per_core else src_tab
      pltpu.make_async_copy(ref.at[sb], rows, sgh).wait()
      pltpu.make_async_copy(rel_sp.at[eb], relr, sgr).wait()

    def issue_scatter(b):
      rows, db, ss = bufs[b][0], bufs[b][4], bufs[b][9]
      pltpu.async_copy(rows, acc.at[db], ss, add=True)

    def wait_scatter(b):
      rows, db, ss = bufs[b][0], bufs[b][4], bufs[b][9]
      pltpu.make_async_copy(rows, acc.at[db], ss).wait()

    def section(i, b, b2, b3):
      @pl.when(i >= 2)
      def _():
        wait_scatter(b2)

      @pl.when(i + 2 < N_CHUNKS)
      def _():
        refill_d(i + 2, b2)
        wait_se(i + 2, b2)
        issue_gather(b2)

      @pl.when(i + 3 < N_CHUNKS)
      def _():
        refill_se(i + 3, b3)

      wait_gather(b)
      mul(b)
      wait_d(i, b)
      issue_scatter(b)

    def run():
      refill_se(0, 0)
      refill_se(1, 1)
      refill_se(2, 2)
      refill_d(0, 0)
      refill_d(1, 1)
      wait_se(0, 0)
      issue_gather(0)
      wait_se(1, 1)
      issue_gather(1)

      def _quad(g, _):
        for k in range(4):
          section(4 * g + k, k, (k + 2) % 4, (k + 3) % 4)
        return _

      n_quads = N_CHUNKS // 4
      lax.fori_loop(0, n_quads, _quad, None)
      for i in range(4 * n_quads, N_CHUNKS):
        section(jnp.int32(i), i % 4, (i + 2) % 4, (i + 3) % 4)
      wait_scatter((N_CHUNKS - 2) % 4)
      wait_scatter((N_CHUNKS - 1) % 4)

    return run

  make_phase((ha, hb), rel_sp0, acc1)()
  plsc.subcore_barrier()
  make_phase(acc1, rel_sp1, acc2)()
  plsc.subcore_barrier()

  for c, out in ((0, outa), (1, outb)):

    @pl.when(cid == c)
    def _():
      pltpu.sync_copy(acc2.at[pl.ds(row0, ROWS_MAIN)],
                      out.at[pl.ds(row0, ROWS_MAIN)])

      @pl.when(sid == NS - 1)
      def _():
        pltpu.sync_copy(acc2.at[pl.ds(NS * ROWS_MAIN, tail)],
                        out.at[pl.ds(NS * ROWS_MAIN, tail)])


_gnn2 = pl.kernel(
    _gnn_body,
    out_type=(jax.ShapeDtypeStruct((N_NODES, DH), jnp.float32),
              jax.ShapeDtypeStruct((N_NODES, DH), jnp.float32)),
    mesh=_mesh,
    compiler_params=pltpu.CompilerParams(use_tc_tiling_on_sc=False),
    scratch_types=(
        [pltpu.VMEM((CHUNK, DH), jnp.float32)] * 8
        + [pltpu.VMEM((CHUNK,), jnp.int32)] * 12
        + [pltpu.VMEM_SHARED((N_NODES, DH), jnp.float32)] * 2
        + [pltpu.VMEM_SHARED((N_REL, DH), jnp.float32)] * 2
        + [pltpu.SemaphoreType.DMA] * 20
    ),
)


def kernel(node_features, edge_index, etype, rel_emb_0, rel_emb_1):
  src = edge_index[0].astype(jnp.int32)
  dst = edge_index[1].astype(jnp.int32)
  et = etype.astype(jnp.int32)
  ha = node_features[:, :DH]
  hb = node_features[:, DH:]
  oa, ob = _gnn2(ha, hb,
                 rel_emb_0[:, :DH], rel_emb_0[:, DH:],
                 rel_emb_1[:, :DH], rel_emb_1[:, DH:],
                 src, dst, et)
  return jnp.concatenate([oa, ob], axis=1)

# --- scband reference (transcript-rebuilt; emitter-appended) ---
"""Pipeline reference for scband-relational-gnn-48120813584781 (READ-ONLY COPY).

The authoritative reference and input builder live on the scoring server;
editing this copy changes nothing except your own understanding.
"""

import jax, jax.numpy as jnp
import numpy as np

N_NODES = 10000
N_EDGES = 320000
D_FEAT = 128
N_REL = 100

def setup_inputs(seed: int = 0) -> dict:
    key = jax.random.key(seed)
    k_x, k_ei, k_et, k_r0, k_r1 = (jax.random.fold_in(key, i) for i in range(5))
    node_features = jax.random.normal(k_x, (N_NODES, D_FEAT), dtype=jnp.float32)
    edge_index = jax.random.randint(k_ei, (2, N_EDGES), 0, N_NODES, dtype=jnp.int64)
    etype = jax.random.randint(k_et, (N_EDGES,), 0, N_REL, dtype=jnp.int64)
    rel_emb_0 = jax.random.normal(k_r0, (N_REL, D_FEAT), dtype=jnp.float32)
    rel_emb_1 = jax.random.normal(k_r1, (N_REL, D_FEAT), dtype=jnp.float32)
    return {"node_features": node_features, "edge_index": edge_index, "etype": etype, "rel_emb_0": rel_emb_0, "rel_emb_1": rel_emb_1}

def reference(node_features, edge_index, etype, rel_emb_0, rel_emb_1):
    # RelationalGNN with op='mul', reduce_op='sum', use_fused=False, n_layers=2.
    # Per layer: edge message = src_h * relation_embeddings[etype];
    # reduce = sum of incoming edge messages at dst node (dgl fn.sum semantics).
    src = edge_index[0]
    dst = edge_index[1]
    h = node_features
    for rel_emb in (rel_emb_0, rel_emb_1):
        src_h = jnp.take(h, src, axis=0)                  # gather [E, d]
        edge_emb = jnp.take(rel_emb, etype, axis=0)       # gather [E, d]
        msg = src_h * edge_emb                            # u_mul_e
        h = jax.ops.segment_sum(msg, dst, num_segments=N_NODES)  # scatter-add
    return h

if __name__ == "__main__":
    import jax
    _d = setup_inputs()
    print(jax.jit(kernel)(*tuple(_d.values())))

</pallas_src>

<mosaic_0001>
#map = affine_map<(d0, d1) -> (0, 0)>
#map1 = affine_map<(d0, d1) -> (0)>
module attributes {stable_mosaic.version = 14 : i64} {
  func.func @_gnn_body(%arg0: i32, %arg1: i32, %arg2: memref<10000x64xf32, #tpu.memory_space<hbm>>, %arg3: memref<10000x64xf32, #tpu.memory_space<hbm>>, %arg4: memref<100x64xf32, #tpu.memory_space<hbm>>, %arg5: memref<100x64xf32, #tpu.memory_space<hbm>>, %arg6: memref<100x64xf32, #tpu.memory_space<hbm>>, %arg7: memref<100x64xf32, #tpu.memory_space<hbm>>, %arg8: memref<320000xi32, #tpu.memory_space<hbm>>, %arg9: memref<320000xi32, #tpu.memory_space<hbm>>, %arg10: memref<320000xi32, #tpu.memory_space<hbm>>, %arg11: memref<10000x64xf32, #tpu.memory_space<hbm>>, %arg12: memref<10000x64xf32, #tpu.memory_space<hbm>>, %arg13: memref<80x64xf32, #tpu.memory_space<vmem>>, %arg14: memref<80x64xf32, #tpu.memory_space<vmem>>, %arg15: memref<80x64xf32, #tpu.memory_space<vmem>>, %arg16: memref<80x64xf32, #tpu.memory_space<vmem>>, %arg17: memref<80x64xf32, #tpu.memory_space<vmem>>, %arg18: memref<80x64xf32, #tpu.memory_space<vmem>>, %arg19: memref<80x64xf32, #tpu.memory_space<vmem>>, %arg20: memref<80x64xf32, #tpu.memory_space<vmem>>, %arg21: memref<80xi32, #tpu.memory_space<vmem>>, %arg22: memref<80xi32, #tpu.memory_space<vmem>>, %arg23: memref<80xi32, #tpu.memory_space<vmem>>, %arg24: memref<80xi32, #tpu.memory_space<vmem>>, %arg25: memref<80xi32, #tpu.memory_space<vmem>>, %arg26: memref<80xi32, #tpu.memory_space<vmem>>, %arg27: memref<80xi32, #tpu.memory_space<vmem>>, %arg28: memref<80xi32, #tpu.memory_space<vmem>>, %arg29: memref<80xi32, #tpu.memory_space<vmem>>, %arg30: memref<80xi32, #tpu.memory_space<vmem>>, %arg31: memref<80xi32, #tpu.memory_space<vmem>>, %arg32: memref<80xi32, #tpu.memory_space<vmem>>, %arg33: memref<10000x64xf32, #tpu.memory_space<vmem_shared>>, %arg34: memref<10000x64xf32, #tpu.memory_space<vmem_shared>>, %arg35: memref<100x64xf32, #tpu.memory_space<vmem_shared>>, %arg36: memref<100x64xf32, #tpu.memory_space<vmem_shared>>, %arg37: memref<!tpu.dma_semaphore, #tpu.memory_space<semaphore_mem>>, %arg38: memref<!tpu.dma_semaphore, #tpu.memory_space<semaphore_mem>>, %arg39: memref<!tpu.dma_semaphore, #tpu.memory_space<semaphore_mem>>, %arg40: memref<!tpu.dma_semaphore, #tpu.memory_space<semaphore_mem>>, %arg41: memref<!tpu.dma_semaphore, #tpu.memory_space<semaphore_mem>>, %arg42: memref<!tpu.dma_semaphore, #tpu.memory_space<semaphore_mem>>, %arg43: memref<!tpu.dma_semaphore, #tpu.memory_space<semaphore_mem>>, %arg44: memref<!tpu.dma_semaphore, #tpu.memory_space<semaphore_mem>>, %arg45: memref<!tpu.dma_semaphore, #tpu.memory_space<semaphore_mem>>, %arg46: memref<!tpu.dma_semaphore, #tpu.memory_space<semaphore_mem>>, %arg47: memref<!tpu.dma_semaphore, #tpu.memory_space<semaphore_mem>>, %arg48: memref<!tpu.dma_semaphore, #tpu.memory_space<semaphore_mem>>, %arg49: memref<!tpu.dma_semaphore, #tpu.memory_space<semaphore_mem>>, %arg50: memref<!tpu.dma_semaphore, #tpu.memory_space<semaphore_mem>>, %arg51: memref<!tpu.dma_semaphore, #tpu.memory_space<semaphore_mem>>, %arg52: memref<!tpu.dma_semaphore, #tpu.memory_space<semaphore_mem>>, %arg53: memref<!tpu.dma_semaphore, #tpu.memory_space<semaphore_mem>>, %arg54: memref<!tpu.dma_semaphore, #tpu.memory_space<semaphore_mem>>, %arg55: memref<!tpu.dma_semaphore, #tpu.memory_space<semaphore_mem>>, %arg56: memref<!tpu.dma_semaphore, #tpu.memory_space<semaphore_mem>>) attributes {dimension_semantics = [#tpu.dimension_semantics<core_parallel>, #tpu.dimension_semantics<subcore_parallel>], iteration_bounds = array<i64: 2, 16>, scalar_prefetch = 0 : i64, scratch_operands = 44 : i64, tpu.core_type = #tpu.core_type<sc_vector_subcore>, window_params = [{transform_indices = #map}, {transform_indices = #map}, {transform_indices = #map}, {transform_indices = #map}, {transform_indices = #map}, {transform_indices = #map}, {transform_indices = #map1}, {transform_indices = #map1}, {transform_indices = #map1}, {transform_indices = #map}, {transform_indices = #map}]} {
    %eq3A = arith.constant 0 : i32
    %eq3A_0 = arith.cmpi eq, %arg0, %eq3A : i32
    %eq3A_1 = arith.constant 0 : i32
    %eq3A_2 = arith.cmpi eq, %arg1, %eq3A_1 : i32
    %and3A = arith.andi %eq3A_0, %eq3A_2 : i1
    %convert_element_type3A = arith.extui %and3A : i1 to i32
    %cond3A = arith.constant 0 : i32
    %cond3A_3 = arith.cmpi ne, %convert_element_type3A, %cond3A : i32
    scf.if %cond3A_3 {
      "tpu.region"() ({
        %run_scoped3A = tpu.sem_alloc : memref<!tpu.dma_semaphore, #tpu.memory_space<semaphore_mem>>
        tpu.enqueue_dma source(%arg4 : memref<100x64xf32, #tpu.memory_space<hbm>>) target(%arg35 : memref<100x64xf32, #tpu.memory_space<vmem_shared>>) target_semaphore(%run_scoped3A : memref<!tpu.dma_semaphore, #tpu.memory_space<semaphore_mem>>)
        tpu.wait_dma2 semaphore(%run_scoped3A : memref<!tpu.dma_semaphore, #tpu.memory_space<semaphore_mem>>) src(%arg4 : memref<100x64xf32, #tpu.memory_space<hbm>>) dst(%arg35 : memref<100x64xf32, #tpu.memory_space<vmem_shared>>)
        tpu.yield
      }) : () -> ()
      "tpu.region"() ({
        %run_scoped3A = tpu.sem_alloc : memref<!tpu.dma_semaphore, #tpu.memory_space<semaphore_mem>>
        tpu.enqueue_dma source(%arg6 : memref<100x64xf32, #tpu.memory_space<hbm>>) target(%arg36 : memref<100x64xf32, #tpu.memory_space<vmem_shared>>) target_semaphore(%run_scoped3A : memref<!tpu.dma_semaphore, #tpu.memory_space<semaphore_mem>>)
        tpu.wait_dma2 semaphore(%run_scoped3A : memref<!tpu.dma_semaphore, #tpu.memory_space<semaphore_mem>>) src(%arg6 : memref<100x64xf32, #tpu.memory_space<hbm>>) dst(%arg36 : memref<100x64xf32, #tpu.memory_space<vmem_shared>>)
        tpu.yield
      }) : () -> ()
    } else {
    }
    %eq3A_4 = arith.constant 1 : i32
    %eq3A_5 = arith.cmpi eq, %arg0, %eq3A_4 : i32
    %eq3A_6 = arith.constant 0 : i32
    %eq3A_7 = arith.cmpi eq, %arg1, %eq3A_6 : i32
    %and3A_8 = arith.andi %eq3A_5, %eq3A_7 : i1
    %convert_element_type3A_9 = arith.extui %and3A_8 : i1 to i32
    %cond3A_10 = arith.constant 0 : i32
    %cond3A_11 = arith.cmpi ne, %convert_element_type3A_9, %cond3A_10 : i32
    scf.if %cond3A_11 {
      "tpu.region"() ({
        %run_scoped3A = tpu.sem_alloc : memref<!tpu.dma_semaphore, #tpu.memory_space<semaphore_mem>>
        tpu.enqueue_dma source(%arg5 : memref<100x64xf32, #tpu.memory_space<hbm>>) target(%arg35 : memref<100x64xf32, #tpu.memory_space<vmem_shared>>) target_semaphore(%run_scoped3A : memref<!tpu.dma_semaphore, #tpu.memory_space<semaphore_mem>>)
        tpu.wait_dma2 semaphore(%run_scoped3A : memref<!tpu.dma_semaphore, #tpu.memory_space<semaphore_mem>>) src(%arg5 : memref<100x64xf32, #tpu.memory_space<hbm>>) dst(%arg35 : memref<100x64xf32, #tpu.memory_space<vmem_shared>>)
        tpu.yield
      }) : () -> ()
      "tpu.region"() ({
        %run_scoped3A = tpu.sem_alloc : memref<!tpu.dma_semaphore, #tpu.memory_space<semaphore_mem>>
        tpu.enqueue_dma source(%arg7 : memref<100x64xf32, #tpu.memory_space<hbm>>) target(%arg36 : memref<100x64xf32, #tpu.memory_space<vmem_shared>>) target_semaphore(%run_scoped3A : memref<!tpu.dma_semaphore, #tpu.memory_space<semaphore_mem>>)
        tpu.wait_dma2 semaphore(%run_scoped3A : memref<!tpu.dma_semaphore, #tpu.memory_space<semaphore_mem>>) src(%arg7 : memref<100x64xf32, #tpu.memory_space<hbm>>) dst(%arg36 : memref<100x64xf32, #tpu.memory_space<vmem_shared>>)
        tpu.yield
      }) : () -> ()
    } else {
    }
    %broadcast_in_dim3A = arith.constant 0.000000e+00 : f32
    %broadcast_in_dim3A_12 = vector.broadcast %broadcast_in_dim3A : f32 to vector<16xf32>
    %parallel_loop3A = arith.constant 0 : i32
    %parallel_loop3A_13 = arith.constant 80 : i32
    %parallel_loop3A_14 = arith.constant 1 : i32
    scf.for %parallel_loop3A_393 = %parallel_loop3A to %parallel_loop3A_13 step %parallel_loop3A_14  : i32 {
      %parallel_loop3A_394 = arith.index_cast %parallel_loop3A_393 : i32 to index
      %parallel_loop3A_395 = arith.constant 0 : index
      %parallel_loop3A_396 = tpu.vector_load %arg13[%parallel_loop3A_394, %parallel_loop3A_395] {strides = array<i32>} : memref<80x64xf32, #tpu.memory_space<vmem>>, vector<1x16xf32>,
      %parallel_loop3A_397 = vector.shape_cast %parallel_loop3A_396 : vector<1x16xf32> to vector<16xf32>
      %parallel_loop3A_398 = vector.shape_cast %broadcast_in_dim3A_12 : vector<16xf32> to vector<1x16xf32>
      tpu.vector_store %arg13[%parallel_loop3A_394, %parallel_loop3A_395], %parallel_loop3A_398 {strides = array<i32>} : memref<80x64xf32, #tpu.memory_space<vmem>>, vector<1x16xf32>,
      %parallel_loop3A_399 = arith.index_cast %parallel_loop3A_393 : i32 to index
      %parallel_loop3A_400 = arith.constant 16 : index
      %parallel_loop3A_401 = tpu.vector_load %arg13[%parallel_loop3A_399, %parallel_loop3A_400] {strides = array<i32>} : memref<80x64xf32, #tpu.memory_space<vmem>>, vector<1x16xf32>,
      %parallel_loop3A_402 = vector.shape_cast %parallel_loop3A_401 : vector<1x16xf32> to vector<16xf32>
      %parallel_loop3A_403 = vector.shape_cast %broadcast_in_dim3A_12 : vector<16xf32> to vector<1x16xf32>
      tpu.vector_store %arg13[%parallel_loop3A_399, %parallel_loop3A_400], %parallel_loop3A_403 {strides = array<i32>} : memref<80x64xf32, #tpu.memory_space<vmem>>, vector<1x16xf32>,
      %parallel_loop3A_404 = arith.index_cast %parallel_loop3A_393 : i32 to index
      %parallel_loop3A_405 = arith.constant 32 : index
      %parallel_loop3A_406 = tpu.vector_load %arg13[%parallel_loop3A_404, %parallel_loop3A_405] {strides = array<i32>} : memref<80x64xf32, #tpu.memory_space<vmem>>, vector<1x16xf32>,
      %parallel_loop3A_407 = vector.shape_cast %parallel_loop3A_406 : vector<1x16xf32> to vector<16xf32>
      %parallel_loop3A_408 = vector.shape_cast %broadcast_in_dim3A_12 : vector<16xf32> to vector<1x16xf32>
      tpu.vector_store %arg13[%parallel_loop3A_404, %parallel_loop3A_405], %parallel_loop3A_408 {strides = array<i32>} : memref<80x64xf32, #tpu.memory_space<vmem>>, vector<1x16xf32>,
      %parallel_loop3A_409 = arith.index_cast %parallel_loop3A_393 : i32 to index
      %parallel_loop3A_410 = arith.constant 48 : index
      %parallel_loop3A_411 = tpu.vector_load %arg13[%parallel_loop3A_409, %parallel_loop3A_410] {strides = array<i32>} : memref<80x64xf32, #tpu.memory_space<vmem>>, vector<1x16xf32>,
      %parallel_loop3A_412 = vector.shape_cast %parallel_loop3A_411 : vector<1x16xf32> to vector<16xf32>
      %parallel_loop3A_413 = vector.shape_cast %broadcast_in_dim3A_12 : vector<16xf32> to vector<1x16xf32>
      tpu.vector_store %arg13[%parallel_loop3A_409, %parallel_loop3A_410], %parallel_loop3A_413 {strides = array<i32>} : memref<80x64xf32, #tpu.memory_space<vmem>>, vector<1x16xf32>,
    } {sc.loop_unroll_factor = 1 : i64, sc.parallel_access}
    %mul3A = arith.constant 624 : i32
    %mul3A_15 = arith.muli %arg1, %mul3A : i32
    %add3A = arith.constant 0 : i32
    %add3A_16 = arith.addi %mul3A_15, %add3A : i32
    "tpu.region"() ({
      %run_scoped3A = tpu.sem_alloc : memref<!tpu.dma_semaphore, #tpu.memory_space<semaphore_mem>>
      %dma_start3A_393 = arith.constant 0 : i32
      %dma_start3A_394 = tpu.memref_slice %arg33[%add3A_16, %dma_start3A_393] : memref<10000x64xf32, #tpu.memory_space<vmem_shared>> -> memref<80x64xf32, #tpu.memory_space<vmem_shared>>
      %dma_start3A_395 = arith.constant 0 : i32
      %dma_start3A_396 = tpu.memref_slice %arg33[%add3A_16, %dma_start3A_395] : memref<10000x64xf32, #tpu.memory_space<vmem_shared>> -> memref<80x64xf32, #tpu.memory_space<vmem_shared>>
      tpu.enqueue_dma source(%arg13 : memref<80x64xf32, #tpu.memory_space<vmem>>) target(%dma_start3A_396 : memref<80x64xf32, #tpu.memory_space<vmem_shared>>) target_semaphore(%run_scoped3A : memref<!tpu.dma_semaphore, #tpu.memory_space<semaphore_mem>>)
      %dma_wait3A_397 = arith.constant 0 : i32
      %dma_wait3A_398 = tpu.memref_slice %arg33[%add3A_16, %dma_wait3A_397] : memref<10000x64xf32, #tpu.memory_space<vmem_shared>> -> memref<80x64xf32, #tpu.memory_space<vmem_shared>>
      %dma_wait3A_399 = arith.constant 0 : i32
      %dma_wait3A_400 = tpu.memref_slice %arg33[%add3A_16, %dma_wait3A_399] : memref<10000x64xf32, #tpu.memory_space<vmem_shared>> -> memref<80x64xf32, #tpu.memory_space<vmem_shared>>
      tpu.wait_dma2 semaphore(%run_scoped3A : memref<!tpu.dma_semaphore, #tpu.memory_space<semaphore_mem>>) src(%arg13 : memref<80x64xf32, #tpu.memory_space<vmem>>) dst(%dma_wait3A_400 : memref<80x64xf32, #tpu.memory_space<vmem_shared>>)
      tpu.yield
    }) : () -> ()
    %add3A_17 = arith.constant 80 : i32
    %add3A_18 = arith.addi %mul3A_15, %add3A_17 : i32
    "tpu.region"() ({
      %run_scoped3A = tpu.sem_alloc : memref<!tpu.dma_semaphore, #tpu.memory_space<semaphore_mem>>
      %dma_start3A_393 = arith.constant 0 : i32
      %dma_start3A_394 = tpu.memref_slice %arg33[%add3A_18, %dma_start3A_393] : memref<10000x64xf32, #tpu.memory_space<vmem_shared>> -> memref<80x64xf32, #tpu.memory_space<vmem_shared>>
      %dma_start3A_395 = arith.constant 0 : i32
      %dma_start3A_396 = tpu.memref_slice %arg33[%add3A_18, %dma_start3A_395] : memref<10000x64xf32, #tpu.memory_space<vmem_shared>> -> memref<80x64xf32, #tpu.memory_space<vmem_shared>>
      tpu.enqueue_dma source(%arg13 : memref<80x64xf32, #tpu.memory_space<vmem>>) target(%dma_start3A_396 : memref<80x64xf32, #tpu.memory_space<vmem_shared>>) target_semaphore(%run_scoped3A : memref<!tpu.dma_semaphore, #tpu.memory_space<semaphore_mem>>)
      %dma_wait3A_397 = arith.constant 0 : i32
      %dma_wait3A_398 = tpu.memref_slice %arg33[%add3A_18, %dma_wait3A_397] : memref<10000x64xf32, #tpu.memory_space<vmem_shared>> -> memref<80x64xf32, #tpu.memory_space<vmem_shared>>
      %dma_wait3A_399 = arith.constant 0 : i32
      %dma_wait3A_400 = tpu.memref_slice %arg33[%add3A_18, %dma_wait3A_399] : memref<10000x64xf32, #tpu.memory_space<vmem_shared>> -> memref<80x64xf32, #tpu.memory_space<vmem_shared>>
      tpu.wait_dma2 semaphore(%run_scoped3A : memref<!tpu.dma_semaphore, #tpu.memory_space<semaphore_mem>>) src(%arg13 : memref<80x64xf32, #tpu.memory_space<vmem>>) dst(%dma_wait3A_400 : memref<80x64xf32, #tpu.memory_space<vmem_shared>>)
      tpu.yield
    }) : () -> ()
    %add3A_19 = arith.constant 160 : i32
    %add3A_20 = arith.addi %mul3A_15, %add3A_19 : i32
    "tpu.region"() ({
      %run_scoped3A = tpu.sem_alloc : memref<!tpu.dma_semaphore, #tpu.memory_space<semaphore_mem>>
      %dma_start3A_393 = arith.constant 0 : i32
      %dma_start3A_394 = tpu.memref_slice %arg33[%add3A_20, %dma_start3A_393] : memref<10000x64xf32, #tpu.memory_space<vmem_shared>> -> memref<80x64xf32, #tpu.memory_space<vmem_shared>>
      %dma_start3A_395 = arith.constant 0 : i32
      %dma_start3A_396 = tpu.memref_slice %arg33[%add3A_20, %dma_start3A_395] : memref<10000x64xf32, #tpu.memory_space<vmem_shared>> -> memref<80x64xf32, #tpu.memory_space<vmem_shared>>
      tpu.enqueue_dma source(%arg13 : memref<80x64xf32, #tpu.memory_space<vmem>>) target(%dma_start3A_396 : memref<80x64xf32, #tpu.memory_space<vmem_shared>>) target_semaphore(%run_scoped3A : memref<!tpu.dma_semaphore, #tpu.memory_space<semaphore_mem>>)
      %dma_wait3A_397 = arith.constant 0 : i32
      %dma_wait3A_398 = tpu.memref_slice %arg33[%add3A_20, %dma_wait3A_397] : memref<10000x64xf32, #tpu.memory_space<vmem_shared>> -> memref<80x64xf32, #tpu.memory_space<vmem_shared>>
      %dma_wait3A_399 = arith.constant 0 : i32
      %dma_wait3A_400 = tpu.memref_slice %arg33[%add3A_20, %dma_wait3A_399] : memref<10000x64xf32, #tpu.memory_space<vmem_shared>> -> memref<80x64xf32, #tpu.memory_space<vmem_shared>>
      tpu.wait_dma2 semaphore(%run_scoped3A : memref<!tpu.dma_semaphore, #tpu.memory_space<semaphore_mem>>) src(%arg13 : memref<80x64xf32, #tpu.memory_space<vmem>>) dst(%dma_wait3A_400 : memref<80x64xf32, #tpu.memory_space<vmem_shared>>)
      tpu.yield
    }) : () -> ()
    %add3A_21 = arith.constant 240 : i32
    %add3A_22 = arith.addi %mul3A_15, %add3A_21 : i32
    "tpu.region"() ({
      %run_scoped3A = tpu.sem_alloc : memref<!tpu.dma_semaphore, #tpu.memory_space<semaphore_mem>>
      %dma_start3A_393 = arith.constant 0 : i32
      %dma_start3A_394 = tpu.memref_slice %arg33[%add3A_22, %dma_start3A_393] : memref<10000x64xf32, #tpu.memory_space<vmem_shared>> -> memref<80x64xf32, #tpu.memory_space<vmem_shared>>
      %dma_start3A_395 = arith.constant 0 : i32
      %dma_start3A_396 = tpu.memref_slice %arg33[%add3A_22, %dma_start3A_395] : memref<10000x64xf32, #tpu.memory_space<vmem_shared>> -> memref<80x64xf32, #tpu.memory_space<vmem_shared>>
      tpu.enqueue_dma source(%arg13 : memref<80x64xf32, #tpu.memory_space<vmem>>) target(%dma_start3A_396 : memref<80x64xf32, #tpu.memory_space<vmem_shared>>) target_semaphore(%run_scoped3A : memref<!tpu.dma_semaphore, #tpu.memory_space<semaphore_mem>>)
      %dma_wait3A_397 = arith.constant 0 : i32
      %dma_wait3A_398 = tpu.memref_slice %arg33[%add3A_22, %dma_wait3A_397] : memref<10000x64xf32, #tpu.memory_space<vmem_shared>> -> memref<80x64xf32, #tpu.memory_space<vmem_shared>>
      %dma_wait3A_399 = arith.constant 0 : i32
      %dma_wait3A_400 = tpu.memref_slice %arg33[%add3A_22, %dma_wait3A_399] : memref<10000x64xf32, #tpu.memory_space<vmem_shared>> -> memref<80x64xf32, #tpu.memory_space<vmem_shared>>
      tpu.wait_dma2 semaphore(%run_scoped3A : memref<!tpu.dma_semaphore, #tpu.memory_space<semaphore_mem>>) src(%arg13 : memref<80x64xf32, #tpu.memory_space<vmem>>) dst(%dma_wait3A_400 : memref<80x64xf32, #tpu.memory_space<vmem_shared>>)
      tpu.yield
    }) : () -> ()
    %add3A_23 = arith.constant 320 : i32
    %add3A_24 = arith.addi %mul3A_15, %add3A_23 : i32
    "tpu.region"() ({
      %run_scoped3A = tpu.sem_alloc : memref<!tpu.dma_semaphore, #tpu.memory_space<semaphore_mem>>
      %dma_start3A_393 = arith.constant 0 : i32
      %dma_start3A_394 = tpu.memref_slice %arg33[%add3A_24, %dma_start3A_393] : memref<10000x64xf32, #tpu.memory_space<vmem_shared>> -> memref<80x64xf32, #tpu.memory_space<vmem_shared>>
      %dma_start3A_395 = arith.constant 0 : i32
      %dma_start3A_396 = tpu.memref_slice %arg33[%add3A_24, %dma_start3A_395] : memref<10000x64xf32, #tpu.memory_space<vmem_shared>> -> memref<80x64xf32, #tpu.memory_space<vmem_shared>>
      tpu.enqueue_dma source(%arg13 : memref<80x64xf32, #tpu.memory_space<vmem>>) target(%dma_start3A_396 : memref<80x64xf32, #tpu.memory_space<vmem_shared>>) target_semaphore(%run_scoped3A : memref<!tpu.dma_semaphore, #tpu.memory_space<semaphore_mem>>)
      %dma_wait3A_397 = arith.constant 0 : i32
      %dma_wait3A_398 = tpu.memref_slice %arg33[%add3A_24, %dma_wait3A_397] : memref<10000x64xf32, #tpu.memory_space<vmem_shared>> -> memref<80x64xf32, #tpu.memory_space<vmem_shared>>
      %dma_wait3A_399 = arith.constant 0 : i32
      %dma_wait3A_400 = tpu.memref_slice %arg33[%add3A_24, %dma_wait3A_399] : memref<10000x64xf32, #tpu.memory_space<vmem_shared>> -> memref<80x64xf32, #tpu.memory_space<vmem_shared>>
      tpu.wait_dma2 semaphore(%run_scoped3A : memref<!tpu.dma_semaphore, #tpu.memory_space<semaphore_mem>>) src(%arg13 : memref<80x64xf32, #tpu.memory_space<vmem>>) dst(%dma_wait3A_400 : memref<80x64xf32, #tpu.memory_space<vmem_shared>>)
      tpu.yield
    }) : () -> ()
    %add3A_25 = arith.constant 400 : i32
    %add3A_26 = arith.addi %mul3A_15, %add3A_25 : i32
    "tpu.region"() ({
      %run_scoped3A = tpu.sem_alloc : memref<!tpu.dma_semaphore, #tpu.memory_space<semaphore_mem>>
      %dma_start3A_393 = arith.constant 0 : i32
      %dma_start3A_394 = tpu.memref_slice %arg33[%add3A_26, %dma_start3A_393] : memref<10000x64xf32, #tpu.memory_space<vmem_shared>> -> memref<80x64xf32, #tpu.memory_space<vmem_shared>>
      %dma_start3A_395 = arith.constant 0 : i32
      %dma_start3A_396 = tpu.memref_slice %arg33[%add3A_26, %dma_start3A_395] : memref<10000x64xf32, #tpu.memory_space<vmem_shared>> -> memref<80x64xf32, #tpu.memory_space<vmem_shared>>
      tpu.enqueue_dma source(%arg13 : memref<80x64xf32, #tpu.memory_space<vmem>>) target(%dma_start3A_396 : memref<80x64xf32, #tpu.memory_space<vmem_shared>>) target_semaphore(%run_scoped3A : memref<!tpu.dma_semaphore, #tpu.memory_space<semaphore_mem>>)
      %dma_wait3A_397 = arith.constant 0 : i32
      %dma_wait3A_398 = tpu.memref_slice %arg33[%add3A_26, %dma_wait3A_397] : memref<10000x64xf32, #tpu.memory_space<vmem_shared>> -> memref<80x64xf32, #tpu.memory_space<vmem_shared>>
      %dma_wait3A_399 = arith.constant 0 : i32
      %dma_wait3A_400 = tpu.memref_slice %arg33[%add3A_26, %dma_wait3A_399] : memref<10000x64xf32, #tpu.memory_space<vmem_shared>> -> memref<80x64xf32, #tpu.memory_space<vmem_shared>>
      tpu.wait_dma2 semaphore(%run_scoped3A : memref<!tpu.dma_semaphore, #tpu.memory_space<semaphore_mem>>) src(%arg13 : memref<80x64xf32, #tpu.memory_space<vmem>>) dst(%dma_wait3A_400 : memref<80x64xf32, #tpu.memory_space<vmem_shared>>)
      tpu.yield
    }) : () -> ()
    %add3A_27 = arith.constant 480 : i32
    %add3A_28 = arith.addi %mul3A_15, %add3A_27 : i32
    "tpu.region"() ({
      %run_scoped3A = tpu.sem_alloc : memref<!tpu.dma_semaphore, #tpu.memory_space<semaphore_mem>>
      %dma_start3A_393 = arith.constant 0 : i32
      %dma_start3A_394 = tpu.memref_slice %arg33[%add3A_28, %dma_start3A_393] : memref<10000x64xf32, #tpu.memory_space<vmem_shared>> -> memref<80x64xf32, #tpu.memory_space<vmem_shared>>
      %dma_start3A_395 = arith.constant 0 : i32
      %dma_start3A_396 = tpu.memref_slice %arg33[%add3A_28, %dma_start3A_395] : memref<10000x64xf32, #tpu.memory_space<vmem_shared>> -> memref<80x64xf32, #tpu.memory_space<vmem_shared>>
      tpu.enqueue_dma source(%arg13 : memref<80x64xf32, #tpu.memory_space<vmem>>) target(%dma_start3A_396 : memref<80x64xf32, #tpu.memory_space<vmem_shared>>) target_semaphore(%run_scoped3A : memref<!tpu.dma_semaphore, #tpu.memory_space<semaphore_mem>>)
      %dma_wait3A_397 = arith.constant 0 : i32
      %dma_wait3A_398 = tpu.memref_slice %arg33[%add3A_28, %dma_wait3A_397] : memref<10000x64xf32, #tpu.memory_space<vmem_shared>> -> memref<80x64xf32, #tpu.memory_space<vmem_shared>>
      %dma_wait3A_399 = arith.constant 0 : i32
      %dma_wait3A_400 = tpu.memref_slice %arg33[%add3A_28, %dma_wait3A_399] : memref<10000x64xf32, #tpu.memory_space<vmem_shared>> -> memref<80x64xf32, #tpu.memory_space<vmem_shared>>
      tpu.wait_dma2 semaphore(%run_scoped3A : memref<!tpu.dma_semaphore, #tpu.memory_space<semaphore_mem>>) src(%arg13 : memref<80x64xf32, #tpu.memory_space<vmem>>) dst(%dma_wait3A_400 : memref<80x64xf32, #tpu.memory_space<vmem_shared>>)
      tpu.yield
    }) : () -> ()
    %add3A_29 = arith.constant 624 : i32
    %add3A_30 = arith.addi %mul3A_15, %add3A_29 : i32
    %sub3A = arith.constant 64 : i32
    %sub3A_31 = arith.subi %add3A_30, %sub3A : i32
    "tpu.region"() ({
      %run_scoped3A = tpu.sem_alloc : memref<!tpu.dma_semaphore, #tpu.memory_space<semaphore_mem>>
      %dma_start3A_393 = arith.constant 0 : i32
      %dma_start3A_394 = arith.constant 0 : i32
      %dma_start3A_395 = tpu.memref_slice %arg13[%dma_start3A_393, %dma_start3A_394] : memref<80x64xf32, #tpu.memory_space<vmem>> -> memref<64x64xf32, #tpu.memory_space<vmem>>
      %dma_start3A_396 = arith.constant 0 : i32
      %dma_start3A_397 = tpu.memref_slice %arg33[%sub3A_31, %dma_start3A_396] : memref<10000x64xf32, #tpu.memory_space<vmem_shared>> -> memref<64x64xf32, #tpu.memory_space<vmem_shared>>
      %dma_start3A_398 = arith.constant 0 : i32
      %dma_start3A_399 = tpu.memref_slice %arg33[%sub3A_31, %dma_start3A_398] : memref<10000x64xf32, #tpu.memory_space<vmem_shared>> -> memref<64x64xf32, #tpu.memory_space<vmem_shared>>
      %dma_start3A_400 = arith.constant 0 : i32
      %dma_start3A_401 = arith.constant 0 : i32
      %dma_start3A_402 = tpu.memref_slice %arg13[%dma_start3A_400, %dma_start3A_401] : memref<80x64xf32, #tpu.memory_space<vmem>> -> memref<64x64xf32, #tpu.memory_space<vmem>>
      tpu.enqueue_dma source(%dma_start3A_402 : memref<64x64xf32, #tpu.memory_space<vmem>>) target(%dma_start3A_399 : memref<64x64xf32, #tpu.memory_space<vmem_shared>>) target_semaphore(%run_scoped3A : memref<!tpu.dma_semaphore, #tpu.memory_space<semaphore_mem>>)
      %dma_wait3A_403 = arith.constant 0 : i32
      %dma_wait3A_404 = arith.constant 0 : i32
      %dma_wait3A_405 = tpu.memref_slice %arg13[%dma_wait3A_403, %dma_wait3A_404] : memref<80x64xf32, #tpu.memory_space<vmem>> -> memref<64x64xf32, #tpu.memory_space<vmem>>
      %dma_wait3A_406 = arith.constant 0 : i32
      %dma_wait3A_407 = tpu.memref_slice %arg33[%sub3A_31, %dma_wait3A_406] : memref<10000x64xf32, #tpu.memory_space<vmem_shared>> -> memref<64x64xf32, #tpu.memory_space<vmem_shared>>
      %dma_wait3A_408 = arith.constant 0 : i32
      %dma_wait3A_409 = tpu.memref_slice %arg33[%sub3A_31, %dma_wait3A_408] : memref<10000x64xf32, #tpu.memory_space<vmem_shared>> -> memref<64x64xf32, #tpu.memory_space<vmem_shared>>
      %dma_wait3A_410 = arith.constant 0 : i32
      %dma_wait3A_411 = arith.constant 0 : i32
      %dma_wait3A_412 = tpu.memref_slice %arg13[%dma_wait3A_410, %dma_wait3A_411] : memref<80x64xf32, #tpu.memory_space<vmem>> -> memref<64x64xf32, #tpu.memory_space<vmem>>
      tpu.wait_dma2 semaphore(%run_scoped3A : memref<!tpu.dma_semaphore, #tpu.memory_space<semaphore_mem>>) src(%dma_wait3A_412 : memref<64x64xf32, #tpu.memory_space<vmem>>) dst(%dma_wait3A_409 : memref<64x64xf32, #tpu.memory_space<vmem_shared>>)
      tpu.yield
    }) : () -> ()
    %eq3A_32 = arith.constant 15 : i32
    %eq3A_33 = arith.cmpi eq, %arg1, %eq3A_32 : i32
    %convert_element_type3A_34 = arith.extui %eq3A_33 : i1 to i32
    %cond3A_35 = arith.constant 0 : i32
    %cond3A_36 = arith.cmpi ne, %convert_element_type3A_34, %cond3A_35 : i32
    scf.if %cond3A_36 {
      "tpu.region"() ({
        %run_scoped3A = tpu.sem_alloc : memref<!tpu.dma_semaphore, #tpu.memory_space<semaphore_mem>>
        %dma_start3A_393 = arith.constant 0 : i32
        %dma_start3A_394 = arith.constant 0 : i32
        %dma_start3A_395 = tpu.memref_slice %arg13[%dma_start3A_393, %dma_start3A_394] : memref<80x64xf32, #tpu.memory_space<vmem>> -> memref<16x64xf32, #tpu.memory_space<vmem>>
        %dma_start3A_396 = arith.constant 9984 : i32
        %dma_start3A_397 = arith.constant 0 : i32
        %dma_start3A_398 = tpu.memref_slice %arg33[%dma_start3A_396, %dma_start3A_397] : memref<10000x64xf32, #tpu.memory_space<vmem_shared>> -> memref<16x64xf32, #tpu.memory_space<vmem_shared>>
        %dma_start3A_399 = arith.constant 9984 : i32
        %dma_start3A_400 = arith.constant 0 : i32
        %dma_start3A_401 = tpu.memref_slice %arg33[%dma_start3A_399, %dma_start3A_400] : memref<10000x64xf32, #tpu.memory_space<vmem_shared>> -> memref<16x64xf32, #tpu.memory_space<vmem_shared>>
        %dma_start3A_402 = arith.constant 0 : i32
        %dma_start3A_403 = arith.constant 0 : i32
        %dma_start3A_404 = tpu.memref_slice %arg13[%dma_start3A_402, %dma_start3A_403] : memref<80x64xf32, #tpu.memory_space<vmem>> -> memref<16x64xf32, #tpu.memory_space<vmem>>
        tpu.enqueue_dma source(%dma_start3A_404 : memref<16x64xf32, #tpu.memory_space<vmem>>) target(%dma_start3A_401 : memref<16x64xf32, #tpu.memory_space<vmem_shared>>) target_semaphore(%run_scoped3A : memref<!tpu.dma_semaphore, #tpu.memory_space<semaphore_mem>>)
        %dma_wait3A_405 = arith.constant 0 : i32
        %dma_wait3A_406 = arith.constant 0 : i32
        %dma_wait3A_407 = tpu.memref_slice %arg13[%dma_wait3A_405, %dma_wait3A_406] : memref<80x64xf32, #tpu.memory_space<vmem>> -> memref<16x64xf32, #tpu.memory_space<vmem>>
        %dma_wait3A_408 = arith.constant 9984 : i32
        %dma_wait3A_409 = arith.constant 0 : i32
        %dma_wait3A_410 = tpu.memref_slice %arg33[%dma_wait3A_408, %dma_wait3A_409] : memref<10000x64xf32, #tpu.memory_space<vmem_shared>> -> memref<16x64xf32, #tpu.memory_space<vmem_shared>>
        %dma_wait3A_411 = arith.constant 9984 : i32
        %dma_wait3A_412 = arith.constant 0 : i32
        %dma_wait3A_413 = tpu.memref_slice %arg33[%dma_wait3A_411, %dma_wait3A_412] : memref<10000x64xf32, #tpu.memory_space<vmem_shared>> -> memref<16x64xf32, #tpu.memory_space<vmem_shared>>
        %dma_wait3A_414 = arith.constant 0 : i32
        %dma_wait3A_415 = arith.constant 0 : i32
        %dma_wait3A_416 = tpu.memref_slice %arg13[%dma_wait3A_414, %dma_wait3A_415] : memref<80x64xf32, #tpu.memory_space<vmem>> -> memref<16x64xf32, #tpu.memory_space<vmem>>
        tpu.wait_dma2 semaphore(%run_scoped3A : memref<!tpu.dma_semaphore, #tpu.memory_space<semaphore_mem>>) src(%dma_wait3A_416 : memref<16x64xf32, #tpu.memory_space<vmem>>) dst(%dma_wait3A_413 : memref<16x64xf32, #tpu.memory_space<vmem_shared>>)
        tpu.yield
      }) : () -> ()
    } else {
    }
    %add3A_37 = arith.constant 0 : i32
    %add3A_38 = arith.addi %mul3A_15, %add3A_37 : i32
    "tpu.region"() ({
      %run_scoped3A = tpu.sem_alloc : memref<!tpu.dma_semaphore, #tpu.memory_space<semaphore_mem>>
      %dma_start3A_393 = arith.constant 0 : i32
      %dma_start3A_394 = tpu.memref_slice %arg34[%add3A_38, %dma_start3A_393] : memref<10000x64xf32, #tpu.memory_space<vmem_shared>> -> memref<80x64xf32, #tpu.memory_space<vmem_shared>>
      %dma_start3A_395 = arith.constant 0 : i32
      %dma_start3A_396 = tpu.memref_slice %arg34[%add3A_38, %dma_start3A_395] : memref<10000x64xf32, #tpu.memory_space<vmem_shared>> -> memref<80x64xf32, #tpu.memory_space<vmem_shared>>
      tpu.enqueue_dma source(%arg13 : memref<80x64xf32, #tpu.memory_space<vmem>>) target(%dma_start3A_396 : memref<80x64xf32, #tpu.memory_space<vmem_shared>>) target_semaphore(%run_scoped3A : memref<!tpu.dma_semaphore, #tpu.memory_space<semaphore_mem>>)
      %dma_wait3A_397 = arith.constant 0 : i32
      %dma_wait3A_398 = tpu.memref_slice %arg34[%add3A_38, %dma_wait3A_397] : memref<10000x64xf32, #tpu.memory_space<vmem_shared>> -> memref<80x64xf32, #tpu.memory_space<vmem_shared>>
      %dma_wait3A_399 = arith.constant 0 : i32
      %dma_wait3A_400 = tpu.memref_slice %arg34[%add3A_38, %dma_wait3A_399] : memref<10000x64xf32, #tpu.memory_space<vmem_shared>> -> memref<80x64xf32, #tpu.memory_space<vmem_shared>>
      tpu.wait_dma2 semaphore(%run_scoped3A : memref<!tpu.dma_semaphore, #tpu.memory_space<semaphore_mem>>) src(%arg13 : memref<80x64xf32, #tpu.memory_space<vmem>>) dst(%dma_wait3A_400 : memref<80x64xf32, #tpu.memory_space<vmem_shared>>)
      tpu.yield
    }) : () -> ()
    %add3A_39 = arith.constant 80 : i32
    %add3A_40 = arith.addi %mul3A_15, %add3A_39 : i32
    "tpu.region"() ({
      %run_scoped3A = tpu.sem_alloc : memref<!tpu.dma_semaphore, #tpu.memory_space<semaphore_mem>>
      %dma_start3A_393 = arith.constant 0 : i32
      %dma_start3A_394 = tpu.memref_slice %arg34[%add3A_40, %dma_start3A_393] : memref<10000x64xf32, #tpu.memory_space<vmem_shared>> -> memref<80x64xf32, #tpu.memory_space<vmem_shared>>
      %dma_start3A_395 = arith.constant 0 : i32
      %dma_start3A_396 = tpu.memref_slice %arg34[%add3A_40, %dma_start3A_395] : memref<10000x64xf32, #tpu.memory_space<vmem_shared>> -> memref<80x64xf32, #tpu.memory_space<vmem_shared>>
      tpu.enqueue_dma source(%arg13 : memref<80x64xf32, #tpu.memory_space<vmem>>) target(%dma_start3A_396 : memref<80x64xf32, #tpu.memory_space<vmem_shared>>) target_semaphore(%run_scoped3A : memref<!tpu.dma_semaphore, #tpu.memory_space<semaphore_mem>>)
      %dma_wait3A_397 = arith.constant 0 : i32
      %dma_wait3A_398 = tpu.memref_slice %arg34[%add3A_40, %dma_wait3A_397] : memref<10000x64xf32, #tpu.memory_space<vmem_shared>> -> memref<80x64xf32, #tpu.memory_space<vmem_shared>>
      %dma_wait3A_399 = arith.constant 0 : i32
      %dma_wait3A_400 = tpu.memref_slice %arg34[%add3A_40, %dma_wait3A_399] : memref<10000x64xf32, #tpu.memory_space<vmem_shared>> -> memref<80x64xf32, #tpu.memory_space<vmem_shared>>
      tpu.wait_dma2 semaphore(%run_scoped3A : memref<!tpu.dma_semaphore, #tpu.memory_space<semaphore_mem>>) src(%arg13 : memref<80x64xf32, #tpu.memory_space<vmem>>) dst(%dma_wait3A_400 : memref<80x64xf32, #tpu.memory_space<vmem_shared>>)
      tpu.yield
    }) : () -> ()
    %add3A_41 = arith.constant 160 : i32
    %add3A_42 = arith.addi %mul3A_15, %add3A_41 : i32
    "tpu.region"() ({
      %run_scoped3A = tpu.sem_alloc : memref<!tpu.dma_semaphore, #tpu.memory_space<semaphore_mem>>
      %dma_start3A_393 = arith.constant 0 : i32
      %dma_start3A_394 = tpu.memref_slice %arg34[%add3A_42, %dma_start3A_393] : memref<10000x64xf32, #tpu.memory_space<vmem_shared>> -> memref<80x64xf32, #tpu.memory_space<vmem_shared>>
      %dma_start3A_395 = arith.constant 0 : i32
      %dma_start3A_396 = tpu.memref_slice %arg34[%add3A_42, %dma_start3A_395] : memref<10000x64xf32, #tpu.memory_space<vmem_shared>> -> memref<80x64xf32, #tpu.memory_space<vmem_shared>>
      tpu.enqueue_dma source(%arg13 : memref<80x64xf32, #tpu.memory_space<vmem>>) target(%dma_start3A_396 : memref<80x64xf32, #tpu.memory_space<vmem_shared>>) target_semaphore(%run_scoped3A : memref<!tpu.dma_semaphore, #tpu.memory_space<semaphore_mem>>)
      %dma_wait3A_397 = arith.constant 0 : i32
      %dma_wait3A_398 = tpu.memref_slice %arg34[%add3A_42, %dma_wait3A_397] : memref<10000x64xf32, #tpu.memory_space<vmem_shared>> -> memref<80x64xf32, #tpu.memory_space<vmem_shared>>
      %dma_wait3A_399 = arith.constant 0 : i32
      %dma_wait3A_400 = tpu.memref_slice %arg34[%add3A_42, %dma_wait3A_399] : memref<10000x64xf32, #tpu.memory_space<vmem_shared>> -> memref<80x64xf32, #tpu.memory_space<vmem_shared>>
      tpu.wait_dma2 semaphore(%run_scoped3A : memref<!tpu.dma_semaphore, #tpu.memory_space<semaphore_mem>>) src(%arg13 : memref<80x64xf32, #tpu.memory_space<vmem>>) dst(%dma_wait3A_400 : memref<80x64xf32, #tpu.memory_space<vmem_shared>>)
      tpu.yield
    }) : () -> ()
    %add3A_43 = arith.constant 240 : i32
    %add3A_44 = arith.addi %mul3A_15, %add3A_43 : i32
    "tpu.region"() ({
      %run_scoped3A = tpu.sem_alloc : memref<!tpu.dma_semaphore, #tpu.memory_space<semaphore_mem>>
      %dma_start3A_393 = arith.constant 0 : i32
      %dma_start3A_394 = tpu.memref_slice %arg34[%add3A_44, %dma_start3A_393] : memref<10000x64xf32, #tpu.memory_space<vmem_shared>> -> memref<80x64xf32, #tpu.memory_space<vmem_shared>>
      %dma_start3A_395 = arith.constant 0 : i32
      %dma_start3A_396 = tpu.memref_slice %arg34[%add3A_44, %dma_start3A_395] : memref<10000x64xf32, #tpu.memory_space<vmem_shared>> -> memref<80x64xf32, #tpu.memory_space<vmem_shared>>
      tpu.enqueue_dma source(%arg13 : memref<80x64xf32, #tpu.memory_space<vmem>>) target(%dma_start3A_396 : memref<80x64xf32, #tpu.memory_space<vmem_shared>>) target_semaphore(%run_scoped3A : memref<!tpu.dma_semaphore, #tpu.memory_space<semaphore_mem>>)
      %dma_wait3A_397 = arith.constant 0 : i32
      %dma_wait3A_398 = tpu.memref_slice %arg34[%add3A_44, %dma_wait3A_397] : memref<10000x64xf32, #tpu.memory_space<vmem_shared>> -> memref<80x64xf32, #tpu.memory_space<vmem_shared>>
      %dma_wait3A_399 = arith.constant 0 : i32
      %dma_wait3A_400 = tpu.memref_slice %arg34[%add3A_44, %dma_wait3A_399] : memref<10000x64xf32, #tpu.memory_space<vmem_shared>> -> memref<80x64xf32, #tpu.memory_space<vmem_shared>>
      tpu.wait_dma2 semaphore(%run_scoped3A : memref<!tpu.dma_semaphore, #tpu.memory_space<semaphore_mem>>) src(%arg13 : memref<80x64xf32, #tpu.memory_space<vmem>>) dst(%dma_wait3A_400 : memref<80x64xf32, #tpu.memory_space<vmem_shared>>)
      tpu.yield
    }) : () -> ()
    %add3A_45 = arith.constant 320 : i32
    %add3A_46 = arith.addi %mul3A_15, %add3A_45 : i32
    "tpu.region"() ({
      %run_scoped3A = tpu.sem_alloc : memref<!tpu.dma_semaphore, #tpu.memory_space<semaphore_mem>>
      %dma_start3A_393 = arith.constant 0 : i32
      %dma_start3A_394 = tpu.memref_slice %arg34[%add3A_46, %dma_start3A_393] : memref<10000x64xf32, #tpu.memory_space<vmem_shared>> -> memref<80x64xf32, #tpu.memory_space<vmem_shared>>
      %dma_start3A_395 = arith.constant 0 : i32
      %dma_start3A_396 = tpu.memref_slice %arg34[%add3A_46, %dma_start3A_395] : memref<10000x64xf32, #tpu.memory_space<vmem_shared>> -> memref<80x64xf32, #tpu.memory_space<vmem_shared>>
      tpu.enqueue_dma source(%arg13 : memref<80x64xf32, #tpu.memory_space<vmem>>) target(%dma_start3A_396 : memref<80x64xf32, #tpu.memory_space<vmem_shared>>) target_semaphore(%run_scoped3A : memref<!tpu.dma_semaphore, #tpu.memory_space<semaphore_mem>>)
      %dma_wait3A_397 = arith.constant 0 : i32
      %dma_wait3A_398 = tpu.memref_slice %arg34[%add3A_46, %dma_wait3A_397] : memref<10000x64xf32, #tpu.memory_space<vmem_shared>> -> memref<80x64xf32, #tpu.memory_space<vmem_shared>>
      %dma_wait3A_399 = arith.constant 0 : i32
      %dma_wait3A_400 = tpu.memref_slice %arg34[%add3A_46, %dma_wait3A_399] : memref<10000x64xf32, #tpu.memory_space<vmem_shared>> -> memref<80x64xf32, #tpu.memory_space<vmem_shared>>
      tpu.wait_dma2 semaphore(%run_scoped3A : memref<!tpu.dma_semaphore, #tpu.memory_space<semaphore_mem>>) src(%arg13 : memref<80x64xf32, #tpu.memory_space<vmem>>) dst(%dma_wait3A_400 : memref<80x64xf32, #tpu.memory_space<vmem_shared>>)
      tpu.yield
    }) : () -> ()
    %add3A_47 = arith.constant 400 : i32
    %add3A_48 = arith.addi %mul3A_15, %add3A_47 : i32
    "tpu.region"() ({
      %run_scoped3A = tpu.sem_alloc : memref<!tpu.dma_semaphore, #tpu.memory_space<semaphore_mem>>
      %dma_start3A_393 = arith.constant 0 : i32
      %dma_start3A_394 = tpu.memref_slice %arg34[%add3A_48, %dma_start3A_393] : memref<10000x64xf32, #tpu.memory_space<vmem_shared>> -> memref<80x64xf32, #tpu.memory_space<vmem_shared>>
      %dma_start3A_395 = arith.constant 0 : i32
      %dma_start3A_396 = tpu.memref_slice %arg34[%add3A_48, %dma_start3A_395] : memref<10000x64xf32, #tpu.memory_space<vmem_shared>> -> memref<80x64xf32, #tpu.memory_space<vmem_shared>>
      tpu.enqueue_dma source(%arg13 : memref<80x64xf32, #tpu.memory_space<vmem>>) target(%dma_start3A_396 : memref<80x64xf32, #tpu.memory_space<vmem_shared>>) target_semaphore(%run_scoped3A : memref<!tpu.dma_semaphore, #tpu.memory_space<semaphore_mem>>)
      %dma_wait3A_397 = arith.constant 0 : i32
      %dma_wait3A_398 = tpu.memref_slice %arg34[%add3A_48, %dma_wait3A_397] : memref<10000x64xf32, #tpu.memory_space<vmem_shared>> -> memref<80x64xf32, #tpu.memory_space<vmem_shared>>
      %dma_wait3A_399 = arith.constant 0 : i32
      %dma_wait3A_400 = tpu.memref_slice %arg34[%add3A_48, %dma_wait3A_399] : memref<10000x64xf32, #tpu.memory_space<vmem_shared>> -> memref<80x64xf32, #tpu.memory_space<vmem_shared>>
      tpu.wait_dma2 semaphore(%run_scoped3A : memref<!tpu.dma_semaphore, #tpu.memory_space<semaphore_mem>>) src(%arg13 : memref<80x64xf32, #tpu.memory_space<vmem>>) dst(%dma_wait3A_400 : memref<80x64xf32, #tpu.memory_space<vmem_shared>>)
      tpu.yield
    }) : () -> ()
    %add3A_49 = arith.constant 480 : i32
    %add3A_50 = arith.addi %mul3A_15, %add3A_49 : i32
    "tpu.region"() ({
      %run_scoped3A = tpu.sem_alloc : memref<!tpu.dma_semaphore, #tpu.memory_space<semaphore_mem>>
      %dma_start3A_393 = arith.constant 0 : i32
      %dma_start3A_394 = tpu.memref_slice %arg34[%add3A_50, %dma_start3A_393] : memref<10000x64xf32, #tpu.memory_space<vmem_shared>> -> memref<80x64xf32, #tpu.memory_space<vmem_shared>>
      %dma_start3A_395 = arith.constant 0 : i32
      %dma_start3A_396 = tpu.memref_slice %arg34[%add3A_50, %dma_start3A_395] : memref<10000x64xf32, #tpu.memory_space<vmem_shared>> -> memref<80x64xf32, #tpu.memory_space<vmem_shared>>
      tpu.enqueue_dma source(%arg13 : memref<80x64xf32, #tpu.memory_space<vmem>>) target(%dma_start3A_396 : memref<80x64xf32, #tpu.memory_space<vmem_shared>>) target_semaphore(%run_scoped3A : memref<!tpu.dma_semaphore, #tpu.memory_space<semaphore_mem>>)
      %dma_wait3A_397 = arith.constant 0 : i32
      %dma_wait3A_398 = tpu.memref_slice %arg34[%add3A_50, %dma_wait3A_397] : memref<10000x64xf32, #tpu.memory_space<vmem_shared>> -> memref<80x64xf32, #tpu.memory_space<vmem_shared>>
      %dma_wait3A_399 = arith.constant 0 : i32
      %dma_wait3A_400 = tpu.memref_slice %arg34[%add3A_50, %dma_wait3A_399] : memref<10000x64xf32, #tpu.memory_space<vmem_shared>> -> memref<80x64xf32, #tpu.memory_space<vmem_shared>>
      tpu.wait_dma2 semaphore(%run_scoped3A : memref<!tpu.dma_semaphore, #tpu.memory_space<semaphore_mem>>) src(%arg13 : memref<80x64xf32, #tpu.memory_space<vmem>>) dst(%dma_wait3A_400 : memref<80x64xf32, #tpu.memory_space<vmem_shared>>)
      tpu.yield
    }) : () -> ()
    %add3A_51 = arith.constant 624 : i32
    %add3A_52 = arith.addi %mul3A_15, %add3A_51 : i32
    %sub3A_53 = arith.constant 64 : i32
    %sub3A_54 = arith.subi %add3A_52, %sub3A_53 : i32
    "tpu.region"() ({
      %run_scoped3A = tpu.sem_alloc : memref<!tpu.dma_semaphore, #tpu.memory_space<semaphore_mem>>
      %dma_start3A_393 = arith.constant 0 : i32
      %dma_start3A_394 = arith.constant 0 : i32
      %dma_start3A_395 = tpu.memref_slice %arg13[%dma_start3A_393, %dma_start3A_394] : memref<80x64xf32, #tpu.memory_space<vmem>> -> memref<64x64xf32, #tpu.memory_space<vmem>>
      %dma_start3A_396 = arith.constant 0 : i32
      %dma_start3A_397 = tpu.memref_slice %arg34[%sub3A_54, %dma_start3A_396] : memref<10000x64xf32, #tpu.memory_space<vmem_shared>> -> memref<64x64xf32, #tpu.memory_space<vmem_shared>>
      %dma_start3A_398 = arith.constant 0 : i32
      %dma_start3A_399 = tpu.memref_slice %arg34[%sub3A_54, %dma_start3A_398] : memref<10000x64xf32, #tpu.memory_space<vmem_shared>> -> memref<64x64xf32, #tpu.memory_space<vmem_shared>>
      %dma_start3A_400 = arith.constant 0 : i32
      %dma_start3A_401 = arith.constant 0 : i32
      %dma_start3A_402 = tpu.memref_slice %arg13[%dma_start3A_400, %dma_start3A_401] : memref<80x64xf32, #tpu.memory_space<vmem>> -> memref<64x64xf32, #tpu.memory_space<vmem>>
      tpu.enqueue_dma source(%dma_start3A_402 : memref<64x64xf32, #tpu.memory_space<vmem>>) target(%dma_start3A_399 : memref<64x64xf32, #tpu.memory_space<vmem_shared>>) target_semaphore(%run_scoped3A : memref<!tpu.dma_semaphore, #tpu.memory_space<semaphore_mem>>)
      %dma_wait3A_403 = arith.constant 0 : i32
      %dma_wait3A_404 = arith.constant 0 : i32
      %dma_wait3A_405 = tpu.memref_slice %arg13[%dma_wait3A_403, %dma_wait3A_404] : memref<80x64xf32, #tpu.memory_space<vmem>> -> memref<64x64xf32, #tpu.memory_space<vmem>>
      %dma_wait3A_406 = arith.constant 0 : i32
      %dma_wait3A_407 = tpu.memref_slice %arg34[%sub3A_54, %dma_wait3A_406] : memref<10000x64xf32, #tpu.memory_space<vmem_shared>> -> memref<64x64xf32, #tpu.memory_space<vmem_shared>>
      %dma_wait3A_408 = arith.constant 0 : i32
      %dma_wait3A_409 = tpu.memref_slice %arg34[%sub3A_54, %dma_wait3A_408] : memref<10000x64xf32, #tpu.memory_space<vmem_shared>> -> memref<64x64xf32, #tpu.memory_space<vmem_shared>>
      %dma_wait3A_410 = arith.constant 0 : i32
      %dma_wait3A_411 = arith.constant 0 : i32
      %dma_wait3A_412 = tpu.memref_slice %arg13[%dma_wait3A_410, %dma_wait3A_411] : memref<80x64xf32, #tpu.memory_space<vmem>> -> memref<64x64xf32, #tpu.memory_space<vmem>>
      tpu.wait_dma2 semaphore(%run_scoped3A : memref<!tpu.dma_semaphore, #tpu.memory_space<semaphore_mem>>) src(%dma_wait3A_412 : memref<64x64xf32, #tpu.memory_space<vmem>>) dst(%dma_wait3A_409 : memref<64x64xf32, #tpu.memory_space<vmem_shared>>)
      tpu.yield
    }) : () -> ()
    %eq3A_55 = arith.constant 15 : i32
    %eq3A_56 = arith.cmpi eq, %arg1, %eq3A_55 : i32
    %convert_element_type3A_57 = arith.extui %eq3A_56 : i1 to i32
    %cond3A_58 = arith.constant 0 : i32
    %cond3A_59 = arith.cmpi ne, %convert_element_type3A_57, %cond3A_58 : i32
    scf.if %cond3A_59 {
      "tpu.region"() ({
        %run_scoped3A = tpu.sem_alloc : memref<!tpu.dma_semaphore, #tpu.memory_space<semaphore_mem>>
        %dma_start3A_393 = arith.constant 0 : i32
        %dma_start3A_394 = arith.constant 0 : i32
        %dma_start3A_395 = tpu.memref_slice %arg13[%dma_start3A_393, %dma_start3A_394] : memref<80x64xf32, #tpu.memory_space<vmem>> -> memref<16x64xf32, #tpu.memory_space<vmem>>
        %dma_start3A_396 = arith.constant 9984 : i32
        %dma_start3A_397 = arith.constant 0 : i32
        %dma_start3A_398 = tpu.memref_slice %arg34[%dma_start3A_396, %dma_start3A_397] : memref<10000x64xf32, #tpu.memory_space<vmem_shared>> -> memref<16x64xf32, #tpu.memory_space<vmem_shared>>
        %dma_start3A_399 = arith.constant 9984 : i32
        %dma_start3A_400 = arith.constant 0 : i32
        %dma_start3A_401 = tpu.memref_slice %arg34[%dma_start3A_399, %dma_start3A_400] : memref<10000x64xf32, #tpu.memory_space<vmem_shared>> -> memref<16x64xf32, #tpu.memory_space<vmem_shared>>
        %dma_start3A_402 = arith.constant 0 : i32
        %dma_start3A_403 = arith.constant 0 : i32
        %dma_start3A_404 = tpu.memref_slice %arg13[%dma_start3A_402, %dma_start3A_403] : memref<80x64xf32, #tpu.memory_space<vmem>> -> memref<16x64xf32, #tpu.memory_space<vmem>>
        tpu.enqueue_dma source(%dma_start3A_404 : memref<16x64xf32, #tpu.memory_space<vmem>>) target(%dma_start3A_401 : memref<16x64xf32, #tpu.memory_space<vmem_shared>>) target_semaphore(%run_scoped3A : memref<!tpu.dma_semaphore, #tpu.memory_space<semaphore_mem>>)
        %dma_wait3A_405 = arith.constant 0 : i32
        %dma_wait3A_406 = arith.constant 0 : i32
        %dma_wait3A_407 = tpu.memref_slice %arg13[%dma_wait3A_405, %dma_wait3A_406] : memref<80x64xf32, #tpu.memory_space<vmem>> -> memref<16x64xf32, #tpu.memory_space<vmem>>
        %dma_wait3A_408 = arith.constant 9984 : i32
        %dma_wait3A_409 = arith.constant 0 : i32
        %dma_wait3A_410 = tpu.memref_slice %arg34[%dma_wait3A_408, %dma_wait3A_409] : memref<10000x64xf32, #tpu.memory_space<vmem_shared>> -> memref<16x64xf32, #tpu.memory_space<vmem_shared>>
        %dma_wait3A_411 = arith.constant 9984 : i32
        %dma_wait3A_412 = arith.constant 0 : i32
        %dma_wait3A_413 = tpu.memref_slice %arg34[%dma_wait3A_411, %dma_wait3A_412] : memref<10000x64xf32, #tpu.memory_space<vmem_shared>> -> memref<16x64xf32, #tpu.memory_space<vmem_shared>>
        %dma_wait3A_414 = arith.constant 0 : i32
        %dma_wait3A_415 = arith.constant 0 : i32
        %dma_wait3A_416 = tpu.memref_slice %arg13[%dma_wait3A_414, %dma_wait3A_415] : memref<80x64xf32, #tpu.memory_space<vmem>> -> memref<16x64xf32, #tpu.memory_space<vmem>>
        tpu.wait_dma2 semaphore(%run_scoped3A : memref<!tpu.dma_semaphore, #tpu.memory_space<semaphore_mem>>) src(%dma_wait3A_416 : memref<16x64xf32, #tpu.memory_space<vmem>>) dst(%dma_wait3A_413 : memref<16x64xf32, #tpu.memory_space<vmem_shared>>)
        tpu.yield
      }) : () -> ()
    } else {
    }
    %barrier3A = arith.constant 0 : index
    tpu.barrier barrier_id(%barrier3A)
    %mul3A_60 = arith.constant 20000 : i32
    %mul3A_61 = arith.muli %arg1, %mul3A_60 : i32
    %add3A_62 = arith.constant 0 : i32
    %add3A_63 = arith.addi %mul3A_61, %add3A_62 : i32
    %dma_start3A = tpu.memref_slice %arg8[%add3A_63] : memref<320000xi32, #tpu.memory_space<hbm>> -> memref<80xi32, #tpu.memory_space<hbm>>
    %dma_start3A_64 = tpu.memref_slice %arg8[%add3A_63] : memref<320000xi32, #tpu.memory_space<hbm>> -> memref<80xi32, #tpu.memory_space<hbm>>
    tpu.enqueue_dma source(%dma_start3A_64 : memref<80xi32, #tpu.memory_space<hbm>>) target(%arg21 : memref<80xi32, #tpu.memory_space<vmem>>) target_semaphore(%arg45 : memref<!tpu.dma_semaphore, #tpu.memory_space<semaphore_mem>>)
    %add3A_65 = arith.constant 0 : i32
    %add3A_66 = arith.addi %mul3A_61, %add3A_65 : i32
    %dma_start3A_67 = tpu.memref_slice %arg10[%add3A_66] : memref<320000xi32, #tpu.memory_space<hbm>> -> memref<80xi32, #tpu.memory_space<hbm>>
    %dma_start3A_68 = tpu.memref_slice %arg10[%add3A_66] : memref<320000xi32, #tpu.memory_space<hbm>> -> memref<80xi32, #tpu.memory_space<hbm>>
    tpu.enqueue_dma source(%dma_start3A_68 : memref<80xi32, #tpu.memory_space<hbm>>) target(%arg25 : memref<80xi32, #tpu.memory_space<vmem>>) target_semaphore(%arg45 : memref<!tpu.dma_semaphore, #tpu.memory_space<semaphore_mem>>)
    %add3A_69 = arith.constant 80 : i32
    %add3A_70 = arith.addi %mul3A_61, %add3A_69 : i32
    %dma_start3A_71 = tpu.memref_slice %arg8[%add3A_70] : memref<320000xi32, #tpu.memory_space<hbm>> -> memref<80xi32, #tpu.memory_space<hbm>>
    %dma_start3A_72 = tpu.memref_slice %arg8[%add3A_70] : memref<320000xi32, #tpu.memory_space<hbm>> -> memref<80xi32, #tpu.memory_space<hbm>>
    tpu.enqueue_dma source(%dma_start3A_72 : memref<80xi32, #tpu.memory_space<hbm>>) target(%arg22 : memref<80xi32, #tpu.memory_space<vmem>>) target_semaphore(%arg46 : memref<!tpu.dma_semaphore, #tpu.memory_space<semaphore_mem>>)
    %add3A_73 = arith.constant 80 : i32
    %add3A_74 = arith.addi %mul3A_61, %add3A_73 : i32
    %dma_start3A_75 = tpu.memref_slice %arg10[%add3A_74] : memref<320000xi32, #tpu.memory_space<hbm>> -> memref<80xi32, #tpu.memory_space<hbm>>
    %dma_start3A_76 = tpu.memref_slice %arg10[%add3A_74] : memref<320000xi32, #tpu.memory_space<hbm>> -> memref<80xi32, #tpu.memory_space<hbm>>
    tpu.enqueue_dma source(%dma_start3A_76 : memref<80xi32, #tpu.memory_space<hbm>>) target(%arg26 : memref<80xi32, #tpu.memory_space<vmem>>) target_semaphore(%arg46 : memref<!tpu.dma_semaphore, #tpu.memory_space<semaphore_mem>>)
    %add3A_77 = arith.constant 160 : i32
    %add3A_78 = arith.addi %mul3A_61, %add3A_77 : i32
    %dma_start3A_79 = tpu.memref_slice %arg8[%add3A_78] : memref<320000xi32, #tpu.memory_space<hbm>> -> memref<80xi32, #tpu.memory_space<hbm>>
    %dma_start3A_80 = tpu.memref_slice %arg8[%add3A_78] : memref<320000xi32, #tpu.memory_space<hbm>> -> memref<80xi32, #tpu.memory_space<hbm>>
    tpu.enqueue_dma source(%dma_start3A_80 : memref<80xi32, #tpu.memory_space<hbm>>) target(%arg23 : memref<80xi32, #tpu.memory_space<vmem>>) target_semaphore(%arg47 : memref<!tpu.dma_semaphore, #tpu.memory_space<semaphore_mem>>)
    %add3A_81 = arith.constant 160 : i32
    %add3A_82 = arith.addi %mul3A_61, %add3A_81 : i32
    %dma_start3A_83 = tpu.memref_slice %arg10[%add3A_82] : memref<320000xi32, #tpu.memory_space<hbm>> -> memref<80xi32, #tpu.memory_space<hbm>>
    %dma_start3A_84 = tpu.memref_slice %arg10[%add3A_82] : memref<320000xi32, #tpu.memory_space<hbm>> -> memref<80xi32, #tpu.memory_space<hbm>>
    tpu.enqueue_dma source(%dma_start3A_84 : memref<80xi32, #tpu.memory_space<hbm>>) target(%arg27 : memref<80xi32, #tpu.memory_space<vmem>>) target_semaphore(%arg47 : memref<!tpu.dma_semaphore, #tpu.memory_space<semaphore_mem>>)
    %add3A_85 = arith.constant 0 : i32
    %add3A_86 = arith.addi %mul3A_61, %add3A_85 : i32
    %dma_start3A_87 = tpu.memref_slice %arg9[%add3A_86] : memref<320000xi32, #tpu.memory_space<hbm>> -> memref<80xi32, #tpu.memory_space<hbm>>
    %dma_start3A_88 = tpu.memref_slice %arg9[%add3A_86] : memref<320000xi32, #tpu.memory_space<hbm>> -> memref<80xi32, #tpu.memory_space<hbm>>
    tpu.enqueue_dma source(%dma_start3A_88 : memref<80xi32, #tpu.memory_space<hbm>>) target(%arg29 : memref<80xi32, #tpu.memory_space<vmem>>) target_semaphore(%arg49 : memref<!tpu.dma_semaphore, #tpu.memory_space<semaphore_mem>>)
    %add3A_89 = arith.constant 80 : i32
    %add3A_90 = arith.addi %mul3A_61, %add3A_89 : i32
    %dma_start3A_91 = tpu.memref_slice %arg9[%add3A_90] : memref<320000xi32, #tpu.memory_space<hbm>> -> memref<80xi32, #tpu.memory_space<hbm>>
    %dma_start3A_92 = tpu.memref_slice %arg9[%add3A_90] : memref<320000xi32, #tpu.memory_space<hbm>> -> memref<80xi32, #tpu.memory_space<hbm>>
    tpu.enqueue_dma source(%dma_start3A_92 : memref<80xi32, #tpu.memory_space<hbm>>) target(%arg30 : memref<80xi32, #tpu.memory_space<vmem>>) target_semaphore(%arg50 : memref<!tpu.dma_semaphore, #tpu.memory_space<semaphore_mem>>)
    %add3A_93 = arith.constant 0 : i32
    %add3A_94 = arith.addi %mul3A_61, %add3A_93 : i32
    %dma_wait3A = tpu.memref_slice %arg8[%add3A_94] : memref<320000xi32, #tpu.memory_space<hbm>> -> memref<80xi32, #tpu.memory_space<hbm>>
    %dma_wait3A_95 = tpu.memref_slice %arg8[%add3A_94] : memref<320000xi32, #tpu.memory_space<hbm>> -> memref<80xi32, #tpu.memory_space<hbm>>
    tpu.wait_dma2 semaphore(%arg45 : memref<!tpu.dma_semaphore, #tpu.memory_space<semaphore_mem>>) src(%dma_wait3A_95 : memref<80xi32, #tpu.memory_space<hbm>>) dst(%arg21 : memref<80xi32, #tpu.memory_space<vmem>>)
    %add3A_96 = arith.constant 0 : i32
    %add3A_97 = arith.addi %mul3A_61, %add3A_96 : i32
    %dma_wait3A_98 = tpu.memref_slice %arg10[%add3A_97] : memref<320000xi32, #tpu.memory_space<hbm>> -> memref<80xi32, #tpu.memory_space<hbm>>
    %dma_wait3A_99 = tpu.memref_slice %arg10[%add3A_97] : memref<320000xi32, #tpu.memory_space<hbm>> -> memref<80xi32, #tpu.memory_space<hbm>>
    tpu.wait_dma2 semaphore(%arg45 : memref<!tpu.dma_semaphore, #tpu.memory_space<semaphore_mem>>) src(%dma_wait3A_99 : memref<80xi32, #tpu.memory_space<hbm>>) dst(%arg25 : memref<80xi32, #tpu.memory_space<vmem>>)
    %eq3A_100 = arith.constant 0 : i32
    %eq3A_101 = arith.cmpi eq, %arg0, %eq3A_100 : i32
    %convert_element_type3A_102 = arith.extui %eq3A_101 : i1 to i32
    %cond3A_103 = arith.constant 0 : i32
    %cond3A_104 = arith.cmpi ne, %convert_element_type3A_102, %cond3A_103 : i32
    scf.if %cond3A_104 {
      %dma_start3A_393 = arith.constant 0 : i32
      %dma_start3A_394 = arith.constant 0 : i32
      %dma_start3A_395 = tpu.memref_slice %arg2[%dma_start3A_393, %dma_start3A_394] : memref<10000x64xf32, #tpu.memory_space<hbm>> -> memref<10000x64xf32, #tpu.memory_space<hbm>>
      tpu.enqueue_indirect_dma source(%dma_start3A_395 : memref<10000x64xf32, #tpu.memory_space<hbm>>) target(%arg13 : memref<80x64xf32, #tpu.memory_space<vmem>>) offsets(%arg21 : memref<80xi32, #tpu.memory_space<vmem>>) semaphore(%arg37 : memref<!tpu.dma_semaphore, #tpu.memory_space<semaphore_mem>>)
    } else {
    }
    %eq3A_105 = arith.constant 1 : i32
    %eq3A_106 = arith.cmpi eq, %arg0, %eq3A_105 : i32
    %convert_element_type3A_107 = arith.extui %eq3A_106 : i1 to i32
    %cond3A_108 = arith.constant 0 : i32
    %cond3A_109 = arith.cmpi ne, %convert_element_type3A_107, %cond3A_108 : i32
    scf.if %cond3A_109 {
      %dma_start3A_393 = arith.constant 0 : i32
      %dma_start3A_394 = arith.constant 0 : i32
      %dma_start3A_395 = tpu.memref_slice %arg3[%dma_start3A_393, %dma_start3A_394] : memref<10000x64xf32, #tpu.memory_space<hbm>> -> memref<10000x64xf32, #tpu.memory_space<hbm>>
      tpu.enqueue_indirect_dma source(%dma_start3A_395 : memref<10000x64xf32, #tpu.memory_space<hbm>>) target(%arg13 : memref<80x64xf32, #tpu.memory_space<vmem>>) offsets(%arg21 : memref<80xi32, #tpu.memory_space<vmem>>) semaphore(%arg37 : memref<!tpu.dma_semaphore, #tpu.memory_space<semaphore_mem>>)
    } else {
    }
    %dma_start3A_110 = arith.constant 0 : i32
    %dma_start3A_111 = arith.constant 0 : i32
    %dma_start3A_112 = tpu.memref_slice %arg35[%dma_start3A_110, %dma_start3A_111] : memref<100x64xf32, #tpu.memory_space<vmem_shared>> -> memref<100x64xf32, #tpu.memory_space<vmem_shared>>
    tpu.enqueue_indirect_dma source(%dma_start3A_112 : memref<100x64xf32, #tpu.memory_space<vmem_shared>>) target(%arg17 : memref<80x64xf32, #tpu.memory_space<vmem>>) offsets(%arg25 : memref<80xi32, #tpu.memory_space<vmem>>) semaphore(%arg41 : memref<!tpu.dma_semaphore, #tpu.memory_space<semaphore_mem>>)
    %add3A_113 = arith.constant 80 : i32
    %add3A_114 = arith.addi %mul3A_61, %add3A_113 : i32
    %dma_wait3A_115 = tpu.memref_slice %arg8[%add3A_114] : memref<320000xi32, #tpu.memory_space<hbm>> -> memref<80xi32, #tpu.memory_space<hbm>>
    %dma_wait3A_116 = tpu.memref_slice %arg8[%add3A_114] : memref<320000xi32, #tpu.memory_space<hbm>> -> memref<80xi32, #tpu.memory_space<hbm>>
    tpu.wait_dma2 semaphore(%arg46 : memref<!tpu.dma_semaphore, #tpu.memory_space<semaphore_mem>>) src(%dma_wait3A_116 : memref<80xi32, #tpu.memory_space<hbm>>) dst(%arg22 : memref<80xi32, #tpu.memory_space<vmem>>)
    %add3A_117 = arith.constant 80 : i32
    %add3A_118 = arith.addi %mul3A_61, %add3A_117 : i32
    %dma_wait3A_119 = tpu.memref_slice %arg10[%add3A_118] : memref<320000xi32, #tpu.memory_space<hbm>> -> memref<80xi32, #tpu.memory_space<hbm>>
    %dma_wait3A_120 = tpu.memref_slice %arg10[%add3A_118] : memref<320000xi32, #tpu.memory_space<hbm>> -> memref<80xi32, #tpu.memory_space<hbm>>
    tpu.wait_dma2 semaphore(%arg46 : memref<!tpu.dma_semaphore, #tpu.memory_space<semaphore_mem>>) src(%dma_wait3A_120 : memref<80xi32, #tpu.memory_space<hbm>>) dst(%arg26 : memref<80xi32, #tpu.memory_space<vmem>>)
    %eq3A_121 = arith.constant 0 : i32
    %eq3A_122 = arith.cmpi eq, %arg0, %eq3A_121 : i32
    %convert_element_type3A_123 = arith.extui %eq3A_122 : i1 to i32
    %cond3A_124 = arith.constant 0 : i32
    %cond3A_125 = arith.cmpi ne, %convert_element_type3A_123, %cond3A_124 : i32
    scf.if %cond3A_125 {
      %dma_start3A_393 = arith.constant 0 : i32
      %dma_start3A_394 = arith.constant 0 : i32
      %dma_start3A_395 = tpu.memref_slice %arg2[%dma_start3A_393, %dma_start3A_394] : memref<10000x64xf32, #tpu.memory_space<hbm>> -> memref<10000x64xf32, #tpu.memory_space<hbm>>
      tpu.enqueue_indirect_dma source(%dma_start3A_395 : memref<10000x64xf32, #tpu.memory_space<hbm>>) target(%arg14 : memref<80x64xf32, #tpu.memory_space<vmem>>) offsets(%arg22 : memref<80xi32, #tpu.memory_space<vmem>>) semaphore(%arg38 : memref<!tpu.dma_semaphore, #tpu.memory_space<semaphore_mem>>)
    } else {
    }
    %eq3A_126 = arith.constant 1 : i32
    %eq3A_127 = arith.cmpi eq, %arg0, %eq3A_126 : i32
    %convert_element_type3A_128 = arith.extui %eq3A_127 : i1 to i32
    %cond3A_129 = arith.constant 0 : i32
    %cond3A_130 = arith.cmpi ne, %convert_element_type3A_128, %cond3A_129 : i32
    scf.if %cond3A_130 {
      %dma_start3A_393 = arith.constant 0 : i32
      %dma_start3A_394 = arith.constant 0 : i32
      %dma_start3A_395 = tpu.memref_slice %arg3[%dma_start3A_393, %dma_start3A_394] : memref<10000x64xf32, #tpu.memory_space<hbm>> -> memref<10000x64xf32, #tpu.memory_space<hbm>>
      tpu.enqueue_indirect_dma source(%dma_start3A_395 : memref<10000x64xf32, #tpu.memory_space<hbm>>) target(%arg14 : memref<80x64xf32, #tpu.memory_space<vmem>>) offsets(%arg22 : memref<80xi32, #tpu.memory_space<vmem>>) semaphore(%arg38 : memref<!tpu.dma_semaphore, #tpu.memory_space<semaphore_mem>>)
    } else {
    }
    %dma_start3A_131 = arith.constant 0 : i32
    %dma_start3A_132 = arith.constant 0 : i32
    %dma_start3A_133 = tpu.memref_slice %arg35[%dma_start3A_131, %dma_start3A_132] : memref<100x64xf32, #tpu.memory_space<vmem_shared>> -> memref<100x64xf32, #tpu.memory_space<vmem_shared>>
    tpu.enqueue_indirect_dma source(%dma_start3A_133 : memref<100x64xf32, #tpu.memory_space<vmem_shared>>) target(%arg18 : memref<80x64xf32, #tpu.memory_space<vmem>>) offsets(%arg26 : memref<80xi32, #tpu.memory_space<vmem>>) semaphore(%arg42 : memref<!tpu.dma_semaphore, #tpu.memory_space<semaphore_mem>>)
    %scan3A = arith.constant 0 : i32
    %scan3A_134 = arith.constant 62 : i32
    %scan3A_135 = arith.addi %scan3A, %scan3A_134 : i32
    %scan3A_136 = arith.constant 1 : i32
    scf.for %scan3A_393 = %scan3A to %scan3A_135 step %scan3A_136  : i32 {
      %mul3A_394 = arith.constant 4 : i32
      %mul3A_395 = arith.muli %mul3A_394, %scan3A_393 : i32
      %add3A_396 = arith.constant 0 : i32
      %add3A_397 = arith.addi %mul3A_395, %add3A_396 : i32
      %ge3A_398 = arith.constant 2 : i32
      %ge3A_399 = arith.cmpi sge, %add3A_397, %ge3A_398 : i32
      %convert_element_type3A_400 = arith.extui %ge3A_399 : i1 to i32
      %cond3A_401 = arith.constant 0 : i32
      %cond3A_402 = arith.cmpi ne, %convert_element_type3A_400, %cond3A_401 : i32
      scf.if %cond3A_402 {
        %dma_wait3A_554 = arith.constant 0 : i32
        %dma_wait3A_555 = arith.constant 0 : i32
        %dma_wait3A_556 = tpu.memref_slice %arg33[%dma_wait3A_554, %dma_wait3A_555] : memref<10000x64xf32, #tpu.memory_space<vmem_shared>> -> memref<10000x64xf32, #tpu.memory_space<vmem_shared>>
        tpu.wait_indirect_dma semaphore(%arg55 : memref<!tpu.dma_semaphore, #tpu.memory_space<semaphore_mem>>) src(%arg15 : memref<80x64xf32, #tpu.memory_space<vmem>>) dst(%dma_wait3A_556 : memref<10000x64xf32, #tpu.memory_space<vmem_shared>>)
      } else {
      }
      %add3A_403 = arith.constant 2 : i32
      %add3A_404 = arith.addi %add3A_397, %add3A_403 : i32
      %lt3A_405 = arith.constant 250 : i32
      %lt3A_406 = arith.cmpi slt, %add3A_404, %lt3A_405 : i32
      %convert_element_type3A_407 = arith.extui %lt3A_406 : i1 to i32
      %cond3A_408 = arith.constant 0 : i32
      %cond3A_409 = arith.cmpi ne, %convert_element_type3A_407, %cond3A_408 : i32
      scf.if %cond3A_409 {
        %add3A_554 = arith.constant 2 : i32
        %add3A_555 = arith.addi %add3A_397, %add3A_554 : i32
        %mul3A_556 = arith.constant 80 : i32
        %mul3A_557 = arith.muli %add3A_555, %mul3A_556 : i32
        %add3A_558 = arith.addi %mul3A_61, %mul3A_557 : i32
        %dma_start3A_559 = tpu.memref_slice %arg9[%add3A_558] : memref<320000xi32, #tpu.memory_space<hbm>> -> memref<80xi32, #tpu.memory_space<hbm>>
        %dma_start3A_560 = tpu.memref_slice %arg9[%add3A_558] : memref<320000xi32, #tpu.memory_space<hbm>> -> memref<80xi32, #tpu.memory_space<hbm>>
        tpu.enqueue_dma source(%dma_start3A_560 : memref<80xi32, #tpu.memory_space<hbm>>) target(%arg31 : memref<80xi32, #tpu.memory_space<vmem>>) target_semaphore(%arg51 : memref<!tpu.dma_semaphore, #tpu.memory_space<semaphore_mem>>)
        %add3A_561 = arith.constant 2 : i32
        %add3A_562 = arith.addi %add3A_397, %add3A_561 : i32
        %mul3A_563 = arith.constant 80 : i32
        %mul3A_564 = arith.muli %add3A_562, %mul3A_563 : i32
        %add3A_565 = arith.addi %mul3A_61, %mul3A_564 : i32
        %dma_wait3A_566 = tpu.memref_slice %arg8[%add3A_565] : memref<320000xi32, #tpu.memory_space<hbm>> -> memref<80xi32, #tpu.memory_space<hbm>>
        %dma_wait3A_567 = tpu.memref_slice %arg8[%add3A_565] : memref<320000xi32, #tpu.memory_space<hbm>> -> memref<80xi32, #tpu.memory_space<hbm>>
        tpu.wait_dma2 semaphore(%arg47 : memref<!tpu.dma_semaphore, #tpu.memory_space<semaphore_mem>>) src(%dma_wait3A_567 : memref<80xi32, #tpu.memory_space<hbm>>) dst(%arg23 : memref<80xi32, #tpu.memory_space<vmem>>)
        %mul3A_568 = arith.constant 80 : i32
        %mul3A_569 = arith.muli %add3A_562, %mul3A_568 : i32
        %add3A_570 = arith.addi %mul3A_61, %mul3A_569 : i32
        %dma_wait3A_571 = tpu.memref_slice %arg10[%add3A_570] : memref<320000xi32, #tpu.memory_space<hbm>> -> memref<80xi32, #tpu.memory_space<hbm>>
        %dma_wait3A_572 = tpu.memref_slice %arg10[%add3A_570] : memref<320000xi32, #tpu.memory_space<hbm>> -> memref<80xi32, #tpu.memory_space<hbm>>
        tpu.wait_dma2 semaphore(%arg47 : memref<!tpu.dma_semaphore, #tpu.memory_space<semaphore_mem>>) src(%dma_wait3A_572 : memref<80xi32, #tpu.memory_space<hbm>>) dst(%arg27 : memref<80xi32, #tpu.memory_space<vmem>>)
        %eq3A_573 = arith.constant 0 : i32
        %eq3A_574 = arith.cmpi eq, %arg0, %eq3A_573 : i32
        %convert_element_type3A_575 = arith.extui %eq3A_574 : i1 to i32
        %cond3A_576 = arith.constant 0 : i32
        %cond3A_577 = arith.cmpi ne, %convert_element_type3A_575, %cond3A_576 : i32
        scf.if %cond3A_577 {
          %dma_start3A_586 = arith.constant 0 : i32
          %dma_start3A_587 = arith.constant 0 : i32
          %dma_start3A_588 = tpu.memref_slice %arg2[%dma_start3A_586, %dma_start3A_587] : memref<10000x64xf32, #tpu.memory_space<hbm>> -> memref<10000x64xf32, #tpu.memory_space<hbm>>
          tpu.enqueue_indirect_dma source(%dma_start3A_588 : memref<10000x64xf32, #tpu.memory_space<hbm>>) target(%arg15 : memref<80x64xf32, #tpu.memory_space<vmem>>) offsets(%arg23 : memref<80xi32, #tpu.memory_space<vmem>>) semaphore(%arg39 : memref<!tpu.dma_semaphore, #tpu.memory_space<semaphore_mem>>)
        } else {
        }
        %eq3A_578 = arith.constant 1 : i32
        %eq3A_579 = arith.cmpi eq, %arg0, %eq3A_578 : i32
        %convert_element_type3A_580 = arith.extui %eq3A_579 : i1 to i32
        %cond3A_581 = arith.constant 0 : i32
        %cond3A_582 = arith.cmpi ne, %convert_element_type3A_580, %cond3A_581 : i32
        scf.if %cond3A_582 {
          %dma_start3A_586 = arith.constant 0 : i32
          %dma_start3A_587 = arith.constant 0 : i32
          %dma_start3A_588 = tpu.memref_slice %arg3[%dma_start3A_586, %dma_start3A_587] : memref<10000x64xf32, #tpu.memory_space<hbm>> -> memref<10000x64xf32, #tpu.memory_space<hbm>>
          tpu.enqueue_indirect_dma source(%dma_start3A_588 : memref<10000x64xf32, #tpu.memory_space<hbm>>) target(%arg15 : memref<80x64xf32, #tpu.memory_space<vmem>>) offsets(%arg23 : memref<80xi32, #tpu.memory_space<vmem>>) semaphore(%arg39 : memref<!tpu.dma_semaphore, #tpu.memory_space<semaphore_mem>>)
        } else {
        }
        %dma_start3A_583 = arith.constant 0 : i32
        %dma_start3A_584 = arith.constant 0 : i32
        %dma_start3A_585 = tpu.memref_slice %arg35[%dma_start3A_583, %dma_start3A_584] : memref<100x64xf32, #tpu.memory_space<vmem_shared>> -> memref<100x64xf32, #tpu.memory_space<vmem_shared>>
        tpu.enqueue_indirect_dma source(%dma_start3A_585 : memref<100x64xf32, #tpu.memory_space<vmem_shared>>) target(%arg19 : memref<80x64xf32, #tpu.memory_space<vmem>>) offsets(%arg27 : memref<80xi32, #tpu.memory_space<vmem>>) semaphore(%arg43 : memref<!tpu.dma_semaphore, #tpu.memory_space<semaphore_mem>>)
      } else {
      }
      %add3A_410 = arith.constant 3 : i32
      %add3A_411 = arith.addi %add3A_397, %add3A_410 : i32
      %lt3A_412 = arith.constant 250 : i32
      %lt3A_413 = arith.cmpi slt, %add3A_411, %lt3A_412 : i32
      %convert_element_type3A_414 = arith.extui %lt3A_413 : i1 to i32
      %cond3A_415 = arith.constant 0 : i32
      %cond3A_416 = arith.cmpi ne, %convert_element_type3A_414, %cond3A_415 : i32
      scf.if %cond3A_416 {
        %add3A_554 = arith.constant 3 : i32
        %add3A_555 = arith.addi %add3A_397, %add3A_554 : i32
        %mul3A_556 = arith.constant 80 : i32
        %mul3A_557 = arith.muli %add3A_555, %mul3A_556 : i32
        %add3A_558 = arith.addi %mul3A_61, %mul3A_557 : i32
        %dma_start3A_559 = tpu.memref_slice %arg8[%add3A_558] : memref<320000xi32, #tpu.memory_space<hbm>> -> memref<80xi32, #tpu.memory_space<hbm>>
        %dma_start3A_560 = tpu.memref_slice %arg8[%add3A_558] : memref<320000xi32, #tpu.memory_space<hbm>> -> memref<80xi32, #tpu.memory_space<hbm>>
        tpu.enqueue_dma source(%dma_start3A_560 : memref<80xi32, #tpu.memory_space<hbm>>) target(%arg24 : memref<80xi32, #tpu.memory_space<vmem>>) target_semaphore(%arg48 : memref<!tpu.dma_semaphore, #tpu.memory_space<semaphore_mem>>)
        %mul3A_561 = arith.constant 80 : i32
        %mul3A_562 = arith.muli %add3A_555, %mul3A_561 : i32
        %add3A_563 = arith.addi %mul3A_61, %mul3A_562 : i32
        %dma_start3A_564 = tpu.memref_slice %arg10[%add3A_563] : memref<320000xi32, #tpu.memory_space<hbm>> -> memref<80xi32, #tpu.memory_space<hbm>>
        %dma_start3A_565 = tpu.memref_slice %arg10[%add3A_563] : memref<320000xi32, #tpu.memory_space<hbm>> -> memref<80xi32, #tpu.memory_space<hbm>>
        tpu.enqueue_dma source(%dma_start3A_565 : memref<80xi32, #tpu.memory_space<hbm>>) target(%arg28 : memref<80xi32, #tpu.memory_space<vmem>>) target_semaphore(%arg48 : memref<!tpu.dma_semaphore, #tpu.memory_space<semaphore_mem>>)
      } else {
      }
      %dma_wait3A_417 = arith.constant 0 : i32
      %dma_wait3A_418 = arith.constant 0 : i32
      %dma_wait3A_419 = tpu.memref_slice %arg2[%dma_wait3A_417, %dma_wait3A_418] : memref<10000x64xf32, #tpu.memory_space<hbm>> -> memref<10000x64xf32, #tpu.memory_space<hbm>>
      tpu.wait_indirect_dma semaphore(%arg37 : memref<!tpu.dma_semaphore, #tpu.memory_space<semaphore_mem>>) src(%dma_wait3A_419 : memref<10000x64xf32, #tpu.memory_space<hbm>>) dst(%arg13 : memref<80x64xf32, #tpu.memory_space<vmem>>)
      %dma_wait3A_420 = arith.constant 0 : i32
      %dma_wait3A_421 = arith.constant 0 : i32
      %dma_wait3A_422 = tpu.memref_slice %arg35[%dma_wait3A_420, %dma_wait3A_421] : memref<100x64xf32, #tpu.memory_space<vmem_shared>> -> memref<100x64xf32, #tpu.memory_space<vmem_shared>>
      tpu.wait_indirect_dma semaphore(%arg41 : memref<!tpu.dma_semaphore, #tpu.memory_space<semaphore_mem>>) src(%dma_wait3A_422 : memref<100x64xf32, #tpu.memory_space<vmem_shared>>) dst(%arg17 : memref<80x64xf32, #tpu.memory_space<vmem>>)
      %parallel_loop3A_423 = arith.constant 0 : i32
      %parallel_loop3A_424 = arith.constant 80 : i32
      %parallel_loop3A_425 = arith.constant 1 : i32
      scf.for %parallel_loop3A_554 = %parallel_loop3A_423 to %parallel_loop3A_424 step %parallel_loop3A_425  : i32 {
        %parallel_loop3A_555 = arith.index_cast %parallel_loop3A_554 : i32 to index
        %parallel_loop3A_556 = arith.constant 0 : index
        %parallel_loop3A_557 = tpu.vector_load %arg13[%parallel_loop3A_555, %parallel_loop3A_556] {strides = array<i32>} : memref<80x64xf32, #tpu.memory_space<vmem>>, vector<1x16xf32>,
        %parallel_loop3A_558 = vector.shape_cast %parallel_loop3A_557 : vector<1x16xf32> to vector<16xf32>
        %parallel_loop3A_559 = arith.index_cast %parallel_loop3A_554 : i32 to index
        %parallel_loop3A_560 = arith.constant 0 : index
        %parallel_loop3A_561 = tpu.vector_load %arg17[%parallel_loop3A_559, %parallel_loop3A_560] {strides = array<i32>} : memref<80x64xf32, #tpu.memory_space<vmem>>, vector<1x16xf32>,
        %parallel_loop3A_562 = vector.shape_cast %parallel_loop3A_561 : vector<1x16xf32> to vector<16xf32>
        %parallel_loop3A_563 = arith.mulf %parallel_loop3A_558, %parallel_loop3A_562 : vector<16xf32>
        %parallel_loop3A_564 = arith.index_cast %parallel_loop3A_554 : i32 to index
        %parallel_loop3A_565 = arith.constant 0 : index
        %parallel_loop3A_566 = tpu.vector_load %arg13[%parallel_loop3A_564, %parallel_loop3A_565] {strides = array<i32>} : memref<80x64xf32, #tpu.memory_space<vmem>>, vector<1x16xf32>,
        %parallel_loop3A_567 = vector.shape_cast %parallel_loop3A_566 : vector<1x16xf32> to vector<16xf32>
        %parallel_loop3A_568 = vector.shape_cast %parallel_loop3A_563 : vector<16xf32> to vector<1x16xf32>
        tpu.vector_store %arg13[%parallel_loop3A_564, %parallel_loop3A_565], %parallel_loop3A_568 {strides = array<i32>} : memref<80x64xf32, #tpu.memory_space<vmem>>, vector<1x16xf32>,
        %parallel_loop3A_569 = arith.index_cast %parallel_loop3A_554 : i32 to index
        %parallel_loop3A_570 = arith.constant 16 : index
        %parallel_loop3A_571 = tpu.vector_load %arg13[%parallel_loop3A_569, %parallel_loop3A_570] {strides = array<i32>} : memref<80x64xf32, #tpu.memory_space<vmem>>, vector<1x16xf32>,
        %parallel_loop3A_572 = vector.shape_cast %parallel_loop3A_571 : vector<1x16xf32> to vector<16xf32>
        %parallel_loop3A_573 = arith.index_cast %parallel_loop3A_554 : i32 to index
        %parallel_loop3A_574 = arith.constant 16 : index
        %parallel_loop3A_575 = tpu.vector_load %arg17[%parallel_loop3A_573, %parallel_loop3A_574] {strides = array<i32>} : memref<80x64xf32, #tpu.memory_space<vmem>>, vector<1x16xf32>,
        %parallel_loop3A_576 = vector.shape_cast %parallel_loop3A_575 : vector<1x16xf32> to vector<16xf32>
        %parallel_loop3A_577 = arith.mulf %parallel_loop3A_572, %parallel_loop3A_576 : vector<16xf32>
        %parallel_loop3A_578 = arith.index_cast %parallel_loop3A_554 : i32 to index
        %parallel_loop3A_579 = arith.constant 16 : index
        %parallel_loop3A_580 = tpu.vector_load %arg13[%parallel_loop3A_578, %parallel_loop3A_579] {strides = array<i32>} : memref<80x64xf32, #tpu.memory_space<vmem>>, vector<1x16xf32>,
        %parallel_loop3A_581 = vector.shape_cast %parallel_loop3A_580 : vector<1x16xf32> to vector<16xf32>
        %parallel_loop3A_582 = vector.shape_cast %parallel_loop3A_577 : vector<16xf32> to vector<1x16xf32>
        tpu.vector_store %arg13[%parallel_loop3A_578, %parallel_loop3A_579], %parallel_loop3A_582 {strides = array<i32>} : memref<80x64xf32, #tpu.memory_space<vmem>>, vector<1x16xf32>,
        %parallel_loop3A_583 = arith.index_cast %parallel_loop3A_554 : i32 to index
        %parallel_loop3A_584 = arith.constant 32 : index
        %parallel_loop3A_585 = tpu.vector_load %arg13[%parallel_loop3A_583, %parallel_loop3A_584] {strides = array<i32>} : memref<80x64xf32, #tpu.memory_space<vmem>>, vector<1x16xf32>,
        %parallel_loop3A_586 = vector.shape_cast %parallel_loop3A_585 : vector<1x16xf32> to vector<16xf32>
        %parallel_loop3A_587 = arith.index_cast %parallel_loop3A_554 : i32 to index
        %parallel_loop3A_588 = arith.constant 32 : index
        %parallel_loop3A_589 = tpu.vector_load %arg17[%parallel_loop3A_587, %parallel_loop3A_588] {strides = array<i32>} : memref<80x64xf32, #tpu.memory_space<vmem>>, vector<1x16xf32>,
        %parallel_loop3A_590 = vector.shape_cast %parallel_loop3A_589 : vector<1x16xf32> to vector<16xf32>
        %parallel_loop3A_591 = arith.mulf %parallel_loop3A_586, %parallel_loop3A_590 : vector<16xf32>
        %parallel_loop3A_592 = arith.index_cast %parallel_loop3A_554 : i32 to index
        %parallel_loop3A_593 = arith.constant 32 : index
        %parallel_loop3A_594 = tpu.vector_load %arg13[%parallel_loop3A_592, %parallel_loop3A_593] {strides = array<i32>} : memref<80x64xf32, #tpu.memory_space<vmem>>, vector<1x16xf32>,
        %parallel_loop3A_595 = vector.shape_cast %parallel_loop3A_594 : vector<1x16xf32> to vector<16xf32>
        %parallel_loop3A_596 = vector.shape_cast %parallel_loop3A_591 : vector<16xf32> to vector<1x16xf32>
        tpu.vector_store %arg13[%parallel_loop3A_592, %parallel_loop3A_593], %parallel_loop3A_596 {strides = array<i32>} : memref<80x64xf32, #tpu.memory_space<vmem>>, vector<1x16xf32>,
        %parallel_loop3A_597 = arith.index_cast %parallel_loop3A_554 : i32 to index
        %parallel_loop3A_598 = arith.constant 48 : index
        %parallel_loop3A_599 = tpu.vector_load %arg13[%parallel_loop3A_597, %parallel_loop3A_598] {strides = array<i32>} : memref<80x64xf32, #tpu.memory_space<vmem>>, vector<1x16xf32>,
        %parallel_loop3A_600 = vector.shape_cast %parallel_loop3A_599 : vector<1x16xf32> to vector<16xf32>
        %parallel_loop3A_601 = arith.index_cast %parallel_loop3A_554 : i32 to index
        %parallel_loop3A_602 = arith.constant 48 : index
        %parallel_loop3A_603 = tpu.vector_load %arg17[%parallel_loop3A_601, %parallel_loop3A_602] {strides = array<i32>} : memref<80x64xf32, #tpu.memory_space<vmem>>, vector<1x16xf32>,
        %parallel_loop3A_604 = vector.shape_cast %parallel_loop3A_603 : vector<1x16xf32> to vector<16xf32>
        %parallel_loop3A_605 = arith.mulf %parallel_loop3A_600, %parallel_loop3A_604 : vector<16xf32>
        %parallel_loop3A_606 = arith.index_cast %parallel_loop3A_554 : i32 to index
        %parallel_loop3A_607 = arith.constant 48 : index
        %parallel_loop3A_608 = tpu.vector_load %arg13[%parallel_loop3A_606, %parallel_loop3A_607] {strides = array<i32>} : memref<80x64xf32, #tpu.memory_space<vmem>>, vector<1x16xf32>,
        %parallel_loop3A_609 = vector.shape_cast %parallel_loop3A_608 : vector<1x16xf32> to vector<16xf32>
        %parallel_loop3A_610 = vector.shape_cast %parallel_loop3A_605 : vector<16xf32> to vector<1x16xf32>
        tpu.vector_store %arg13[%parallel_loop3A_606, %parallel_loop3A_607], %parallel_loop3A_610 {strides = array<i32>} : memref<80x64xf32, #tpu.memory_space<vmem>>, vector<1x16xf32>,
      } {sc.loop_unroll_factor = 4 : i64, sc.parallel_access}
      %mul3A_426 = arith.constant 80 : i32
      %mul3A_427 = arith.muli %add3A_397, %mul3A_426 : i32
      %add3A_428 = arith.addi %mul3A_61, %mul3A_427 : i32
      %dma_wait3A_429 = tpu.memref_slice %arg9[%add3A_428] : memref<320000xi32, #tpu.memory_space<hbm>> -> memref<80xi32, #tpu.memory_space<hbm>>
      %dma_wait3A_430 = tpu.memref_slice %arg9[%add3A_428] : memref<320000xi32, #tpu.memory_space<hbm>> -> memref<80xi32, #tpu.memory_space<hbm>>
      tpu.wait_dma2 semaphore(%arg49 : memref<!tpu.dma_semaphore, #tpu.memory_space<semaphore_mem>>) src(%dma_wait3A_430 : memref<80xi32, #tpu.memory_space<hbm>>) dst(%arg29 : memref<80xi32, #tpu.memory_space<vmem>>)
      %dma_start3A_431 = arith.constant 0 : i32
      %dma_start3A_432 = arith.constant 0 : i32
      %dma_start3A_433 = tpu.memref_slice %arg33[%dma_start3A_431, %dma_start3A_432] : memref<10000x64xf32, #tpu.memory_space<vmem_shared>> -> memref<10000x64xf32, #tpu.memory_space<vmem_shared>>
      tpu.enqueue_indirect_dma source(%arg13 : memref<80x64xf32, #tpu.memory_space<vmem>>) target(%dma_start3A_433 : memref<10000x64xf32, #tpu.memory_space<vmem_shared>>) offsets(%arg29 : memref<80xi32, #tpu.memory_space<vmem>>) semaphore(%arg53 : memref<!tpu.dma_semaphore, #tpu.memory_space<semaphore_mem>>) {add = true}
      %mul3A_434 = arith.constant 4 : i32
      %mul3A_435 = arith.muli %mul3A_434, %scan3A_393 : i32
      %add3A_436 = arith.constant 1 : i32
      %add3A_437 = arith.addi %mul3A_435, %add3A_436 : i32
      %ge3A_438 = arith.constant 2 : i32
      %ge3A_439 = arith.cmpi sge, %add3A_437, %ge3A_438 : i32
      %convert_element_type3A_440 = arith.extui %ge3A_439 : i1 to i32
      %cond3A_441 = arith.constant 0 : i32
      %cond3A_442 = arith.cmpi ne, %convert_element_type3A_440, %cond3A_441 : i32
      scf.if %cond3A_442 {
        %dma_wait3A_554 = arith.constant 0 : i32
        %dma_wait3A_555 = arith.constant 0 : i32
        %dma_wait3A_556 = tpu.memref_slice %arg33[%dma_wait3A_554, %dma_wait3A_555] : memref<10000x64xf32, #tpu.memory_space<vmem_shared>> -> memref<10000x64xf32, #tpu.memory_space<vmem_shared>>
        tpu.wait_indirect_dma semaphore(%arg56 : memref<!tpu.dma_semaphore, #tpu.memory_space<semaphore_mem>>) src(%arg16 : memref<80x64xf32, #tpu.memory_space<vmem>>) dst(%dma_wait3A_556 : memref<10000x64xf32, #tpu.memory_space<vmem_shared>>)
      } else {
      }
      %add3A_443 = arith.constant 2 : i32
      %add3A_444 = arith.addi %add3A_437, %add3A_443 : i32
      %lt3A_445 = arith.constant 250 : i32
      %lt3A_446 = arith.cmpi slt, %add3A_444, %lt3A_445 : i32
      %convert_element_type3A_447 = arith.extui %lt3A_446 : i1 to i32
      %cond3A_448 = arith.constant 0 : i32
      %cond3A_449 = arith.cmpi ne, %convert_element_type3A_447, %cond3A_448 : i32
      scf.if %cond3A_449 {
        %add3A_554 = arith.constant 2 : i32
        %add3A_555 = arith.addi %add3A_437, %add3A_554 : i32
        %mul3A_556 = arith.constant 80 : i32
        %mul3A_557 = arith.muli %add3A_555, %mul3A_556 : i32
        %add3A_558 = arith.addi %mul3A_61, %mul3A_557 : i32
        %dma_start3A_559 = tpu.memref_slice %arg9[%add3A_558] : memref<320000xi32, #tpu.memory_space<hbm>> -> memref<80xi32, #tpu.memory_space<hbm>>
        %dma_start3A_560 = tpu.memref_slice %arg9[%add3A_558] : memref<320000xi32, #tpu.memory_space<hbm>> -> memref<80xi32, #tpu.memory_space<hbm>>
        tpu.enqueue_dma source(%dma_start3A_560 : memref<80xi32, #tpu.memory_space<hbm>>) target(%arg32 : memref<80xi32, #tpu.memory_space<vmem>>) target_semaphore(%arg52 : memref<!tpu.dma_semaphore, #tpu.memory_space<semaphore_mem>>)
        %add3A_561 = arith.constant 2 : i32
        %add3A_562 = arith.addi %add3A_437, %add3A_561 : i32
        %mul3A_563 = arith.constant 80 : i32
        %mul3A_564 = arith.muli %add3A_562, %mul3A_563 : i32
        %add3A_565 = arith.addi %mul3A_61, %mul3A_564 : i32
        %dma_wait3A_566 = tpu.memref_slice %arg8[%add3A_565] : memref<320000xi32, #tpu.memory_space<hbm>> -> memref<80xi32, #tpu.memory_space<hbm>>
        %dma_wait3A_567 = tpu.memref_slice %arg8[%add3A_565] : memref<320000xi32, #tpu.memory_space<hbm>> -> memref<80xi32, #tpu.memory_space<hbm>>
        tpu.wait_dma2 semaphore(%arg48 : memref<!tpu.dma_semaphore, #tpu.memory_space<semaphore_mem>>) src(%dma_wait3A_567 : memref<80xi32, #tpu.memory_space<hbm>>) dst(%arg24 : memref<80xi32, #tpu.memory_space<vmem>>)
        %mul3A_568 = arith.constant 80 : i32
        %mul3A_569 = arith.muli %add3A_562, %mul3A_568 : i32
        %add3A_570 = arith.addi %mul3A_61, %mul3A_569 : i32
        %dma_wait3A_571 = tpu.memref_slice %arg10[%add3A_570] : memref<320000xi32, #tpu.memory_space<hbm>> -> memref<80xi32, #tpu.memory_space<hbm>>
        %dma_wait3A_572 = tpu.memref_slice %arg10[%add3A_570] : memref<320000xi32, #tpu.memory_space<hbm>> -> memref<80xi32, #tpu.memory_space<hbm>>
        tpu.wait_dma2 semaphore(%arg48 : memref<!tpu.dma_semaphore, #tpu.memory_space<semaphore_mem>>) src(%dma_wait3A_572 : memref<80xi32, #tpu.memory_space<hbm>>) dst(%arg28 : memref<80xi32, #tpu.memory_space<vmem>>)
        %eq3A_573 = arith.constant 0 : i32
        %eq3A_574 = arith.cmpi eq, %arg0, %eq3A_573 : i32
        %convert_element_type3A_575 = arith.extui %eq3A_574 : i1 to i32
        %cond3A_576 = arith.constant 0 : i32
        %cond3A_577 = arith.cmpi ne, %convert_element_type3A_575, %cond3A_576 : i32
        scf.if %cond3A_577 {
          %dma_start3A_586 = arith.constant 0 : i32
          %dma_start3A_587 = arith.constant 0 : i32
          %dma_start3A_588 = tpu.memref_slice %arg2[%dma_start3A_586, %dma_start3A_587] : memref<10000x64xf32, #tpu.memory_space<hbm>> -> memref<10000x64xf32, #tpu.memory_space<hbm>>
          tpu.enqueue_indirect_dma source(%dma_start3A_588 : memref<10000x64xf32, #tpu.memory_space<hbm>>) target(%arg16 : memref<80x64xf32, #tpu.memory_space<vmem>>) offsets(%arg24 : memref<80xi32, #tpu.memory_space<vmem>>) semaphore(%arg40 : memref<!tpu.dma_semaphore, #tpu.memory_space<semaphore_mem>>)
        } else {
        }
        %eq3A_578 = arith.constant 1 : i32
        %eq3A_579 = arith.cmpi eq, %arg0, %eq3A_578 : i32
        %convert_element_type3A_580 = arith.extui %eq3A_579 : i1 to i32
        %cond3A_581 = arith.constant 0 : i32
        %cond3A_582 = arith.cmpi ne, %convert_element_type3A_580, %cond3A_581 : i32
        scf.if %cond3A_582 {
          %dma_start3A_586 = arith.constant 0 : i32
          %dma_start3A_587 = arith.constant 0 : i32
          %dma_start3A_588 = tpu.memref_slice %arg3[%dma_start3A_586, %dma_start3A_587] : memref<10000x64xf32, #tpu.memory_space<hbm>> -> memref<10000x64xf32, #tpu.memory_space<hbm>>
          tpu.enqueue_indirect_dma source(%dma_start3A_588 : memref<10000x64xf32, #tpu.memory_space<hbm>>) target(%arg16 : memref<80x64xf32, #tpu.memory_space<vmem>>) offsets(%arg24 : memref<80xi32, #tpu.memory_space<vmem>>) semaphore(%arg40 : memref<!tpu.dma_semaphore, #tpu.memory_space<semaphore_mem>>)
        } else {
        }
        %dma_start3A_583 = arith.constant 0 : i32
        %dma_start3A_584 = arith.constant 0 : i32
        %dma_start3A_585 = tpu.memref_slice %arg35[%dma_start3A_583, %dma_start3A_584] : memref<100x64xf32, #tpu.memory_space<vmem_shared>> -> memref<100x64xf32, #tpu.memory_space<vmem_shared>>
        tpu.enqueue_indirect_dma source(%dma_start3A_585 : memref<100x64xf32, #tpu.memory_space<vmem_shared>>) target(%arg20 : memref<80x64xf32, #tpu.memory_space<vmem>>) offsets(%arg28 : memref<80xi32, #tpu.memory_space<vmem>>) semaphore(%arg44 : memref<!tpu.dma_semaphore, #tpu.memory_space<semaphore_mem>>)
      } else {
      }
      %add3A_450 = arith.constant 3 : i32
      %add3A_451 = arith.addi %add3A_437, %add3A_450 : i32
      %lt3A_452 = arith.constant 250 : i32
      %lt3A_453 = arith.cmpi slt, %add3A_451, %lt3A_452 : i32
      %convert_element_type3A_454 = arith.extui %lt3A_453 : i1 to i32
      %cond3A_455 = arith.constant 0 : i32
      %cond3A_456 = arith.cmpi ne, %convert_element_type3A_454, %cond3A_455 : i32
      scf.if %cond3A_456 {
        %add3A_554 = arith.constant 3 : i32
        %add3A_555 = arith.addi %add3A_437, %add3A_554 : i32
        %mul3A_556 = arith.constant 80 : i32
        %mul3A_557 = arith.muli %add3A_555, %mul3A_556 : i32
        %add3A_558 = arith.addi %mul3A_61, %mul3A_557 : i32
        %dma_start3A_559 = tpu.memref_slice %arg8[%add3A_558] : memref<320000xi32, #tpu.memory_space<hbm>> -> memref<80xi32, #tpu.memory_space<hbm>>
        %dma_start3A_560 = tpu.memref_slice %arg8[%add3A_558] : memref<320000xi32, #tpu.memory_space<hbm>> -> memref<80xi32, #tpu.memory_space<hbm>>
        tpu.enqueue_dma source(%dma_start3A_560 : memref<80xi32, #tpu.memory_space<hbm>>) target(%arg21 : memref<80xi32, #tpu.memory_space<vmem>>) target_semaphore(%arg45 : memref<!tpu.dma_semaphore, #tpu.memory_space<semaphore_mem>>)
        %mul3A_561 = arith.constant 80 : i32
        %mul3A_562 = arith.muli %add3A_555, %mul3A_561 : i32
        %add3A_563 = arith.addi %mul3A_61, %mul3A_562 : i32
        %dma_start3A_564 = tpu.memref_slice %arg10[%add3A_563] : memref<320000xi32, #tpu.memory_space<hbm>> -> memref<80xi32, #tpu.memory_space<hbm>>
        %dma_start3A_565 = tpu.memref_slice %arg10[%add3A_563] : memref<320000xi32, #tpu.memory_space<hbm>> -> memref<80xi32, #tpu.memory_space<hbm>>
        tpu.enqueue_dma source(%dma_start3A_565 : memref<80xi32, #tpu.memory_space<hbm>>) target(%arg25 : memref<80xi32, #tpu.memory_space<vmem>>) target_semaphore(%arg45 : memref<!tpu.dma_semaphore, #tpu.memory_space<semaphore_mem>>)
      } else {
      }
      %dma_wait3A_457 = arith.constant 0 : i32
      %dma_wait3A_458 = arith.constant 0 : i32
      %dma_wait3A_459 = tpu.memref_slice %arg2[%dma_wait3A_457, %dma_wait3A_458] : memref<10000x64xf32, #tpu.memory_space<hbm>> -> memref<10000x64xf32, #tpu.memory_space<hbm>>
      tpu.wait_indirect_dma semaphore(%arg38 : memref<!tpu.dma_semaphore, #tpu.memory_space<semaphore_mem>>) src(%dma_wait3A_459 : memref<10000x64xf32, #tpu.memory_space<hbm>>) dst(%arg14 : memref<80x64xf32, #tpu.memory_space<vmem>>)
      %dma_wait3A_460 = arith.constant 0 : i32
      %dma_wait3A_461 = arith.constant 0 : i32
      %dma_wait3A_462 = tpu.memref_slice %arg35[%dma_wait3A_460, %dma_wait3A_461] : memref<100x64xf32, #tpu.memory_space<vmem_shared>> -> memref<100x64xf32, #tpu.memory_space<vmem_shared>>
      tpu.wait_indirect_dma semaphore(%arg42 : memref<!tpu.dma_semaphore, #tpu.memory_space<semaphore_mem>>) src(%dma_wait3A_462 : memref<100x64xf32, #tpu.memory_space<vmem_shared>>) dst(%arg18 : memref<80x64xf32, #tpu.memory_space<vmem>>)
      %parallel_loop3A_463 = arith.constant 0 : i32
      %parallel_loop3A_464 = arith.constant 80 : i32
      %parallel_loop3A_465 = arith.constant 1 : i32
      scf.for %parallel_loop3A_554 = %parallel_loop3A_463 to %parallel_loop3A_464 step %parallel_loop3A_465  : i32 {
        %parallel_loop3A_555 = arith.index_cast %parallel_loop3A_554 : i32 to index
        %parallel_loop3A_556 = arith.constant 0 : index
        %parallel_loop3A_557 = tpu.vector_load %arg14[%parallel_loop3A_555, %parallel_loop3A_556] {strides = array<i32>} : memref<80x64xf32, #tpu.memory_space<vmem>>, vector<1x16xf32>,
        %parallel_loop3A_558 = vector.shape_cast %parallel_loop3A_557 : vector<1x16xf32> to vector<16xf32>
        %parallel_loop3A_559 = arith.index_cast %parallel_loop3A_554 : i32 to index
        %parallel_loop3A_560 = arith.constant 0 : index
        %parallel_loop3A_561 = tpu.vector_load %arg18[%parallel_loop3A_559, %parallel_loop3A_560] {strides = array<i32>} : memref<80x64xf32, #tpu.memory_space<vmem>>, vector<1x16xf32>,
        %parallel_loop3A_562 = vector.shape_cast %parallel_loop3A_561 : vector<1x16xf32> to vector<16xf32>
        %parallel_loop3A_563 = arith.mulf %parallel_loop3A_558, %parallel_loop3A_562 : vector<16xf32>
        %parallel_loop3A_564 = arith.index_cast %parallel_loop3A_554 : i32 to index
        %parallel_loop3A_565 = arith.constant 0 : index
        %parallel_loop3A_566 = tpu.vector_load %arg14[%parallel_loop3A_564, %parallel_loop3A_565] {strides = array<i32>} : memref<80x64xf32, #tpu.memory_space<vmem>>, vector<1x16xf32>,
        %parallel_loop3A_567 = vector.shape_cast %parallel_loop3A_566 : vector<1x16xf32> to vector<16xf32>
        %parallel_loop3A_568 = vector.shape_cast %parallel_loop3A_563 : vector<16xf32> to vector<1x16xf32>
        tpu.vector_store %arg14[%parallel_loop3A_564, %parallel_loop3A_565], %parallel_loop3A_568 {strides = array<i32>} : memref<80x64xf32, #tpu.memory_space<vmem>>, vector<1x16xf32>,
        %parallel_loop3A_569 = arith.index_cast %parallel_loop3A_554 : i32 to index
        %parallel_loop3A_570 = arith.constant 16 : index
        %parallel_loop3A_571 = tpu.vector_load %arg14[%parallel_loop3A_569, %parallel_loop3A_570] {strides = array<i32>} : memref<80x64xf32, #tpu.memory_space<vmem>>, vector<1x16xf32>,
        %parallel_loop3A_572 = vector.shape_cast %parallel_loop3A_571 : vector<1x16xf32> to vector<16xf32>
        %parallel_loop3A_573 = arith.index_cast %parallel_loop3A_554 : i32 to index
        %parallel_loop3A_574 = arith.constant 16 : index
        %parallel_loop3A_575 = tpu.vector_load %arg18[%parallel_loop3A_573, %parallel_loop3A_574] {strides = array<i32>} : memref<80x64xf32, #tpu.memory_space<vmem>>, vector<1x16xf32>,
        %parallel_loop3A_576 = vector.shape_cast %parallel_loop3A_575 : vector<1x16xf32> to vector<16xf32>
        %parallel_loop3A_577 = arith.mulf %parallel_loop3A_572, %parallel_loop3A_576 : vector<16xf32>
        %parallel_loop3A_578 = arith.index_cast %parallel_loop3A_554 : i32 to index
        %parallel_loop3A_579 = arith.constant 16 : index
        %parallel_loop3A_580 = tpu.vector_load %arg14[%parallel_loop3A_578, %parallel_loop3A_579] {strides = array<i32>} : memref<80x64xf32, #tpu.memory_space<vmem>>, vector<1x16xf32>,
        %parallel_loop3A_581 = vector.shape_cast %parallel_loop3A_580 : vector<1x16xf32> to vector<16xf32>
        %parallel_loop3A_582 = vector.shape_cast %parallel_loop3A_577 : vector<16xf32> to vector<1x16xf32>
        tpu.vector_store %arg14[%parallel_loop3A_578, %parallel_loop3A_579], %parallel_loop3A_582 {strides = array<i32>} : memref<80x64xf32, #tpu.memory_space<vmem>>, vector<1x16xf32>,
        %parallel_loop3A_583 = arith.index_cast %parallel_loop3A_554 : i32 to index
        %parallel_loop3A_584 = arith.constant 32 : index
        %parallel_loop3A_585 = tpu.vector_load %arg14[%parallel_loop3A_583, %parallel_loop3A_584] {strides = array<i32>} : memref<80x64xf32, #tpu.memory_space<vmem>>, vector<1x16xf32>,
        %parallel_loop3A_586 = vector.shape_cast %parallel_loop3A_585 : vector<1x16xf32> to vector<16xf32>
        %parallel_loop3A_587 = arith.index_cast %parallel_loop3A_554 : i32 to index
        %parallel_loop3A_588 = arith.constant 32 : index
        %parallel_loop3A_589 = tpu.vector_load %arg18[%parallel_loop3A_587, %parallel_loop3A_588] {strides = array<i32>} : memref<80x64xf32, #tpu.memory_space<vmem>>, vector<1x16xf32>,
        %parallel_loop3A_590 = vector.shape_cast %parallel_loop3A_589 : vector<1x16xf32> to vector<16xf32>
        %parallel_loop3A_591 = arith.mulf %parallel_loop3A_586, %parallel_loop3A_590 : vector<16xf32>
        %parallel_loop3A_592 = arith.index_cast %parallel_loop3A_554 : i32 to index
        %parallel_loop3A_593 = arith.constant 32 : index
        %parallel_loop3A_594 = tpu.vector_load %arg14[%parallel_loop3A_592, %parallel_loop3A_593] {strides = array<i32>} : memref<80x64xf32, #tpu.memory_space<vmem>>, vector<1x16xf32>,
        %parallel_loop3A_595 = vector.shape_cast %parallel_loop3A_594 : vector<1x16xf32> to vector<16xf32>
        %parallel_loop3A_596 = vector.shape_cast %parallel_loop3A_591 : vector<16xf32> to vector<1x16xf32>
        tpu.vector_store %arg14[%parallel_loop3A_592, %parallel_loop3A_593], %parallel_loop3A_596 {strides = array<i32>} : memref<80x64xf32, #tpu.memory_space<vmem>>, vector<1x16xf32>,
        %parallel_loop3A_597 = arith.index_cast %parallel_loop3A_554 : i32 to index
        %parallel_loop3A_598 = arith.constant 48 : index
        %parallel_loop3A_599 = tpu.vector_load %arg14[%parallel_loop3A_597, %parallel_loop3A_598] {strides = array<i32>} : memref<80x64xf32, #tpu.memory_space<vmem>>, vector<1x16xf32>,
        %parallel_loop3A_600 = vector.shape_cast %parallel_loop3A_599 : vector<1x16xf32> to vector<16xf32>
        %parallel_loop3A_601 = arith.index_cast %parallel_loop3A_554 : i32 to index
        %parallel_loop3A_602 = arith.constant 48 : index
        %parallel_loop3A_603 = tpu.vector_load %arg18[%parallel_loop3A_601, %parallel_loop3A_602] {strides = array<i32>} : memref<80x64xf32, #tpu.memory_space<vmem>>, vector<1x16xf32>,
        %parallel_loop3A_604 = vector.shape_cast %parallel_loop3A_603 : vector<1x16xf32> to vector<16xf32>
        %parallel_loop3A_605 = arith.mulf %parallel_loop3A_600, %parallel_loop3A_604 : vector<16xf32>
        %parallel_loop3A_606 = arith.index_cast %parallel_loop3A_554 : i32 to index
        %parallel_loop3A_607 = arith.constant 48 : index
        %parallel_loop3A_608 = tpu.vector_load %arg14[%parallel_loop3A_606, %parallel_loop3A_607] {strides = array<i32>} : memref<80x64xf32, #tpu.memory_space<vmem>>, vector<1x16xf32>,
        %parallel_loop3A_609 = vector.shape_cast %parallel_loop3A_608 : vector<1x16xf32> to vector<16xf32>
        %parallel_loop3A_610 = vector.shape_cast %parallel_loop3A_605 : vector<16xf32> to vector<1x16xf32>
        tpu.vector_store %arg14[%parallel_loop3A_606, %parallel_loop3A_607], %parallel_loop3A_610 {strides = array<i32>} : memref<80x64xf32, #tpu.memory_space<vmem>>, vector<1x16xf32>,
      } {sc.loop_unroll_factor = 4 : i64, sc.parallel_access}
      %mul3A_466 = arith.constant 80 : i32
      %mul3A_467 = arith.muli %add3A_437, %mul3A_466 : i32
      %add3A_468 = arith.addi %mul3A_61, %mul3A_467 : i32
      %dma_wait3A_469 = tpu.memref_slice %arg9[%add3A_468] : memref<320000xi32, #tpu.memory_space<hbm>> -> memref<80xi32, #tpu.memory_space<hbm>>
      %dma_wait3A_470 = tpu.memref_slice %arg9[%add3A_468] : memref<320000xi32, #tpu.memory_space<hbm>> -> memref<80xi32, #tpu.memory_space<hbm>>
      tpu.wait_dma2 semaphore(%arg50 : memref<!tpu.dma_semaphore, #tpu.memory_space<semaphore_mem>>) src(%dma_wait3A_470 : memref<80xi32, #tpu.memory_space<hbm>>) dst(%arg30 : memref<80xi32, #tpu.memory_space<vmem>>)
      %dma_start3A_471 = arith.constant 0 : i32
      %dma_start3A_472 = arith.constant 0 : i32
      %dma_start3A_473 = tpu.memref_slice %arg33[%dma_start3A_471, %dma_start3A_472] : memref<10000x64xf32, #tpu.memory_space<vmem_shared>> -> memref<10000x64xf32, #tpu.memory_space<vmem_shared>>
      tpu.enqueue_indirect_dma source(%arg14 : memref<80x64xf32, #tpu.memory_space<vmem>>) target(%dma_start3A_473 : memref<10000x64xf32, #tpu.memory_space<vmem_shared>>) offsets(%arg30 : memref<80xi32, #tpu.memory_space<vmem>>) semaphore(%arg54 : memref<!tpu.dma_semaphore, #tpu.memory_space<semaphore_mem>>) {add = true}
      %mul3A_474 = arith.constant 4 : i32
      %mul3A_475 = arith.muli %mul3A_474, %scan3A_393 : i32
      %add3A_476 = arith.constant 2 : i32
      %add3A_477 = arith.addi %mul3A_475, %add3A_476 : i32
      %ge3A_478 = arith.constant 2 : i32
      %ge3A_479 = arith.cmpi sge, %add3A_477, %ge3A_478 : i32
      %convert_element_type3A_480 = arith.extui %ge3A_479 : i1 to i32
      %cond3A_481 = arith.constant 0 : i32
      %cond3A_482 = arith.cmpi ne, %convert_element_type3A_480, %cond3A_481 : i32
      scf.if %cond3A_482 {
        %dma_wait3A_554 = arith.constant 0 : i32
        %dma_wait3A_555 = arith.constant 0 : i32
        %dma_wait3A_556 = tpu.memref_slice %arg33[%dma_wait3A_554, %dma_wait3A_555] : memref<10000x64xf32, #tpu.memory_space<vmem_shared>> -> memref<10000x64xf32, #tpu.memory_space<vmem_shared>>
        tpu.wait_indirect_dma semaphore(%arg53 : memref<!tpu.dma_semaphore, #tpu.memory_space<semaphore_mem>>) src(%arg13 : memref<80x64xf32, #tpu.memory_space<vmem>>) dst(%dma_wait3A_556 : memref<10000x64xf32, #tpu.memory_space<vmem_shared>>)
      } else {
      }
      %add3A_483 = arith.constant 2 : i32
      %add3A_484 = arith.addi %add3A_477, %add3A_483 : i32
      %lt3A_485 = arith.constant 250 : i32
      %lt3A_486 = arith.cmpi slt, %add3A_484, %lt3A_485 : i32
      %convert_element_type3A_487 = arith.extui %lt3A_486 : i1 to i32
      %cond3A_488 = arith.constant 0 : i32
      %cond3A_489 = arith.cmpi ne, %convert_element_type3A_487, %cond3A_488 : i32
      scf.if %cond3A_489 {
        %add3A_554 = arith.constant 2 : i32
        %add3A_555 = arith.addi %add3A_477, %add3A_554 : i32
        %mul3A_556 = arith.constant 80 : i32
        %mul3A_557 = arith.muli %add3A_555, %mul3A_556 : i32
        %add3A_558 = arith.addi %mul3A_61, %mul3A_557 : i32
        %dma_start3A_559 = tpu.memref_slice %arg9[%add3A_558] : memref<320000xi32, #tpu.memory_space<hbm>> -> memref<80xi32, #tpu.memory_space<hbm>>
        %dma_start3A_560 = tpu.memref_slice %arg9[%add3A_558] : memref<320000xi32, #tpu.memory_space<hbm>> -> memref<80xi32, #tpu.memory_space<hbm>>
        tpu.enqueue_dma source(%dma_start3A_560 : memref<80xi32, #tpu.memory_space<hbm>>) target(%arg29 : memref<80xi32, #tpu.memory_space<vmem>>) target_semaphore(%arg49 : memref<!tpu.dma_semaphore, #tpu.memory_space<semaphore_mem>>)
        %add3A_561 = arith.constant 2 : i32
        %add3A_562 = arith.addi %add3A_477, %add3A_561 : i32
        %mul3A_563 = arith.constant 80 : i32
        %mul3A_564 = arith.muli %add3A_562, %mul3A_563 : i32
        %add3A_565 = arith.addi %mul3A_61, %mul3A_564 : i32
        %dma_wait3A_566 = tpu.memref_slice %arg8[%add3A_565] : memref<320000xi32, #tpu.memory_space<hbm>> -> memref<80xi32, #tpu.memory_space<hbm>>
        %dma_wait3A_567 = tpu.memref_slice %arg8[%add3A_565] : memref<320000xi32, #tpu.memory_space<hbm>> -> memref<80xi32, #tpu.memory_space<hbm>>
        tpu.wait_dma2 semaphore(%arg45 : memref<!tpu.dma_semaphore, #tpu.memory_space<semaphore_mem>>) src(%dma_wait3A_567 : memref<80xi32, #tpu.memory_space<hbm>>) dst(%arg21 : memref<80xi32, #tpu.memory_space<vmem>>)
        %mul3A_568 = arith.constant 80 : i32
        %mul3A_569 = arith.muli %add3A_562, %mul3A_568 : i32
        %add3A_570 = arith.addi %mul3A_61, %mul3A_569 : i32
        %dma_wait3A_571 = tpu.memref_slice %arg10[%add3A_570] : memref<320000xi32, #tpu.memory_space<hbm>> -> memref<80xi32, #tpu.memory_space<hbm>>
        %dma_wait3A_572 = tpu.memref_slice %arg10[%add3A_570] : memref<320000xi32, #tpu.memory_space<hbm>> -> memref<80xi32, #tpu.memory_space<hbm>>
        tpu.wait_dma2 semaphore(%arg45 : memref<!tpu.dma_semaphore, #tpu.memory_space<semaphore_mem>>) src(%dma_wait3A_572 : memref<80xi32, #tpu.memory_space<hbm>>) dst(%arg25 : memref<80xi32, #tpu.memory_space<vmem>>)
        %eq3A_573 = arith.constant 0 : i32
        %eq3A_574 = arith.cmpi eq, %arg0, %eq3A_573 : i32
        %convert_element_type3A_575 = arith.extui %eq3A_574 : i1 to i32
        %cond3A_576 = arith.constant 0 : i32
        %cond3A_577 = arith.cmpi ne, %convert_element_type3A_575, %cond3A_576 : i32
        scf.if %cond3A_577 {
          %dma_start3A_586 = arith.constant 0 : i32
          %dma_start3A_587 = arith.constant 0 : i32
          %dma_start3A_588 = tpu.memref_slice %arg2[%dma_start3A_586, %dma_start3A_587] : memref<10000x64xf32, #tpu.memory_space<hbm>> -> memref<10000x64xf32, #tpu.memory_space<hbm>>
          tpu.enqueue_indirect_dma source(%dma_start3A_588 : memref<10000x64xf32, #tpu.memory_space<hbm>>) target(%arg13 : memref<80x64xf32, #tpu.memory_space<vmem>>) offsets(%arg21 : memref<80xi32, #tpu.memory_space<vmem>>) semaphore(%arg37 : memref<!tpu.dma_semaphore, #tpu.memory_space<semaphore_mem>>)
        } else {
        }
        %eq3A_578 = arith.constant 1 : i32
        %eq3A_579 = arith.cmpi eq, %arg0, %eq3A_578 : i32
        %convert_element_type3A_580 = arith.extui %eq3A_579 : i1 to i32
        %cond3A_581 = arith.constant 0 : i32
        %cond3A_582 = arith.cmpi ne, %convert_element_type3A_580, %cond3A_581 : i32
        scf.if %cond3A_582 {
          %dma_start3A_586 = arith.constant 0 : i32
          %dma_start3A_587 = arith.constant 0 : i32
          %dma_start3A_588 = tpu.memref_slice %arg3[%dma_start3A_586, %dma_start3A_587] : memref<10000x64xf32, #tpu.memory_space<hbm>> -> memref<10000x64xf32, #tpu.memory_space<hbm>>
          tpu.enqueue_indirect_dma source(%dma_start3A_588 : memref<10000x64xf32, #tpu.memory_space<hbm>>) target(%arg13 : memref<80x64xf32, #tpu.memory_space<vmem>>) offsets(%arg21 : memref<80xi32, #tpu.memory_space<vmem>>) semaphore(%arg37 : memref<!tpu.dma_semaphore, #tpu.memory_space<semaphore_mem>>)
        } else {
        }
        %dma_start3A_583 = arith.constant 0 : i32
        %dma_start3A_584 = arith.constant 0 : i32
        %dma_start3A_585 = tpu.memref_slice %arg35[%dma_start3A_583, %dma_start3A_584] : memref<100x64xf32, #tpu.memory_space<vmem_shared>> -> memref<100x64xf32, #tpu.memory_space<vmem_shared>>
        tpu.enqueue_indirect_dma source(%dma_start3A_585 : memref<100x64xf32, #tpu.memory_space<vmem_shared>>) target(%arg17 : memref<80x64xf32, #tpu.memory_space<vmem>>) offsets(%arg25 : memref<80xi32, #tpu.memory_space<vmem>>) semaphore(%arg41 : memref<!tpu.dma_semaphore, #tpu.memory_space<semaphore_mem>>)
      } else {
      }
      %add3A_490 = arith.constant 3 : i32
      %add3A_491 = arith.addi %add3A_477, %add3A_490 : i32
      %lt3A_492 = arith.constant 250 : i32
      %lt3A_493 = arith.cmpi slt, %add3A_491, %lt3A_492 : i32
      %convert_element_type3A_494 = arith.extui %lt3A_493 : i1 to i32
      %cond3A_495 = arith.constant 0 : i32
      %cond3A_496 = arith.cmpi ne, %convert_element_type3A_494, %cond3A_495 : i32
      scf.if %cond3A_496 {
        %add3A_554 = arith.constant 3 : i32
        %add3A_555 = arith.addi %add3A_477, %add3A_554 : i32
        %mul3A_556 = arith.constant 80 : i32
        %mul3A_557 = arith.muli %add3A_555, %mul3A_556 : i32
        %add3A_558 = arith.addi %mul3A_61, %mul3A_557 : i32
        %dma_start3A_559 = tpu.memref_slice %arg8[%add3A_558] : memref<320000xi32, #tpu.memory_space<hbm>> -> memref<80xi32, #tpu.memory_space<hbm>>
        %dma_start3A_560 = tpu.memref_slice %arg8[%add3A_558] : memref<320000xi32, #tpu.memory_space<hbm>> -> memref<80xi32, #tpu.memory_space<hbm>>
        tpu.enqueue_dma source(%dma_start3A_560 : memref<80xi32, #tpu.memory_space<hbm>>) target(%arg22 : memref<80xi32, #tpu.memory_space<vmem>>) target_semaphore(%arg46 : memref<!tpu.dma_semaphore, #tpu.memory_space<semaphore_mem>>)
        %mul3A_561 = arith.constant 80 : i32
        %mul3A_562 = arith.muli %add3A_555, %mul3A_561 : i32
        %add3A_563 = arith.addi %mul3A_61, %mul3A_562 : i32
        %dma_start3A_564 = tpu.memref_slice %arg10[%add3A_563] : memref<320000xi32, #tpu.memory_space<hbm>> -> memref<80xi32, #tpu.memory_space<hbm>>
        %dma_start3A_565 = tpu.memref_slice %arg10[%add3A_563] : memref<320000xi32, #tpu.memory_space<hbm>> -> memref<80xi32, #tpu.memory_space<hbm>>
        tpu.enqueue_dma source(%dma_start3A_565 : memref<80xi32, #tpu.memory_space<hbm>>) target(%arg26 : memref<80xi32, #tpu.memory_space<vmem>>) target_semaphore(%arg46 : memref<!tpu.dma_semaphore, #tpu.memory_space<semaphore_mem>>)
      } else {
      }
      %dma_wait3A_497 = arith.constant 0 : i32
      %dma_wait3A_498 = arith.constant 0 : i32
      %dma_wait3A_499 = tpu.memref_slice %arg2[%dma_wait3A_497, %dma_wait3A_498] : memref<10000x64xf32, #tpu.memory_space<hbm>> -> memref<10000x64xf32, #tpu.memory_space<hbm>>
      tpu.wait_indirect_dma semaphore(%arg39 : memref<!tpu.dma_semaphore, #tpu.memory_space<semaphore_mem>>) src(%dma_wait3A_499 : memref<10000x64xf32, #tpu.memory_space<hbm>>) dst(%arg15 : memref<80x64xf32, #tpu.memory_space<vmem>>)
      %dma_wait3A_500 = arith.constant 0 : i32
      %dma_wait3A_501 = arith.constant 0 : i32
      %dma_wait3A_502 = tpu.memref_slice %arg35[%dma_wait3A_500, %dma_wait3A_501] : memref<100x64xf32, #tpu.memory_space<vmem_shared>> -> memref<100x64xf32, #tpu.memory_space<vmem_shared>>
      tpu.wait_indirect_dma semaphore(%arg43 : memref<!tpu.dma_semaphore, #tpu.memory_space<semaphore_mem>>) src(%dma_wait3A_502 : memref<100x64xf32, #tpu.memory_space<vmem_shared>>) dst(%arg19 : memref<80x64xf32, #tpu.memory_space<vmem>>)
      %parallel_loop3A_503 = arith.constant 0 : i32
      %parallel_loop3A_504 = arith.constant 80 : i32
      %parallel_loop3A_505 = arith.constant 1 : i32
      scf.for %parallel_loop3A_554 = %parallel_loop3A_503 to %parallel_loop3A_504 step %parallel_loop3A_505  : i32 {
        %parallel_loop3A_555 = arith.index_cast %parallel_loop3A_554 : i32 to index
        %parallel_loop3A_556 = arith.constant 0 : index
        %parallel_loop3A_557 = tpu.vector_load %arg15[%parallel_loop3A_555, %parallel_loop3A_556] {strides = array<i32>} : memref<80x64xf32, #tpu.memory_space<vmem>>, vector<1x16xf32>,
        %parallel_loop3A_558 = vector.shape_cast %parallel_loop3A_557 : vector<1x16xf32> to vector<16xf32>
        %parallel_loop3A_559 = arith.index_cast %parallel_loop3A_554 : i32 to index
        %parallel_loop3A_560 = arith.constant 0 : index
        %parallel_loop3A_561 = tpu.vector_load %arg19[%parallel_loop3A_559, %parallel_loop3A_560] {strides = array<i32>} : memref<80x64xf32, #tpu.memory_space<vmem>>, vector<1x16xf32>,
        %parallel_loop3A_562 = vector.shape_cast %parallel_loop3A_561 : vector<1x16xf32> to vector<16xf32>
        %parallel_loop3A_563 = arith.mulf %parallel_loop3A_558, %parallel_loop3A_562 : vector<16xf32>
        %parallel_loop3A_564 = arith.index_cast %parallel_loop3A_554 : i32 to index
        %parallel_loop3A_565 = arith.constant 0 : index
        %parallel_loop3A_566 = tpu.vector_load %arg15[%parallel_loop3A_564, %parallel_loop3A_565] {strides = array<i32>} : memref<80x64xf32, #tpu.memory_space<vmem>>, vector<1x16xf32>,
        %parallel_loop3A_567 = vector.shape_cast %parallel_loop3A_566 : vector<1x16xf32> to vector<16xf32>
        %parallel_loop3A_568 = vector.shape_cast %parallel_loop3A_563 : vector<16xf32> to vector<1x16xf32>
        tpu.vector_store %arg15[%parallel_loop3A_564, %parallel_loop3A_565], %parallel_loop3A_568 {strides = array<i32>} : memref<80x64xf32, #tpu.memory_space<vmem>>, vector<1x16xf32>,
        %parallel_loop3A_569 = arith.index_cast %parallel_loop3A_554 : i32 to index
        %parallel_loop3A_570 = arith.constant 16 : index
        %parallel_loop3A_571 = tpu.vector_load %arg15[%parallel_loop3A_569, %parallel_loop3A_570] {strides = array<i32>} : memref<80x64xf32, #tpu.memory_space<vmem>>, vector<1x16xf32>,
        %parallel_loop3A_572 = vector.shape_cast %parallel_loop3A_571 : vector<1x16xf32> to vector<16xf32>
        %parallel_loop3A_573 = arith.index_cast %parallel_loop3A_554 : i32 to index
        %parallel_loop3A_574 = arith.constant 16 : index
        %parallel_loop3A_575 = tpu.vector_load %arg19[%parallel_loop3A_573, %parallel_loop3A_574] {strides = array<i32>} : memref<80x64xf32, #tpu.memory_space<vmem>>, vector<1x16xf32>,
        %parallel_loop3A_576 = vector.shape_cast %parallel_loop3A_575 : vector<1x16xf32> to vector<16xf32>
        %parallel_loop3A_577 = arith.mulf %parallel_loop3A_572, %parallel_loop3A_576 : vector<16xf32>
        %parallel_loop3A_578 = arith.index_cast %parallel_loop3A_554 : i32 to index
        %parallel_loop3A_579 = arith.constant 16 : index
        %parallel_loop3A_580 = tpu.vector_load %arg15[%parallel_loop3A_578, %parallel_loop3A_579] {strides = array<i32>} : memref<80x64xf32, #tpu.memory_space<vmem>>, vector<1x16xf32>,
        %parallel_loop3A_581 = vector.shape_cast %parallel_loop3A_580 : vector<1x16xf32> to vector<16xf32>
        %parallel_loop3A_582 = vector.shape_cast %parallel_loop3A_577 : vector<16xf32> to vector<1x16xf32>
        tpu.vector_store %arg15[%parallel_loop3A_578, %parallel_loop3A_579], %parallel_loop3A_582 {strides = array<i32>} : memref<80x64xf32, #tpu.memory_space<vmem>>, vector<1x16xf32>,
        %parallel_loop3A_583 = arith.index_cast %parallel_loop3A_554 : i32 to index
        %parallel_loop3A_584 = arith.constant 32 : index
        %parallel_loop3A_585 = tpu.vector_load %arg15[%parallel_loop3A_583, %parallel_loop3A_584] {strides = array<i32>} : memref<80x64xf32, #tpu.memory_space<vmem>>, vector<1x16xf32>,
        %parallel_loop3A_586 = vector.shape_cast %parallel_loop3A_585 : vector<1x16xf32> to vector<16xf32>
        %parallel_loop3A_587 = arith.index_cast %parallel_loop3A_554 : i32 to index
        %parallel_loop3A_588 = arith.constant 32 : index
        %parallel_loop3A_589 = tpu.vector_load %arg19[%parallel_loop3A_587, %parallel_loop3A_588] {strides = array<i32>} : memref<80x64xf32, #tpu.memory_space<vmem>>, vector<1x16xf32>,
        %parallel_loop3A_590 = vector.shape_cast %parallel_loop3A_589 : vector<1x16xf32> to vector<16xf32>
        %parallel_loop3A_591 = arith.mulf %parallel_loop3A_586, %parallel_loop3A_590 : vector<16xf32>
        %parallel_loop3A_592 = arith.index_cast %parallel_loop3A_554 : i32 to index
        %parallel_loop3A_593 = arith.constant 32 : index
        %parallel_loop3A_594 = tpu.vector_load %arg15[%parallel_loop3A_592, %parallel_loop3A_593] {strides = array<i32>} : memref<80x64xf32, #tpu.memory_space<vmem>>, vector<1x16xf32>,
        %parallel_loop3A_595 = vector.shape_cast %parallel_loop3A_594 : vector<1x16xf32> to vector<16xf32>
        %parallel_loop3A_596 = vector.shape_cast %parallel_loop3A_591 : vector<16xf32> to vector<1x16xf32>
        tpu.vector_store %arg15[%parallel_loop3A_592, %parallel_loop3A_593], %parallel_loop3A_596 {strides = array<i32>} : memref<80x64xf32, #tpu.memory_space<vmem>>, vector<1x16xf32>,
        %parallel_loop3A_597 = arith.index_cast %parallel_loop3A_554 : i32 to index
        %parallel_loop3A_598 = arith.constant 48 : index
        %parallel_loop3A_599 = tpu.vector_load %arg15[%parallel_loop3A_597, %parallel_loop3A_598] {strides = array<i32>} : memref<80x64xf32, #tpu.memory_space<vmem>>, vector<1x16xf32>,
        %parallel_loop3A_600 = vector.shape_cast %parallel_loop3A_599 : vector<1x16xf32> to vector<16xf32>
        %parallel_loop3A_601 = arith.index_cast %parallel_loop3A_554 : i32 to index
        %parallel_loop3A_602 = arith.constant 48 : index
        %parallel_loop3A_603 = tpu.vector_load %arg19[%parallel_loop3A_601, %parallel_loop3A_602] {strides = array<i32>} : memref<80x64xf32, #tpu.memory_space<vmem>>, vector<1x16xf32>,
        %parallel_loop3A_604 = vector.shape_cast %parallel_loop3A_603 : vector<1x16xf32> to vector<16xf32>
        %parallel_loop3A_605 = arith.mulf %parallel_loop3A_600, %parallel_loop3A_604 : vector<16xf32>
        %parallel_loop3A_606 = arith.index_cast %parallel_loop3A_554 : i32 to index
        %parallel_loop3A_607 = arith.constant 48 : index
        %parallel_loop3A_608 = tpu.vector_load %arg15[%parallel_loop3A_606, %parallel_loop3A_607] {strides = array<i32>} : memref<80x64xf32, #tpu.memory_space<vmem>>, vector<1x16xf32>,
        %parallel_loop3A_609 = vector.shape_cast %parallel_loop3A_608 : vector<1x16xf32> to vector<16xf32>
        %parallel_loop3A_610 = vector.shape_cast %parallel_loop3A_605 : vector<16xf32> to vector<1x16xf32>
        tpu.vector_store %arg15[%parallel_loop3A_606, %parallel_loop3A_607], %parallel_loop3A_610 {strides = array<i32>} : memref<80x64xf32, #tpu.memory_space<vmem>>, vector<1x16xf32>,
      } {sc.loop_unroll_factor = 4 : i64, sc.parallel_access}
      %mul3A_506 = arith.constant 80 : i32
      %mul3A_507 = arith.muli %add3A_477, %mul3A_506 : i32
      %add3A_508 = arith.addi %mul3A_61, %mul3A_507 : i32
      %dma_wait3A_509 = tpu.memref_slice %arg9[%add3A_508] : memref<320000xi32, #tpu.memory_space<hbm>> -> memref<80xi32, #tpu.memory_space<hbm>>
      %dma_wait3A_510 = tpu.memref_slice %arg9[%add3A_508] : memref<320000xi32, #tpu.memory_space<hbm>> -> memref<80xi32, #tpu.memory_space<hbm>>
      tpu.wait_dma2 semaphore(%arg51 : memref<!tpu.dma_semaphore, #tpu.memory_space<semaphore_mem>>) src(%dma_wait3A_510 : memref<80xi32, #tpu.memory_space<hbm>>) dst(%arg31 : memref<80xi32, #tpu.memory_space<vmem>>)
      %dma_start3A_511 = arith.constant 0 : i32
      %dma_start3A_512 = arith.constant 0 : i32
      %dma_start3A_513 = tpu.memref_slice %arg33[%dma_start3A_511, %dma_start3A_512] : memref<10000x64xf32, #tpu.memory_space<vmem_shared>> -> memref<10000x64xf32, #tpu.memory_space<vmem_shared>>
      tpu.enqueue_indirect_dma source(%arg15 : memref<80x64xf32, #tpu.memory_space<vmem>>) target(%dma_start3A_513 : memref<10000x64xf32, #tpu.memory_space<vmem_shared>>) offsets(%arg31 : memref<80xi32, #tpu.memory_space<vmem>>) semaphore(%arg55 : memref<!tpu.dma_semaphore, #tpu.memory_space<semaphore_mem>>) {add = true}
      %mul3A_514 = arith.constant 4 : i32
      %mul3A_515 = arith.muli %mul3A_514, %scan3A_393 : i32
      %add3A_516 = arith.constant 3 : i32
      %add3A_517 = arith.addi %mul3A_515, %add3A_516 : i32
      %ge3A_518 = arith.constant 2 : i32
      %ge3A_519 = arith.cmpi sge, %add3A_517, %ge3A_518 : i32
      %convert_element_type3A_520 = arith.extui %ge3A_519 : i1 to i32
      %cond3A_521 = arith.constant 0 : i32
      %cond3A_522 = arith.cmpi ne, %convert_element_type3A_520, %cond3A_521 : i32
      scf.if %cond3A_522 {
        %dma_wait3A_554 = arith.constant 0 : i32
        %dma_wait3A_555 = arith.constant 0 : i32
        %dma_wait3A_556 = tpu.memref_slice %arg33[%dma_wait3A_554, %dma_wait3A_555] : memref<10000x64xf32, #tpu.memory_space<vmem_shared>> -> memref<10000x64xf32, #tpu.memory_space<vmem_shared>>
        tpu.wait_indirect_dma semaphore(%arg54 : memref<!tpu.dma_semaphore, #tpu.memory_space<semaphore_mem>>) src(%arg14 : memref<80x64xf32, #tpu.memory_space<vmem>>) dst(%dma_wait3A_556 : memref<10000x64xf32, #tpu.memory_space<vmem_shared>>)
      } else {
      }
      %add3A_523 = arith.constant 2 : i32
      %add3A_524 = arith.addi %add3A_517, %add3A_523 : i32
      %lt3A_525 = arith.constant 250 : i32
      %lt3A_526 = arith.cmpi slt, %add3A_524, %lt3A_525 : i32
      %convert_element_type3A_527 = arith.extui %lt3A_526 : i1 to i32
      %cond3A_528 = arith.constant 0 : i32
      %cond3A_529 = arith.cmpi ne, %convert_element_type3A_527, %cond3A_528 : i32
      scf.if %cond3A_529 {
        %add3A_554 = arith.constant 2 : i32
        %add3A_555 = arith.addi %add3A_517, %add3A_554 : i32
        %mul3A_556 = arith.constant 80 : i32
        %mul3A_557 = arith.muli %add3A_555, %mul3A_556 : i32
        %add3A_558 = arith.addi %mul3A_61, %mul3A_557 : i32
        %dma_start3A_559 = tpu.memref_slice %arg9[%add3A_558] : memref<320000xi32, #tpu.memory_space<hbm>> -> memref<80xi32, #tpu.memory_space<hbm>>
        %dma_start3A_560 = tpu.memref_slice %arg9[%add3A_558] : memref<320000xi32, #tpu.memory_space<hbm>> -> memref<80xi32, #tpu.memory_space<hbm>>
        tpu.enqueue_dma source(%dma_start3A_560 : memref<80xi32, #tpu.memory_space<hbm>>) target(%arg30 : memref<80xi32, #tpu.memory_space<vmem>>) target_semaphore(%arg50 : memref<!tpu.dma_semaphore, #tpu.memory_space<semaphore_mem>>)
        %add3A_561 = arith.constant 2 : i32
        %add3A_562 = arith.addi %add3A_517, %add3A_561 : i32
        %mul3A_563 = arith.constant 80 : i32
        %mul3A_564 = arith.muli %add3A_562, %mul3A_563 : i32
        %add3A_565 = arith.addi %mul3A_61, %mul3A_564 : i32
        %dma_wait3A_566 = tpu.memref_slice %arg8[%add3A_565] : memref<320000xi32, #tpu.memory_space<hbm>> -> memref<80xi32, #tpu.memory_space<hbm>>
        %dma_wait3A_567 = tpu.memref_slice %arg8[%add3A_565] : memref<320000xi32, #tpu.memory_space<hbm>> -> memref<80xi32, #tpu.memory_space<hbm>>
        tpu.wait_dma2 semaphore(%arg46 : memref<!tpu.dma_semaphore, #tpu.memory_space<semaphore_mem>>) src(%dma_wait3A_567 : memref<80xi32, #tpu.memory_space<hbm>>) dst(%arg22 : memref<80xi32, #tpu.memory_space<vmem>>)
        %mul3A_568 = arith.constant 80 : i32
        %mul3A_569 = arith.muli %add3A_562, %mul3A_568 : i32
        %add3A_570 = arith.addi %mul3A_61, %mul3A_569 : i32
        %dma_wait3A_571 = tpu.memref_slice %arg10[%add3A_570] : memref<320000xi32, #tpu.memory_space<hbm>> -> memref<80xi32, #tpu.memory_space<hbm>>
        %dma_wait3A_572 = tpu.memref_slice %arg10[%add3A_570] : memref<320000xi32, #tpu.memory_space<hbm>> -> memref<80xi32, #tpu.memory_space<hbm>>
        tpu.wait_dma2 semaphore(%arg46 : memref<!tpu.dma_semaphore, #tpu.memory_space<semaphore_mem>>) src(%dma_wait3A_572 : memref<80xi32, #tpu.memory_space<hbm>>) dst(%arg26 : memref<80xi32, #tpu.memory_space<vmem>>)
        %eq3A_573 = arith.constant 0 : i32
        %eq3A_574 = arith.cmpi eq, %arg0, %eq3A_573 : i32
        %convert_element_type3A_575 = arith.extui %eq3A_574 : i1 to i32
        %cond3A_576 = arith.constant 0 : i32
        %cond3A_577 = arith.cmpi ne, %convert_element_type3A_575, %cond3A_576 : i32
        scf.if %cond3A_577 {
          %dma_start3A_586 = arith.constant 0 : i32
          %dma_start3A_587 = arith.constant 0 : i32
          %dma_start3A_588 = tpu.memref_slice %arg2[%dma_start3A_586, %dma_start3A_587] : memref<10000x64xf32, #tpu.memory_space<hbm>> -> memref<10000x64xf32, #tpu.memory_space<hbm>>
          tpu.enqueue_indirect_dma source(%dma_start3A_588 : memref<10000x64xf32, #tpu.memory_space<hbm>>) target(%arg14 : memref<80x64xf32, #tpu.memory_space<vmem>>) offsets(%arg22 : memref<80xi32, #tpu.memory_space<vmem>>) semaphore(%arg38 : memref<!tpu.dma_semaphore, #tpu.memory_space<semaphore_mem>>)
        } else {
        }
        %eq3A_578 = arith.constant 1 : i32
        %eq3A_579 = arith.cmpi eq, %arg0, %eq3A_578 : i32
        %convert_element_type3A_580 = arith.extui %eq3A_579 : i1 to i32
        %cond3A_581 = arith.constant 0 : i32
        %cond3A_582 = arith.cmpi ne, %convert_element_type3A_580, %cond3A_581 : i32
        scf.if %cond3A_582 {
          %dma_start3A_586 = arith.constant 0 : i32
          %dma_start3A_587 = arith.constant 0 : i32
          %dma_start3A_588 = tpu.memref_slice %arg3[%dma_start3A_586, %dma_start3A_587] : memref<10000x64xf32, #tpu.memory_space<hbm>> -> memref<10000x64xf32, #tpu.memory_space<hbm>>
          tpu.enqueue_indirect_dma source(%dma_start3A_588 : memref<10000x64xf32, #tpu.memory_space<hbm>>) target(%arg14 : memref<80x64xf32, #tpu.memory_space<vmem>>) offsets(%arg22 : memref<80xi32, #tpu.memory_space<vmem>>) semaphore(%arg38 : memref<!tpu.dma_semaphore, #tpu.memory_space<semaphore_mem>>)
        } else {
        }
        %dma_start3A_583 = arith.constant 0 : i32
        %dma_start3A_584 = arith.constant 0 : i32
        %dma_start3A_585 = tpu.memref_slice %arg35[%dma_start3A_583, %dma_start3A_584] : memref<100x64xf32, #tpu.memory_space<vmem_shared>> -> memref<100x64xf32, #tpu.memory_space<vmem_shared>>
        tpu.enqueue_indirect_dma source(%dma_start3A_585 : memref<100x64xf32, #tpu.memory_space<vmem_shared>>) target(%arg18 : memref<80x64xf32, #tpu.memory_space<vmem>>) offsets(%arg26 : memref<80xi32, #tpu.memory_space<vmem>>) semaphore(%arg42 : memref<!tpu.dma_semaphore, #tpu.memory_space<semaphore_mem>>)
      } else {
      }
      %add3A_530 = arith.constant 3 : i32
      %add3A_531 = arith.addi %add3A_517, %add3A_530 : i32
      %lt3A_532 = arith.constant 250 : i32
      %lt3A_533 = arith.cmpi slt, %add3A_531, %lt3A_532 : i32
      %convert_element_type3A_534 = arith.extui %lt3A_533 : i1 to i32
      %cond3A_535 = arith.constant 0 : i32
      %cond3A_536 = arith.cmpi ne, %convert_element_type3A_534, %cond3A_535 : i32
      scf.if %cond3A_536 {
        %add3A_554 = arith.constant 3 : i32
        %add3A_555 = arith.addi %add3A_517, %add3A_554 : i32
        %mul3A_556 = arith.constant 80 : i32
        %mul3A_557 = arith.muli %add3A_555, %mul3A_556 : i32
        %add3A_558 = arith.addi %mul3A_61, %mul3A_557 : i32
        %dma_start3A_559 = tpu.memref_slice %arg8[%add3A_558] : memref<320000xi32, #tpu.memory_space<hbm>> -> memref<80xi32, #tpu.memory_space<hbm>>
        %dma_start3A_560 = tpu.memref_slice %arg8[%add3A_558] : memref<320000xi32, #tpu.memory_space<hbm>> -> memref<80xi32, #tpu.memory_space<hbm>>
        tpu.enqueue_dma source(%dma_start3A_560 : memref<80xi32, #tpu.memory_space<hbm>>) target(%arg23 : memref<80xi32, #tpu.memory_space<vmem>>) target_semaphore(%arg47 : memref<!tpu.dma_semaphore, #tpu.memory_space<semaphore_mem>>)
        %mul3A_561 = arith.constant 80 : i32
        %mul3A_562 = arith.muli %add3A_555, %mul3A_561 : i32
        %add3A_563 = arith.addi %mul3A_61, %mul3A_562 : i32
        %dma_start3A_564 = tpu.memref_slice %arg10[%add3A_563] : memref<320000xi32, #tpu.memory_space<hbm>> -> memref<80xi32, #tpu.memory_space<hbm>>
        %dma_start3A_565 = tpu.memref_slice %arg10[%add3A_563] : memref<320000xi32, #tpu.memory_space<hbm>> -> memref<80xi32, #tpu.memory_space<hbm>>
        tpu.enqueue_dma source(%dma_start3A_565 : memref<80xi32, #tpu.memory_space<hbm>>) target(%arg27 : memref<80xi32, #tpu.memory_space<vmem>>) target_semaphore(%arg47 : memref<!tpu.dma_semaphore, #tpu.memory_space<semaphore_mem>>)
      } else {
      }
      %dma_wait3A_537 = arith.constant 0 : i32
      %dma_wait3A_538 = arith.constant 0 : i32
      %dma_wait3A_539 = tpu.memref_slice %arg2[%dma_wait3A_537, %dma_wait3A_538] : memref<10000x64xf32, #tpu.memory_space<hbm>> -> memref<10000x64xf32, #tpu.memory_space<hbm>>
      tpu.wait_indirect_dma semaphore(%arg40 : memref<!tpu.dma_semaphore, #tpu.memory_space<semaphore_mem>>) src(%dma_wait3A_539 : memref<10000x64xf32, #tpu.memory_space<hbm>>) dst(%arg16 : memref<80x64xf32, #tpu.memory_space<vmem>>)
      %dma_wait3A_540 = arith.constant 0 : i32
      %dma_wait3A_541 = arith.constant 0 : i32
      %dma_wait3A_542 = tpu.memref_slice %arg35[%dma_wait3A_540, %dma_wait3A_541] : memref<100x64xf32, #tpu.memory_space<vmem_shared>> -> memref<100x64xf32, #tpu.memory_space<vmem_shared>>
      tpu.wait_indirect_dma semaphore(%arg44 : memref<!tpu.dma_semaphore, #tpu.memory_space<semaphore_mem>>) src(%dma_wait3A_542 : memref<100x64xf32, #tpu.memory_space<vmem_shared>>) dst(%arg20 : memref<80x64xf32, #tpu.memory_space<vmem>>)
      %parallel_loop3A_543 = arith.constant 0 : i32
      %parallel_loop3A_544 = arith.constant 80 : i32
      %parallel_loop3A_545 = arith.constant 1 : i32
      scf.for %parallel_loop3A_554 = %parallel_loop3A_543 to %parallel_loop3A_544 step %parallel_loop3A_545  : i32 {
        %parallel_loop3A_555 = arith.index_cast %parallel_loop3A_554 : i32 to index
        %parallel_loop3A_556 = arith.constant 0 : index
        %parallel_loop3A_557 = tpu.vector_load %arg16[%parallel_loop3A_555, %parallel_loop3A_556] {strides = array<i32>} : memref<80x64xf32, #tpu.memory_space<vmem>>, vector<1x16xf32>,
        %parallel_loop3A_558 = vector.shape_cast %parallel_loop3A_557 : vector<1x16xf32> to vector<16xf32>
        %parallel_loop3A_559 = arith.index_cast %parallel_loop3A_554 : i32 to index
        %parallel_loop3A_560 = arith.constant 0 : index
        %parallel_loop3A_561 = tpu.vector_load %arg20[%parallel_loop3A_559, %parallel_loop3A_560] {strides = array<i32>} : memref<80x64xf32, #tpu.memory_space<vmem>>, vector<1x16xf32>,
        %parallel_loop3A_562 = vector.shape_cast %parallel_loop3A_561 : vector<1x16xf32> to vector<16xf32>
        %parallel_loop3A_563 = arith.mulf %parallel_loop3A_558, %parallel_loop3A_562 : vector<16xf32>
        %parallel_loop3A_564 = arith.index_cast %parallel_loop3A_554 : i32 to index
        %parallel_loop3A_565 = arith.constant 0 : index
        %parallel_loop3A_566 = tpu.vector_load %arg16[%parallel_loop3A_564, %parallel_loop3A_565] {strides = array<i32>} : memref<80x64xf32, #tpu.memory_space<vmem>>, vector<1x16xf32>,
        %parallel_loop3A_567 = vector.shape_cast %parallel_loop3A_566 : vector<1x16xf32> to vector<16xf32>
        %parallel_loop3A_568 = vector.shape_cast %parallel_loop3A_563 : vector<16xf32> to vector<1x16xf32>
        tpu.vector_store %arg16[%parallel_loop3A_564, %parallel_loop3A_565], %parallel_loop3A_568 {strides = array<i32>} : memref<80x64xf32, #tpu.memory_space<vmem>>, vector<1x16xf32>,
        %parallel_loop3A_569 = arith.index_cast %parallel_loop3A_554 : i32 to index
        %parallel_loop3A_570 = arith.constant 16 : index
        %parallel_loop3A_571 = tpu.vector_load %arg16[%parallel_loop3A_569, %parallel_loop3A_570] {strides = array<i32>} : memref<80x64xf32, #tpu.memory_space<vmem>>, vector<1x16xf32>,
        %parallel_loop3A_572 = vector.shape_cast %parallel_loop3A_571 : vector<1x16xf32> to vector<16xf32>
        %parallel_loop3A_573 = arith.index_cast %parallel_loop3A_554 : i32 to index
        %parallel_loop3A_574 = arith.constant 16 : index
        %parallel_loop3A_575 = tpu.vector_load %arg20[%parallel_loop3A_573, %parallel_loop3A_574] {strides = array<i32>} : memref<80x64xf32, #tpu.memory_space<vmem>>, vector<1x16xf32>,
        %parallel_loop3A_576 = vector.shape_cast %parallel_loop3A_575 : vector<1x16xf32> to vector<16xf32>
        %parallel_loop3A_577 = arith.mulf %parallel_loop3A_572, %parallel_loop3A_576 : vector<16xf32>
        %parallel_loop3A_578 = arith.index_cast %parallel_loop3A_554 : i32 to index
        %parallel_loop3A_579 = arith.constant 16 : index
        %parallel_loop3A_580 = tpu.vector_load %arg16[%parallel_loop3A_578, %parallel_loop3A_579] {strides = array<i32>} : memref<80x64xf32, #tpu.memory_space<vmem>>, vector<1x16xf32>,
        %parallel_loop3A_581 = vector.shape_cast %parallel_loop3A_580 : vector<1x16xf32> to vector<16xf32>
        %parallel_loop3A_582 = vector.shape_cast %parallel_loop3A_577 : vector<16xf32> to vector<1x16xf32>
        tpu.vector_store %arg16[%parallel_loop3A_578, %parallel_loop3A_579], %parallel_loop3A_582 {strides = array<i32>} : memref<80x64xf32, #tpu.memory_space<vmem>>, vector<1x16xf32>,
        %parallel_loop3A_583 = arith.index_cast %parallel_loop3A_554 : i32 to index
        %parallel_loop3A_584 = arith.constant 32 : index
        %parallel_loop3A_585 = tpu.vector_load %arg16[%parallel_loop3A_583, %parallel_loop3A_584] {strides = array<i32>} : memref<80x64xf32, #tpu.memory_space<vmem>>, vector<1x16xf32>,
        %parallel_loop3A_586 = vector.shape_cast %parallel_loop3A_585 : vector<1x16xf32> to vector<16xf32>
        %parallel_loop3A_587 = arith.index_cast %parallel_loop3A_554 : i32 to index
        %parallel_loop3A_588 = arith.constant 32 : index
        %parallel_loop3A_589 = tpu.vector_load %arg20[%parallel_loop3A_587, %parallel_loop3A_588] {strides = array<i32>} : memref<80x64xf32, #tpu.memory_space<vmem>>, vector<1x16xf32>,
        %parallel_loop3A_590 = vector.shape_cast %parallel_loop3A_589 : vector<1x16xf32> to vector<16xf32>
        %parallel_loop3A_591 = arith.mulf %parallel_loop3A_586, %parallel_loop3A_590 : vector<16xf32>
        %parallel_loop3A_592 = arith.index_cast %parallel_loop3A_554 : i32 to index
        %parallel_loop3A_593 = arith.constant 32 : index
        %parallel_loop3A_594 = tpu.vector_load %arg16[%parallel_loop3A_592, %parallel_loop3A_593] {strides = array<i32>} : memref<80x64xf32, #tpu.memory_space<vmem>>, vector<1x16xf32>,
        %parallel_loop3A_595 = vector.shape_cast %parallel_loop3A_594 : vector<1x16xf32> to vector<16xf32>
        %parallel_loop3A_596 = vector.shape_cast %parallel_loop3A_591 : vector<16xf32> to vector<1x16xf32>
        tpu.vector_store %arg16[%parallel_loop3A_592, %parallel_loop3A_593], %parallel_loop3A_596 {strides = array<i32>} : memref<80x64xf32, #tpu.memory_space<vmem>>, vector<1x16xf32>,
        %parallel_loop3A_597 = arith.index_cast %parallel_loop3A_554 : i32 to index
        %parallel_loop3A_598 = arith.constant 48 : index
        %parallel_loop3A_599 = tpu.vector_load %arg16[%parallel_loop3A_597, %parallel_loop3A_598] {strides = array<i32>} : memref<80x64xf32, #tpu.memory_space<vmem>>, vector<1x16xf32>,
        %parallel_loop3A_600 = vector.shape_cast %parallel_loop3A_599 : vector<1x16xf32> to vector<16xf32>
        %parallel_loop3A_601 = arith.index_cast %parallel_loop3A_554 : i32 to index
        %parallel_loop3A_602 = arith.constant 48 : index
        %parallel_loop3A_603 = tpu.vector_load %arg20[%parallel_loop3A_601, %parallel_loop3A_602] {strides = array<i32>} : memref<80x64xf32, #tpu.memory_space<vmem>>, vector<1x16xf32>,
        %parallel_loop3A_604 = vector.shape_cast %parallel_loop3A_603 : vector<1x16xf32> to vector<16xf32>
        %parallel_loop3A_605 = arith.mulf %parallel_loop3A_600, %parallel_loop3A_604 : vector<16xf32>
        %parallel_loop3A_606 = arith.index_cast %parallel_loop3A_554 : i32 to index
        %parallel_loop3A_607 = arith.constant 48 : index
        %parallel_loop3A_608 = tpu.vector_load %arg16[%parallel_loop3A_606, %parallel_loop3A_607] {strides = array<i32>} : memref<80x64xf32, #tpu.memory_space<vmem>>, vector<1x16xf32>,
        %parallel_loop3A_609 = vector.shape_cast %parallel_loop3A_608 : vector<1x16xf32> to vector<16xf32>
        %parallel_loop3A_610 = vector.shape_cast %parallel_loop3A_605 : vector<16xf32> to vector<1x16xf32>
        tpu.vector_store %arg16[%parallel_loop3A_606, %parallel_loop3A_607], %parallel_loop3A_610 {strides = array<i32>} : memref<80x64xf32, #tpu.memory_space<vmem>>, vector<1x16xf32>,
      } {sc.loop_unroll_factor = 4 : i64, sc.parallel_access}
      %mul3A_546 = arith.constant 80 : i32
      %mul3A_547 = arith.muli %add3A_517, %mul3A_546 : i32
      %add3A_548 = arith.addi %mul3A_61, %mul3A_547 : i32
      %dma_wait3A_549 = tpu.memref_slice %arg9[%add3A_548] : memref<320000xi32, #tpu.memory_space<hbm>> -> memref<80xi32, #tpu.memory_space<hbm>>
      %dma_wait3A_550 = tpu.memref_slice %arg9[%add3A_548] : memref<320000xi32, #tpu.memory_space<hbm>> -> memref<80xi32, #tpu.memory_space<hbm>>
      tpu.wait_dma2 semaphore(%arg52 : memref<!tpu.dma_semaphore, #tpu.memory_space<semaphore_mem>>) src(%dma_wait3A_550 : memref<80xi32, #tpu.memory_space<hbm>>) dst(%arg32 : memref<80xi32, #tpu.memory_space<vmem>>)
      %dma_start3A_551 = arith.constant 0 : i32
      %dma_start3A_552 = arith.constant 0 : i32
      %dma_start3A_553 = tpu.memref_slice %arg33[%dma_start3A_551, %dma_start3A_552] : memref<10000x64xf32, #tpu.memory_space<vmem_shared>> -> memref<10000x64xf32, #tpu.memory_space<vmem_shared>>
      tpu.enqueue_indirect_dma source(%arg16 : memref<80x64xf32, #tpu.memory_space<vmem>>) target(%dma_start3A_553 : memref<10000x64xf32, #tpu.memory_space<vmem_shared>>) offsets(%arg32 : memref<80xi32, #tpu.memory_space<vmem>>) semaphore(%arg56 : memref<!tpu.dma_semaphore, #tpu.memory_space<semaphore_mem>>) {add = true}
    }
    %scan3A_137 = arith.constant 62 : i32
    %ge3A = arith.constant 248 : i32
    %ge3A_138 = arith.constant 2 : i32
    %ge3A_139 = arith.cmpi sge, %ge3A, %ge3A_138 : i32
    %convert_element_type3A_140 = arith.extui %ge3A_139 : i1 to i32
    %cond3A_141 = arith.constant 0 : i32
    %cond3A_142 = arith.cmpi ne, %convert_element_type3A_140, %cond3A_141 : i32
    scf.if %cond3A_142 {
      %dma_wait3A_393 = arith.constant 0 : i32
      %dma_wait3A_394 = arith.constant 0 : i32
      %dma_wait3A_395 = tpu.memref_slice %arg33[%dma_wait3A_393, %dma_wait3A_394] : memref<10000x64xf32, #tpu.memory_space<vmem_shared>> -> memref<10000x64xf32, #tpu.memory_space<vmem_shared>>
      tpu.wait_indirect_dma semaphore(%arg55 : memref<!tpu.dma_semaphore, #tpu.memory_space<semaphore_mem>>) src(%arg15 : memref<80x64xf32, #tpu.memory_space<vmem>>) dst(%dma_wait3A_395 : memref<10000x64xf32, #tpu.memory_space<vmem_shared>>)
    } else {
    }
    %add3A_143 = arith.constant 248 : i32
    %add3A_144 = arith.constant 2 : i32
    %add3A_145 = arith.addi %add3A_143, %add3A_144 : i32
    %lt3A = arith.constant 250 : i32
    %lt3A_146 = arith.cmpi slt, %add3A_145, %lt3A : i32
    %convert_element_type3A_147 = arith.extui %lt3A_146 : i1 to i32
    %cond3A_148 = arith.constant 248 : i32
    %cond3A_149 = arith.constant 0 : i32
    %cond3A_150 = arith.cmpi ne, %convert_element_type3A_147, %cond3A_149 : i32
    scf.if %cond3A_150 {
      %add3A_393 = arith.constant 2 : i32
      %add3A_394 = arith.addi %cond3A_148, %add3A_393 : i32
      %mul3A_395 = arith.constant 80 : i32
      %mul3A_396 = arith.muli %add3A_394, %mul3A_395 : i32
      %add3A_397 = arith.addi %mul3A_61, %mul3A_396 : i32
      %dma_start3A_398 = tpu.memref_slice %arg9[%add3A_397] : memref<320000xi32, #tpu.memory_space<hbm>> -> memref<80xi32, #tpu.memory_space<hbm>>
      %dma_start3A_399 = tpu.memref_slice %arg9[%add3A_397] : memref<320000xi32, #tpu.memory_space<hbm>> -> memref<80xi32, #tpu.memory_space<hbm>>
      tpu.enqueue_dma source(%dma_start3A_399 : memref<80xi32, #tpu.memory_space<hbm>>) target(%arg31 : memref<80xi32, #tpu.memory_space<vmem>>) target_semaphore(%arg51 : memref<!tpu.dma_semaphore, #tpu.memory_space<semaphore_mem>>)
      %add3A_400 = arith.constant 2 : i32
      %add3A_401 = arith.addi %cond3A_148, %add3A_400 : i32
      %mul3A_402 = arith.constant 80 : i32
      %mul3A_403 = arith.muli %add3A_401, %mul3A_402 : i32
      %add3A_404 = arith.addi %mul3A_61, %mul3A_403 : i32
      %dma_wait3A_405 = tpu.memref_slice %arg8[%add3A_404] : memref<320000xi32, #tpu.memory_space<hbm>> -> memref<80xi32, #tpu.memory_space<hbm>>
      %dma_wait3A_406 = tpu.memref_slice %arg8[%add3A_404] : memref<320000xi32, #tpu.memory_space<hbm>> -> memref<80xi32, #tpu.memory_space<hbm>>
      tpu.wait_dma2 semaphore(%arg47 : memref<!tpu.dma_semaphore, #tpu.memory_space<semaphore_mem>>) src(%dma_wait3A_406 : memref<80xi32, #tpu.memory_space<hbm>>) dst(%arg23 : memref<80xi32, #tpu.memory_space<vmem>>)
      %mul3A_407 = arith.constant 80 : i32
      %mul3A_408 = arith.muli %add3A_401, %mul3A_407 : i32
      %add3A_409 = arith.addi %mul3A_61, %mul3A_408 : i32
      %dma_wait3A_410 = tpu.memref_slice %arg10[%add3A_409] : memref<320000xi32, #tpu.memory_space<hbm>> -> memref<80xi32, #tpu.memory_space<hbm>>
      %dma_wait3A_411 = tpu.memref_slice %arg10[%add3A_409] : memref<320000xi32, #tpu.memory_space<hbm>> -> memref<80xi32, #tpu.memory_space<hbm>>
      tpu.wait_dma2 semaphore(%arg47 : memref<!tpu.dma_semaphore, #tpu.memory_space<semaphore_mem>>) src(%dma_wait3A_411 : memref<80xi32, #tpu.memory_space<hbm>>) dst(%arg27 : memref<80xi32, #tpu.memory_space<vmem>>)
      %eq3A_412 = arith.constant 0 : i32
      %eq3A_413 = arith.cmpi eq, %arg0, %eq3A_412 : i32
      %convert_element_type3A_414 = arith.extui %eq3A_413 : i1 to i32
      %cond3A_415 = arith.constant 0 : i32
      %cond3A_416 = arith.cmpi ne, %convert_element_type3A_414, %cond3A_415 : i32
      scf.if %cond3A_416 {
        %dma_start3A_425 = arith.constant 0 : i32
        %dma_start3A_426 = arith.constant 0 : i32
        %dma_start3A_427 = tpu.memref_slice %arg2[%dma_start3A_425, %dma_start3A_426] : memref<10000x64xf32, #tpu.memory_space<hbm>> -> memref<10000x64xf32, #tpu.memory_space<hbm>>
        tpu.enqueue_indirect_dma source(%dma_start3A_427 : memref<10000x64xf32, #tpu.memory_space<hbm>>) target(%arg15 : memref<80x64xf32, #tpu.memory_space<vmem>>) offsets(%arg23 : memref<80xi32, #tpu.memory_space<vmem>>) semaphore(%arg39 : memref<!tpu.dma_semaphore, #tpu.memory_space<semaphore_mem>>)
      } else {
      }
      %eq3A_417 = arith.constant 1 : i32
      %eq3A_418 = arith.cmpi eq, %arg0, %eq3A_417 : i32
      %convert_element_type3A_419 = arith.extui %eq3A_418 : i1 to i32
      %cond3A_420 = arith.constant 0 : i32
      %cond3A_421 = arith.cmpi ne, %convert_element_type3A_419, %cond3A_420 : i32
      scf.if %cond3A_421 {
        %dma_start3A_425 = arith.constant 0 : i32
        %dma_start3A_426 = arith.constant 0 : i32
        %dma_start3A_427 = tpu.memref_slice %arg3[%dma_start3A_425, %dma_start3A_426] : memref<10000x64xf32, #tpu.memory_space<hbm>> -> memref<10000x64xf32, #tpu.memory_space<hbm>>
        tpu.enqueue_indirect_dma source(%dma_start3A_427 : memref<10000x64xf32, #tpu.memory_space<hbm>>) target(%arg15 : memref<80x64xf32, #tpu.memory_space<vmem>>) offsets(%arg23 : memref<80xi32, #tpu.memory_space<vmem>>) semaphore(%arg39 : memref<!tpu.dma_semaphore, #tpu.memory_space<semaphore_mem>>)
      } else {
      }
      %dma_start3A_422 = arith.constant 0 : i32
      %dma_start3A_423 = arith.constant 0 : i32
      %dma_start3A_424 = tpu.memref_slice %arg35[%dma_start3A_422, %dma_start3A_423] : memref<100x64xf32, #tpu.memory_space<vmem_shared>> -> memref<100x64xf32, #tpu.memory_space<vmem_shared>>
      tpu.enqueue_indirect_dma source(%dma_start3A_424 : memref<100x64xf32, #tpu.memory_space<vmem_shared>>) target(%arg19 : memref<80x64xf32, #tpu.memory_space<vmem>>) offsets(%arg27 : memref<80xi32, #tpu.memory_space<vmem>>) semaphore(%arg43 : memref<!tpu.dma_semaphore, #tpu.memory_space<semaphore_mem>>)
    } else {
    }
    %add3A_151 = arith.constant 248 : i32
    %add3A_152 = arith.constant 3 : i32
    %add3A_153 = arith.addi %add3A_151, %add3A_152 : i32
    %lt3A_154 = arith.constant 250 : i32
    %lt3A_155 = arith.cmpi slt, %add3A_153, %lt3A_154 : i32
    %convert_element_type3A_156 = arith.extui %lt3A_155 : i1 to i32
    %cond3A_157 = arith.constant 248 : i32
    %cond3A_158 = arith.constant 0 : i32
    %cond3A_159 = arith.cmpi ne, %convert_element_type3A_156, %cond3A_158 : i32
    scf.if %cond3A_159 {
      %add3A_393 = arith.constant 3 : i32
      %add3A_394 = arith.addi %cond3A_157, %add3A_393 : i32
      %mul3A_395 = arith.constant 80 : i32
      %mul3A_396 = arith.muli %add3A_394, %mul3A_395 : i32
      %add3A_397 = arith.addi %mul3A_61, %mul3A_396 : i32
      %dma_start3A_398 = tpu.memref_slice %arg8[%add3A_397] : memref<320000xi32, #tpu.memory_space<hbm>> -> memref<80xi32, #tpu.memory_space<hbm>>
      %dma_start3A_399 = tpu.memref_slice %arg8[%add3A_397] : memref<320000xi32, #tpu.memory_space<hbm>> -> memref<80xi32, #tpu.memory_space<hbm>>
      tpu.enqueue_dma source(%dma_start3A_399 : memref<80xi32, #tpu.memory_space<hbm>>) target(%arg24 : memref<80xi32, #tpu.memory_space<vmem>>) target_semaphore(%arg48 : memref<!tpu.dma_semaphore, #tpu.memory_space<semaphore_mem>>)
      %mul3A_400 = arith.constant 80 : i32
      %mul3A_401 = arith.muli %add3A_394, %mul3A_400 : i32
      %add3A_402 = arith.addi %mul3A_61, %mul3A_401 : i32
      %dma_start3A_403 = tpu.memref_slice %arg10[%add3A_402] : memref<320000xi32, #tpu.memory_space<hbm>> -> memref<80xi32, #tpu.memory_space<hbm>>
      %dma_start3A_404 = tpu.memref_slice %arg10[%add3A_402] : memref<320000xi32, #tpu.memory_space<hbm>> -> memref<80xi32, #tpu.memory_space<hbm>>
      tpu.enqueue_dma source(%dma_start3A_404 : memref<80xi32, #tpu.memory_space<hbm>>) target(%arg28 : memref<80xi32, #tpu.memory_space<vmem>>) target_semaphore(%arg48 : memref<!tpu.dma_semaphore, #tpu.memory_space<semaphore_mem>>)
    } else {
    }
    %dma_wait3A_160 = arith.constant 0 : i32
    %dma_wait3A_161 = arith.constant 0 : i32
    %dma_wait3A_162 = tpu.memref_slice %arg2[%dma_wait3A_160, %dma_wait3A_161] : memref<10000x64xf32, #tpu.memory_space<hbm>> -> memref<10000x64xf32, #tpu.memory_space<hbm>>
    tpu.wait_indirect_dma semaphore(%arg37 : memref<!tpu.dma_semaphore, #tpu.memory_space<semaphore_mem>>) src(%dma_wait3A_162 : memref<10000x64xf32, #tpu.memory_space<hbm>>) dst(%arg13 : memref<80x64xf32, #tpu.memory_space<vmem>>)
    %dma_wait3A_163 = arith.constant 0 : i32
    %dma_wait3A_164 = arith.constant 0 : i32
    %dma_wait3A_165 = tpu.memref_slice %arg35[%dma_wait3A_163, %dma_wait3A_164] : memref<100x64xf32, #tpu.memory_space<vmem_shared>> -> memref<100x64xf32, #tpu.memory_space<vmem_shared>>
    tpu.wait_indirect_dma semaphore(%arg41 : memref<!tpu.dma_semaphore, #tpu.memory_space<semaphore_mem>>) src(%dma_wait3A_165 : memref<100x64xf32, #tpu.memory_space<vmem_shared>>) dst(%arg17 : memref<80x64xf32, #tpu.memory_space<vmem>>)
    %parallel_loop3A_166 = arith.constant 0 : i32
    %parallel_loop3A_167 = arith.constant 80 : i32
    %parallel_loop3A_168 = arith.constant 1 : i32
    scf.for %parallel_loop3A_393 = %parallel_loop3A_166 to %parallel_loop3A_167 step %parallel_loop3A_168  : i32 {
      %parallel_loop3A_394 = arith.index_cast %parallel_loop3A_393 : i32 to index
      %parallel_loop3A_395 = arith.constant 0 : index
      %parallel_loop3A_396 = tpu.vector_load %arg13[%parallel_loop3A_394, %parallel_loop3A_395] {strides = array<i32>} : memref<80x64xf32, #tpu.memory_space<vmem>>, vector<1x16xf32>,
      %parallel_loop3A_397 = vector.shape_cast %parallel_loop3A_396 : vector<1x16xf32> to vector<16xf32>
      %parallel_loop3A_398 = arith.index_cast %parallel_loop3A_393 : i32 to index
      %parallel_loop3A_399 = arith.constant 0 : index
      %parallel_loop3A_400 = tpu.vector_load %arg17[%parallel_loop3A_398, %parallel_loop3A_399] {strides = array<i32>} : memref<80x64xf32, #tpu.memory_space<vmem>>, vector<1x16xf32>,
      %parallel_loop3A_401 = vector.shape_cast %parallel_loop3A_400 : vector<1x16xf32> to vector<16xf32>
      %parallel_loop3A_402 = arith.mulf %parallel_loop3A_397, %parallel_loop3A_401 : vector<16xf32>
      %parallel_loop3A_403 = arith.index_cast %parallel_loop3A_393 : i32 to index
      %parallel_loop3A_404 = arith.constant 0 : index
      %parallel_loop3A_405 = tpu.vector_load %arg13[%parallel_loop3A_403, %parallel_loop3A_404] {strides = array<i32>} : memref<80x64xf32, #tpu.memory_space<vmem>>, vector<1x16xf32>,
      %parallel_loop3A_406 = vector.shape_cast %parallel_loop3A_405 : vector<1x16xf32> to vector<16xf32>
      %parallel_loop3A_407 = vector.shape_cast %parallel_loop3A_402 : vector<16xf32> to vector<1x16xf32>
      tpu.vector_store %arg13[%parallel_loop3A_403, %parallel_loop3A_404], %parallel_loop3A_407 {strides = array<i32>} : memref<80x64xf32, #tpu.memory_space<vmem>>, vector<1x16xf32>,
      %parallel_loop3A_408 = arith.index_cast %parallel_loop3A_393 : i32 to index
      %parallel_loop3A_409 = arith.constant 16 : index
      %parallel_loop3A_410 = tpu.vector_load %arg13[%parallel_loop3A_408, %parallel_loop3A_409] {strides = array<i32>} : memref<80x64xf32, #tpu.memory_space<vmem>>, vector<1x16xf32>,
      %parallel_loop3A_411 = vector.shape_cast %parallel_loop3A_410 : vector<1x16xf32> to vector<16xf32>
      %parallel_loop3A_412 = arith.index_cast %parallel_loop3A_393 : i32 to index
      %parallel_loop3A_413 = arith.constant 16 : index
      %parallel_loop3A_414 = tpu.vector_load %arg17[%parallel_loop3A_412, %parallel_loop3A_413] {strides = array<i32>} : memref<80x64xf32, #tpu.memory_space<vmem>>, vector<1x16xf32>,
      %parallel_loop3A_415 = vector.shape_cast %parallel_loop3A_414 : vector<1x16xf32> to vector<16xf32>
      %parallel_loop3A_416 = arith.mulf %parallel_loop3A_411, %parallel_loop3A_415 : vector<16xf32>
      %parallel_loop3A_417 = arith.index_cast %parallel_loop3A_393 : i32 to index
      %parallel_loop3A_418 = arith.constant 16 : index
      %parallel_loop3A_419 = tpu.vector_load %arg13[%parallel_loop3A_417, %parallel_loop3A_418] {strides = array<i32>} : memref<80x64xf32, #tpu.memory_space<vmem>>, vector<1x16xf32>,
      %parallel_loop3A_420 = vector.shape_cast %parallel_loop3A_419 : vector<1x16xf32> to vector<16xf32>
      %parallel_loop3A_421 = vector.shape_cast %parallel_loop3A_416 : vector<16xf32> to vector<1x16xf32>
      tpu.vector_store %arg13[%parallel_loop3A_417, %parallel_loop3A_418], %parallel_loop3A_421 {strides = array<i32>} : memref<80x64xf32, #tpu.memory_space<vmem>>, vector<1x16xf32>,
      %parallel_loop3A_422 = arith.index_cast %parallel_loop3A_393 : i32 to index
      %parallel_loop3A_423 = arith.constant 32 : index
      %parallel_loop3A_424 = tpu.vector_load %arg13[%parallel_loop3A_422, %parallel_loop3A_423] {strides = array<i32>} : memref<80x64xf32, #tpu.memory_space<vmem>>, vector<1x16xf32>,
      %parallel_loop3A_425 = vector.shape_cast %parallel_loop3A_424 : vector<1x16xf32> to vector<16xf32>
      %parallel_loop3A_426 = arith.index_cast %parallel_loop3A_393 : i32 to index
      %parallel_loop3A_427 = arith.constant 32 : index
      %parallel_loop3A_428 = tpu.vector_load %arg17[%parallel_loop3A_426, %parallel_loop3A_427] {strides = array<i32>} : memref<80x64xf32, #tpu.memory_space<vmem>>, vector<1x16xf32>,
      %parallel_loop3A_429 = vector.shape_cast %parallel_loop3A_428 : vector<1x16xf32> to vector<16xf32>
      %parallel_loop3A_430 = arith.mulf %parallel_loop3A_425, %parallel_loop3A_429 : vector<16xf32>
      %parallel_loop3A_431 = arith.index_cast %parallel_loop3A_393 : i32 to index
      %parallel_loop3A_432 = arith.constant 32 : index
      %parallel_loop3A_433 = tpu.vector_load %arg13[%parallel_loop3A_431, %parallel_loop3A_432] {strides = array<i32>} : memref<80x64xf32, #tpu.memory_space<vmem>>, vector<1x16xf32>,
      %parallel_loop3A_434 = vector.shape_cast %parallel_loop3A_433 : vector<1x16xf32> to vector<16xf32>
      %parallel_loop3A_435 = vector.shape_cast %parallel_loop3A_430 : vector<16xf32> to vector<1x16xf32>
      tpu.vector_store %arg13[%parallel_loop3A_431, %parallel_loop3A_432], %parallel_loop3A_435 {strides = array<i32>} : memref<80x64xf32, #tpu.memory_space<vmem>>, vector<1x16xf32>,
      %parallel_loop3A_436 = arith.index_cast %parallel_loop3A_393 : i32 to index
      %parallel_loop3A_437 = arith.constant 48 : index
      %parallel_loop3A_438 = tpu.vector_load %arg13[%parallel_loop3A_436, %parallel_loop3A_437] {strides = array<i32>} : memref<80x64xf32, #tpu.memory_space<vmem>>, vector<1x16xf32>,
      %parallel_loop3A_439 = vector.shape_cast %parallel_loop3A_438 : vector<1x16xf32> to vector<16xf32>
      %parallel_loop3A_440 = arith.index_cast %parallel_loop3A_393 : i32 to index
      %parallel_loop3A_441 = arith.constant 48 : index
      %parallel_loop3A_442 = tpu.vector_load %arg17[%parallel_loop3A_440, %parallel_loop3A_441] {strides = array<i32>} : memref<80x64xf32, #tpu.memory_space<vmem>>, vector<1x16xf32>,
      %parallel_loop3A_443 = vector.shape_cast %parallel_loop3A_442 : vector<1x16xf32> to vector<16xf32>
      %parallel_loop3A_444 = arith.mulf %parallel_loop3A_439, %parallel_loop3A_443 : vector<16xf32>
      %parallel_loop3A_445 = arith.index_cast %parallel_loop3A_393 : i32 to index
      %parallel_loop3A_446 = arith.constant 48 : index
      %parallel_loop3A_447 = tpu.vector_load %arg13[%parallel_loop3A_445, %parallel_loop3A_446] {strides = array<i32>} : memref<80x64xf32, #tpu.memory_space<vmem>>, vector<1x16xf32>,
      %parallel_loop3A_448 = vector.shape_cast %parallel_loop3A_447 : vector<1x16xf32> to vector<16xf32>
      %parallel_loop3A_449 = vector.shape_cast %parallel_loop3A_444 : vector<16xf32> to vector<1x16xf32>
      tpu.vector_store %arg13[%parallel_loop3A_445, %parallel_loop3A_446], %parallel_loop3A_449 {strides = array<i32>} : memref<80x64xf32, #tpu.memory_space<vmem>>, vector<1x16xf32>,
    } {sc.loop_unroll_factor = 4 : i64, sc.parallel_access}
    %mul3A_169 = arith.constant 248 : i32
    %mul3A_170 = arith.constant 80 : i32
    %mul3A_171 = arith.muli %mul3A_169, %mul3A_170 : i32
    %add3A_172 = arith.addi %mul3A_61, %mul3A_171 : i32
    %dma_wait3A_173 = tpu.memref_slice %arg9[%add3A_172] : memref<320000xi32, #tpu.memory_space<hbm>> -> memref<80xi32, #tpu.memory_space<hbm>>
    %dma_wait3A_174 = tpu.memref_slice %arg9[%add3A_172] : memref<320000xi32, #tpu.memory_space<hbm>> -> memref<80xi32, #tpu.memory_space<hbm>>
    tpu.wait_dma2 semaphore(%arg49 : memref<!tpu.dma_semaphore, #tpu.memory_space<semaphore_mem>>) src(%dma_wait3A_174 : memref<80xi32, #tpu.memory_space<hbm>>) dst(%arg29 : memref<80xi32, #tpu.memory_space<vmem>>)
    %dma_start3A_175 = arith.constant 0 : i32
    %dma_start3A_176 = arith.constant 0 : i32
    %dma_start3A_177 = tpu.memref_slice %arg33[%dma_start3A_175, %dma_start3A_176] : memref<10000x64xf32, #tpu.memory_space<vmem_shared>> -> memref<10000x64xf32, #tpu.memory_space<vmem_shared>>
    tpu.enqueue_indirect_dma source(%arg13 : memref<80x64xf32, #tpu.memory_space<vmem>>) target(%dma_start3A_177 : memref<10000x64xf32, #tpu.memory_space<vmem_shared>>) offsets(%arg29 : memref<80xi32, #tpu.memory_space<vmem>>) semaphore(%arg53 : memref<!tpu.dma_semaphore, #tpu.memory_space<semaphore_mem>>) {add = true}
    %ge3A_178 = arith.constant 249 : i32
    %ge3A_179 = arith.constant 2 : i32
    %ge3A_180 = arith.cmpi sge, %ge3A_178, %ge3A_179 : i32
    %convert_element_type3A_181 = arith.extui %ge3A_180 : i1 to i32
    %cond3A_182 = arith.constant 0 : i32
    %cond3A_183 = arith.cmpi ne, %convert_element_type3A_181, %cond3A_182 : i32
    scf.if %cond3A_183 {
      %dma_wait3A_393 = arith.constant 0 : i32
      %dma_wait3A_394 = arith.constant 0 : i32
      %dma_wait3A_395 = tpu.memref_slice %arg33[%dma_wait3A_393, %dma_wait3A_394] : memref<10000x64xf32, #tpu.memory_space<vmem_shared>> -> memref<10000x64xf32, #tpu.memory_space<vmem_shared>>
      tpu.wait_indirect_dma semaphore(%arg56 : memref<!tpu.dma_semaphore, #tpu.memory_space<semaphore_mem>>) src(%arg16 : memref<80x64xf32, #tpu.memory_space<vmem>>) dst(%dma_wait3A_395 : memref<10000x64xf32, #tpu.memory_space<vmem_shared>>)
    } else {
    }
    %add3A_184 = arith.constant 249 : i32
    %add3A_185 = arith.constant 2 : i32
    %add3A_186 = arith.addi %add3A_184, %add3A_185 : i32
    %lt3A_187 = arith.constant 250 : i32
    %lt3A_188 = arith.cmpi slt, %add3A_186, %lt3A_187 : i32
    %convert_element_type3A_189 = arith.extui %lt3A_188 : i1 to i32
    %cond3A_190 = arith.constant 249 : i32
    %cond3A_191 = arith.constant 0 : i32
    %cond3A_192 = arith.cmpi ne, %convert_element_type3A_189, %cond3A_191 : i32
    scf.if %cond3A_192 {
      %add3A_393 = arith.constant 2 : i32
      %add3A_394 = arith.addi %cond3A_190, %add3A_393 : i32
      %mul3A_395 = arith.constant 80 : i32
      %mul3A_396 = arith.muli %add3A_394, %mul3A_395 : i32
      %add3A_397 = arith.addi %mul3A_61, %mul3A_396 : i32
      %dma_start3A_398 = tpu.memref_slice %arg9[%add3A_397] : memref<320000xi32, #tpu.memory_space<hbm>> -> memref<80xi32, #tpu.memory_space<hbm>>
      %dma_start3A_399 = tpu.memref_slice %arg9[%add3A_397] : memref<320000xi32, #tpu.memory_space<hbm>> -> memref<80xi32, #tpu.memory_space<hbm>>
      tpu.enqueue_dma source(%dma_start3A_399 : memref<80xi32, #tpu.memory_space<hbm>>) target(%arg32 : memref<80xi32, #tpu.memory_space<vmem>>) target_semaphore(%arg52 : memref<!tpu.dma_semaphore, #tpu.memory_space<semaphore_mem>>)
      %add3A_400 = arith.constant 2 : i32
      %add3A_401 = arith.addi %cond3A_190, %add3A_400 : i32
      %mul3A_402 = arith.constant 80 : i32
      %mul3A_403 = arith.muli %add3A_401, %mul3A_402 : i32
      %add3A_404 = arith.addi %mul3A_61, %mul3A_403 : i32
      %dma_wait3A_405 = tpu.memref_slice %arg8[%add3A_404] : memref<320000xi32, #tpu.memory_space<hbm>> -> memref<80xi32, #tpu.memory_space<hbm>>
      %dma_wait3A_406 = tpu.memref_slice %arg8[%add3A_404] : memref<320000xi32, #tpu.memory_space<hbm>> -> memref<80xi32, #tpu.memory_space<hbm>>
      tpu.wait_dma2 semaphore(%arg48 : memref<!tpu.dma_semaphore, #tpu.memory_space<semaphore_mem>>) src(%dma_wait3A_406 : memref<80xi32, #tpu.memory_space<hbm>>) dst(%arg24 : memref<80xi32, #tpu.memory_space<vmem>>)
      %mul3A_407 = arith.constant 80 : i32
      %mul3A_408 = arith.muli %add3A_401, %mul3A_407 : i32
      %add3A_409 = arith.addi %mul3A_61, %mul3A_408 : i32
      %dma_wait3A_410 = tpu.memref_slice %arg10[%add3A_409] : memref<320000xi32, #tpu.memory_space<hbm>> -> memref<80xi32, #tpu.memory_space<hbm>>
      %dma_wait3A_411 = tpu.memref_slice %arg10[%add3A_409] : memref<320000xi32, #tpu.memory_space<hbm>> -> memref<80xi32, #tpu.memory_space<hbm>>
      tpu.wait_dma2 semaphore(%arg48 : memref<!tpu.dma_semaphore, #tpu.memory_space<semaphore_mem>>) src(%dma_wait3A_411 : memref<80xi32, #tpu.memory_space<hbm>>) dst(%arg28 : memref<80xi32, #tpu.memory_space<vmem>>)
      %eq3A_412 = arith.constant 0 : i32
      %eq3A_413 = arith.cmpi eq, %arg0, %eq3A_412 : i32
      %convert_element_type3A_414 = arith.extui %eq3A_413 : i1 to i32
      %cond3A_415 = arith.constant 0 : i32
      %cond3A_416 = arith.cmpi ne, %convert_element_type3A_414, %cond3A_415 : i32
      scf.if %cond3A_416 {
        %dma_start3A_425 = arith.constant 0 : i32
        %dma_start3A_426 = arith.constant 0 : i32
        %dma_start3A_427 = tpu.memref_slice %arg2[%dma_start3A_425, %dma_start3A_426] : memref<10000x64xf32, #tpu.memory_space<hbm>> -> memref<10000x64xf32, #tpu.memory_space<hbm>>
        tpu.enqueue_indirect_dma source(%dma_start3A_427 : memref<10000x64xf32, #tpu.memory_space<hbm>>) target(%arg16 : memref<80x64xf32, #tpu.memory_space<vmem>>) offsets(%arg24 : memref<80xi32, #tpu.memory_space<vmem>>) semaphore(%arg40 : memref<!tpu.dma_semaphore, #tpu.memory_space<semaphore_mem>>)
      } else {
      }
      %eq3A_417 = arith.constant 1 : i32
      %eq3A_418 = arith.cmpi eq, %arg0, %eq3A_417 : i32
      %convert_element_type3A_419 = arith.extui %eq3A_418 : i1 to i32
      %cond3A_420 = arith.constant 0 : i32
      %cond3A_421 = arith.cmpi ne, %convert_element_type3A_419, %cond3A_420 : i32
      scf.if %cond3A_421 {
        %dma_start3A_425 = arith.constant 0 : i32
        %dma_start3A_426 = arith.constant 0 : i32
        %dma_start3A_427 = tpu.memref_slice %arg3[%dma_start3A_425, %dma_start3A_426] : memref<10000x64xf32, #tpu.memory_space<hbm>> -> memref<10000x64xf32, #tpu.memory_space<hbm>>
        tpu.enqueue_indirect_dma source(%dma_start3A_427 : memref<10000x64xf32, #tpu.memory_space<hbm>>) target(%arg16 : memref<80x64xf32, #tpu.memory_space<vmem>>) offsets(%arg24 : memref<80xi32, #tpu.memory_space<vmem>>) semaphore(%arg40 : memref<!tpu.dma_semaphore, #tpu.memory_space<semaphore_mem>>)
      } else {
      }
      %dma_start3A_422 = arith.constant 0 : i32
      %dma_start3A_423 = arith.constant 0 : i32
      %dma_start3A_424 = tpu.memref_slice %arg35[%dma_start3A_422, %dma_start3A_423] : memref<100x64xf32, #tpu.memory_space<vmem_shared>> -> memref<100x64xf32, #tpu.memory_space<vmem_shared>>
      tpu.enqueue_indirect_dma source(%dma_start3A_424 : memref<100x64xf32, #tpu.memory_space<vmem_shared>>) target(%arg20 : memref<80x64xf32, #tpu.memory_space<vmem>>) offsets(%arg28 : memref<80xi32, #tpu.memory_space<vmem>>) semaphore(%arg44 : memref<!tpu.dma_semaphore, #tpu.memory_space<semaphore_mem>>)
    } else {
    }
    %add3A_193 = arith.constant 249 : i32
    %add3A_194 = arith.constant 3 : i32
    %add3A_195 = arith.addi %add3A_193, %add3A_194 : i32
    %lt3A_196 = arith.constant 250 : i32
    %lt3A_197 = arith.cmpi slt, %add3A_195, %lt3A_196 : i32
    %convert_element_type3A_198 = arith.extui %lt3A_197 : i1 to i32
    %cond3A_199 = arith.constant 249 : i32
    %cond3A_200 = arith.constant 0 : i32
    %cond3A_201 = arith.cmpi ne, %convert_element_type3A_198, %cond3A_200 : i32
    scf.if %cond3A_201 {
      %add3A_393 = arith.constant 3 : i32
      %add3A_394 = arith.addi %cond3A_199, %add3A_393 : i32
      %mul3A_395 = arith.constant 80 : i32
      %mul3A_396 = arith.muli %add3A_394, %mul3A_395 : i32
      %add3A_397 = arith.addi %mul3A_61, %mul3A_396 : i32
      %dma_start3A_398 = tpu.memref_slice %arg8[%add3A_397] : memref<320000xi32, #tpu.memory_space<hbm>> -> memref<80xi32, #tpu.memory_space<hbm>>
      %dma_start3A_399 = tpu.memref_slice %arg8[%add3A_397] : memref<320000xi32, #tpu.memory_space<hbm>> -> memref<80xi32, #tpu.memory_space<hbm>>
      tpu.enqueue_dma source(%dma_start3A_399 : memref<80xi32, #tpu.memory_space<hbm>>) target(%arg21 : memref<80xi32, #tpu.memory_space<vmem>>) target_semaphore(%arg45 : memref<!tpu.dma_semaphore, #tpu.memory_space<semaphore_mem>>)
      %mul3A_400 = arith.constant 80 : i32
      %mul3A_401 = arith.muli %add3A_394, %mul3A_400 : i32
      %add3A_402 = arith.addi %mul3A_61, %mul3A_401 : i32
      %dma_start3A_403 = tpu.memref_slice %arg10[%add3A_402] : memref<320000xi32, #tpu.memory_space<hbm>> -> memref<80xi32, #tpu.memory_space<hbm>>
      %dma_start3A_404 = tpu.memref_slice %arg10[%add3A_402] : memref<320000xi32, #tpu.memory_space<hbm>> -> memref<80xi32, #tpu.memory_space<hbm>>
      tpu.enqueue_dma source(%dma_start3A_404 : memref<80xi32, #tpu.memory_space<hbm>>) target(%arg25 : memref<80xi32, #tpu.memory_space<vmem>>) target_semaphore(%arg45 : memref<!tpu.dma_semaphore, #tpu.memory_space<semaphore_mem>>)
    } else {
    }
    %dma_wait3A_202 = arith.constant 0 : i32
    %dma_wait3A_203 = arith.constant 0 : i32
    %dma_wait3A_204 = tpu.memref_slice %arg2[%dma_wait3A_202, %dma_wait3A_203] : memref<10000x64xf32, #tpu.memory_space<hbm>> -> memref<10000x64xf32, #tpu.memory_space<hbm>>
    tpu.wait_indirect_dma semaphore(%arg38 : memref<!tpu.dma_semaphore, #tpu.memory_space<semaphore_mem>>) src(%dma_wait3A_204 : memref<10000x64xf32, #tpu.memory_space<hbm>>) dst(%arg14 : memref<80x64xf32, #tpu.memory_space<vmem>>)
    %dma_wait3A_205 = arith.constant 0 : i32
    %dma_wait3A_206 = arith.constant 0 : i32
    %dma_wait3A_207 = tpu.memref_slice %arg35[%dma_wait3A_205, %dma_wait3A_206] : memref<100x64xf32, #tpu.memory_space<vmem_shared>> -> memref<100x64xf32, #tpu.memory_space<vmem_shared>>
    tpu.wait_indirect_dma semaphore(%arg42 : memref<!tpu.dma_semaphore, #tpu.memory_space<semaphore_mem>>) src(%dma_wait3A_207 : memref<100x64xf32, #tpu.memory_space<vmem_shared>>) dst(%arg18 : memref<80x64xf32, #tpu.memory_space<vmem>>)
    %parallel_loop3A_208 = arith.constant 0 : i32
    %parallel_loop3A_209 = arith.constant 80 : i32
    %parallel_loop3A_210 = arith.constant 1 : i32
    scf.for %parallel_loop3A_393 = %parallel_loop3A_208 to %parallel_loop3A_209 step %parallel_loop3A_210  : i32 {
      %parallel_loop3A_394 = arith.index_cast %parallel_loop3A_393 : i32 to index
      %parallel_loop3A_395 = arith.constant 0 : index
      %parallel_loop3A_396 = tpu.vector_load %arg14[%parallel_loop3A_394, %parallel_loop3A_395] {strides = array<i32>} : memref<80x64xf32, #tpu.memory_space<vmem>>, vector<1x16xf32>,
      %parallel_loop3A_397 = vector.shape_cast %parallel_loop3A_396 : vector<1x16xf32> to vector<16xf32>
      %parallel_loop3A_398 = arith.index_cast %parallel_loop3A_393 : i32 to index
      %parallel_loop3A_399 = arith.constant 0 : index
      %parallel_loop3A_400 = tpu.vector_load %arg18[%parallel_loop3A_398, %parallel_loop3A_399] {strides = array<i32>} : memref<80x64xf32, #tpu.memory_space<vmem>>, vector<1x16xf32>,
      %parallel_loop3A_401 = vector.shape_cast %parallel_loop3A_400 : vector<1x16xf32> to vector<16xf32>
      %parallel_loop3A_402 = arith.mulf %parallel_loop3A_397, %parallel_loop3A_401 : vector<16xf32>
      %parallel_loop3A_403 = arith.index_cast %parallel_loop3A_393 : i32 to index
      %parallel_loop3A_404 = arith.constant 0 : index
      %parallel_loop3A_405 = tpu.vector_load %arg14[%parallel_loop3A_403, %parallel_loop3A_404] {strides = array<i32>} : memref<80x64xf32, #tpu.memory_space<vmem>>, vector<1x16xf32>,
      %parallel_loop3A_406 = vector.shape_cast %parallel_loop3A_405 : vector<1x16xf32> to vector<16xf32>
      %parallel_loop3A_407 = vector.shape_cast %parallel_loop3A_402 : vector<16xf32> to vector<1x16xf32>
      tpu.vector_store %arg14[%parallel_loop3A_403, %parallel_loop3A_404], %parallel_loop3A_407 {strides = array<i32>} : memref<80x64xf32, #tpu.memory_space<vmem>>, vector<1x16xf32>,
      %parallel_loop3A_408 = arith.index_cast %parallel_loop3A_393 : i32 to index
      %parallel_loop3A_409 = arith.constant 16 : index
      %parallel_loop3A_410 = tpu.vector_load %arg14[%parallel_loop3A_408, %parallel_loop3A_409] {strides = array<i32>} : memref<80x64xf32, #tpu.memory_space<vmem>>, vector<1x16xf32>,
      %parallel_loop3A_411 = vector.shape_cast %parallel_loop3A_410 : vector<1x16xf32> to vector<16xf32>
      %parallel_loop3A_412 = arith.index_cast %parallel_loop3A_393 : i32 to index
      %parallel_loop3A_413 = arith.constant 16 : index
      %parallel_loop3A_414 = tpu.vector_load %arg18[%parallel_loop3A_412, %parallel_loop3A_413] {strides = array<i32>} : memref<80x64xf32, #tpu.memory_space<vmem>>, vector<1x16xf32>,
      %parallel_loop3A_415 = vector.shape_cast %parallel_loop3A_414 : vector<1x16xf32> to vector<16xf32>
      %parallel_loop3A_416 = arith.mulf %parallel_loop3A_411, %parallel_loop3A_415 : vector<16xf32>
      %parallel_loop3A_417 = arith.index_cast %parallel_loop3A_393 : i32 to index
      %parallel_loop3A_418 = arith.constant 16 : index
      %parallel_loop3A_419 = tpu.vector_load %arg14[%parallel_loop3A_417, %parallel_loop3A_418] {strides = array<i32>} : memref<80x64xf32, #tpu.memory_space<vmem>>, vector<1x16xf32>,
      %parallel_loop3A_420 = vector.shape_cast %parallel_loop3A_419 : vector<1x16xf32> to vector<16xf32>
      %parallel_loop3A_421 = vector.shape_cast %parallel_loop3A_416 : vector<16xf32> to vector<1x16xf32>
      tpu.vector_store %arg14[%parallel_loop3A_417, %parallel_loop3A_418], %parallel_loop3A_421 {strides = array<i32>} : memref<80x64xf32, #tpu.memory_space<vmem>>, vector<1x16xf32>,
      %parallel_loop3A_422 = arith.index_cast %parallel_loop3A_393 : i32 to index
      %parallel_loop3A_423 = arith.constant 32 : index
      %parallel_loop3A_424 = tpu.vector_load %arg14[%parallel_loop3A_422, %parallel_loop3A_423] {strides = array<i32>} : memref<80x64xf32, #tpu.memory_space<vmem>>, vector<1x16xf32>,
      %parallel_loop3A_425 = vector.shape_cast %parallel_loop3A_424 : vector<1x16xf32> to vector<16xf32>
      %parallel_loop3A_426 = arith.index_cast %parallel_loop3A_393 : i32 to index
      %parallel_loop3A_427 = arith.constant 32 : index
      %parallel_loop3A_428 = tpu.vector_load %arg18[%parallel_loop3A_426, %parallel_loop3A_427] {strides = array<i32>} : memref<80x64xf32, #tpu.memory_space<vmem>>, vector<1x16xf32>,
      %parallel_loop3A_429 = vector.shape_cast %parallel_loop3A_428 : vector<1x16xf32> to vector<16xf32>
      %parallel_loop3A_430 = arith.mulf %parallel_loop3A_425, %parallel_loop3A_429 : vector<16xf32>
      %parallel_loop3A_431 = arith.index_cast %parallel_loop3A_393 : i32 to index
      %parallel_loop3A_432 = arith.constant 32 : index
      %parallel_loop3A_433 = tpu.vector_load %arg14[%parallel_loop3A_431, %parallel_loop3A_432] {strides = array<i32>} : memref<80x64xf32, #tpu.memory_space<vmem>>, vector<1x16xf32>,
      %parallel_loop3A_434 = vector.shape_cast %parallel_loop3A_433 : vector<1x16xf32> to vector<16xf32>
      %parallel_loop3A_435 = vector.shape_cast %parallel_loop3A_430 : vector<16xf32> to vector<1x16xf32>
      tpu.vector_store %arg14[%parallel_loop3A_431, %parallel_loop3A_432], %parallel_loop3A_435 {strides = array<i32>} : memref<80x64xf32, #tpu.memory_space<vmem>>, vector<1x16xf32>,
      %parallel_loop3A_436 = arith.index_cast %parallel_loop3A_393 : i32 to index
      %parallel_loop3A_437 = arith.constant 48 : index
      %parallel_loop3A_438 = tpu.vector_load %arg14[%parallel_loop3A_436, %parallel_loop3A_437] {strides = array<i32>} : memref<80x64xf32, #tpu.memory_space<vmem>>, vector<1x16xf32>,
      %parallel_loop3A_439 = vector.shape_cast %parallel_loop3A_438 : vector<1x16xf32> to vector<16xf32>
      %parallel_loop3A_440 = arith.index_cast %parallel_loop3A_393 : i32 to index
      %parallel_loop3A_441 = arith.constant 48 : index
      %parallel_loop3A_442 = tpu.vector_load %arg18[%parallel_loop3A_440, %parallel_loop3A_441] {strides = array<i32>} : memref<80x64xf32, #tpu.memory_space<vmem>>, vector<1x16xf32>,
      %parallel_loop3A_443 = vector.shape_cast %parallel_loop3A_442 : vector<1x16xf32> to vector<16xf32>
      %parallel_loop3A_444 = arith.mulf %parallel_loop3A_439, %parallel_loop3A_443 : vector<16xf32>
      %parallel_loop3A_445 = arith.index_cast %parallel_loop3A_393 : i32 to index
      %parallel_loop3A_446 = arith.constant 48 : index
      %parallel_loop3A_447 = tpu.vector_load %arg14[%parallel_loop3A_445, %parallel_loop3A_446] {strides = array<i32>} : memref<80x64xf32, #tpu.memory_space<vmem>>, vector<1x16xf32>,
      %parallel_loop3A_448 = vector.shape_cast %parallel_loop3A_447 : vector<1x16xf32> to vector<16xf32>
      %parallel_loop3A_449 = vector.shape_cast %parallel_loop3A_444 : vector<16xf32> to vector<1x16xf32>
      tpu.vector_store %arg14[%parallel_loop3A_445, %parallel_loop3A_446], %parallel_loop3A_449 {strides = array<i32>} : memref<80x64xf32, #tpu.memory_space<vmem>>, vector<1x16xf32>,
    } {sc.loop_unroll_factor = 4 : i64, sc.parallel_access}
    %mul3A_211 = arith.constant 249 : i32
    %mul3A_212 = arith.constant 80 : i32
    %mul3A_213 = arith.muli %mul3A_211, %mul3A_212 : i32
    %add3A_214 = arith.addi %mul3A_61, %mul3A_213 : i32
    %dma_wait3A_215 = tpu.memref_slice %arg9[%add3A_214] : memref<320000xi32, #tpu.memory_space<hbm>> -> memref<80xi32, #tpu.memory_space<hbm>>
    %dma_wait3A_216 = tpu.memref_slice %arg9[%add3A_214] : memref<320000xi32, #tpu.memory_space<hbm>> -> memref<80xi32, #tpu.memory_space<hbm>>
    tpu.wait_dma2 semaphore(%arg50 : memref<!tpu.dma_semaphore, #tpu.memory_space<semaphore_mem>>) src(%dma_wait3A_216 : memref<80xi32, #tpu.memory_space<hbm>>) dst(%arg30 : memref<80xi32, #tpu.memory_space<vmem>>)
    %dma_start3A_217 = arith.constant 0 : i32
    %dma_start3A_218 = arith.constant 0 : i32
    %dma_start3A_219 = tpu.memref_slice %arg33[%dma_start3A_217, %dma_start3A_218] : memref<10000x64xf32, #tpu.memory_space<vmem_shared>> -> memref<10000x64xf32, #tpu.memory_space<vmem_shared>>
    tpu.enqueue_indirect_dma source(%arg14 : memref<80x64xf32, #tpu.memory_space<vmem>>) target(%dma_start3A_219 : memref<10000x64xf32, #tpu.memory_space<vmem_shared>>) offsets(%arg30 : memref<80xi32, #tpu.memory_space<vmem>>) semaphore(%arg54 : memref<!tpu.dma_semaphore, #tpu.memory_space<semaphore_mem>>) {add = true}
    %dma_wait3A_220 = arith.constant 0 : i32
    %dma_wait3A_221 = arith.constant 0 : i32
    %dma_wait3A_222 = tpu.memref_slice %arg33[%dma_wait3A_220, %dma_wait3A_221] : memref<10000x64xf32, #tpu.memory_space<vmem_shared>> -> memref<10000x64xf32, #tpu.memory_space<vmem_shared>>
    tpu.wait_indirect_dma semaphore(%arg53 : memref<!tpu.dma_semaphore, #tpu.memory_space<semaphore_mem>>) src(%arg13 : memref<80x64xf32, #tpu.memory_space<vmem>>) dst(%dma_wait3A_222 : memref<10000x64xf32, #tpu.memory_space<vmem_shared>>)
    %dma_wait3A_223 = arith.constant 0 : i32
    %dma_wait3A_224 = arith.constant 0 : i32
    %dma_wait3A_225 = tpu.memref_slice %arg33[%dma_wait3A_223, %dma_wait3A_224] : memref<10000x64xf32, #tpu.memory_space<vmem_shared>> -> memref<10000x64xf32, #tpu.memory_space<vmem_shared>>
    tpu.wait_indirect_dma semaphore(%arg54 : memref<!tpu.dma_semaphore, #tpu.memory_space<semaphore_mem>>) src(%arg14 : memref<80x64xf32, #tpu.memory_space<vmem>>) dst(%dma_wait3A_225 : memref<10000x64xf32, #tpu.memory_space<vmem_shared>>)
    %barrier3A_226 = arith.constant 0 : index
    tpu.barrier barrier_id(%barrier3A_226)
    %add3A_227 = arith.constant 0 : i32
    %add3A_228 = arith.addi %mul3A_61, %add3A_227 : i32
    %dma_start3A_229 = tpu.memref_slice %arg8[%add3A_228] : memref<320000xi32, #tpu.memory_space<hbm>> -> memref<80xi32, #tpu.memory_space<hbm>>
    %dma_start3A_230 = tpu.memref_slice %arg8[%add3A_228] : memref<320000xi32, #tpu.memory_space<hbm>> -> memref<80xi32, #tpu.memory_space<hbm>>
    tpu.enqueue_dma source(%dma_start3A_230 : memref<80xi32, #tpu.memory_space<hbm>>) target(%arg21 : memref<80xi32, #tpu.memory_space<vmem>>) target_semaphore(%arg45 : memref<!tpu.dma_semaphore, #tpu.memory_space<semaphore_mem>>)
    %add3A_231 = arith.constant 0 : i32
    %add3A_232 = arith.addi %mul3A_61, %add3A_231 : i32
    %dma_start3A_233 = tpu.memref_slice %arg10[%add3A_232] : memref<320000xi32, #tpu.memory_space<hbm>> -> memref<80xi32, #tpu.memory_space<hbm>>
    %dma_start3A_234 = tpu.memref_slice %arg10[%add3A_232] : memref<320000xi32, #tpu.memory_space<hbm>> -> memref<80xi32, #tpu.memory_space<hbm>>
    tpu.enqueue_dma source(%dma_start3A_234 : memref<80xi32, #tpu.memory_space<hbm>>) target(%arg25 : memref<80xi32, #tpu.memory_space<vmem>>) target_semaphore(%arg45 : memref<!tpu.dma_semaphore, #tpu.memory_space<semaphore_mem>>)
    %add3A_235 = arith.constant 80 : i32
    %add3A_236 = arith.addi %mul3A_61, %add3A_235 : i32
    %dma_start3A_237 = tpu.memref_slice %arg8[%add3A_236] : memref<320000xi32, #tpu.memory_space<hbm>> -> memref<80xi32, #tpu.memory_space<hbm>>
    %dma_start3A_238 = tpu.memref_slice %arg8[%add3A_236] : memref<320000xi32, #tpu.memory_space<hbm>> -> memref<80xi32, #tpu.memory_space<hbm>>
    tpu.enqueue_dma source(%dma_start3A_238 : memref<80xi32, #tpu.memory_space<hbm>>) target(%arg22 : memref<80xi32, #tpu.memory_space<vmem>>) target_semaphore(%arg46 : memref<!tpu.dma_semaphore, #tpu.memory_space<semaphore_mem>>)
    %add3A_239 = arith.constant 80 : i32
    %add3A_240 = arith.addi %mul3A_61, %add3A_239 : i32
    %dma_start3A_241 = tpu.memref_slice %arg10[%add3A_240] : memref<320000xi32, #tpu.memory_space<hbm>> -> memref<80xi32, #tpu.memory_space<hbm>>
    %dma_start3A_242 = tpu.memref_slice %arg10[%add3A_240] : memref<320000xi32, #tpu.memory_space<hbm>> -> memref<80xi32, #tpu.memory_space<hbm>>
    tpu.enqueue_dma source(%dma_start3A_242 : memref<80xi32, #tpu.memory_space<hbm>>) target(%arg26 : memref<80xi32, #tpu.memory_space<vmem>>) target_semaphore(%arg46 : memref<!tpu.dma_semaphore, #tpu.memory_space<semaphore_mem>>)
    %add3A_243 = arith.constant 160 : i32
    %add3A_244 = arith.addi %mul3A_61, %add3A_243 : i32
    %dma_start3A_245 = tpu.memref_slice %arg8[%add3A_244] : memref<320000xi32, #tpu.memory_space<hbm>> -> memref<80xi32, #tpu.memory_space<hbm>>
    %dma_start3A_246 = tpu.memref_slice %arg8[%add3A_244] : memref<320000xi32, #tpu.memory_space<hbm>> -> memref<80xi32, #tpu.memory_space<hbm>>
    tpu.enqueue_dma source(%dma_start3A_246 : memref<80xi32, #tpu.memory_space<hbm>>) target(%arg23 : memref<80xi32, #tpu.memory_space<vmem>>) target_semaphore(%arg47 : memref<!tpu.dma_semaphore, #tpu.memory_space<semaphore_mem>>)
    %add3A_247 = arith.constant 160 : i32
    %add3A_248 = arith.addi %mul3A_61, %add3A_247 : i32
    %dma_start3A_249 = tpu.memref_slice %arg10[%add3A_248] : memref<320000xi32, #tpu.memory_space<hbm>> -> memref<80xi32, #tpu.memory_space<hbm>>
    %dma_start3A_250 = tpu.memref_slice %arg10[%add3A_248] : memref<320000xi32, #tpu.memory_space<hbm>> -> memref<80xi32, #tpu.memory_space<hbm>>
    tpu.enqueue_dma source(%dma_start3A_250 : memref<80xi32, #tpu.memory_space<hbm>>) target(%arg27 : memref<80xi32, #tpu.memory_space<vmem>>) target_semaphore(%arg47 : memref<!tpu.dma_semaphore, #tpu.memory_space<semaphore_mem>>)
    %add3A_251 = arith.constant 0 : i32
    %add3A_252 = arith.addi %mul3A_61, %add3A_251 : i32
    %dma_start3A_253 = tpu.memref_slice %arg9[%add3A_252] : memref<320000xi32, #tpu.memory_space<hbm>> -> memref<80xi32, #tpu.memory_space<hbm>>
    %dma_start3A_254 = tpu.memref_slice %arg9[%add3A_252] : memref<320000xi32, #tpu.memory_space<hbm>> -> memref<80xi32, #tpu.memory_space<hbm>>
    tpu.enqueue_dma source(%dma_start3A_254 : memref<80xi32, #tpu.memory_space<hbm>>) target(%arg29 : memref<80xi32, #tpu.memory_space<vmem>>) target_semaphore(%arg49 : memref<!tpu.dma_semaphore, #tpu.memory_space<semaphore_mem>>)
    %add3A_255 = arith.constant 80 : i32
    %add3A_256 = arith.addi %mul3A_61, %add3A_255 : i32
    %dma_start3A_257 = tpu.memref_slice %arg9[%add3A_256] : memref<320000xi32, #tpu.memory_space<hbm>> -> memref<80xi32, #tpu.memory_space<hbm>>
    %dma_start3A_258 = tpu.memref_slice %arg9[%add3A_256] : memref<320000xi32, #tpu.memory_space<hbm>> -> memref<80xi32, #tpu.memory_space<hbm>>
    tpu.enqueue_dma source(%dma_start3A_258 : memref<80xi32, #tpu.memory_space<hbm>>) target(%arg30 : memref<80xi32, #tpu.memory_space<vmem>>) target_semaphore(%arg50 : memref<!tpu.dma_semaphore, #tpu.memory_space<semaphore_mem>>)
    %add3A_259 = arith.constant 0 : i32
    %add3A_260 = arith.addi %mul3A_61, %add3A_259 : i32
    %dma_wait3A_261 = tpu.memref_slice %arg8[%add3A_260] : memref<320000xi32, #tpu.memory_space<hbm>> -> memref<80xi32, #tpu.memory_space<hbm>>
    %dma_wait3A_262 = tpu.memref_slice %arg8[%add3A_260] : memref<320000xi32, #tpu.memory_space<hbm>> -> memref<80xi32, #tpu.memory_space<hbm>>
    tpu.wait_dma2 semaphore(%arg45 : memref<!tpu.dma_semaphore, #tpu.memory_space<semaphore_mem>>) src(%dma_wait3A_262 : memref<80xi32, #tpu.memory_space<hbm>>) dst(%arg21 : memref<80xi32, #tpu.memory_space<vmem>>)
    %add3A_263 = arith.constant 0 : i32
    %add3A_264 = arith.addi %mul3A_61, %add3A_263 : i32
    %dma_wait3A_265 = tpu.memref_slice %arg10[%add3A_264] : memref<320000xi32, #tpu.memory_space<hbm>> -> memref<80xi32, #tpu.memory_space<hbm>>
    %dma_wait3A_266 = tpu.memref_slice %arg10[%add3A_264] : memref<320000xi32, #tpu.memory_space<hbm>> -> memref<80xi32, #tpu.memory_space<hbm>>
    tpu.wait_dma2 semaphore(%arg45 : memref<!tpu.dma_semaphore, #tpu.memory_space<semaphore_mem>>) src(%dma_wait3A_266 : memref<80xi32, #tpu.memory_space<hbm>>) dst(%arg25 : memref<80xi32, #tpu.memory_space<vmem>>)
    %dma_start3A_267 = arith.constant 0 : i32
    %dma_start3A_268 = arith.constant 0 : i32
    %dma_start3A_269 = tpu.memref_slice %arg33[%dma_start3A_267, %dma_start3A_268] : memref<10000x64xf32, #tpu.memory_space<vmem_shared>> -> memref<10000x64xf32, #tpu.memory_space<vmem_shared>>
    tpu.enqueue_indirect_dma source(%dma_start3A_269 : memref<10000x64xf32, #tpu.memory_space<vmem_shared>>) target(%arg13 : memref<80x64xf32, #tpu.memory_space<vmem>>) offsets(%arg21 : memref<80xi32, #tpu.memory_space<vmem>>) semaphore(%arg37 : memref<!tpu.dma_semaphore, #tpu.memory_space<semaphore_mem>>)
    %dma_start3A_270 = arith.constant 0 : i32
    %dma_start3A_271 = arith.constant 0 : i32
    %dma_start3A_272 = tpu.memref_slice %arg36[%dma_start3A_270, %dma_start3A_271] : memref<100x64xf32, #tpu.memory_space<vmem_shared>> -> memref<100x64xf32, #tpu.memory_space<vmem_shared>>
    tpu.enqueue_indirect_dma source(%dma_start3A_272 : memref<100x64xf32, #tpu.memory_space<vmem_shared>>) target(%arg17 : memref<80x64xf32, #tpu.memory_space<vmem>>) offsets(%arg25 : memref<80xi32, #tpu.memory_space<vmem>>) semaphore(%arg41 : memref<!tpu.dma_semaphore, #tpu.memory_space<semaphore_mem>>)
    %add3A_273 = arith.constant 80 : i32
    %add3A_274 = arith.addi %mul3A_61, %add3A_273 : i32
    %dma_wait3A_275 = tpu.memref_slice %arg8[%add3A_274] : memref<320000xi32, #tpu.memory_space<hbm>> -> memref<80xi32, #tpu.memory_space<hbm>>
    %dma_wait3A_276 = tpu.memref_slice %arg8[%add3A_274] : memref<320000xi32, #tpu.memory_space<hbm>> -> memref<80xi32, #tpu.memory_space<hbm>>
    tpu.wait_dma2 semaphore(%arg46 : memref<!tpu.dma_semaphore, #tpu.memory_space<semaphore_mem>>) src(%dma_wait3A_276 : memref<80xi32, #tpu.memory_space<hbm>>) dst(%arg22 : memref<80xi32, #tpu.memory_space<vmem>>)
    %add3A_277 = arith.constant 80 : i32
    %add3A_278 = arith.addi %mul3A_61, %add3A_277 : i32
    %dma_wait3A_279 = tpu.memref_slice %arg10[%add3A_278] : memref<320000xi32, #tpu.memory_space<hbm>> -> memref<80xi32, #tpu.memory_space<hbm>>
    %dma_wait3A_280 = tpu.memref_slice %arg10[%add3A_278] : memref<320000xi32, #tpu.memory_space<hbm>> -> memref<80xi32, #tpu.memory_space<hbm>>
    tpu.wait_dma2 semaphore(%arg46 : memref<!tpu.dma_semaphore, #tpu.memory_space<semaphore_mem>>) src(%dma_wait3A_280 : memref<80xi32, #tpu.memory_space<hbm>>) dst(%arg26 : memref<80xi32, #tpu.memory_space<vmem>>)
    %dma_start3A_281 = arith.constant 0 : i32
    %dma_start3A_282 = arith.constant 0 : i32
    %dma_start3A_283 = tpu.memref_slice %arg33[%dma_start3A_281, %dma_start3A_282] : memref<10000x64xf32, #tpu.memory_space<vmem_shared>> -> memref<10000x64xf32, #tpu.memory_space<vmem_shared>>
    tpu.enqueue_indirect_dma source(%dma_start3A_283 : memref<10000x64xf32, #tpu.memory_space<vmem_shared>>) target(%arg14 : memref<80x64xf32, #tpu.memory_space<vmem>>) offsets(%arg22 : memref<80xi32, #tpu.memory_space<vmem>>) semaphore(%arg38 : memref<!tpu.dma_semaphore, #tpu.memory_space<semaphore_mem>>)
    %dma_start3A_284 = arith.constant 0 : i32
    %dma_start3A_285 = arith.constant 0 : i32
    %dma_start3A_286 = tpu.memref_slice %arg36[%dma_start3A_284, %dma_start3A_285] : memref<100x64xf32, #tpu.memory_space<vmem_shared>> -> memref<100x64xf32, #tpu.memory_space<vmem_shared>>
    tpu.enqueue_indirect_dma source(%dma_start3A_286 : memref<100x64xf32, #tpu.memory_space<vmem_shared>>) target(%arg18 : memref<80x64xf32, #tpu.memory_space<vmem>>) offsets(%arg26 : memref<80xi32, #tpu.memory_space<vmem>>) semaphore(%arg42 : memref<!tpu.dma_semaphore, #tpu.memory_space<semaphore_mem>>)
    %scan3A_287 = arith.constant 0 : i32
    %scan3A_288 = arith.constant 62 : i32
    %scan3A_289 = arith.addi %scan3A_287, %scan3A_288 : i32
    %scan3A_290 = arith.constant 1 : i32
    scf.for %scan3A_393 = %scan3A_287 to %scan3A_289 step %scan3A_290  : i32 {
      %mul3A_394 = arith.constant 4 : i32
      %mul3A_395 = arith.muli %mul3A_394, %scan3A_393 : i32
      %add3A_396 = arith.constant 0 : i32
      %add3A_397 = arith.addi %mul3A_395, %add3A_396 : i32
      %ge3A_398 = arith.constant 2 : i32
      %ge3A_399 = arith.cmpi sge, %add3A_397, %ge3A_398 : i32
      %convert_element_type3A_400 = arith.extui %ge3A_399 : i1 to i32
      %cond3A_401 = arith.constant 0 : i32
      %cond3A_402 = arith.cmpi ne, %convert_element_type3A_400, %cond3A_401 : i32
      scf.if %cond3A_402 {
        %dma_wait3A_554 = arith.constant 0 : i32
        %dma_wait3A_555 = arith.constant 0 : i32
        %dma_wait3A_556 = tpu.memref_slice %arg34[%dma_wait3A_554, %dma_wait3A_555] : memref<10000x64xf32, #tpu.memory_space<vmem_shared>> -> memref<10000x64xf32, #tpu.memory_space<vmem_shared>>
        tpu.wait_indirect_dma semaphore(%arg55 : memref<!tpu.dma_semaphore, #tpu.memory_space<semaphore_mem>>) src(%arg15 : memref<80x64xf32, #tpu.memory_space<vmem>>) dst(%dma_wait3A_556 : memref<10000x64xf32, #tpu.memory_space<vmem_shared>>)
      } else {
      }
      %add3A_403 = arith.constant 2 : i32
      %add3A_404 = arith.addi %add3A_397, %add3A_403 : i32
      %lt3A_405 = arith.constant 250 : i32
      %lt3A_406 = arith.cmpi slt, %add3A_404, %lt3A_405 : i32
      %convert_element_type3A_407 = arith.extui %lt3A_406 : i1 to i32
      %cond3A_408 = arith.constant 0 : i32
      %cond3A_409 = arith.cmpi ne, %convert_element_type3A_407, %cond3A_408 : i32
      scf.if %cond3A_409 {
        %add3A_554 = arith.constant 2 : i32
        %add3A_555 = arith.addi %add3A_397, %add3A_554 : i32
        %mul3A_556 = arith.constant 80 : i32
        %mul3A_557 = arith.muli %add3A_555, %mul3A_556 : i32
        %add3A_558 = arith.addi %mul3A_61, %mul3A_557 : i32
        %dma_start3A_559 = tpu.memref_slice %arg9[%add3A_558] : memref<320000xi32, #tpu.memory_space<hbm>> -> memref<80xi32, #tpu.memory_space<hbm>>
        %dma_start3A_560 = tpu.memref_slice %arg9[%add3A_558] : memref<320000xi32, #tpu.memory_space<hbm>> -> memref<80xi32, #tpu.memory_space<hbm>>
        tpu.enqueue_dma source(%dma_start3A_560 : memref<80xi32, #tpu.memory_space<hbm>>) target(%arg31 : memref<80xi32, #tpu.memory_space<vmem>>) target_semaphore(%arg51 : memref<!tpu.dma_semaphore, #tpu.memory_space<semaphore_mem>>)
        %add3A_561 = arith.constant 2 : i32
        %add3A_562 = arith.addi %add3A_397, %add3A_561 : i32
        %mul3A_563 = arith.constant 80 : i32
        %mul3A_564 = arith.muli %add3A_562, %mul3A_563 : i32
        %add3A_565 = arith.addi %mul3A_61, %mul3A_564 : i32
        %dma_wait3A_566 = tpu.memref_slice %arg8[%add3A_565] : memref<320000xi32, #tpu.memory_space<hbm>> -> memref<80xi32, #tpu.memory_space<hbm>>
        %dma_wait3A_567 = tpu.memref_slice %arg8[%add3A_565] : memref<320000xi32, #tpu.memory_space<hbm>> -> memref<80xi32, #tpu.memory_space<hbm>>
        tpu.wait_dma2 semaphore(%arg47 : memref<!tpu.dma_semaphore, #tpu.memory_space<semaphore_mem>>) src(%dma_wait3A_567 : memref<80xi32, #tpu.memory_space<hbm>>) dst(%arg23 : memref<80xi32, #tpu.memory_space<vmem>>)
        %mul3A_568 = arith.constant 80 : i32
        %mul3A_569 = arith.muli %add3A_562, %mul3A_568 : i32
        %add3A_570 = arith.addi %mul3A_61, %mul3A_569 : i32
        %dma_wait3A_571 = tpu.memref_slice %arg10[%add3A_570] : memref<320000xi32, #tpu.memory_space<hbm>> -> memref<80xi32, #tpu.memory_space<hbm>>
        %dma_wait3A_572 = tpu.memref_slice %arg10[%add3A_570] : memref<320000xi32, #tpu.memory_space<hbm>> -> memref<80xi32, #tpu.memory_space<hbm>>
        tpu.wait_dma2 semaphore(%arg47 : memref<!tpu.dma_semaphore, #tpu.memory_space<semaphore_mem>>) src(%dma_wait3A_572 : memref<80xi32, #tpu.memory_space<hbm>>) dst(%arg27 : memref<80xi32, #tpu.memory_space<vmem>>)
        %dma_start3A_573 = arith.constant 0 : i32
        %dma_start3A_574 = arith.constant 0 : i32
        %dma_start3A_575 = tpu.memref_slice %arg33[%dma_start3A_573, %dma_start3A_574] : memref<10000x64xf32, #tpu.memory_space<vmem_shared>> -> memref<10000x64xf32, #tpu.memory_space<vmem_shared>>
        tpu.enqueue_indirect_dma source(%dma_start3A_575 : memref<10000x64xf32, #tpu.memory_space<vmem_shared>>) target(%arg15 : memref<80x64xf32, #tpu.memory_space<vmem>>) offsets(%arg23 : memref<80xi32, #tpu.memory_space<vmem>>) semaphore(%arg39 : memref<!tpu.dma_semaphore, #tpu.memory_space<semaphore_mem>>)
        %dma_start3A_576 = arith.constant 0 : i32
        %dma_start3A_577 = arith.constant 0 : i32
        %dma_start3A_578 = tpu.memref_slice %arg36[%dma_start3A_576, %dma_start3A_577] : memref<100x64xf32, #tpu.memory_space<vmem_shared>> -> memref<100x64xf32, #tpu.memory_space<vmem_shared>>
        tpu.enqueue_indirect_dma source(%dma_start3A_578 : memref<100x64xf32, #tpu.memory_space<vmem_shared>>) target(%arg19 : memref<80x64xf32, #tpu.memory_space<vmem>>) offsets(%arg27 : memref<80xi32, #tpu.memory_space<vmem>>) semaphore(%arg43 : memref<!tpu.dma_semaphore, #tpu.memory_space<semaphore_mem>>)
      } else {
      }
      %add3A_410 = arith.constant 3 : i32
      %add3A_411 = arith.addi %add3A_397, %add3A_410 : i32
      %lt3A_412 = arith.constant 250 : i32
      %lt3A_413 = arith.cmpi slt, %add3A_411, %lt3A_412 : i32
      %convert_element_type3A_414 = arith.extui %lt3A_413 : i1 to i32
      %cond3A_415 = arith.constant 0 : i32
      %cond3A_416 = arith.cmpi ne, %convert_element_type3A_414, %cond3A_415 : i32
      scf.if %cond3A_416 {
        %add3A_554 = arith.constant 3 : i32
        %add3A_555 = arith.addi %add3A_397, %add3A_554 : i32
        %mul3A_556 = arith.constant 80 : i32
        %mul3A_557 = arith.muli %add3A_555, %mul3A_556 : i32
        %add3A_558 = arith.addi %mul3A_61, %mul3A_557 : i32
        %dma_start3A_559 = tpu.memref_slice %arg8[%add3A_558] : memref<320000xi32, #tpu.memory_space<hbm>> -> memref<80xi32, #tpu.memory_space<hbm>>
        %dma_start3A_560 = tpu.memref_slice %arg8[%add3A_558] : memref<320000xi32, #tpu.memory_space<hbm>> -> memref<80xi32, #tpu.memory_space<hbm>>
        tpu.enqueue_dma source(%dma_start3A_560 : memref<80xi32, #tpu.memory_space<hbm>>) target(%arg24 : memref<80xi32, #tpu.memory_space<vmem>>) target_semaphore(%arg48 : memref<!tpu.dma_semaphore, #tpu.memory_space<semaphore_mem>>)
        %mul3A_561 = arith.constant 80 : i32
        %mul3A_562 = arith.muli %add3A_555, %mul3A_561 : i32
        %add3A_563 = arith.addi %mul3A_61, %mul3A_562 : i32
        %dma_start3A_564 = tpu.memref_slice %arg10[%add3A_563] : memref<320000xi32, #tpu.memory_space<hbm>> -> memref<80xi32, #tpu.memory_space<hbm>>
        %dma_start3A_565 = tpu.memref_slice %arg10[%add3A_563] : memref<320000xi32, #tpu.memory_space<hbm>> -> memref<80xi32, #tpu.memory_space<hbm>>
        tpu.enqueue_dma source(%dma_start3A_565 : memref<80xi32, #tpu.memory_space<hbm>>) target(%arg28 : memref<80xi32, #tpu.memory_space<vmem>>) target_semaphore(%arg48 : memref<!tpu.dma_semaphore, #tpu.memory_space<semaphore_mem>>)
      } else {
      }
      %dma_wait3A_417 = arith.constant 0 : i32
      %dma_wait3A_418 = arith.constant 0 : i32
      %dma_wait3A_419 = tpu.memref_slice %arg33[%dma_wait3A_417, %dma_wait3A_418] : memref<10000x64xf32, #tpu.memory_space<vmem_shared>> -> memref<10000x64xf32, #tpu.memory_space<vmem_shared>>
      tpu.wait_indirect_dma semaphore(%arg37 : memref<!tpu.dma_semaphore, #tpu.memory_space<semaphore_mem>>) src(%dma_wait3A_419 : memref<10000x64xf32, #tpu.memory_space<vmem_shared>>) dst(%arg13 : memref<80x64xf32, #tpu.memory_space<vmem>>)
      %dma_wait3A_420 = arith.constant 0 : i32
      %dma_wait3A_421 = arith.constant 0 : i32
      %dma_wait3A_422 = tpu.memref_slice %arg36[%dma_wait3A_420, %dma_wait3A_421] : memref<100x64xf32, #tpu.memory_space<vmem_shared>> -> memref<100x64xf32, #tpu.memory_space<vmem_shared>>
      tpu.wait_indirect_dma semaphore(%arg41 : memref<!tpu.dma_semaphore, #tpu.memory_space<semaphore_mem>>) src(%dma_wait3A_422 : memref<100x64xf32, #tpu.memory_space<vmem_shared>>) dst(%arg17 : memref<80x64xf32, #tpu.memory_space<vmem>>)
      %parallel_loop3A_423 = arith.constant 0 : i32
      %parallel_loop3A_424 = arith.constant 80 : i32
      %parallel_loop3A_425 = arith.constant 1 : i32
      scf.for %parallel_loop3A_554 = %parallel_loop3A_423 to %parallel_loop3A_424 step %parallel_loop3A_425  : i32 {
        %parallel_loop3A_555 = arith.index_cast %parallel_loop3A_554 : i32 to index
        %parallel_loop3A_556 = arith.constant 0 : index
        %parallel_loop3A_557 = tpu.vector_load %arg13[%parallel_loop3A_555, %parallel_loop3A_556] {strides = array<i32>} : memref<80x64xf32, #tpu.memory_space<vmem>>, vector<1x16xf32>,
        %parallel_loop3A_558 = vector.shape_cast %parallel_loop3A_557 : vector<1x16xf32> to vector<16xf32>
        %parallel_loop3A_559 = arith.index_cast %parallel_loop3A_554 : i32 to index
        %parallel_loop3A_560 = arith.constant 0 : index
        %parallel_loop3A_561 = tpu.vector_load %arg17[%parallel_loop3A_559, %parallel_loop3A_560] {strides = array<i32>} : memref<80x64xf32, #tpu.memory_space<vmem>>, vector<1x16xf32>,
        %parallel_loop3A_562 = vector.shape_cast %parallel_loop3A_561 : vector<1x16xf32> to vector<16xf32>
        %parallel_loop3A_563 = arith.mulf %parallel_loop3A_558, %parallel_loop3A_562 : vector<16xf32>
        %parallel_loop3A_564 = arith.index_cast %parallel_loop3A_554 : i32 to index
        %parallel_loop3A_565 = arith.constant 0 : index
        %parallel_loop3A_566 = tpu.vector_load %arg13[%parallel_loop3A_564, %parallel_loop3A_565] {strides = array<i32>} : memref<80x64xf32, #tpu.memory_space<vmem>>, vector<1x16xf32>,
        %parallel_loop3A_567 = vector.shape_cast %parallel_loop3A_566 : vector<1x16xf32> to vector<16xf32>
        %parallel_loop3A_568 = vector.shape_cast %parallel_loop3A_563 : vector<16xf32> to vector<1x16xf32>
        tpu.vector_store %arg13[%parallel_loop3A_564, %parallel_loop3A_565], %parallel_loop3A_568 {strides = array<i32>} : memref<80x64xf32, #tpu.memory_space<vmem>>, vector<1x16xf32>,
        %parallel_loop3A_569 = arith.index_cast %parallel_loop3A_554 : i32 to index
        %parallel_loop3A_570 = arith.constant 16 : index
        %parallel_loop3A_571 = tpu.vector_load %arg13[%parallel_loop3A_569, %parallel_loop3A_570] {strides = array<i32>} : memref<80x64xf32, #tpu.memory_space<vmem>>, vector<1x16xf32>,
        %parallel_loop3A_572 = vector.shape_cast %parallel_loop3A_571 : vector<1x16xf32> to vector<16xf32>
        %parallel_loop3A_573 = arith.index_cast %parallel_loop3A_554 : i32 to index
        %parallel_loop3A_574 = arith.constant 16 : index
        %parallel_loop3A_575 = tpu.vector_load %arg17[%parallel_loop3A_573, %parallel_loop3A_574] {strides = array<i32>} : memref<80x64xf32, #tpu.memory_space<vmem>>, vector<1x16xf32>,
        %parallel_loop3A_576 = vector.shape_cast %parallel_loop3A_575 : vector<1x16xf32> to vector<16xf32>
        %parallel_loop3A_577 = arith.mulf %parallel_loop3A_572, %parallel_loop3A_576 : vector<16xf32>
        %parallel_loop3A_578 = arith.index_cast %parallel_loop3A_554 : i32 to index
        %parallel_loop3A_579 = arith.constant 16 : index
        %parallel_loop3A_580 = tpu.vector_load %arg13[%parallel_loop3A_578, %parallel_loop3A_579] {strides = array<i32>} : memref<80x64xf32, #tpu.memory_space<vmem>>, vector<1x16xf32>,
        %parallel_loop3A_581 = vector.shape_cast %parallel_loop3A_580 : vector<1x16xf32> to vector<16xf32>
        %parallel_loop3A_582 = vector.shape_cast %parallel_loop3A_577 : vector<16xf32> to vector<1x16xf32>
        tpu.vector_store %arg13[%parallel_loop3A_578, %parallel_loop3A_579], %parallel_loop3A_582 {strides = array<i32>} : memref<80x64xf32, #tpu.memory_space<vmem>>, vector<1x16xf32>,
        %parallel_loop3A_583 = arith.index_cast %parallel_loop3A_554 : i32 to index
        %parallel_loop3A_584 = arith.constant 32 : index
        %parallel_loop3A_585 = tpu.vector_load %arg13[%parallel_loop3A_583, %parallel_loop3A_584] {strides = array<i32>} : memref<80x64xf32, #tpu.memory_space<vmem>>, vector<1x16xf32>,
        %parallel_loop3A_586 = vector.shape_cast %parallel_loop3A_585 : vector<1x16xf32> to vector<16xf32>
        %parallel_loop3A_587 = arith.index_cast %parallel_loop3A_554 : i32 to index
        %parallel_loop3A_588 = arith.constant 32 : index
        %parallel_loop3A_589 = tpu.vector_load %arg17[%parallel_loop3A_587, %parallel_loop3A_588] {strides = array<i32>} : memref<80x64xf32, #tpu.memory_space<vmem>>, vector<1x16xf32>,
        %parallel_loop3A_590 = vector.shape_cast %parallel_loop3A_589 : vector<1x16xf32> to vector<16xf32>
        %parallel_loop3A_591 = arith.mulf %parallel_loop3A_586, %parallel_loop3A_590 : vector<16xf32>
        %parallel_loop3A_592 = arith.index_cast %parallel_loop3A_554 : i32 to index
        %parallel_loop3A_593 = arith.constant 32 : index
        %parallel_loop3A_594 = tpu.vector_load %arg13[%parallel_loop3A_592, %parallel_loop3A_593] {strides = array<i32>} : memref<80x64xf32, #tpu.memory_space<vmem>>, vector<1x16xf32>,
        %parallel_loop3A_595 = vector.shape_cast %parallel_loop3A_594 : vector<1x16xf32> to vector<16xf32>
        %parallel_loop3A_596 = vector.shape_cast %parallel_loop3A_591 : vector<16xf32> to vector<1x16xf32>
        tpu.vector_store %arg13[%parallel_loop3A_592, %parallel_loop3A_593], %parallel_loop3A_596 {strides = array<i32>} : memref<80x64xf32, #tpu.memory_space<vmem>>, vector<1x16xf32>,
        %parallel_loop3A_597 = arith.index_cast %parallel_loop3A_554 : i32 to index
        %parallel_loop3A_598 = arith.constant 48 : index
        %parallel_loop3A_599 = tpu.vector_load %arg13[%parallel_loop3A_597, %parallel_loop3A_598] {strides = array<i32>} : memref<80x64xf32, #tpu.memory_space<vmem>>, vector<1x16xf32>,
        %parallel_loop3A_600 = vector.shape_cast %parallel_loop3A_599 : vector<1x16xf32> to vector<16xf32>
        %parallel_loop3A_601 = arith.index_cast %parallel_loop3A_554 : i32 to index
        %parallel_loop3A_602 = arith.constant 48 : index
        %parallel_loop3A_603 = tpu.vector_load %arg17[%parallel_loop3A_601, %parallel_loop3A_602] {strides = array<i32>} : memref<80x64xf32, #tpu.memory_space<vmem>>, vector<1x16xf32>,
        %parallel_loop3A_604 = vector.shape_cast %parallel_loop3A_603 : vector<1x16xf32> to vector<16xf32>
        %parallel_loop3A_605 = arith.mulf %parallel_loop3A_600, %parallel_loop3A_604 : vector<16xf32>
        %parallel_loop3A_606 = arith.index_cast %parallel_loop3A_554 : i32 to index
        %parallel_loop3A_607 = arith.constant 48 : index
        %parallel_loop3A_608 = tpu.vector_load %arg13[%parallel_loop3A_606, %parallel_loop3A_607] {strides = array<i32>} : memref<80x64xf32, #tpu.memory_space<vmem>>, vector<1x16xf32>,
        %parallel_loop3A_609 = vector.shape_cast %parallel_loop3A_608 : vector<1x16xf32> to vector<16xf32>
        %parallel_loop3A_610 = vector.shape_cast %parallel_loop3A_605 : vector<16xf32> to vector<1x16xf32>
        tpu.vector_store %arg13[%parallel_loop3A_606, %parallel_loop3A_607], %parallel_loop3A_610 {strides = array<i32>} : memref<80x64xf32, #tpu.memory_space<vmem>>, vector<1x16xf32>,
      } {sc.loop_unroll_factor = 4 : i64, sc.parallel_access}
      %mul3A_426 = arith.constant 80 : i32
      %mul3A_427 = arith.muli %add3A_397, %mul3A_426 : i32
      %add3A_428 = arith.addi %mul3A_61, %mul3A_427 : i32
      %dma_wait3A_429 = tpu.memref_slice %arg9[%add3A_428] : memref<320000xi32, #tpu.memory_space<hbm>> -> memref<80xi32, #tpu.memory_space<hbm>>
      %dma_wait3A_430 = tpu.memref_slice %arg9[%add3A_428] : memref<320000xi32, #tpu.memory_space<hbm>> -> memref<80xi32, #tpu.memory_space<hbm>>
      tpu.wait_dma2 semaphore(%arg49 : memref<!tpu.dma_semaphore, #tpu.memory_space<semaphore_mem>>) src(%dma_wait3A_430 : memref<80xi32, #tpu.memory_space<hbm>>) dst(%arg29 : memref<80xi32, #tpu.memory_space<vmem>>)
      %dma_start3A_431 = arith.constant 0 : i32
      %dma_start3A_432 = arith.constant 0 : i32
      %dma_start3A_433 = tpu.memref_slice %arg34[%dma_start3A_431, %dma_start3A_432] : memref<10000x64xf32, #tpu.memory_space<vmem_shared>> -> memref<10000x64xf32, #tpu.memory_space<vmem_shared>>
      tpu.enqueue_indirect_dma source(%arg13 : memref<80x64xf32, #tpu.memory_space<vmem>>) target(%dma_start3A_433 : memref<10000x64xf32, #tpu.memory_space<vmem_shared>>) offsets(%arg29 : memref<80xi32, #tpu.memory_space<vmem>>) semaphore(%arg53 : memref<!tpu.dma_semaphore, #tpu.memory_space<semaphore_mem>>) {add = true}
      %mul3A_434 = arith.constant 4 : i32
      %mul3A_435 = arith.muli %mul3A_434, %scan3A_393 : i32
      %add3A_436 = arith.constant 1 : i32
      %add3A_437 = arith.addi %mul3A_435, %add3A_436 : i32
      %ge3A_438 = arith.constant 2 : i32
      %ge3A_439 = arith.cmpi sge, %add3A_437, %ge3A_438 : i32
      %convert_element_type3A_440 = arith.extui %ge3A_439 : i1 to i32
      %cond3A_441 = arith.constant 0 : i32
      %cond3A_442 = arith.cmpi ne, %convert_element_type3A_440, %cond3A_441 : i32
      scf.if %cond3A_442 {
        %dma_wait3A_554 = arith.constant 0 : i32
        %dma_wait3A_555 = arith.constant 0 : i32
        %dma_wait3A_556 = tpu.memref_slice %arg34[%dma_wait3A_554, %dma_wait3A_555] : memref<10000x64xf32, #tpu.memory_space<vmem_shared>> -> memref<10000x64xf32, #tpu.memory_space<vmem_shared>>
        tpu.wait_indirect_dma semaphore(%arg56 : memref<!tpu.dma_semaphore, #tpu.memory_space<semaphore_mem>>) src(%arg16 : memref<80x64xf32, #tpu.memory_space<vmem>>) dst(%dma_wait3A_556 : memref<10000x64xf32, #tpu.memory_space<vmem_shared>>)
      } else {
      }
      %add3A_443 = arith.constant 2 : i32
      %add3A_444 = arith.addi %add3A_437, %add3A_443 : i32
      %lt3A_445 = arith.constant 250 : i32
      %lt3A_446 = arith.cmpi slt, %add3A_444, %lt3A_445 : i32
      %convert_element_type3A_447 = arith.extui %lt3A_446 : i1 to i32
      %cond3A_448 = arith.constant 0 : i32
      %cond3A_449 = arith.cmpi ne, %convert_element_type3A_447, %cond3A_448 : i32
      scf.if %cond3A_449 {
        %add3A_554 = arith.constant 2 : i32
        %add3A_555 = arith.addi %add3A_437, %add3A_554 : i32
        %mul3A_556 = arith.constant 80 : i32
        %mul3A_557 = arith.muli %add3A_555, %mul3A_556 : i32
        %add3A_558 = arith.addi %mul3A_61, %mul3A_557 : i32
        %dma_start3A_559 = tpu.memref_slice %arg9[%add3A_558] : memref<320000xi32, #tpu.memory_space<hbm>> -> memref<80xi32, #tpu.memory_space<hbm>>
        %dma_start3A_560 = tpu.memref_slice %arg9[%add3A_558] : memref<320000xi32, #tpu.memory_space<hbm>> -> memref<80xi32, #tpu.memory_space<hbm>>
        tpu.enqueue_dma source(%dma_start3A_560 : memref<80xi32, #tpu.memory_space<hbm>>) target(%arg32 : memref<80xi32, #tpu.memory_space<vmem>>) target_semaphore(%arg52 : memref<!tpu.dma_semaphore, #tpu.memory_space<semaphore_mem>>)
        %add3A_561 = arith.constant 2 : i32
        %add3A_562 = arith.addi %add3A_437, %add3A_561 : i32
        %mul3A_563 = arith.constant 80 : i32
        %mul3A_564 = arith.muli %add3A_562, %mul3A_563 : i32
        %add3A_565 = arith.addi %mul3A_61, %mul3A_564 : i32
        %dma_wait3A_566 = tpu.memref_slice %arg8[%add3A_565] : memref<320000xi32, #tpu.memory_space<hbm>> -> memref<80xi32, #tpu.memory_space<hbm>>
        %dma_wait3A_567 = tpu.memref_slice %arg8[%add3A_565] : memref<320000xi32, #tpu.memory_space<hbm>> -> memref<80xi32, #tpu.memory_space<hbm>>
        tpu.wait_dma2 semaphore(%arg48 : memref<!tpu.dma_semaphore, #tpu.memory_space<semaphore_mem>>) src(%dma_wait3A_567 : memref<80xi32, #tpu.memory_space<hbm>>) dst(%arg24 : memref<80xi32, #tpu.memory_space<vmem>>)
        %mul3A_568 = arith.constant 80 : i32
        %mul3A_569 = arith.muli %add3A_562, %mul3A_568 : i32
        %add3A_570 = arith.addi %mul3A_61, %mul3A_569 : i32
        %dma_wait3A_571 = tpu.memref_slice %arg10[%add3A_570] : memref<320000xi32, #tpu.memory_space<hbm>> -> memref<80xi32, #tpu.memory_space<hbm>>
        %dma_wait3A_572 = tpu.memref_slice %arg10[%add3A_570] : memref<320000xi32, #tpu.memory_space<hbm>> -> memref<80xi32, #tpu.memory_space<hbm>>
        tpu.wait_dma2 semaphore(%arg48 : memref<!tpu.dma_semaphore, #tpu.memory_space<semaphore_mem>>) src(%dma_wait3A_572 : memref<80xi32, #tpu.memory_space<hbm>>) dst(%arg28 : memref<80xi32, #tpu.memory_space<vmem>>)
        %dma_start3A_573 = arith.constant 0 : i32
        %dma_start3A_574 = arith.constant 0 : i32
        %dma_start3A_575 = tpu.memref_slice %arg33[%dma_start3A_573, %dma_start3A_574] : memref<10000x64xf32, #tpu.memory_space<vmem_shared>> -> memref<10000x64xf32, #tpu.memory_space<vmem_shared>>
        tpu.enqueue_indirect_dma source(%dma_start3A_575 : memref<10000x64xf32, #tpu.memory_space<vmem_shared>>) target(%arg16 : memref<80x64xf32, #tpu.memory_space<vmem>>) offsets(%arg24 : memref<80xi32, #tpu.memory_space<vmem>>) semaphore(%arg40 : memref<!tpu.dma_semaphore, #tpu.memory_space<semaphore_mem>>)
        %dma_start3A_576 = arith.constant 0 : i32
        %dma_start3A_577 = arith.constant 0 : i32
        %dma_start3A_578 = tpu.memref_slice %arg36[%dma_start3A_576, %dma_start3A_577] : memref<100x64xf32, #tpu.memory_space<vmem_shared>> -> memref<100x64xf32, #tpu.memory_space<vmem_shared>>
        tpu.enqueue_indirect_dma source(%dma_start3A_578 : memref<100x64xf32, #tpu.memory_space<vmem_shared>>) target(%arg20 : memref<80x64xf32, #tpu.memory_space<vmem>>) offsets(%arg28 : memref<80xi32, #tpu.memory_space<vmem>>) semaphore(%arg44 : memref<!tpu.dma_semaphore, #tpu.memory_space<semaphore_mem>>)
      } else {
      }
      %add3A_450 = arith.constant 3 : i32
      %add3A_451 = arith.addi %add3A_437, %add3A_450 : i32
      %lt3A_452 = arith.constant 250 : i32
      %lt3A_453 = arith.cmpi slt, %add3A_451, %lt3A_452 : i32
      %convert_element_type3A_454 = arith.extui %lt3A_453 : i1 to i32
      %cond3A_455 = arith.constant 0 : i32
      %cond3A_456 = arith.cmpi ne, %convert_element_type3A_454, %cond3A_455 : i32
      scf.if %cond3A_456 {
        %add3A_554 = arith.constant 3 : i32
        %add3A_555 = arith.addi %add3A_437, %add3A_554 : i32
        %mul3A_556 = arith.constant 80 : i32
        %mul3A_557 = arith.muli %add3A_555, %mul3A_556 : i32
        %add3A_558 = arith.addi %mul3A_61, %mul3A_557 : i32
        %dma_start3A_559 = tpu.memref_slice %arg8[%add3A_558] : memref<320000xi32, #tpu.memory_space<hbm>> -> memref<80xi32, #tpu.memory_space<hbm>>
        %dma_start3A_560 = tpu.memref_slice %arg8[%add3A_558] : memref<320000xi32, #tpu.memory_space<hbm>> -> memref<80xi32, #tpu.memory_space<hbm>>
        tpu.enqueue_dma source(%dma_start3A_560 : memref<80xi32, #tpu.memory_space<hbm>>) target(%arg21 : memref<80xi32, #tpu.memory_space<vmem>>) target_semaphore(%arg45 : memref<!tpu.dma_semaphore, #tpu.memory_space<semaphore_mem>>)
        %mul3A_561 = arith.constant 80 : i32
        %mul3A_562 = arith.muli %add3A_555, %mul3A_561 : i32
        %add3A_563 = arith.addi %mul3A_61, %mul3A_562 : i32
        %dma_start3A_564 = tpu.memref_slice %arg10[%add3A_563] : memref<320000xi32, #tpu.memory_space<hbm>> -> memref<80xi32, #tpu.memory_space<hbm>>
        %dma_start3A_565 = tpu.memref_slice %arg10[%add3A_563] : memref<320000xi32, #tpu.memory_space<hbm>> -> memref<80xi32, #tpu.memory_space<hbm>>
        tpu.enqueue_dma source(%dma_start3A_565 : memref<80xi32, #tpu.memory_space<hbm>>) target(%arg25 : memref<80xi32, #tpu.memory_space<vmem>>) target_semaphore(%arg45 : memref<!tpu.dma_semaphore, #tpu.memory_space<semaphore_mem>>)
      } else {
      }
      %dma_wait3A_457 = arith.constant 0 : i32
      %dma_wait3A_458 = arith.constant 0 : i32
      %dma_wait3A_459 = tpu.memref_slice %arg33[%dma_wait3A_457, %dma_wait3A_458] : memref<10000x64xf32, #tpu.memory_space<vmem_shared>> -> memref<10000x64xf32, #tpu.memory_space<vmem_shared>>
      tpu.wait_indirect_dma semaphore(%arg38 : memref<!tpu.dma_semaphore, #tpu.memory_space<semaphore_mem>>) src(%dma_wait3A_459 : memref<10000x64xf32, #tpu.memory_space<vmem_shared>>) dst(%arg14 : memref<80x64xf32, #tpu.memory_space<vmem>>)
      %dma_wait3A_460 = arith.constant 0 : i32
      %dma_wait3A_461 = arith.constant 0 : i32
      %dma_wait3A_462 = tpu.memref_slice %arg36[%dma_wait3A_460, %dma_wait3A_461] : memref<100x64xf32, #tpu.memory_space<vmem_shared>> -> memref<100x64xf32, #tpu.memory_space<vmem_shared>>
      tpu.wait_indirect_dma semaphore(%arg42 : memref<!tpu.dma_semaphore, #tpu.memory_space<semaphore_mem>>) src(%dma_wait3A_462 : memref<100x64xf32, #tpu.memory_space<vmem_shared>>) dst(%arg18 : memref<80x64xf32, #tpu.memory_space<vmem>>)
      %parallel_loop3A_463 = arith.constant 0 : i32
      %parallel_loop3A_464 = arith.constant 80 : i32
      %parallel_loop3A_465 = arith.constant 1 : i32
      scf.for %parallel_loop3A_554 = %parallel_loop3A_463 to %parallel_loop3A_464 step %parallel_loop3A_465  : i32 {
        %parallel_loop3A_555 = arith.index_cast %parallel_loop3A_554 : i32 to index
        %parallel_loop3A_556 = arith.constant 0 : index
        %parallel_loop3A_557 = tpu.vector_load %arg14[%parallel_loop3A_555, %parallel_loop3A_556] {strides = array<i32>} : memref<80x64xf32, #tpu.memory_space<vmem>>, vector<1x16xf32>,
        %parallel_loop3A_558 = vector.shape_cast %parallel_loop3A_557 : vector<1x16xf32> to vector<16xf32>
        %parallel_loop3A_559 = arith.index_cast %parallel_loop3A_554 : i32 to index
        %parallel_loop3A_560 = arith.constant 0 : index
        %parallel_loop3A_561 = tpu.vector_load %arg18[%parallel_loop3A_559, %parallel_loop3A_560] {strides = array<i32>} : memref<80x64xf32, #tpu.memory_space<vmem>>, vector<1x16xf32>,
        %parallel_loop3A_562 = vector.shape_cast %parallel_loop3A_561 : vector<1x16xf32> to vector<16xf32>
        %parallel_loop3A_563 = arith.mulf %parallel_loop3A_558, %parallel_loop3A_562 : vector<16xf32>
        %parallel_loop3A_564 = arith.index_cast %parallel_loop3A_554 : i32 to index
        %parallel_loop3A_565 = arith.constant 0 : index
        %parallel_loop3A_566 = tpu.vector_load %arg14[%parallel_loop3A_564, %parallel_loop3A_565] {strides = array<i32>} : memref<80x64xf32, #tpu.memory_space<vmem>>, vector<1x16xf32>,
        %parallel_loop3A_567 = vector.shape_cast %parallel_loop3A_566 : vector<1x16xf32> to vector<16xf32>
        %parallel_loop3A_568 = vector.shape_cast %parallel_loop3A_563 : vector<16xf32> to vector<1x16xf32>
        tpu.vector_store %arg14[%parallel_loop3A_564, %parallel_loop3A_565], %parallel_loop3A_568 {strides = array<i32>} : memref<80x64xf32, #tpu.memory_space<vmem>>, vector<1x16xf32>,
        %parallel_loop3A_569 = arith.index_cast %parallel_loop3A_554 : i32 to index
        %parallel_loop3A_570 = arith.constant 16 : index
        %parallel_loop3A_571 = tpu.vector_load %arg14[%parallel_loop3A_569, %parallel_loop3A_570] {strides = array<i32>} : memref<80x64xf32, #tpu.memory_space<vmem>>, vector<1x16xf32>,
        %parallel_loop3A_572 = vector.shape_cast %parallel_loop3A_571 : vector<1x16xf32> to vector<16xf32>
        %parallel_loop3A_573 = arith.index_cast %parallel_loop3A_554 : i32 to index
        %parallel_loop3A_574 = arith.constant 16 : index
        %parallel_loop3A_575 = tpu.vector_load %arg18[%parallel_loop3A_573, %parallel_loop3A_574] {strides = array<i32>} : memref<80x64xf32, #tpu.memory_space<vmem>>, vector<1x16xf32>,
        %parallel_loop3A_576 = vector.shape_cast %parallel_loop3A_575 : vector<1x16xf32> to vector<16xf32>
        %parallel_loop3A_577 = arith.mulf %parallel_loop3A_572, %parallel_loop3A_576 : vector<16xf32>
        %parallel_loop3A_578 = arith.index_cast %parallel_loop3A_554 : i32 to index
        %parallel_loop3A_579 = arith.constant 16 : index
        %parallel_loop3A_580 = tpu.vector_load %arg14[%parallel_loop3A_578, %parallel_loop3A_579] {strides = array<i32>} : memref<80x64xf32, #tpu.memory_space<vmem>>, vector<1x16xf32>,
        %parallel_loop3A_581 = vector.shape_cast %parallel_loop3A_580 : vector<1x16xf32> to vector<16xf32>
        %parallel_loop3A_582 = vector.shape_cast %parallel_loop3A_577 : vector<16xf32> to vector<1x16xf32>
        tpu.vector_store %arg14[%parallel_loop3A_578, %parallel_loop3A_579], %parallel_loop3A_582 {strides = array<i32>} : memref<80x64xf32, #tpu.memory_space<vmem>>, vector<1x16xf32>,
        %parallel_loop3A_583 = arith.index_cast %parallel_loop3A_554 : i32 to index
        %parallel_loop3A_584 = arith.constant 32 : index
        %parallel_loop3A_585 = tpu.vector_load %arg14[%parallel_loop3A_583, %parallel_loop3A_584] {strides = array<i32>} : memref<80x64xf32, #tpu.memory_space<vmem>>, vector<1x16xf32>,
        %parallel_loop3A_586 = vector.shape_cast %parallel_loop3A_585 : vector<1x16xf32> to vector<16xf32>
        %parallel_loop3A_587 = arith.index_cast %parallel_loop3A_554 : i32 to index
        %parallel_loop3A_588 = arith.constant 32 : index
        %parallel_loop3A_589 = tpu.vector_load %arg18[%parallel_loop3A_587, %parallel_loop3A_588] {strides = array<i32>} : memref<80x64xf32, #tpu.memory_space<vmem>>, vector<1x16xf32>,
        %parallel_loop3A_590 = vector.shape_cast %parallel_loop3A_589 : vector<1x16xf32> to vector<16xf32>
        %parallel_loop3A_591 = arith.mulf %parallel_loop3A_586, %parallel_loop3A_590 : vector<16xf32>
        %parallel_loop3A_592 = arith.index_cast %parallel_loop3A_554 : i32 to index
        %parallel_loop3A_593 = arith.constant 32 : index
        %parallel_loop3A_594 = tpu.vector_load %arg14[%parallel_loop3A_592, %parallel_loop3A_593] {strides = array<i32>} : memref<80x64xf32, #tpu.memory_space<vmem>>, vector<1x16xf32>,
        %parallel_loop3A_595 = vector.shape_cast %parallel_loop3A_594 : vector<1x16xf32> to vector<16xf32>
        %parallel_loop3A_596 = vector.shape_cast %parallel_loop3A_591 : vector<16xf32> to vector<1x16xf32>
        tpu.vector_store %arg14[%parallel_loop3A_592, %parallel_loop3A_593], %parallel_loop3A_596 {strides = array<i32>} : memref<80x64xf32, #tpu.memory_space<vmem>>, vector<1x16xf32>,
        %parallel_loop3A_597 = arith.index_cast %parallel_loop3A_554 : i32 to index
        %parallel_loop3A_598 = arith.constant 48 : index
        %parallel_loop3A_599 = tpu.vector_load %arg14[%parallel_loop3A_597, %parallel_loop3A_598] {strides = array<i32>} : memref<80x64xf32, #tpu.memory_space<vmem>>, vector<1x16xf32>,
        %parallel_loop3A_600 = vector.shape_cast %parallel_loop3A_599 : vector<1x16xf32> to vector<16xf32>
        %parallel_loop3A_601 = arith.index_cast %parallel_loop3A_554 : i32 to index
        %parallel_loop3A_602 = arith.constant 48 : index
        %parallel_loop3A_603 = tpu.vector_load %arg18[%parallel_loop3A_601, %parallel_loop3A_602] {strides = array<i32>} : memref<80x64xf32, #tpu.memory_space<vmem>>, vector<1x16xf32>,
        %parallel_loop3A_604 = vector.shape_cast %parallel_loop3A_603 : vector<1x16xf32> to vector<16xf32>
        %parallel_loop3A_605 = arith.mulf %parallel_loop3A_600, %parallel_loop3A_604 : vector<16xf32>
        %parallel_loop3A_606 = arith.index_cast %parallel_loop3A_554 : i32 to index
        %parallel_loop3A_607 = arith.constant 48 : index
        %parallel_loop3A_608 = tpu.vector_load %arg14[%parallel_loop3A_606, %parallel_loop3A_607] {strides = array<i32>} : memref<80x64xf32, #tpu.memory_space<vmem>>, vector<1x16xf32>,
        %parallel_loop3A_609 = vector.shape_cast %parallel_loop3A_608 : vector<1x16xf32> to vector<16xf32>
        %parallel_loop3A_610 = vector.shape_cast %parallel_loop3A_605 : vector<16xf32> to vector<1x16xf32>
        tpu.vector_store %arg14[%parallel_loop3A_606, %parallel_loop3A_607], %parallel_loop3A_610 {strides = array<i32>} : memref<80x64xf32, #tpu.memory_space<vmem>>, vector<1x16xf32>,
      } {sc.loop_unroll_factor = 4 : i64, sc.parallel_access}
      %mul3A_466 = arith.constant 80 : i32
      %mul3A_467 = arith.muli %add3A_437, %mul3A_466 : i32
      %add3A_468 = arith.addi %mul3A_61, %mul3A_467 : i32
      %dma_wait3A_469 = tpu.memref_slice %arg9[%add3A_468] : memref<320000xi32, #tpu.memory_space<hbm>> -> memref<80xi32, #tpu.memory_space<hbm>>
      %dma_wait3A_470 = tpu.memref_slice %arg9[%add3A_468] : memref<320000xi32, #tpu.memory_space<hbm>> -> memref<80xi32, #tpu.memory_space<hbm>>
      tpu.wait_dma2 semaphore(%arg50 : memref<!tpu.dma_semaphore, #tpu.memory_space<semaphore_mem>>) src(%dma_wait3A_470 : memref<80xi32, #tpu.memory_space<hbm>>) dst(%arg30 : memref<80xi32, #tpu.memory_space<vmem>>)
      %dma_start3A_471 = arith.constant 0 : i32
      %dma_start3A_472 = arith.constant 0 : i32
      %dma_start3A_473 = tpu.memref_slice %arg34[%dma_start3A_471, %dma_start3A_472] : memref<10000x64xf32, #tpu.memory_space<vmem_shared>> -> memref<10000x64xf32, #tpu.memory_space<vmem_shared>>
      tpu.enqueue_indirect_dma source(%arg14 : memref<80x64xf32, #tpu.memory_space<vmem>>) target(%dma_start3A_473 : memref<10000x64xf32, #tpu.memory_space<vmem_shared>>) offsets(%arg30 : memref<80xi32, #tpu.memory_space<vmem>>) semaphore(%arg54 : memref<!tpu.dma_semaphore, #tpu.memory_space<semaphore_mem>>) {add = true}
      %mul3A_474 = arith.constant 4 : i32
      %mul3A_475 = arith.muli %mul3A_474, %scan3A_393 : i32
      %add3A_476 = arith.constant 2 : i32
      %add3A_477 = arith.addi %mul3A_475, %add3A_476 : i32
      %ge3A_478 = arith.constant 2 : i32
      %ge3A_479 = arith.cmpi sge, %add3A_477, %ge3A_478 : i32
      %convert_element_type3A_480 = arith.extui %ge3A_479 : i1 to i32
      %cond3A_481 = arith.constant 0 : i32
      %cond3A_482 = arith.cmpi ne, %convert_element_type3A_480, %cond3A_481 : i32
      scf.if %cond3A_482 {
        %dma_wait3A_554 = arith.constant 0 : i32
        %dma_wait3A_555 = arith.constant 0 : i32
        %dma_wait3A_556 = tpu.memref_slice %arg34[%dma_wait3A_554, %dma_wait3A_555] : memref<10000x64xf32, #tpu.memory_space<vmem_shared>> -> memref<10000x64xf32, #tpu.memory_space<vmem_shared>>
        tpu.wait_indirect_dma semaphore(%arg53 : memref<!tpu.dma_semaphore, #tpu.memory_space<semaphore_mem>>) src(%arg13 : memref<80x64xf32, #tpu.memory_space<vmem>>) dst(%dma_wait3A_556 : memref<10000x64xf32, #tpu.memory_space<vmem_shared>>)
      } else {
      }
      %add3A_483 = arith.constant 2 : i32
      %add3A_484 = arith.addi %add3A_477, %add3A_483 : i32
      %lt3A_485 = arith.constant 250 : i32
      %lt3A_486 = arith.cmpi slt, %add3A_484, %lt3A_485 : i32
      %convert_element_type3A_487 = arith.extui %lt3A_486 : i1 to i32
      %cond3A_488 = arith.constant 0 : i32
      %cond3A_489 = arith.cmpi ne, %convert_element_type3A_487, %cond3A_488 : i32
      scf.if %cond3A_489 {
        %add3A_554 = arith.constant 2 : i32
        %add3A_555 = arith.addi %add3A_477, %add3A_554 : i32
        %mul3A_556 = arith.constant 80 : i32
        %mul3A_557 = arith.muli %add3A_555, %mul3A_556 : i32
        %add3A_558 = arith.addi %mul3A_61, %mul3A_557 : i32
        %dma_start3A_559 = tpu.memref_slice %arg9[%add3A_558] : memref<320000xi32, #tpu.memory_space<hbm>> -> memref<80xi32, #tpu.memory_space<hbm>>
        %dma_start3A_560 = tpu.memref_slice %arg9[%add3A_558] : memref<320000xi32, #tpu.memory_space<hbm>> -> memref<80xi32, #tpu.memory_space<hbm>>
        tpu.enqueue_dma source(%dma_start3A_560 : memref<80xi32, #tpu.memory_space<hbm>>) target(%arg29 : memref<80xi32, #tpu.memory_space<vmem>>) target_semaphore(%arg49 : memref<!tpu.dma_semaphore, #tpu.memory_space<semaphore_mem>>)
        %add3A_561 = arith.constant 2 : i32
        %add3A_562 = arith.addi %add3A_477, %add3A_561 : i32
        %mul3A_563 = arith.constant 80 : i32
        %mul3A_564 = arith.muli %add3A_562, %mul3A_563 : i32
        %add3A_565 = arith.addi %mul3A_61, %mul3A_564 : i32
        %dma_wait3A_566 = tpu.memref_slice %arg8[%add3A_565] : memref<320000xi32, #tpu.memory_space<hbm>> -> memref<80xi32, #tpu.memory_space<hbm>>
        %dma_wait3A_567 = tpu.memref_slice %arg8[%add3A_565] : memref<320000xi32, #tpu.memory_space<hbm>> -> memref<80xi32, #tpu.memory_space<hbm>>
        tpu.wait_dma2 semaphore(%arg45 : memref<!tpu.dma_semaphore, #tpu.memory_space<semaphore_mem>>) src(%dma_wait3A_567 : memref<80xi32, #tpu.memory_space<hbm>>) dst(%arg21 : memref<80xi32, #tpu.memory_space<vmem>>)
        %mul3A_568 = arith.constant 80 : i32
        %mul3A_569 = arith.muli %add3A_562, %mul3A_568 : i32
        %add3A_570 = arith.addi %mul3A_61, %mul3A_569 : i32
        %dma_wait3A_571 = tpu.memref_slice %arg10[%add3A_570] : memref<320000xi32, #tpu.memory_space<hbm>> -> memref<80xi32, #tpu.memory_space<hbm>>
        %dma_wait3A_572 = tpu.memref_slice %arg10[%add3A_570] : memref<320000xi32, #tpu.memory_space<hbm>> -> memref<80xi32, #tpu.memory_space<hbm>>
        tpu.wait_dma2 semaphore(%arg45 : memref<!tpu.dma_semaphore, #tpu.memory_space<semaphore_mem>>) src(%dma_wait3A_572 : memref<80xi32, #tpu.memory_space<hbm>>) dst(%arg25 : memref<80xi32, #tpu.memory_space<vmem>>)
        %dma_start3A_573 = arith.constant 0 : i32
        %dma_start3A_574 = arith.constant 0 : i32
        %dma_start3A_575 = tpu.memref_slice %arg33[%dma_start3A_573, %dma_start3A_574] : memref<10000x64xf32, #tpu.memory_space<vmem_shared>> -> memref<10000x64xf32, #tpu.memory_space<vmem_shared>>
        tpu.enqueue_indirect_dma source(%dma_start3A_575 : memref<10000x64xf32, #tpu.memory_space<vmem_shared>>) target(%arg13 : memref<80x64xf32, #tpu.memory_space<vmem>>) offsets(%arg21 : memref<80xi32, #tpu.memory_space<vmem>>) semaphore(%arg37 : memref<!tpu.dma_semaphore, #tpu.memory_space<semaphore_mem>>)
        %dma_start3A_576 = arith.constant 0 : i32
        %dma_start3A_577 = arith.constant 0 : i32
        %dma_start3A_578 = tpu.memref_slice %arg36[%dma_start3A_576, %dma_start3A_577] : memref<100x64xf32, #tpu.memory_space<vmem_shared>> -> memref<100x64xf32, #tpu.memory_space<vmem_shared>>
        tpu.enqueue_indirect_dma source(%dma_start3A_578 : memref<100x64xf32, #tpu.memory_space<vmem_shared>>) target(%arg17 : memref<80x64xf32, #tpu.memory_space<vmem>>) offsets(%arg25 : memref<80xi32, #tpu.memory_space<vmem>>) semaphore(%arg41 : memref<!tpu.dma_semaphore, #tpu.memory_space<semaphore_mem>>)
      } else {
      }
      %add3A_490 = arith.constant 3 : i32
      %add3A_491 = arith.addi %add3A_477, %add3A_490 : i32
      %lt3A_492 = arith.constant 250 : i32
      %lt3A_493 = arith.cmpi slt, %add3A_491, %lt3A_492 : i32
      %convert_element_type3A_494 = arith.extui %lt3A_493 : i1 to i32
      %cond3A_495 = arith.constant 0 : i32
      %cond3A_496 = arith.cmpi ne, %convert_element_type3A_494, %cond3A_495 : i32
      scf.if %cond3A_496 {
        %add3A_554 = arith.constant 3 : i32
        %add3A_555 = arith.addi %add3A_477, %add3A_554 : i32
        %mul3A_556 = arith.constant 80 : i32
        %mul3A_557 = arith.muli %add3A_555, %mul3A_556 : i32
        %add3A_558 = arith.addi %mul3A_61, %mul3A_557 : i32
        %dma_start3A_559 = tpu.memref_slice %arg8[%add3A_558] : memref<320000xi32, #tpu.memory_space<hbm>> -> memref<80xi32, #tpu.memory_space<hbm>>
        %dma_start3A_560 = tpu.memref_slice %arg8[%add3A_558] : memref<320000xi32, #tpu.memory_space<hbm>> -> memref<80xi32, #tpu.memory_space<hbm>>
        tpu.enqueue_dma source(%dma_start3A_560 : memref<80xi32, #tpu.memory_space<hbm>>) target(%arg22 : memref<80xi32, #tpu.memory_space<vmem>>) target_semaphore(%arg46 : memref<!tpu.dma_semaphore, #tpu.memory_space<semaphore_mem>>)
        %mul3A_561 = arith.constant 80 : i32
        %mul3A_562 = arith.muli %add3A_555, %mul3A_561 : i32
        %add3A_563 = arith.addi %mul3A_61, %mul3A_562 : i32
        %dma_start3A_564 = tpu.memref_slice %arg10[%add3A_563] : memref<320000xi32, #tpu.memory_space<hbm>> -> memref<80xi32, #tpu.memory_space<hbm>>
        %dma_start3A_565 = tpu.memref_slice %arg10[%add3A_563] : memref<320000xi32, #tpu.memory_space<hbm>> -> memref<80xi32, #tpu.memory_space<hbm>>
        tpu.enqueue_dma source(%dma_start3A_565 : memref<80xi32, #tpu.memory_space<hbm>>) target(%arg26 : memref<80xi32, #tpu.memory_space<vmem>>) target_semaphore(%arg46 : memref<!tpu.dma_semaphore, #tpu.memory_space<semaphore_mem>>)
      } else {
      }
      %dma_wait3A_497 = arith.constant 0 : i32
      %dma_wait3A_498 = arith.constant 0 : i32
      %dma_wait3A_499 = tpu.memref_slice %arg33[%dma_wait3A_497, %dma_wait3A_498] : memref<10000x64xf32, #tpu.memory_space<vmem_shared>> -> memref<10000x64xf32, #tpu.memory_space<vmem_shared>>
      tpu.wait_indirect_dma semaphore(%arg39 : memref<!tpu.dma_semaphore, #tpu.memory_space<semaphore_mem>>) src(%dma_wait3A_499 : memref<10000x64xf32, #tpu.memory_space<vmem_shared>>) dst(%arg15 : memref<80x64xf32, #tpu.memory_space<vmem>>)
      %dma_wait3A_500 = arith.constant 0 : i32
      %dma_wait3A_501 = arith.constant 0 : i32
      %dma_wait3A_502 = tpu.memref_slice %arg36[%dma_wait3A_500, %dma_wait3A_501] : memref<100x64xf32, #tpu.memory_space<vmem_shared>> -> memref<100x64xf32, #tpu.memory_space<vmem_shared>>
      tpu.wait_indirect_dma semaphore(%arg43 : memref<!tpu.dma_semaphore, #tpu.memory_space<semaphore_mem>>) src(%dma_wait3A_502 : memref<100x64xf32, #tpu.memory_space<vmem_shared>>) dst(%arg19 : memref<80x64xf32, #tpu.memory_space<vmem>>)
      %parallel_loop3A_503 = arith.constant 0 : i32
      %parallel_loop3A_504 = arith.constant 80 : i32
      %parallel_loop3A_505 = arith.constant 1 : i32
      scf.for %parallel_loop3A_554 = %parallel_loop3A_503 to %parallel_loop3A_504 step %parallel_loop3A_505  : i32 {
        %parallel_loop3A_555 = arith.index_cast %parallel_loop3A_554 : i32 to index
        %parallel_loop3A_556 = arith.constant 0 : index
        %parallel_loop3A_557 = tpu.vector_load %arg15[%parallel_loop3A_555, %parallel_loop3A_556] {strides = array<i32>} : memref<80x64xf32, #tpu.memory_space<vmem>>, vector<1x16xf32>,
        %parallel_loop3A_558 = vector.shape_cast %parallel_loop3A_557 : vector<1x16xf32> to vector<16xf32>
        %parallel_loop3A_559 = arith.index_cast %parallel_loop3A_554 : i32 to index
        %parallel_loop3A_560 = arith.constant 0 : index
        %parallel_loop3A_561 = tpu.vector_load %arg19[%parallel_loop3A_559, %parallel_loop3A_560] {strides = array<i32>} : memref<80x64xf32, #tpu.memory_space<vmem>>, vector<1x16xf32>,
        %parallel_loop3A_562 = vector.shape_cast %parallel_loop3A_561 : vector<1x16xf32> to vector<16xf32>
        %parallel_loop3A_563 = arith.mulf %parallel_loop3A_558, %parallel_loop3A_562 : vector<16xf32>
        %parallel_loop3A_564 = arith.index_cast %parallel_loop3A_554 : i32 to index
        %parallel_loop3A_565 = arith.constant 0 : index
        %parallel_loop3A_566 = tpu.vector_load %arg15[%parallel_loop3A_564, %parallel_loop3A_565] {strides = array<i32>} : memref<80x64xf32, #tpu.memory_space<vmem>>, vector<1x16xf32>,
        %parallel_loop3A_567 = vector.shape_cast %parallel_loop3A_566 : vector<1x16xf32> to vector<16xf32>
        %parallel_loop3A_568 = vector.shape_cast %parallel_loop3A_563 : vector<16xf32> to vector<1x16xf32>
        tpu.vector_store %arg15[%parallel_loop3A_564, %parallel_loop3A_565], %parallel_loop3A_568 {strides = array<i32>} : memref<80x64xf32, #tpu.memory_space<vmem>>, vector<1x16xf32>,
        %parallel_loop3A_569 = arith.index_cast %parallel_loop3A_554 : i32 to index
        %parallel_loop3A_570 = arith.constant 16 : index
        %parallel_loop3A_571 = tpu.vector_load %arg15[%parallel_loop3A_569, %parallel_loop3A_570] {strides = array<i32>} : memref<80x64xf32, #tpu.memory_space<vmem>>, vector<1x16xf32>,
        %parallel_loop3A_572 = vector.shape_cast %parallel_loop3A_571 : vector<1x16xf32> to vector<16xf32>
        %parallel_loop3A_573 = arith.index_cast %parallel_loop3A_554 : i32 to index
        %parallel_loop3A_574 = arith.constant 16 : index
        %parallel_loop3A_575 = tpu.vector_load %arg19[%parallel_loop3A_573, %parallel_loop3A_574] {strides = array<i32>} : memref<80x64xf32, #tpu.memory_space<vmem>>, vector<1x16xf32>,
        %parallel_loop3A_576 = vector.shape_cast %parallel_loop3A_575 : vector<1x16xf32> to vector<16xf32>
        %parallel_loop3A_577 = arith.mulf %parallel_loop3A_572, %parallel_loop3A_576 : vector<16xf32>
        %parallel_loop3A_578 = arith.index_cast %parallel_loop3A_554 : i32 to index
        %parallel_loop3A_579 = arith.constant 16 : index
        %parallel_loop3A_580 = tpu.vector_load %arg15[%parallel_loop3A_578, %parallel_loop3A_579] {strides = array<i32>} : memref<80x64xf32, #tpu.memory_space<vmem>>, vector<1x16xf32>,
        %parallel_loop3A_581 = vector.shape_cast %parallel_loop3A_580 : vector<1x16xf32> to vector<16xf32>
        %parallel_loop3A_582 = vector.shape_cast %parallel_loop3A_577 : vector<16xf32> to vector<1x16xf32>
        tpu.vector_store %arg15[%parallel_loop3A_578, %parallel_loop3A_579], %parallel_loop3A_582 {strides = array<i32>} : memref<80x64xf32, #tpu.memory_space<vmem>>, vector<1x16xf32>,
        %parallel_loop3A_583 = arith.index_cast %parallel_loop3A_554 : i32 to index
        %parallel_loop3A_584 = arith.constant 32 : index
        %parallel_loop3A_585 = tpu.vector_load %arg15[%parallel_loop3A_583, %parallel_loop3A_584] {strides = array<i32>} : memref<80x64xf32, #tpu.memory_space<vmem>>, vector<1x16xf32>,
        %parallel_loop3A_586 = vector.shape_cast %parallel_loop3A_585 : vector<1x16xf32> to vector<16xf32>
        %parallel_loop3A_587 = arith.index_cast %parallel_loop3A_554 : i32 to index
        %parallel_loop3A_588 = arith.constant 32 : index
        %parallel_loop3A_589 = tpu.vector_load %arg19[%parallel_loop3A_587, %parallel_loop3A_588] {strides = array<i32>} : memref<80x64xf32, #tpu.memory_space<vmem>>, vector<1x16xf32>,
        %parallel_loop3A_590 = vector.shape_cast %parallel_loop3A_589 : vector<1x16xf32> to vector<16xf32>
        %parallel_loop3A_591 = arith.mulf %parallel_loop3A_586, %parallel_loop3A_590 : vector<16xf32>
        %parallel_loop3A_592 = arith.index_cast %parallel_loop3A_554 : i32 to index
        %parallel_loop3A_593 = arith.constant 32 : index
        %parallel_loop3A_594 = tpu.vector_load %arg15[%parallel_loop3A_592, %parallel_loop3A_593] {strides = array<i32>} : memref<80x64xf32, #tpu.memory_space<vmem>>, vector<1x16xf32>,
        %parallel_loop3A_595 = vector.shape_cast %parallel_loop3A_594 : vector<1x16xf32> to vector<16xf32>
        %parallel_loop3A_596 = vector.shape_cast %parallel_loop3A_591 : vector<16xf32> to vector<1x16xf32>
        tpu.vector_store %arg15[%parallel_loop3A_592, %parallel_loop3A_593], %parallel_loop3A_596 {strides = array<i32>} : memref<80x64xf32, #tpu.memory_space<vmem>>, vector<1x16xf32>,
        %parallel_loop3A_597 = arith.index_cast %parallel_loop3A_554 : i32 to index
        %parallel_loop3A_598 = arith.constant 48 : index
        %parallel_loop3A_599 = tpu.vector_load %arg15[%parallel_loop3A_597, %parallel_loop3A_598] {strides = array<i32>} : memref<80x64xf32, #tpu.memory_space<vmem>>, vector<1x16xf32>,
        %parallel_loop3A_600 = vector.shape_cast %parallel_loop3A_599 : vector<1x16xf32> to vector<16xf32>
        %parallel_loop3A_601 = arith.index_cast %parallel_loop3A_554 : i32 to index
        %parallel_loop3A_602 = arith.constant 48 : index
        %parallel_loop3A_603 = tpu.vector_load %arg19[%parallel_loop3A_601, %parallel_loop3A_602] {strides = array<i32>} : memref<80x64xf32, #tpu.memory_space<vmem>>, vector<1x16xf32>,
        %parallel_loop3A_604 = vector.shape_cast %parallel_loop3A_603 : vector<1x16xf32> to vector<16xf32>
        %parallel_loop3A_605 = arith.mulf %parallel_loop3A_600, %parallel_loop3A_604 : vector<16xf32>
        %parallel_loop3A_606 = arith.index_cast %parallel_loop3A_554 : i32 to index
        %parallel_loop3A_607 = arith.constant 48 : index
        %parallel_loop3A_608 = tpu.vector_load %arg15[%parallel_loop3A_606, %parallel_loop3A_607] {strides = array<i32>} : memref<80x64xf32, #tpu.memory_space<vmem>>, vector<1x16xf32>,
        %parallel_loop3A_609 = vector.shape_cast %parallel_loop3A_608 : vector<1x16xf32> to vector<16xf32>
        %parallel_loop3A_610 = vector.shape_cast %parallel_loop3A_605 : vector<16xf32> to vector<1x16xf32>
        tpu.vector_store %arg15[%parallel_loop3A_606, %parallel_loop3A_607], %parallel_loop3A_610 {strides = array<i32>} : memref<80x64xf32, #tpu.memory_space<vmem>>, vector<1x16xf32>,
      } {sc.loop_unroll_factor = 4 : i64, sc.parallel_access}
      %mul3A_506 = arith.constant 80 : i32
      %mul3A_507 = arith.muli %add3A_477, %mul3A_506 : i32
      %add3A_508 = arith.addi %mul3A_61, %mul3A_507 : i32
      %dma_wait3A_509 = tpu.memref_slice %arg9[%add3A_508] : memref<320000xi32, #tpu.memory_space<hbm>> -> memref<80xi32, #tpu.memory_space<hbm>>
      %dma_wait3A_510 = tpu.memref_slice %arg9[%add3A_508] : memref<320000xi32, #tpu.memory_space<hbm>> -> memref<80xi32, #tpu.memory_space<hbm>>
      tpu.wait_dma2 semaphore(%arg51 : memref<!tpu.dma_semaphore, #tpu.memory_space<semaphore_mem>>) src(%dma_wait3A_510 : memref<80xi32, #tpu.memory_space<hbm>>) dst(%arg31 : memref<80xi32, #tpu.memory_space<vmem>>)
      %dma_start3A_511 = arith.constant 0 : i32
      %dma_start3A_512 = arith.constant 0 : i32
      %dma_start3A_513 = tpu.memref_slice %arg34[%dma_start3A_511, %dma_start3A_512] : memref<10000x64xf32, #tpu.memory_space<vmem_shared>> -> memref<10000x64xf32, #tpu.memory_space<vmem_shared>>
      tpu.enqueue_indirect_dma source(%arg15 : memref<80x64xf32, #tpu.memory_space<vmem>>) target(%dma_start3A_513 : memref<10000x64xf32, #tpu.memory_space<vmem_shared>>) offsets(%arg31 : memref<80xi32, #tpu.memory_space<vmem>>) semaphore(%arg55 : memref<!tpu.dma_semaphore, #tpu.memory_space<semaphore_mem>>) {add = true}
      %mul3A_514 = arith.constant 4 : i32
      %mul3A_515 = arith.muli %mul3A_514, %scan3A_393 : i32
      %add3A_516 = arith.constant 3 : i32
      %add3A_517 = arith.addi %mul3A_515, %add3A_516 : i32
      %ge3A_518 = arith.constant 2 : i32
      %ge3A_519 = arith.cmpi sge, %add3A_517, %ge3A_518 : i32
      %convert_element_type3A_520 = arith.extui %ge3A_519 : i1 to i32
      %cond3A_521 = arith.constant 0 : i32
      %cond3A_522 = arith.cmpi ne, %convert_element_type3A_520, %cond3A_521 : i32
      scf.if %cond3A_522 {
        %dma_wait3A_554 = arith.constant 0 : i32
        %dma_wait3A_555 = arith.constant 0 : i32
        %dma_wait3A_556 = tpu.memref_slice %arg34[%dma_wait3A_554, %dma_wait3A_555] : memref<10000x64xf32, #tpu.memory_space<vmem_shared>> -> memref<10000x64xf32, #tpu.memory_space<vmem_shared>>
        tpu.wait_indirect_dma semaphore(%arg54 : memref<!tpu.dma_semaphore, #tpu.memory_space<semaphore_mem>>) src(%arg14 : memref<80x64xf32, #tpu.memory_space<vmem>>) dst(%dma_wait3A_556 : memref<10000x64xf32, #tpu.memory_space<vmem_shared>>)
      } else {
      }
      %add3A_523 = arith.constant 2 : i32
      %add3A_524 = arith.addi %add3A_517, %add3A_523 : i32
      %lt3A_525 = arith.constant 250 : i32
      %lt3A_526 = arith.cmpi slt, %add3A_524, %lt3A_525 : i32
      %convert_element_type3A_527 = arith.extui %lt3A_526 : i1 to i32
      %cond3A_528 = arith.constant 0 : i32
      %cond3A_529 = arith.cmpi ne, %convert_element_type3A_527, %cond3A_528 : i32
      scf.if %cond3A_529 {
        %add3A_554 = arith.constant 2 : i32
        %add3A_555 = arith.addi %add3A_517, %add3A_554 : i32
        %mul3A_556 = arith.constant 80 : i32
        %mul3A_557 = arith.muli %add3A_555, %mul3A_556 : i32
        %add3A_558 = arith.addi %mul3A_61, %mul3A_557 : i32
        %dma_start3A_559 = tpu.memref_slice %arg9[%add3A_558] : memref<320000xi32, #tpu.memory_space<hbm>> -> memref<80xi32, #tpu.memory_space<hbm>>
        %dma_start3A_560 = tpu.memref_slice %arg9[%add3A_558] : memref<320000xi32, #tpu.memory_space<hbm>> -> memref<80xi32, #tpu.memory_space<hbm>>
        tpu.enqueue_dma source(%dma_start3A_560 : memref<80xi32, #tpu.memory_space<hbm>>) target(%arg30 : memref<80xi32, #tpu.memory_space<vmem>>) target_semaphore(%arg50 : memref<!tpu.dma_semaphore, #tpu.memory_space<semaphore_mem>>)
        %add3A_561 = arith.constant 2 : i32
        %add3A_562 = arith.addi %add3A_517, %add3A_561 : i32
        %mul3A_563 = arith.constant 80 : i32
        %mul3A_564 = arith.muli %add3A_562, %mul3A_563 : i32
        %add3A_565 = arith.addi %mul3A_61, %mul3A_564 : i32
        %dma_wait3A_566 = tpu.memref_slice %arg8[%add3A_565] : memref<320000xi32, #tpu.memory_space<hbm>> -> memref<80xi32, #tpu.memory_space<hbm>>
        %dma_wait3A_567 = tpu.memref_slice %arg8[%add3A_565] : memref<320000xi32, #tpu.memory_space<hbm>> -> memref<80xi32, #tpu.memory_space<hbm>>
        tpu.wait_dma2 semaphore(%arg46 : memref<!tpu.dma_semaphore, #tpu.memory_space<semaphore_mem>>) src(%dma_wait3A_567 : memref<80xi32, #tpu.memory_space<hbm>>) dst(%arg22 : memref<80xi32, #tpu.memory_space<vmem>>)
        %mul3A_568 = arith.constant 80 : i32
        %mul3A_569 = arith.muli %add3A_562, %mul3A_568 : i32
        %add3A_570 = arith.addi %mul3A_61, %mul3A_569 : i32
        %dma_wait3A_571 = tpu.memref_slice %arg10[%add3A_570] : memref<320000xi32, #tpu.memory_space<hbm>> -> memref<80xi32, #tpu.memory_space<hbm>>
        %dma_wait3A_572 = tpu.memref_slice %arg10[%add3A_570] : memref<320000xi32, #tpu.memory_space<hbm>> -> memref<80xi32, #tpu.memory_space<hbm>>
        tpu.wait_dma2 semaphore(%arg46 : memref<!tpu.dma_semaphore, #tpu.memory_space<semaphore_mem>>) src(%dma_wait3A_572 : memref<80xi32, #tpu.memory_space<hbm>>) dst(%arg26 : memref<80xi32, #tpu.memory_space<vmem>>)
        %dma_start3A_573 = arith.constant 0 : i32
        %dma_start3A_574 = arith.constant 0 : i32
        %dma_start3A_575 = tpu.memref_slice %arg33[%dma_start3A_573, %dma_start3A_574] : memref<10000x64xf32, #tpu.memory_space<vmem_shared>> -> memref<10000x64xf32, #tpu.memory_space<vmem_shared>>
        tpu.enqueue_indirect_dma source(%dma_start3A_575 : memref<10000x64xf32, #tpu.memory_space<vmem_shared>>) target(%arg14 : memref<80x64xf32, #tpu.memory_space<vmem>>) offsets(%arg22 : memref<80xi32, #tpu.memory_space<vmem>>) semaphore(%arg38 : memref<!tpu.dma_semaphore, #tpu.memory_space<semaphore_mem>>)
        %dma_start3A_576 = arith.constant 0 : i32
        %dma_start3A_577 = arith.constant 0 : i32
        %dma_start3A_578 = tpu.memref_slice %arg36[%dma_start3A_576, %dma_start3A_577] : memref<100x64xf32, #tpu.memory_space<vmem_shared>> -> memref<100x64xf32, #tpu.memory_space<vmem_shared>>
        tpu.enqueue_indirect_dma source(%dma_start3A_578 : memref<100x64xf32, #tpu.memory_space<vmem_shared>>) target(%arg18 : memref<80x64xf32, #tpu.memory_space<vmem>>) offsets(%arg26 : memref<80xi32, #tpu.memory_space<vmem>>) semaphore(%arg42 : memref<!tpu.dma_semaphore, #tpu.memory_space<semaphore_mem>>)
      } else {
      }
      %add3A_530 = arith.constant 3 : i32
      %add3A_531 = arith.addi %add3A_517, %add3A_530 : i32
      %lt3A_532 = arith.constant 250 : i32
      %lt3A_533 = arith.cmpi slt, %add3A_531, %lt3A_532 : i32
      %convert_element_type3A_534 = arith.extui %lt3A_533 : i1 to i32
      %cond3A_535 = arith.constant 0 : i32
      %cond3A_536 = arith.cmpi ne, %convert_element_type3A_534, %cond3A_535 : i32
      scf.if %cond3A_536 {
        %add3A_554 = arith.constant 3 : i32
        %add3A_555 = arith.addi %add3A_517, %add3A_554 : i32
        %mul3A_556 = arith.constant 80 : i32
        %mul3A_557 = arith.muli %add3A_555, %mul3A_556 : i32
        %add3A_558 = arith.addi %mul3A_61, %mul3A_557 : i32
        %dma_start3A_559 = tpu.memref_slice %arg8[%add3A_558] : memref<320000xi32, #tpu.memory_space<hbm>> -> memref<80xi32, #tpu.memory_space<hbm>>
        %dma_start3A_560 = tpu.memref_slice %arg8[%add3A_558] : memref<320000xi32, #tpu.memory_space<hbm>> -> memref<80xi32, #tpu.memory_space<hbm>>
        tpu.enqueue_dma source(%dma_start3A_560 : memref<80xi32, #tpu.memory_space<hbm>>) target(%arg23 : memref<80xi32, #tpu.memory_space<vmem>>) target_semaphore(%arg47 : memref<!tpu.dma_semaphore, #tpu.memory_space<semaphore_mem>>)
        %mul3A_561 = arith.constant 80 : i32
        %mul3A_562 = arith.muli %add3A_555, %mul3A_561 : i32
        %add3A_563 = arith.addi %mul3A_61, %mul3A_562 : i32
        %dma_start3A_564 = tpu.memref_slice %arg10[%add3A_563] : memref<320000xi32, #tpu.memory_space<hbm>> -> memref<80xi32, #tpu.memory_space<hbm>>
        %dma_start3A_565 = tpu.memref_slice %arg10[%add3A_563] : memref<320000xi32, #tpu.memory_space<hbm>> -> memref<80xi32, #tpu.memory_space<hbm>>
        tpu.enqueue_dma source(%dma_start3A_565 : memref<80xi32, #tpu.memory_space<hbm>>) target(%arg27 : memref<80xi32, #tpu.memory_space<vmem>>) target_semaphore(%arg47 : memref<!tpu.dma_semaphore, #tpu.memory_space<semaphore_mem>>)
      } else {
      }
      %dma_wait3A_537 = arith.constant 0 : i32
      %dma_wait3A_538 = arith.constant 0 : i32
      %dma_wait3A_539 = tpu.memref_slice %arg33[%dma_wait3A_537, %dma_wait3A_538] : memref<10000x64xf32, #tpu.memory_space<vmem_shared>> -> memref<10000x64xf32, #tpu.memory_space<vmem_shared>>
      tpu.wait_indirect_dma semaphore(%arg40 : memref<!tpu.dma_semaphore, #tpu.memory_space<semaphore_mem>>) src(%dma_wait3A_539 : memref<10000x64xf32, #tpu.memory_space<vmem_shared>>) dst(%arg16 : memref<80x64xf32, #tpu.memory_space<vmem>>)
      %dma_wait3A_540 = arith.constant 0 : i32
      %dma_wait3A_541 = arith.constant 0 : i32
      %dma_wait3A_542 = tpu.memref_slice %arg36[%dma_wait3A_540, %dma_wait3A_541] : memref<100x64xf32, #tpu.memory_space<vmem_shared>> -> memref<100x64xf32, #tpu.memory_space<vmem_shared>>
      tpu.wait_indirect_dma semaphore(%arg44 : memref<!tpu.dma_semaphore, #tpu.memory_space<semaphore_mem>>) src(%dma_wait3A_542 : memref<100x64xf32, #tpu.memory_space<vmem_shared>>) dst(%arg20 : memref<80x64xf32, #tpu.memory_space<vmem>>)
      %parallel_loop3A_543 = arith.constant 0 : i32
      %parallel_loop3A_544 = arith.constant 80 : i32
      %parallel_loop3A_545 = arith.constant 1 : i32
      scf.for %parallel_loop3A_554 = %parallel_loop3A_543 to %parallel_loop3A_544 step %parallel_loop3A_545  : i32 {
        %parallel_loop3A_555 = arith.index_cast %parallel_loop3A_554 : i32 to index
        %parallel_loop3A_556 = arith.constant 0 : index
        %parallel_loop3A_557 = tpu.vector_load %arg16[%parallel_loop3A_555, %parallel_loop3A_556] {strides = array<i32>} : memref<80x64xf32, #tpu.memory_space<vmem>>, vector<1x16xf32>,
        %parallel_loop3A_558 = vector.shape_cast %parallel_loop3A_557 : vector<1x16xf32> to vector<16xf32>
        %parallel_loop3A_559 = arith.index_cast %parallel_loop3A_554 : i32 to index
        %parallel_loop3A_560 = arith.constant 0 : index
        %parallel_loop3A_561 = tpu.vector_load %arg20[%parallel_loop3A_559, %parallel_loop3A_560] {strides = array<i32>} : memref<80x64xf32, #tpu.memory_space<vmem>>, vector<1x16xf32>,
        %parallel_loop3A_562 = vector.shape_cast %parallel_loop3A_561 : vector<1x16xf32> to vector<16xf32>
        %parallel_loop3A_563 = arith.mulf %parallel_loop3A_558, %parallel_loop3A_562 : vector<16xf32>
        %parallel_loop3A_564 = arith.index_cast %parallel_loop3A_554 : i32 to index
        %parallel_loop3A_565 = arith.constant 0 : index
        %parallel_loop3A_566 = tpu.vector_load %arg16[%parallel_loop3A_564, %parallel_loop3A_565] {strides = array<i32>} : memref<80x64xf32, #tpu.memory_space<vmem>>, vector<1x16xf32>,
        %parallel_loop3A_567 = vector.shape_cast %parallel_loop3A_566 : vector<1x16xf32> to vector<16xf32>
        %parallel_loop3A_568 = vector.shape_cast %parallel_loop3A_563 : vector<16xf32> to vector<1x16xf32>
        tpu.vector_store %arg16[%parallel_loop3A_564, %parallel_loop3A_565], %parallel_loop3A_568 {strides = array<i32>} : memref<80x64xf32, #tpu.memory_space<vmem>>, vector<1x16xf32>,
        %parallel_loop3A_569 = arith.index_cast %parallel_loop3A_554 : i32 to index
        %parallel_loop3A_570 = arith.constant 16 : index
        %parallel_loop3A_571 = tpu.vector_load %arg16[%parallel_loop3A_569, %parallel_loop3A_570] {strides = array<i32>} : memref<80x64xf32, #tpu.memory_space<vmem>>, vector<1x16xf32>,
        %parallel_loop3A_572 = vector.shape_cast %parallel_loop3A_571 : vector<1x16xf32> to vector<16xf32>
        %parallel_loop3A_573 = arith.index_cast %parallel_loop3A_554 : i32 to index
        %parallel_loop3A_574 = arith.constant 16 : index
        %parallel_loop3A_575 = tpu.vector_load %arg20[%parallel_loop3A_573, %parallel_loop3A_574] {strides = array<i32>} : memref<80x64xf32, #tpu.memory_space<vmem>>, vector<1x16xf32>,
        %parallel_loop3A_576 = vector.shape_cast %parallel_loop3A_575 : vector<1x16xf32> to vector<16xf32>
        %parallel_loop3A_577 = arith.mulf %parallel_loop3A_572, %parallel_loop3A_576 : vector<16xf32>
        %parallel_loop3A_578 = arith.index_cast %parallel_loop3A_554 : i32 to index
        %parallel_loop3A_579 = arith.constant 16 : index
        %parallel_loop3A_580 = tpu.vector_load %arg16[%parallel_loop3A_578, %parallel_loop3A_579] {strides = array<i32>} : memref<80x64xf32, #tpu.memory_space<vmem>>, vector<1x16xf32>,
        %parallel_loop3A_581 = vector.shape_cast %parallel_loop3A_580 : vector<1x16xf32> to vector<16xf32>
        %parallel_loop3A_582 = vector.shape_cast %parallel_loop3A_577 : vector<16xf32> to vector<1x16xf32>
        tpu.vector_store %arg16[%parallel_loop3A_578, %parallel_loop3A_579], %parallel_loop3A_582 {strides = array<i32>} : memref<80x64xf32, #tpu.memory_space<vmem>>, vector<1x16xf32>,
        %parallel_loop3A_583 = arith.index_cast %parallel_loop3A_554 : i32 to index
        %parallel_loop3A_584 = arith.constant 32 : index
        %parallel_loop3A_585 = tpu.vector_load %arg16[%parallel_loop3A_583, %parallel_loop3A_584] {strides = array<i32>} : memref<80x64xf32, #tpu.memory_space<vmem>>, vector<1x16xf32>,
        %parallel_loop3A_586 = vector.shape_cast %parallel_loop3A_585 : vector<1x16xf32> to vector<16xf32>
        %parallel_loop3A_587 = arith.index_cast %parallel_loop3A_554 : i32 to index
        %parallel_loop3A_588 = arith.constant 32 : index
        %parallel_loop3A_589 = tpu.vector_load %arg20[%parallel_loop3A_587, %parallel_loop3A_588] {strides = array<i32>} : memref<80x64xf32, #tpu.memory_space<vmem>>, vector<1x16xf32>,
        %parallel_loop3A_590 = vector.shape_cast %parallel_loop3A_589 : vector<1x16xf32> to vector<16xf32>
        %parallel_loop3A_591 = arith.mulf %parallel_loop3A_586, %parallel_loop3A_590 : vector<16xf32>
        %parallel_loop3A_592 = arith.index_cast %parallel_loop3A_554 : i32 to index
        %parallel_loop3A_593 = arith.constant 32 : index
        %parallel_loop3A_594 = tpu.vector_load %arg16[%parallel_loop3A_592, %parallel_loop3A_593] {strides = array<i32>} : memref<80x64xf32, #tpu.memory_space<vmem>>, vector<1x16xf32>,
        %parallel_loop3A_595 = vector.shape_cast %parallel_loop3A_594 : vector<1x16xf32> to vector<16xf32>
        %parallel_loop3A_596 = vector.shape_cast %parallel_loop3A_591 : vector<16xf32> to vector<1x16xf32>
        tpu.vector_store %arg16[%parallel_loop3A_592, %parallel_loop3A_593], %parallel_loop3A_596 {strides = array<i32>} : memref<80x64xf32, #tpu.memory_space<vmem>>, vector<1x16xf32>,
        %parallel_loop3A_597 = arith.index_cast %parallel_loop3A_554 : i32 to index
        %parallel_loop3A_598 = arith.constant 48 : index
        %parallel_loop3A_599 = tpu.vector_load %arg16[%parallel_loop3A_597, %parallel_loop3A_598] {strides = array<i32>} : memref<80x64xf32, #tpu.memory_space<vmem>>, vector<1x16xf32>,
        %parallel_loop3A_600 = vector.shape_cast %parallel_loop3A_599 : vector<1x16xf32> to vector<16xf32>
        %parallel_loop3A_601 = arith.index_cast %parallel_loop3A_554 : i32 to index
        %parallel_loop3A_602 = arith.constant 48 : index
        %parallel_loop3A_603 = tpu.vector_load %arg20[%parallel_loop3A_601, %parallel_loop3A_602] {strides = array<i32>} : memref<80x64xf32, #tpu.memory_space<vmem>>, vector<1x16xf32>,
        %parallel_loop3A_604 = vector.shape_cast %parallel_loop3A_603 : vector<1x16xf32> to vector<16xf32>
        %parallel_loop3A_605 = arith.mulf %parallel_loop3A_600, %parallel_loop3A_604 : vector<16xf32>
        %parallel_loop3A_606 = arith.index_cast %parallel_loop3A_554 : i32 to index
        %parallel_loop3A_607 = arith.constant 48 : index
        %parallel_loop3A_608 = tpu.vector_load %arg16[%parallel_loop3A_606, %parallel_loop3A_607] {strides = array<i32>} : memref<80x64xf32, #tpu.memory_space<vmem>>, vector<1x16xf32>,
        %parallel_loop3A_609 = vector.shape_cast %parallel_loop3A_608 : vector<1x16xf32> to vector<16xf32>
        %parallel_loop3A_610 = vector.shape_cast %parallel_loop3A_605 : vector<16xf32> to vector<1x16xf32>
        tpu.vector_store %arg16[%parallel_loop3A_606, %parallel_loop3A_607], %parallel_loop3A_610 {strides = array<i32>} : memref<80x64xf32, #tpu.memory_space<vmem>>, vector<1x16xf32>,
      } {sc.loop_unroll_factor = 4 : i64, sc.parallel_access}
      %mul3A_546 = arith.constant 80 : i32
      %mul3A_547 = arith.muli %add3A_517, %mul3A_546 : i32
      %add3A_548 = arith.addi %mul3A_61, %mul3A_547 : i32
      %dma_wait3A_549 = tpu.memref_slice %arg9[%add3A_548] : memref<320000xi32, #tpu.memory_space<hbm>> -> memref<80xi32, #tpu.memory_space<hbm>>
      %dma_wait3A_550 = tpu.memref_slice %arg9[%add3A_548] : memref<320000xi32, #tpu.memory_space<hbm>> -> memref<80xi32, #tpu.memory_space<hbm>>
      tpu.wait_dma2 semaphore(%arg52 : memref<!tpu.dma_semaphore, #tpu.memory_space<semaphore_mem>>) src(%dma_wait3A_550 : memref<80xi32, #tpu.memory_space<hbm>>) dst(%arg32 : memref<80xi32, #tpu.memory_space<vmem>>)
      %dma_start3A_551 = arith.constant 0 : i32
      %dma_start3A_552 = arith.constant 0 : i32
      %dma_start3A_553 = tpu.memref_slice %arg34[%dma_start3A_551, %dma_start3A_552] : memref<10000x64xf32, #tpu.memory_space<vmem_shared>> -> memref<10000x64xf32, #tpu.memory_space<vmem_shared>>
      tpu.enqueue_indirect_dma source(%arg16 : memref<80x64xf32, #tpu.memory_space<vmem>>) target(%dma_start3A_553 : memref<10000x64xf32, #tpu.memory_space<vmem_shared>>) offsets(%arg32 : memref<80xi32, #tpu.memory_space<vmem>>) semaphore(%arg56 : memref<!tpu.dma_semaphore, #tpu.memory_space<semaphore_mem>>) {add = true}
    }
    %scan3A_291 = arith.constant 62 : i32
    %ge3A_292 = arith.constant 248 : i32
    %ge3A_293 = arith.constant 2 : i32
    %ge3A_294 = arith.cmpi sge, %ge3A_292, %ge3A_293 : i32
    %convert_element_type3A_295 = arith.extui %ge3A_294 : i1 to i32
    %cond3A_296 = arith.constant 0 : i32
    %cond3A_297 = arith.cmpi ne, %convert_element_type3A_295, %cond3A_296 : i32
    scf.if %cond3A_297 {
      %dma_wait3A_393 = arith.constant 0 : i32
      %dma_wait3A_394 = arith.constant 0 : i32
      %dma_wait3A_395 = tpu.memref_slice %arg34[%dma_wait3A_393, %dma_wait3A_394] : memref<10000x64xf32, #tpu.memory_space<vmem_shared>> -> memref<10000x64xf32, #tpu.memory_space<vmem_shared>>
      tpu.wait_indirect_dma semaphore(%arg55 : memref<!tpu.dma_semaphore, #tpu.memory_space<semaphore_mem>>) src(%arg15 : memref<80x64xf32, #tpu.memory_space<vmem>>) dst(%dma_wait3A_395 : memref<10000x64xf32, #tpu.memory_space<vmem_shared>>)
    } else {
    }
    %add3A_298 = arith.constant 248 : i32
    %add3A_299 = arith.constant 2 : i32
    %add3A_300 = arith.addi %add3A_298, %add3A_299 : i32
    %lt3A_301 = arith.constant 250 : i32
    %lt3A_302 = arith.cmpi slt, %add3A_300, %lt3A_301 : i32
    %convert_element_type3A_303 = arith.extui %lt3A_302 : i1 to i32
    %cond3A_304 = arith.constant 248 : i32
    %cond3A_305 = arith.constant 0 : i32
    %cond3A_306 = arith.cmpi ne, %convert_element_type3A_303, %cond3A_305 : i32
    scf.if %cond3A_306 {
      %add3A_393 = arith.constant 2 : i32
      %add3A_394 = arith.addi %cond3A_304, %add3A_393 : i32
      %mul3A_395 = arith.constant 80 : i32
      %mul3A_396 = arith.muli %add3A_394, %mul3A_395 : i32
      %add3A_397 = arith.addi %mul3A_61, %mul3A_396 : i32
      %dma_start3A_398 = tpu.memref_slice %arg9[%add3A_397] : memref<320000xi32, #tpu.memory_space<hbm>> -> memref<80xi32, #tpu.memory_space<hbm>>
      %dma_start3A_399 = tpu.memref_slice %arg9[%add3A_397] : memref<320000xi32, #tpu.memory_space<hbm>> -> memref<80xi32, #tpu.memory_space<hbm>>
      tpu.enqueue_dma source(%dma_start3A_399 : memref<80xi32, #tpu.memory_space<hbm>>) target(%arg31 : memref<80xi32, #tpu.memory_space<vmem>>) target_semaphore(%arg51 : memref<!tpu.dma_semaphore, #tpu.memory_space<semaphore_mem>>)
      %add3A_400 = arith.constant 2 : i32
      %add3A_401 = arith.addi %cond3A_304, %add3A_400 : i32
      %mul3A_402 = arith.constant 80 : i32
      %mul3A_403 = arith.muli %add3A_401, %mul3A_402 : i32
      %add3A_404 = arith.addi %mul3A_61, %mul3A_403 : i32
      %dma_wait3A_405 = tpu.memref_slice %arg8[%add3A_404] : memref<320000xi32, #tpu.memory_space<hbm>> -> memref<80xi32, #tpu.memory_space<hbm>>
      %dma_wait3A_406 = tpu.memref_slice %arg8[%add3A_404] : memref<320000xi32, #tpu.memory_space<hbm>> -> memref<80xi32, #tpu.memory_space<hbm>>
      tpu.wait_dma2 semaphore(%arg47 : memref<!tpu.dma_semaphore, #tpu.memory_space<semaphore_mem>>) src(%dma_wait3A_406 : memref<80xi32, #tpu.memory_space<hbm>>) dst(%arg23 : memref<80xi32, #tpu.memory_space<vmem>>)
      %mul3A_407 = arith.constant 80 : i32
      %mul3A_408 = arith.muli %add3A_401, %mul3A_407 : i32
      %add3A_409 = arith.addi %mul3A_61, %mul3A_408 : i32
      %dma_wait3A_410 = tpu.memref_slice %arg10[%add3A_409] : memref<320000xi32, #tpu.memory_space<hbm>> -> memref<80xi32, #tpu.memory_space<hbm>>
      %dma_wait3A_411 = tpu.memref_slice %arg10[%add3A_409] : memref<320000xi32, #tpu.memory_space<hbm>> -> memref<80xi32, #tpu.memory_space<hbm>>
      tpu.wait_dma2 semaphore(%arg47 : memref<!tpu.dma_semaphore, #tpu.memory_space<semaphore_mem>>) src(%dma_wait3A_411 : memref<80xi32, #tpu.memory_space<hbm>>) dst(%arg27 : memref<80xi32, #tpu.memory_space<vmem>>)
      %dma_start3A_412 = arith.constant 0 : i32
      %dma_start3A_413 = arith.constant 0 : i32
      %dma_start3A_414 = tpu.memref_slice %arg33[%dma_start3A_412, %dma_start3A_413] : memref<10000x64xf32, #tpu.memory_space<vmem_shared>> -> memref<10000x64xf32, #tpu.memory_space<vmem_shared>>
      tpu.enqueue_indirect_dma source(%dma_start3A_414 : memref<10000x64xf32, #tpu.memory_space<vmem_shared>>) target(%arg15 : memref<80x64xf32, #tpu.memory_space<vmem>>) offsets(%arg23 : memref<80xi32, #tpu.memory_space<vmem>>) semaphore(%arg39 : memref<!tpu.dma_semaphore, #tpu.memory_space<semaphore_mem>>)
      %dma_start3A_415 = arith.constant 0 : i32
      %dma_start3A_416 = arith.constant 0 : i32
      %dma_start3A_417 = tpu.memref_slice %arg36[%dma_start3A_415, %dma_start3A_416] : memref<100x64xf32, #tpu.memory_space<vmem_shared>> -> memref<100x64xf32, #tpu.memory_space<vmem_shared>>
      tpu.enqueue_indirect_dma source(%dma_start3A_417 : memref<100x64xf32, #tpu.memory_space<vmem_shared>>) target(%arg19 : memref<80x64xf32, #tpu.memory_space<vmem>>) offsets(%arg27 : memref<80xi32, #tpu.memory_space<vmem>>) semaphore(%arg43 : memref<!tpu.dma_semaphore, #tpu.memory_space<semaphore_mem>>)
    } else {
    }
    %add3A_307 = arith.constant 248 : i32
    %add3A_308 = arith.constant 3 : i32
    %add3A_309 = arith.addi %add3A_307, %add3A_308 : i32
    %lt3A_310 = arith.constant 250 : i32
    %lt3A_311 = arith.cmpi slt, %add3A_309, %lt3A_310 : i32
    %convert_element_type3A_312 = arith.extui %lt3A_311 : i1 to i32
    %cond3A_313 = arith.constant 248 : i32
    %cond3A_314 = arith.constant 0 : i32
    %cond3A_315 = arith.cmpi ne, %convert_element_type3A_312, %cond3A_314 : i32
    scf.if %cond3A_315 {
      %add3A_393 = arith.constant 3 : i32
      %add3A_394 = arith.addi %cond3A_313, %add3A_393 : i32
      %mul3A_395 = arith.constant 80 : i32
      %mul3A_396 = arith.muli %add3A_394, %mul3A_395 : i32
      %add3A_397 = arith.addi %mul3A_61, %mul3A_396 : i32
      %dma_start3A_398 = tpu.memref_slice %arg8[%add3A_397] : memref<320000xi32, #tpu.memory_space<hbm>> -> memref<80xi32, #tpu.memory_space<hbm>>
      %dma_start3A_399 = tpu.memref_slice %arg8[%add3A_397] : memref<320000xi32, #tpu.memory_space<hbm>> -> memref<80xi32, #tpu.memory_space<hbm>>
      tpu.enqueue_dma source(%dma_start3A_399 : memref<80xi32, #tpu.memory_space<hbm>>) target(%arg24 : memref<80xi32, #tpu.memory_space<vmem>>) target_semaphore(%arg48 : memref<!tpu.dma_semaphore, #tpu.memory_space<semaphore_mem>>)
      %mul3A_400 = arith.constant 80 : i32
      %mul3A_401 = arith.muli %add3A_394, %mul3A_400 : i32
      %add3A_402 = arith.addi %mul3A_61, %mul3A_401 : i32
      %dma_start3A_403 = tpu.memref_slice %arg10[%add3A_402] : memref<320000xi32, #tpu.memory_space<hbm>> -> memref<80xi32, #tpu.memory_space<hbm>>
      %dma_start3A_404 = tpu.memref_slice %arg10[%add3A_402] : memref<320000xi32, #tpu.memory_space<hbm>> -> memref<80xi32, #tpu.memory_space<hbm>>
      tpu.enqueue_dma source(%dma_start3A_404 : memref<80xi32, #tpu.memory_space<hbm>>) target(%arg28 : memref<80xi32, #tpu.memory_space<vmem>>) target_semaphore(%arg48 : memref<!tpu.dma_semaphore, #tpu.memory_space<semaphore_mem>>)
    } else {
    }
    %dma_wait3A_316 = arith.constant 0 : i32
    %dma_wait3A_317 = arith.constant 0 : i32
    %dma_wait3A_318 = tpu.memref_slice %arg33[%dma_wait3A_316, %dma_wait3A_317] : memref<10000x64xf32, #tpu.memory_space<vmem_shared>> -> memref<10000x64xf32, #tpu.memory_space<vmem_shared>>
    tpu.wait_indirect_dma semaphore(%arg37 : memref<!tpu.dma_semaphore, #tpu.memory_space<semaphore_mem>>) src(%dma_wait3A_318 : memref<10000x64xf32, #tpu.memory_space<vmem_shared>>) dst(%arg13 : memref<80x64xf32, #tpu.memory_space<vmem>>)
    %dma_wait3A_319 = arith.constant 0 : i32
    %dma_wait3A_320 = arith.constant 0 : i32
    %dma_wait3A_321 = tpu.memref_slice %arg36[%dma_wait3A_319, %dma_wait3A_320] : memref<100x64xf32, #tpu.memory_space<vmem_shared>> -> memref<100x64xf32, #tpu.memory_space<vmem_shared>>
    tpu.wait_indirect_dma semaphore(%arg41 : memref<!tpu.dma_semaphore, #tpu.memory_space<semaphore_mem>>) src(%dma_wait3A_321 : memref<100x64xf32, #tpu.memory_space<vmem_shared>>) dst(%arg17 : memref<80x64xf32, #tpu.memory_space<vmem>>)
    %parallel_loop3A_322 = arith.constant 0 : i32
    %parallel_loop3A_323 = arith.constant 80 : i32
    %parallel_loop3A_324 = arith.constant 1 : i32
    scf.for %parallel_loop3A_393 = %parallel_loop3A_322 to %parallel_loop3A_323 step %parallel_loop3A_324  : i32 {
      %parallel_loop3A_394 = arith.index_cast %parallel_loop3A_393 : i32 to index
      %parallel_loop3A_395 = arith.constant 0 : index
      %parallel_loop3A_396 = tpu.vector_load %arg13[%parallel_loop3A_394, %parallel_loop3A_395] {strides = array<i32>} : memref<80x64xf32, #tpu.memory_space<vmem>>, vector<1x16xf32>,
      %parallel_loop3A_397 = vector.shape_cast %parallel_loop3A_396 : vector<1x16xf32> to vector<16xf32>
      %parallel_loop3A_398 = arith.index_cast %parallel_loop3A_393 : i32 to index
      %parallel_loop3A_399 = arith.constant 0 : index
      %parallel_loop3A_400 = tpu.vector_load %arg17[%parallel_loop3A_398, %parallel_loop3A_399] {strides = array<i32>} : memref<80x64xf32, #tpu.memory_space<vmem>>, vector<1x16xf32>,
      %parallel_loop3A_401 = vector.shape_cast %parallel_loop3A_400 : vector<1x16xf32> to vector<16xf32>
      %parallel_loop3A_402 = arith.mulf %parallel_loop3A_397, %parallel_loop3A_401 : vector<16xf32>
      %parallel_loop3A_403 = arith.index_cast %parallel_loop3A_393 : i32 to index
      %parallel_loop3A_404 = arith.constant 0 : index
      %parallel_loop3A_405 = tpu.vector_load %arg13[%parallel_loop3A_403, %parallel_loop3A_404] {strides = array<i32>} : memref<80x64xf32, #tpu.memory_space<vmem>>, vector<1x16xf32>,
      %parallel_loop3A_406 = vector.shape_cast %parallel_loop3A_405 : vector<1x16xf32> to vector<16xf32>
      %parallel_loop3A_407 = vector.shape_cast %parallel_loop3A_402 : vector<16xf32> to vector<1x16xf32>
      tpu.vector_store %arg13[%parallel_loop3A_403, %parallel_loop3A_404], %parallel_loop3A_407 {strides = array<i32>} : memref<80x64xf32, #tpu.memory_space<vmem>>, vector<1x16xf32>,
      %parallel_loop3A_408 = arith.index_cast %parallel_loop3A_393 : i32 to index
      %parallel_loop3A_409 = arith.constant 16 : index
      %parallel_loop3A_410 = tpu.vector_load %arg13[%parallel_loop3A_408, %parallel_loop3A_409] {strides = array<i32>} : memref<80x64xf32, #tpu.memory_space<vmem>>, vector<1x16xf32>,
      %parallel_loop3A_411 = vector.shape_cast %parallel_loop3A_410 : vector<1x16xf32> to vector<16xf32>
      %parallel_loop3A_412 = arith.index_cast %parallel_loop3A_393 : i32 to index
      %parallel_loop3A_413 = arith.constant 16 : index
      %parallel_loop3A_414 = tpu.vector_load %arg17[%parallel_loop3A_412, %parallel_loop3A_413] {strides = array<i32>} : memref<80x64xf32, #tpu.memory_space<vmem>>, vector<1x16xf32>,
      %parallel_loop3A_415 = vector.shape_cast %parallel_loop3A_414 : vector<1x16xf32> to vector<16xf32>
      %parallel_loop3A_416 = arith.mulf %parallel_loop3A_411, %parallel_loop3A_415 : vector<16xf32>
      %parallel_loop3A_417 = arith.index_cast %parallel_loop3A_393 : i32 to index
      %parallel_loop3A_418 = arith.constant 16 : index
      %parallel_loop3A_419 = tpu.vector_load %arg13[%parallel_loop3A_417, %parallel_loop3A_418] {strides = array<i32>} : memref<80x64xf32, #tpu.memory_space<vmem>>, vector<1x16xf32>,
      %parallel_loop3A_420 = vector.shape_cast %parallel_loop3A_419 : vector<1x16xf32> to vector<16xf32>
      %parallel_loop3A_421 = vector.shape_cast %parallel_loop3A_416 : vector<16xf32> to vector<1x16xf32>
      tpu.vector_store %arg13[%parallel_loop3A_417, %parallel_loop3A_418], %parallel_loop3A_421 {strides = array<i32>} : memref<80x64xf32, #tpu.memory_space<vmem>>, vector<1x16xf32>,
      %parallel_loop3A_422 = arith.index_cast %parallel_loop3A_393 : i32 to index
      %parallel_loop3A_423 = arith.constant 32 : index
      %parallel_loop3A_424 = tpu.vector_load %arg13[%parallel_loop3A_422, %parallel_loop3A_423] {strides = array<i32>} : memref<80x64xf32, #tpu.memory_space<vmem>>, vector<1x16xf32>,
      %parallel_loop3A_425 = vector.shape_cast %parallel_loop3A_424 : vector<1x16xf32> to vector<16xf32>
      %parallel_loop3A_426 = arith.index_cast %parallel_loop3A_393 : i32 to index
      %parallel_loop3A_427 = arith.constant 32 : index
      %parallel_loop3A_428 = tpu.vector_load %arg17[%parallel_loop3A_426, %parallel_loop3A_427] {strides = array<i32>} : memref<80x64xf32, #tpu.memory_space<vmem>>, vector<1x16xf32>,
      %parallel_loop3A_429 = vector.shape_cast %parallel_loop3A_428 : vector<1x16xf32> to vector<16xf32>
      %parallel_loop3A_430 = arith.mulf %parallel_loop3A_425, %parallel_loop3A_429 : vector<16xf32>
      %parallel_loop3A_431 = arith.index_cast %parallel_loop3A_393 : i32 to index
      %parallel_loop3A_432 = arith.constant 32 : index
      %parallel_loop3A_433 = tpu.vector_load %arg13[%parallel_loop3A_431, %parallel_loop3A_432] {strides = array<i32>} : memref<80x64xf32, #tpu.memory_space<vmem>>, vector<1x16xf32>,
      %parallel_loop3A_434 = vector.shape_cast %parallel_loop3A_433 : vector<1x16xf32> to vector<16xf32>
      %parallel_loop3A_435 = vector.shape_cast %parallel_loop3A_430 : vector<16xf32> to vector<1x16xf32>
      tpu.vector_store %arg13[%parallel_loop3A_431, %parallel_loop3A_432], %parallel_loop3A_435 {strides = array<i32>} : memref<80x64xf32, #tpu.memory_space<vmem>>, vector<1x16xf32>,
      %parallel_loop3A_436 = arith.index_cast %parallel_loop3A_393 : i32 to index
      %parallel_loop3A_437 = arith.constant 48 : index
      %parallel_loop3A_438 = tpu.vector_load %arg13[%parallel_loop3A_436, %parallel_loop3A_437] {strides = array<i32>} : memref<80x64xf32, #tpu.memory_space<vmem>>, vector<1x16xf32>,
      %parallel_loop3A_439 = vector.shape_cast %parallel_loop3A_438 : vector<1x16xf32> to vector<16xf32>
      %parallel_loop3A_440 = arith.index_cast %parallel_loop3A_393 : i32 to index
      %parallel_loop3A_441 = arith.constant 48 : index
      %parallel_loop3A_442 = tpu.vector_load %arg17[%parallel_loop3A_440, %parallel_loop3A_441] {strides = array<i32>} : memref<80x64xf32, #tpu.memory_space<vmem>>, vector<1x16xf32>,
      %parallel_loop3A_443 = vector.shape_cast %parallel_loop3A_442 : vector<1x16xf32> to vector<16xf32>
      %parallel_loop3A_444 = arith.mulf %parallel_loop3A_439, %parallel_loop3A_443 : vector<16xf32>
      %parallel_loop3A_445 = arith.index_cast %parallel_loop3A_393 : i32 to index
      %parallel_loop3A_446 = arith.constant 48 : index
      %parallel_loop3A_447 = tpu.vector_load %arg13[%parallel_loop3A_445, %parallel_loop3A_446] {strides = array<i32>} : memref<80x64xf32, #tpu.memory_space<vmem>>, vector<1x16xf32>,
      %parallel_loop3A_448 = vector.shape_cast %parallel_loop3A_447 : vector<1x16xf32> to vector<16xf32>
      %parallel_loop3A_449 = vector.shape_cast %parallel_loop3A_444 : vector<16xf32> to vector<1x16xf32>
      tpu.vector_store %arg13[%parallel_loop3A_445, %parallel_loop3A_446], %parallel_loop3A_449 {strides = array<i32>} : memref<80x64xf32, #tpu.memory_space<vmem>>, vector<1x16xf32>,
    } {sc.loop_unroll_factor = 4 : i64, sc.parallel_access}
    %mul3A_325 = arith.constant 248 : i32
    %mul3A_326 = arith.constant 80 : i32
    %mul3A_327 = arith.muli %mul3A_325, %mul3A_326 : i32
    %add3A_328 = arith.addi %mul3A_61, %mul3A_327 : i32
    %dma_wait3A_329 = tpu.memref_slice %arg9[%add3A_328] : memref<320000xi32, #tpu.memory_space<hbm>> -> memref<80xi32, #tpu.memory_space<hbm>>
    %dma_wait3A_330 = tpu.memref_slice %arg9[%add3A_328] : memref<320000xi32, #tpu.memory_space<hbm>> -> memref<80xi32, #tpu.memory_space<hbm>>
    tpu.wait_dma2 semaphore(%arg49 : memref<!tpu.dma_semaphore, #tpu.memory_space<semaphore_mem>>) src(%dma_wait3A_330 : memref<80xi32, #tpu.memory_space<hbm>>) dst(%arg29 : memref<80xi32, #tpu.memory_space<vmem>>)
    %dma_start3A_331 = arith.constant 0 : i32
    %dma_start3A_332 = arith.constant 0 : i32
    %dma_start3A_333 = tpu.memref_slice %arg34[%dma_start3A_331, %dma_start3A_332] : memref<10000x64xf32, #tpu.memory_space<vmem_shared>> -> memref<10000x64xf32, #tpu.memory_space<vmem_shared>>
    tpu.enqueue_indirect_dma source(%arg13 : memref<80x64xf32, #tpu.memory_space<vmem>>) target(%dma_start3A_333 : memref<10000x64xf32, #tpu.memory_space<vmem_shared>>) offsets(%arg29 : memref<80xi32, #tpu.memory_space<vmem>>) semaphore(%arg53 : memref<!tpu.dma_semaphore, #tpu.memory_space<semaphore_mem>>) {add = true}
    %ge3A_334 = arith.constant 249 : i32
    %ge3A_335 = arith.constant 2 : i32
    %ge3A_336 = arith.cmpi sge, %ge3A_334, %ge3A_335 : i32
    %convert_element_type3A_337 = arith.extui %ge3A_336 : i1 to i32
    %cond3A_338 = arith.constant 0 : i32
    %cond3A_339 = arith.cmpi ne, %convert_element_type3A_337, %cond3A_338 : i32
    scf.if %cond3A_339 {
      %dma_wait3A_393 = arith.constant 0 : i32
      %dma_wait3A_394 = arith.constant 0 : i32
      %dma_wait3A_395 = tpu.memref_slice %arg34[%dma_wait3A_393, %dma_wait3A_394] : memref<10000x64xf32, #tpu.memory_space<vmem_shared>> -> memref<10000x64xf32, #tpu.memory_space<vmem_shared>>
      tpu.wait_indirect_dma semaphore(%arg56 : memref<!tpu.dma_semaphore, #tpu.memory_space<semaphore_mem>>) src(%arg16 : memref<80x64xf32, #tpu.memory_space<vmem>>) dst(%dma_wait3A_395 : memref<10000x64xf32, #tpu.memory_space<vmem_shared>>)
    } else {
    }
    %add3A_340 = arith.constant 249 : i32
    %add3A_341 = arith.constant 2 : i32
    %add3A_342 = arith.addi %add3A_340, %add3A_341 : i32
    %lt3A_343 = arith.constant 250 : i32
    %lt3A_344 = arith.cmpi slt, %add3A_342, %lt3A_343 : i32
    %convert_element_type3A_345 = arith.extui %lt3A_344 : i1 to i32
    %cond3A_346 = arith.constant 249 : i32
    %cond3A_347 = arith.constant 0 : i32
    %cond3A_348 = arith.cmpi ne, %convert_element_type3A_345, %cond3A_347 : i32
    scf.if %cond3A_348 {
      %add3A_393 = arith.constant 2 : i32
      %add3A_394 = arith.addi %cond3A_346, %add3A_393 : i32
      %mul3A_395 = arith.constant 80 : i32
      %mul3A_396 = arith.muli %add3A_394, %mul3A_395 : i32
      %add3A_397 = arith.addi %mul3A_61, %mul3A_396 : i32
      %dma_start3A_398 = tpu.memref_slice %arg9[%add3A_397] : memref<320000xi32, #tpu.memory_space<hbm>> -> memref<80xi32, #tpu.memory_space<hbm>>
      %dma_start3A_399 = tpu.memref_slice %arg9[%add3A_397] : memref<320000xi32, #tpu.memory_space<hbm>> -> memref<80xi32, #tpu.memory_space<hbm>>
      tpu.enqueue_dma source(%dma_start3A_399 : memref<80xi32, #tpu.memory_space<hbm>>) target(%arg32 : memref<80xi32, #tpu.memory_space<vmem>>) target_semaphore(%arg52 : memref<!tpu.dma_semaphore, #tpu.memory_space<semaphore_mem>>)
      %add3A_400 = arith.constant 2 : i32
      %add3A_401 = arith.addi %cond3A_346, %add3A_400 : i32
      %mul3A_402 = arith.constant 80 : i32
      %mul3A_403 = arith.muli %add3A_401, %mul3A_402 : i32
      %add3A_404 = arith.addi %mul3A_61, %mul3A_403 : i32
      %dma_wait3A_405 = tpu.memref_slice %arg8[%add3A_404] : memref<320000xi32, #tpu.memory_space<hbm>> -> memref<80xi32, #tpu.memory_space<hbm>>
      %dma_wait3A_406 = tpu.memref_slice %arg8[%add3A_404] : memref<320000xi32, #tpu.memory_space<hbm>> -> memref<80xi32, #tpu.memory_space<hbm>>
      tpu.wait_dma2 semaphore(%arg48 : memref<!tpu.dma_semaphore, #tpu.memory_space<semaphore_mem>>) src(%dma_wait3A_406 : memref<80xi32, #tpu.memory_space<hbm>>) dst(%arg24 : memref<80xi32, #tpu.memory_space<vmem>>)
      %mul3A_407 = arith.constant 80 : i32
      %mul3A_408 = arith.muli %add3A_401, %mul3A_407 : i32
      %add3A_409 = arith.addi %mul3A_61, %mul3A_408 : i32
      %dma_wait3A_410 = tpu.memref_slice %arg10[%add3A_409] : memref<320000xi32, #tpu.memory_space<hbm>> -> memref<80xi32, #tpu.memory_space<hbm>>
      %dma_wait3A_411 = tpu.memref_slice %arg10[%add3A_409] : memref<320000xi32, #tpu.memory_space<hbm>> -> memref<80xi32, #tpu.memory_space<hbm>>
      tpu.wait_dma2 semaphore(%arg48 : memref<!tpu.dma_semaphore, #tpu.memory_space<semaphore_mem>>) src(%dma_wait3A_411 : memref<80xi32, #tpu.memory_space<hbm>>) dst(%arg28 : memref<80xi32, #tpu.memory_space<vmem>>)
      %dma_start3A_412 = arith.constant 0 : i32
      %dma_start3A_413 = arith.constant 0 : i32
      %dma_start3A_414 = tpu.memref_slice %arg33[%dma_start3A_412, %dma_start3A_413] : memref<10000x64xf32, #tpu.memory_space<vmem_shared>> -> memref<10000x64xf32, #tpu.memory_space<vmem_shared>>
      tpu.enqueue_indirect_dma source(%dma_start3A_414 : memref<10000x64xf32, #tpu.memory_space<vmem_shared>>) target(%arg16 : memref<80x64xf32, #tpu.memory_space<vmem>>) offsets(%arg24 : memref<80xi32, #tpu.memory_space<vmem>>) semaphore(%arg40 : memref<!tpu.dma_semaphore, #tpu.memory_space<semaphore_mem>>)
      %dma_start3A_415 = arith.constant 0 : i32
      %dma_start3A_416 = arith.constant 0 : i32
      %dma_start3A_417 = tpu.memref_slice %arg36[%dma_start3A_415, %dma_start3A_416] : memref<100x64xf32, #tpu.memory_space<vmem_shared>> -> memref<100x64xf32, #tpu.memory_space<vmem_shared>>
      tpu.enqueue_indirect_dma source(%dma_start3A_417 : memref<100x64xf32, #tpu.memory_space<vmem_shared>>) target(%arg20 : memref<80x64xf32, #tpu.memory_space<vmem>>) offsets(%arg28 : memref<80xi32, #tpu.memory_space<vmem>>) semaphore(%arg44 : memref<!tpu.dma_semaphore, #tpu.memory_space<semaphore_mem>>)
    } else {
    }
    %add3A_349 = arith.constant 249 : i32
    %add3A_350 = arith.constant 3 : i32
    %add3A_351 = arith.addi %add3A_349, %add3A_350 : i32
    %lt3A_352 = arith.constant 250 : i32
    %lt3A_353 = arith.cmpi slt, %add3A_351, %lt3A_352 : i32
    %convert_element_type3A_354 = arith.extui %lt3A_353 : i1 to i32
    %cond3A_355 = arith.constant 249 : i32
    %cond3A_356 = arith.constant 0 : i32
    %cond3A_357 = arith.cmpi ne, %convert_element_type3A_354, %cond3A_356 : i32
    scf.if %cond3A_357 {
      %add3A_393 = arith.constant 3 : i32
      %add3A_394 = arith.addi %cond3A_355, %add3A_393 : i32
      %mul3A_395 = arith.constant 80 : i32
      %mul3A_396 = arith.muli %add3A_394, %mul3A_395 : i32
      %add3A_397 = arith.addi %mul3A_61, %mul3A_396 : i32
      %dma_start3A_398 = tpu.memref_slice %arg8[%add3A_397] : memref<320000xi32, #tpu.memory_space<hbm>> -> memref<80xi32, #tpu.memory_space<hbm>>
      %dma_start3A_399 = tpu.memref_slice %arg8[%add3A_397] : memref<320000xi32, #tpu.memory_space<hbm>> -> memref<80xi32, #tpu.memory_space<hbm>>
      tpu.enqueue_dma source(%dma_start3A_399 : memref<80xi32, #tpu.memory_space<hbm>>) target(%arg21 : memref<80xi32, #tpu.memory_space<vmem>>) target_semaphore(%arg45 : memref<!tpu.dma_semaphore, #tpu.memory_space<semaphore_mem>>)
      %mul3A_400 = arith.constant 80 : i32
      %mul3A_401 = arith.muli %add3A_394, %mul3A_400 : i32
      %add3A_402 = arith.addi %mul3A_61, %mul3A_401 : i32
      %dma_start3A_403 = tpu.memref_slice %arg10[%add3A_402] : memref<320000xi32, #tpu.memory_space<hbm>> -> memref<80xi32, #tpu.memory_space<hbm>>
      %dma_start3A_404 = tpu.memref_slice %arg10[%add3A_402] : memref<320000xi32, #tpu.memory_space<hbm>> -> memref<80xi32, #tpu.memory_space<hbm>>
      tpu.enqueue_dma source(%dma_start3A_404 : memref<80xi32, #tpu.memory_space<hbm>>) target(%arg25 : memref<80xi32, #tpu.memory_space<vmem>>) target_semaphore(%arg45 : memref<!tpu.dma_semaphore, #tpu.memory_space<semaphore_mem>>)
    } else {
    }
    %dma_wait3A_358 = arith.constant 0 : i32
    %dma_wait3A_359 = arith.constant 0 : i32
    %dma_wait3A_360 = tpu.memref_slice %arg33[%dma_wait3A_358, %dma_wait3A_359] : memref<10000x64xf32, #tpu.memory_space<vmem_shared>> -> memref<10000x64xf32, #tpu.memory_space<vmem_shared>>
    tpu.wait_indirect_dma semaphore(%arg38 : memref<!tpu.dma_semaphore, #tpu.memory_space<semaphore_mem>>) src(%dma_wait3A_360 : memref<10000x64xf32, #tpu.memory_space<vmem_shared>>) dst(%arg14 : memref<80x64xf32, #tpu.memory_space<vmem>>)
    %dma_wait3A_361 = arith.constant 0 : i32
    %dma_wait3A_362 = arith.constant 0 : i32
    %dma_wait3A_363 = tpu.memref_slice %arg36[%dma_wait3A_361, %dma_wait3A_362] : memref<100x64xf32, #tpu.memory_space<vmem_shared>> -> memref<100x64xf32, #tpu.memory_space<vmem_shared>>
    tpu.wait_indirect_dma semaphore(%arg42 : memref<!tpu.dma_semaphore, #tpu.memory_space<semaphore_mem>>) src(%dma_wait3A_363 : memref<100x64xf32, #tpu.memory_space<vmem_shared>>) dst(%arg18 : memref<80x64xf32, #tpu.memory_space<vmem>>)
    %parallel_loop3A_364 = arith.constant 0 : i32
    %parallel_loop3A_365 = arith.constant 80 : i32
    %parallel_loop3A_366 = arith.constant 1 : i32
    scf.for %parallel_loop3A_393 = %parallel_loop3A_364 to %parallel_loop3A_365 step %parallel_loop3A_366  : i32 {
      %parallel_loop3A_394 = arith.index_cast %parallel_loop3A_393 : i32 to index
      %parallel_loop3A_395 = arith.constant 0 : index
      %parallel_loop3A_396 = tpu.vector_load %arg14[%parallel_loop3A_394, %parallel_loop3A_395] {strides = array<i32>} : memref<80x64xf32, #tpu.memory_space<vmem>>, vector<1x16xf32>,
      %parallel_loop3A_397 = vector.shape_cast %parallel_loop3A_396 : vector<1x16xf32> to vector<16xf32>
      %parallel_loop3A_398 = arith.index_cast %parallel_loop3A_393 : i32 to index
      %parallel_loop3A_399 = arith.constant 0 : index
      %parallel_loop3A_400 = tpu.vector_load %arg18[%parallel_loop3A_398, %parallel_loop3A_399] {strides = array<i32>} : memref<80x64xf32, #tpu.memory_space<vmem>>, vector<1x16xf32>,
      %parallel_loop3A_401 = vector.shape_cast %parallel_loop3A_400 : vector<1x16xf32> to vector<16xf32>
      %parallel_loop3A_402 = arith.mulf %parallel_loop3A_397, %parallel_loop3A_401 : vector<16xf32>
      %parallel_loop3A_403 = arith.index_cast %parallel_loop3A_393 : i32 to index
      %parallel_loop3A_404 = arith.constant 0 : index
      %parallel_loop3A_405 = tpu.vector_load %arg14[%parallel_loop3A_403, %parallel_loop3A_404] {strides = array<i32>} : memref<80x64xf32, #tpu.memory_space<vmem>>, vector<1x16xf32>,
      %parallel_loop3A_406 = vector.shape_cast %parallel_loop3A_405 : vector<1x16xf32> to vector<16xf32>
      %parallel_loop3A_407 = vector.shape_cast %parallel_loop3A_402 : vector<16xf32> to vector<1x16xf32>
      tpu.vector_store %arg14[%parallel_loop3A_403, %parallel_loop3A_404], %parallel_loop3A_407 {strides = array<i32>} : memref<80x64xf32, #tpu.memory_space<vmem>>, vector<1x16xf32>,
      %parallel_loop3A_408 = arith.index_cast %parallel_loop3A_393 : i32 to index
      %parallel_loop3A_409 = arith.constant 16 : index
      %parallel_loop3A_410 = tpu.vector_load %arg14[%parallel_loop3A_408, %parallel_loop3A_409] {strides = array<i32>} : memref<80x64xf32, #tpu.memory_space<vmem>>, vector<1x16xf32>,
      %parallel_loop3A_411 = vector.shape_cast %parallel_loop3A_410 : vector<1x16xf32> to vector<16xf32>
      %parallel_loop3A_412 = arith.index_cast %parallel_loop3A_393 : i32 to index
      %parallel_loop3A_413 = arith.constant 16 : index
      %parallel_loop3A_414 = tpu.vector_load %arg18[%parallel_loop3A_412, %parallel_loop3A_413] {strides = array<i32>} : memref<80x64xf32, #tpu.memory_space<vmem>>, vector<1x16xf32>,
      %parallel_loop3A_415 = vector.shape_cast %parallel_loop3A_414 : vector<1x16xf32> to vector<16xf32>
      %parallel_loop3A_416 = arith.mulf %parallel_loop3A_411, %parallel_loop3A_415 : vector<16xf32>
      %parallel_loop3A_417 = arith.index_cast %parallel_loop3A_393 : i32 to index
      %parallel_loop3A_418 = arith.constant 16 : index
      %parallel_loop3A_419 = tpu.vector_load %arg14[%parallel_loop3A_417, %parallel_loop3A_418] {strides = array<i32>} : memref<80x64xf32, #tpu.memory_space<vmem>>, vector<1x16xf32>,
      %parallel_loop3A_420 = vector.shape_cast %parallel_loop3A_419 : vector<1x16xf32> to vector<16xf32>
      %parallel_loop3A_421 = vector.shape_cast %parallel_loop3A_416 : vector<16xf32> to vector<1x16xf32>
      tpu.vector_store %arg14[%parallel_loop3A_417, %parallel_loop3A_418], %parallel_loop3A_421 {strides = array<i32>} : memref<80x64xf32, #tpu.memory_space<vmem>>, vector<1x16xf32>,
      %parallel_loop3A_422 = arith.index_cast %parallel_loop3A_393 : i32 to index
      %parallel_loop3A_423 = arith.constant 32 : index
      %parallel_loop3A_424 = tpu.vector_load %arg14[%parallel_loop3A_422, %parallel_loop3A_423] {strides = array<i32>} : memref<80x64xf32, #tpu.memory_space<vmem>>, vector<1x16xf32>,
      %parallel_loop3A_425 = vector.shape_cast %parallel_loop3A_424 : vector<1x16xf32> to vector<16xf32>
      %parallel_loop3A_426 = arith.index_cast %parallel_loop3A_393 : i32 to index
      %parallel_loop3A_427 = arith.constant 32 : index
      %parallel_loop3A_428 = tpu.vector_load %arg18[%parallel_loop3A_426, %parallel_loop3A_427] {strides = array<i32>} : memref<80x64xf32, #tpu.memory_space<vmem>>, vector<1x16xf32>,
      %parallel_loop3A_429 = vector.shape_cast %parallel_loop3A_428 : vector<1x16xf32> to vector<16xf32>
      %parallel_loop3A_430 = arith.mulf %parallel_loop3A_425, %parallel_loop3A_429 : vector<16xf32>
      %parallel_loop3A_431 = arith.index_cast %parallel_loop3A_393 : i32 to index
      %parallel_loop3A_432 = arith.constant 32 : index
      %parallel_loop3A_433 = tpu.vector_load %arg14[%parallel_loop3A_431, %parallel_loop3A_432] {strides = array<i32>} : memref<80x64xf32, #tpu.memory_space<vmem>>, vector<1x16xf32>,
      %parallel_loop3A_434 = vector.shape_cast %parallel_loop3A_433 : vector<1x16xf32> to vector<16xf32>
      %parallel_loop3A_435 = vector.shape_cast %parallel_loop3A_430 : vector<16xf32> to vector<1x16xf32>
      tpu.vector_store %arg14[%parallel_loop3A_431, %parallel_loop3A_432], %parallel_loop3A_435 {strides = array<i32>} : memref<80x64xf32, #tpu.memory_space<vmem>>, vector<1x16xf32>,
      %parallel_loop3A_436 = arith.index_cast %parallel_loop3A_393 : i32 to index
      %parallel_loop3A_437 = arith.constant 48 : index
      %parallel_loop3A_438 = tpu.vector_load %arg14[%parallel_loop3A_436, %parallel_loop3A_437] {strides = array<i32>} : memref<80x64xf32, #tpu.memory_space<vmem>>, vector<1x16xf32>,
      %parallel_loop3A_439 = vector.shape_cast %parallel_loop3A_438 : vector<1x16xf32> to vector<16xf32>
      %parallel_loop3A_440 = arith.index_cast %parallel_loop3A_393 : i32 to index
      %parallel_loop3A_441 = arith.constant 48 : index
      %parallel_loop3A_442 = tpu.vector_load %arg18[%parallel_loop3A_440, %parallel_loop3A_441] {strides = array<i32>} : memref<80x64xf32, #tpu.memory_space<vmem>>, vector<1x16xf32>,
      %parallel_loop3A_443 = vector.shape_cast %parallel_loop3A_442 : vector<1x16xf32> to vector<16xf32>
      %parallel_loop3A_444 = arith.mulf %parallel_loop3A_439, %parallel_loop3A_443 : vector<16xf32>
      %parallel_loop3A_445 = arith.index_cast %parallel_loop3A_393 : i32 to index
      %parallel_loop3A_446 = arith.constant 48 : index
      %parallel_loop3A_447 = tpu.vector_load %arg14[%parallel_loop3A_445, %parallel_loop3A_446] {strides = array<i32>} : memref<80x64xf32, #tpu.memory_space<vmem>>, vector<1x16xf32>,
      %parallel_loop3A_448 = vector.shape_cast %parallel_loop3A_447 : vector<1x16xf32> to vector<16xf32>
      %parallel_loop3A_449 = vector.shape_cast %parallel_loop3A_444 : vector<16xf32> to vector<1x16xf32>
      tpu.vector_store %arg14[%parallel_loop3A_445, %parallel_loop3A_446], %parallel_loop3A_449 {strides = array<i32>} : memref<80x64xf32, #tpu.memory_space<vmem>>, vector<1x16xf32>,
    } {sc.loop_unroll_factor = 4 : i64, sc.parallel_access}
    %mul3A_367 = arith.constant 249 : i32
    %mul3A_368 = arith.constant 80 : i32
    %mul3A_369 = arith.muli %mul3A_367, %mul3A_368 : i32
    %add3A_370 = arith.addi %mul3A_61, %mul3A_369 : i32
    %dma_wait3A_371 = tpu.memref_slice %arg9[%add3A_370] : memref<320000xi32, #tpu.memory_space<hbm>> -> memref<80xi32, #tpu.memory_space<hbm>>
    %dma_wait3A_372 = tpu.memref_slice %arg9[%add3A_370] : memref<320000xi32, #tpu.memory_space<hbm>> -> memref<80xi32, #tpu.memory_space<hbm>>
    tpu.wait_dma2 semaphore(%arg50 : memref<!tpu.dma_semaphore, #tpu.memory_space<semaphore_mem>>) src(%dma_wait3A_372 : memref<80xi32, #tpu.memory_space<hbm>>) dst(%arg30 : memref<80xi32, #tpu.memory_space<vmem>>)
    %dma_start3A_373 = arith.constant 0 : i32
    %dma_start3A_374 = arith.constant 0 : i32
    %dma_start3A_375 = tpu.memref_slice %arg34[%dma_start3A_373, %dma_start3A_374] : memref<10000x64xf32, #tpu.memory_space<vmem_shared>> -> memref<10000x64xf32, #tpu.memory_space<vmem_shared>>
    tpu.enqueue_indirect_dma source(%arg14 : memref<80x64xf32, #tpu.memory_space<vmem>>) target(%dma_start3A_375 : memref<10000x64xf32, #tpu.memory_space<vmem_shared>>) offsets(%arg30 : memref<80xi32, #tpu.memory_space<vmem>>) semaphore(%arg54 : memref<!tpu.dma_semaphore, #tpu.memory_space<semaphore_mem>>) {add = true}
    %dma_wait3A_376 = arith.constant 0 : i32
    %dma_wait3A_377 = arith.constant 0 : i32
    %dma_wait3A_378 = tpu.memref_slice %arg34[%dma_wait3A_376, %dma_wait3A_377] : memref<10000x64xf32, #tpu.memory_space<vmem_shared>> -> memref<10000x64xf32, #tpu.memory_space<vmem_shared>>
    tpu.wait_indirect_dma semaphore(%arg53 : memref<!tpu.dma_semaphore, #tpu.memory_space<semaphore_mem>>) src(%arg13 : memref<80x64xf32, #tpu.memory_space<vmem>>) dst(%dma_wait3A_378 : memref<10000x64xf32, #tpu.memory_space<vmem_shared>>)
    %dma_wait3A_379 = arith.constant 0 : i32
    %dma_wait3A_380 = arith.constant 0 : i32
    %dma_wait3A_381 = tpu.memref_slice %arg34[%dma_wait3A_379, %dma_wait3A_380] : memref<10000x64xf32, #tpu.memory_space<vmem_shared>> -> memref<10000x64xf32, #tpu.memory_space<vmem_shared>>
    tpu.wait_indirect_dma semaphore(%arg54 : memref<!tpu.dma_semaphore, #tpu.memory_space<semaphore_mem>>) src(%arg14 : memref<80x64xf32, #tpu.memory_space<vmem>>) dst(%dma_wait3A_381 : memref<10000x64xf32, #tpu.memory_space<vmem_shared>>)
    %barrier3A_382 = arith.constant 0 : index
    tpu.barrier barrier_id(%barrier3A_382)
    %eq3A_383 = arith.constant 0 : i32
    %eq3A_384 = arith.cmpi eq, %arg0, %eq3A_383 : i32
    %convert_element_type3A_385 = arith.extui %eq3A_384 : i1 to i32
    %cond3A_386 = arith.constant 0 : i32
    %cond3A_387 = arith.cmpi ne, %convert_element_type3A_385, %cond3A_386 : i32
    scf.if %cond3A_387 {
      "tpu.region"() ({
        %run_scoped3A = tpu.sem_alloc : memref<!tpu.dma_semaphore, #tpu.memory_space<semaphore_mem>>
        %dma_start3A_398 = arith.constant 0 : i32
        %dma_start3A_399 = tpu.memref_slice %arg11[%mul3A_15, %dma_start3A_398] : memref<10000x64xf32, #tpu.memory_space<hbm>> -> memref<624x64xf32, #tpu.memory_space<hbm>>
        %dma_start3A_400 = arith.constant 0 : i32
        %dma_start3A_401 = tpu.memref_slice %arg34[%mul3A_15, %dma_start3A_400] : memref<10000x64xf32, #tpu.memory_space<vmem_shared>> -> memref<624x64xf32, #tpu.memory_space<vmem_shared>>
        tpu.enqueue_dma source(%dma_start3A_401 : memref<624x64xf32, #tpu.memory_space<vmem_shared>>) target(%dma_start3A_399 : memref<624x64xf32, #tpu.memory_space<hbm>>) target_semaphore(%run_scoped3A : memref<!tpu.dma_semaphore, #tpu.memory_space<semaphore_mem>>)
        %dma_wait3A_402 = arith.constant 0 : i32
        %dma_wait3A_403 = tpu.memref_slice %arg11[%mul3A_15, %dma_wait3A_402] : memref<10000x64xf32, #tpu.memory_space<hbm>> -> memref<624x64xf32, #tpu.memory_space<hbm>>
        %dma_wait3A_404 = arith.constant 0 : i32
        %dma_wait3A_405 = tpu.memref_slice %arg34[%mul3A_15, %dma_wait3A_404] : memref<10000x64xf32, #tpu.memory_space<vmem_shared>> -> memref<624x64xf32, #tpu.memory_space<vmem_shared>>
        tpu.wait_dma2 semaphore(%run_scoped3A : memref<!tpu.dma_semaphore, #tpu.memory_space<semaphore_mem>>) src(%dma_wait3A_405 : memref<624x64xf32, #tpu.memory_space<vmem_shared>>) dst(%dma_wait3A_403 : memref<624x64xf32, #tpu.memory_space<hbm>>)
        tpu.yield
      }) : () -> ()
      %eq3A_393 = arith.constant 15 : i32
      %eq3A_394 = arith.cmpi eq, %arg1, %eq3A_393 : i32
      %convert_element_type3A_395 = arith.extui %eq3A_394 : i1 to i32
      %cond3A_396 = arith.constant 0 : i32
      %cond3A_397 = arith.cmpi ne, %convert_element_type3A_395, %cond3A_396 : i32
      scf.if %cond3A_397 {
        "tpu.region"() ({
          %run_scoped3A = tpu.sem_alloc : memref<!tpu.dma_semaphore, #tpu.memory_space<semaphore_mem>>
          %dma_start3A_398 = arith.constant 9984 : i32
          %dma_start3A_399 = arith.constant 0 : i32
          %dma_start3A_400 = tpu.memref_slice %arg11[%dma_start3A_398, %dma_start3A_399] : memref<10000x64xf32, #tpu.memory_space<hbm>> -> memref<16x64xf32, #tpu.memory_space<hbm>>
          %dma_start3A_401 = arith.constant 9984 : i32
          %dma_start3A_402 = arith.constant 0 : i32
          %dma_start3A_403 = tpu.memref_slice %arg34[%dma_start3A_401, %dma_start3A_402] : memref<10000x64xf32, #tpu.memory_space<vmem_shared>> -> memref<16x64xf32, #tpu.memory_space<vmem_shared>>
          tpu.enqueue_dma source(%dma_start3A_403 : memref<16x64xf32, #tpu.memory_space<vmem_shared>>) target(%dma_start3A_400 : memref<16x64xf32, #tpu.memory_space<hbm>>) target_semaphore(%run_scoped3A : memref<!tpu.dma_semaphore, #tpu.memory_space<semaphore_mem>>)
          %dma_wait3A_404 = arith.constant 9984 : i32
          %dma_wait3A_405 = arith.constant 0 : i32
          %dma_wait3A_406 = tpu.memref_slice %arg11[%dma_wait3A_404, %dma_wait3A_405] : memref<10000x64xf32, #tpu.memory_space<hbm>> -> memref<16x64xf32, #tpu.memory_space<hbm>>
          %dma_wait3A_407 = arith.constant 9984 : i32
          %dma_wait3A_408 = arith.constant 0 : i32
          %dma_wait3A_409 = tpu.memref_slice %arg34[%dma_wait3A_407, %dma_wait3A_408] : memref<10000x64xf32, #tpu.memory_space<vmem_shared>> -> memref<16x64xf32, #tpu.memory_space<vmem_shared>>
          tpu.wait_dma2 semaphore(%run_scoped3A : memref<!tpu.dma_semaphore, #tpu.memory_space<semaphore_mem>>) src(%dma_wait3A_409 : memref<16x64xf32, #tpu.memory_space<vmem_shared>>) dst(%dma_wait3A_406 : memref<16x64xf32, #tpu.memory_space<hbm>>)
          tpu.yield
        }) : () -> ()
      } else {
      }
    } else {
    }
    %eq3A_388 = arith.constant 1 : i32
    %eq3A_389 = arith.cmpi eq, %arg0, %eq3A_388 : i32
    %convert_element_type3A_390 = arith.extui %eq3A_389 : i1 to i32
    %cond3A_391 = arith.constant 0 : i32
    %cond3A_392 = arith.cmpi ne, %convert_element_type3A_390, %cond3A_391 : i32
    scf.if %cond3A_392 {
      "tpu.region"() ({
        %run_scoped3A = tpu.sem_alloc : memref<!tpu.dma_semaphore, #tpu.memory_space<semaphore_mem>>
        %dma_start3A_398 = arith.constant 0 : i32
        %dma_start3A_399 = tpu.memref_slice %arg12[%mul3A_15, %dma_start3A_398] : memref<10000x64xf32, #tpu.memory_space<hbm>> -> memref<624x64xf32, #tpu.memory_space<hbm>>
        %dma_start3A_400 = arith.constant 0 : i32
        %dma_start3A_401 = tpu.memref_slice %arg34[%mul3A_15, %dma_start3A_400] : memref<10000x64xf32, #tpu.memory_space<vmem_shared>> -> memref<624x64xf32, #tpu.memory_space<vmem_shared>>
        tpu.enqueue_dma source(%dma_start3A_401 : memref<624x64xf32, #tpu.memory_space<vmem_shared>>) target(%dma_start3A_399 : memref<624x64xf32, #tpu.memory_space<hbm>>) target_semaphore(%run_scoped3A : memref<!tpu.dma_semaphore, #tpu.memory_space<semaphore_mem>>)
        %dma_wait3A_402 = arith.constant 0 : i32
        %dma_wait3A_403 = tpu.memref_slice %arg12[%mul3A_15, %dma_wait3A_402] : memref<10000x64xf32, #tpu.memory_space<hbm>> -> memref<624x64xf32, #tpu.memory_space<hbm>>
        %dma_wait3A_404 = arith.constant 0 : i32
        %dma_wait3A_405 = tpu.memref_slice %arg34[%mul3A_15, %dma_wait3A_404] : memref<10000x64xf32, #tpu.memory_space<vmem_shared>> -> memref<624x64xf32, #tpu.memory_space<vmem_shared>>
        tpu.wait_dma2 semaphore(%run_scoped3A : memref<!tpu.dma_semaphore, #tpu.memory_space<semaphore_mem>>) src(%dma_wait3A_405 : memref<624x64xf32, #tpu.memory_space<vmem_shared>>) dst(%dma_wait3A_403 : memref<624x64xf32, #tpu.memory_space<hbm>>)
        tpu.yield
      }) : () -> ()
      %eq3A_393 = arith.constant 15 : i32
      %eq3A_394 = arith.cmpi eq, %arg1, %eq3A_393 : i32
      %convert_element_type3A_395 = arith.extui %eq3A_394 : i1 to i32
      %cond3A_396 = arith.constant 0 : i32
      %cond3A_397 = arith.cmpi ne, %convert_element_type3A_395, %cond3A_396 : i32
      scf.if %cond3A_397 {
        "tpu.region"() ({
          %run_scoped3A = tpu.sem_alloc : memref<!tpu.dma_semaphore, #tpu.memory_space<semaphore_mem>>
          %dma_start3A_398 = arith.constant 9984 : i32
          %dma_start3A_399 = arith.constant 0 : i32
          %dma_start3A_400 = tpu.memref_slice %arg12[%dma_start3A_398, %dma_start3A_399] : memref<10000x64xf32, #tpu.memory_space<hbm>> -> memref<16x64xf32, #tpu.memory_space<hbm>>
          %dma_start3A_401 = arith.constant 9984 : i32
          %dma_start3A_402 = arith.constant 0 : i32
          %dma_start3A_403 = tpu.memref_slice %arg34[%dma_start3A_401, %dma_start3A_402] : memref<10000x64xf32, #tpu.memory_space<vmem_shared>> -> memref<16x64xf32, #tpu.memory_space<vmem_shared>>
          tpu.enqueue_dma source(%dma_start3A_403 : memref<16x64xf32, #tpu.memory_space<vmem_shared>>) target(%dma_start3A_400 : memref<16x64xf32, #tpu.memory_space<hbm>>) target_semaphore(%run_scoped3A : memref<!tpu.dma_semaphore, #tpu.memory_space<semaphore_mem>>)
          %dma_wait3A_404 = arith.constant 9984 : i32
          %dma_wait3A_405 = arith.constant 0 : i32
          %dma_wait3A_406 = tpu.memref_slice %arg12[%dma_wait3A_404, %dma_wait3A_405] : memref<10000x64xf32, #tpu.memory_space<hbm>> -> memref<16x64xf32, #tpu.memory_space<hbm>>
          %dma_wait3A_407 = arith.constant 9984 : i32
          %dma_wait3A_408 = arith.constant 0 : i32
          %dma_wait3A_409 = tpu.memref_slice %arg34[%dma_wait3A_407, %dma_wait3A_408] : memref<10000x64xf32, #tpu.memory_space<vmem_shared>> -> memref<16x64xf32, #tpu.memory_space<vmem_shared>>
          tpu.wait_dma2 semaphore(%run_scoped3A : memref<!tpu.dma_semaphore, #tpu.memory_space<semaphore_mem>>) src(%dma_wait3A_409 : memref<16x64xf32, #tpu.memory_space<vmem_shared>>) dst(%dma_wait3A_406 : memref<16x64xf32, #tpu.memory_space<hbm>>)
          tpu.yield
        }) : () -> ()
      } else {
      }
    } else {
    }
    return
  }
}

</mosaic_0001>

<sc_bundles>
// kernel: kernel.3.cloned.1.call-start
scs
__scs_entry_jumppad:
0x0: {  	(pc) =	sbr.rel $0x88, $3  }
0x1: {  	(tag) =	ssettag $0x0;
	lr =	simm.s32 $0x1  }
0x2: {  	[smem:$0x3F9C] =	sst lr;
	_ =	strace $0xD0000000  }
0x3: {  	_ = 	snop  }
0x4: {  	_ = 	snop  }
0x5: {  	_ = 	snop  }
0x6: {  	_ = 	snop  }
0x7: {  	_ = 	snop  }
__scs_overlays_trampoline_lowered:
0x8: {  	[smem:$0x3FAB] =	sst s0  }
0x9: {  	[smem:$0x3FAC] =	sst s1  }
0xa: {  	[smem:$0x3FAD] =	sst s2  }
0xb: {  	[smem:$0x3FAE] =	sst s3  }
0xc: {  	[smem:$0x3FAF] =	sst s4  }
0xd: {  	[smem:$0x3FB0] =	sst s5  }
0xe: {  	[smem:$0x3FB1] =	sst s6  }
0xf: {  	[smem:$0x3FB2] =	sst s7  }
0x10: {  	[smem:$0x3FB3] =	sst s8  }
0x11: {  	[smem:$0x3FB4] =	sst s9;
	s0 =	simm.s32 @!p0 $0x0  }
0x12: {  	s1 =	sld [smem:$0x3F9A];
	s0 =	simm.s32 @p0 $0x1  }
0x13: {  	[smem:$0x3FB5] =	sst s0;
	s0 =	simm.s32 @!p1 $0x0  }
0x14: {  	s2 =	sld [smem:$0x3F99];
	s0 =	simm.s32 @p1 $0x1  }
0x15: {  	[smem:$0x3FB6] =	sst s0;
	s0 =	simm.s32 @!p2 $0x0  }
0x16: {  	s3 =	sld [smem:$0x3FDB];
	s0 =	simm.s32 @p2 $0x1  }
0x17: {  	s4 =	simm.s32 $0x1BF5;
	[smem:$0x3FB8] =	sst s0  }
0x18: {  	s0 =	sld [smem:$0x3F9B];
	_ =	swait.ge [sflag:s4], $0x0  }
0x19: {  	s7 =	sld [smem:$0x3F9C]  }
0x1a: {  	s8 =	sadd.s32 $0xFFFFE003, lr  }
0x1b: {  	s9 =	sadd.s32 $0xFFFFFEF7, lr;
	s5 =	simm.s32 $0xFFFFFFFF;
	p2 =	slt.u32 s8, $0xFFFFF086  }
0x1c: {  	p1 =	slt.u32 s9, $0xF7A;
	s5 =	simm.s32 @!p2 $0x0  }
0x1d: {  	s5 =	simm.s32 @p1 $0x1;
	p0 =	seq.s32 s7, s2  }
0x1e: {  	s7 =	smul.u32 @!p0 $0xF7A, s2;
	p2 =	seq.s32 @!p0 s5, $0x0  }
0x1f: {  	s9 =	smul.u32 $0xF7A, s1;
	s8 =	simm.s32 @!p0 $0x1BF5;
	p2 =	por !p2, p0  }
0x20: {  	[sflag:s8] =	ssyncset.s32 @!p0 $0xFFFFF086;
	s6 =	sadd.s32 @!p0 s3, s7;
	s7 =	simm.s32 @!p0 $0x108  }
0x21: {  	s3 =	sadd.s32 s3, s9;
	s6 =	sadd.s32 @!p0 $0x88, s6;
	s7 =	simm.s32 @p2 $0x1082  }
0x22: {  	[simem:s7], [sflag:s8] =	dma.local @!p0 [hbm:s6], $0xF7A  }
0x23: {  	s9 =	sor.u32 $0xD0000000, s2;
	s6 =	simm.s32 $0x108;
	_ =	swait.ge @!p0 [sflag:s8], $0x0  }
0x24: {  	s3 =	sadd.s32 $0x88, s3;
	s6 =	simm.s32 @!p1 $0x1082;
	[sflag:s4] =	ssyncset.s32 $0xFFFFF086  }
0x25: {  	[simem:s6], [sflag:s4] =	dma.local [hbm:s3], $0xF7A  }
0x26: {  	[smem:$0x3F9C] =	sst s1;
	(tag) =	ssettag s2;
	_ =	strace s9  }
0x27: {  	s1 =	sld [smem:$0x3FAC]  }
0x28: {  	s2 =	sld [smem:$0x3FAD]  }
0x29: {  	s4 =	sld [smem:$0x3FAF]  }
0x2a: {  	p0 =	seq.s32 s5, $0x0;
	s5 =	sld [smem:$0x3FB0]  }
0x2b: {  	s6 =	sld [smem:$0x3FB1]  }
0x2c: {  	s7 =	sld [smem:$0x3FB2]  }
0x2d: {  	s3 =	simm.s32 $0x108;
	s8 =	sld [smem:$0x3FB3]  }
0x2e: {  	s3 =	simm.s32 @!p0 $0x1082;
	s9 =	sld [smem:$0x3FB4]  }
0x2f: {  	lr =	sadd.s32 s0, s3;
	s0 =	sld [smem:$0x3FAB]  }
0x30: {  	s3 =	sld [smem:$0x3FAE]  }
0x31: {  	[smem:$0x3FB7] =	sst s10  }
0x32: {  	s10 =	sld [smem:$0x3FB5];
	_ =	sdelay $0x3  }
0x33: {  	p0 =	seq.s32 s10, $0x1;
	s10 =	sld [smem:$0x3FB7];
	_ =	sdelay $0x3  }
0x34: {  	[smem:$0x3FB7] =	sst s10  }
0x35: {  	s10 =	sld [smem:$0x3FB6];
	_ =	sdelay $0x3  }
0x36: {  	p1 =	seq.s32 s10, $0x1;
	s10 =	sld [smem:$0x3FB7];
	_ =	sdelay $0x3  }
0x37: {  	[smem:$0x3FB7] =	sst s10  }
0x38: {  	s10 =	sld [smem:$0x3FB8]  }
0x39: {  	_ = 	snop;
	(pc) =	sbr.ind lr, $3  }
0x3a: {  	_ = 	snop  }
0x3b: {  	_ = 	snop  }
0x3c: {  	p2 =	seq.s32 s10, $0x1;
	s10 =	sld [smem:$0x3FB7]  }
0x3d: {  	_ =	shalt  }
0x3e: {  	_ =	shalt  }
0x3f: {  	_ =	shalt  }
0x40: {  	_ =	shalt  }
0x41: {  	_ =	shalt  }
0x42: {  	_ =	shalt  }
0x43: {  	_ =	shalt  }
0x44: {  	_ =	shalt  }
0x45: {  	_ =	shalt  }
0x46: {  	_ =	shalt  }
0x47: {  	_ =	shalt  }
0x48: {  	_ =	shalt  }
0x49: {  	_ =	shalt  }
0x4a: {  	_ =	shalt  }
0x4b: {  	_ =	shalt  }
0x4c: {  	_ =	shalt  }
0x4d: {  	_ =	shalt  }
0x4e: {  	_ =	shalt  }
0x4f: {  	_ =	shalt  }
0x50: {  	_ =	shalt  }
0x51: {  	_ =	shalt  }
0x52: {  	_ =	shalt  }
0x53: {  	_ =	shalt  }
0x54: {  	_ =	shalt  }
0x55: {  	_ =	shalt  }
0x56: {  	_ =	shalt  }
0x57: {  	_ =	shalt  }
0x58: {  	_ =	shalt  }
0x59: {  	_ =	shalt  }
0x5a: {  	_ =	shalt  }
0x5b: {  	_ =	shalt  }
0x5c: {  	_ =	shalt  }
0x5d: {  	_ =	shalt  }
0x5e: {  	_ =	shalt  }
0x5f: {  	_ =	shalt  }
0x60: {  	_ =	shalt  }
0x61: {  	_ =	shalt  }
0x62: {  	_ =	shalt  }
0x63: {  	_ =	shalt  }
0x64: {  	_ =	shalt  }
0x65: {  	_ =	shalt  }
0x66: {  	_ =	shalt  }
0x67: {  	_ =	shalt  }
0x68: {  	_ =	shalt  }
0x69: {  	_ =	shalt  }
0x6a: {  	_ =	shalt  }
0x6b: {  	_ =	shalt  }
0x6c: {  	_ =	shalt  }
0x6d: {  	_ =	shalt  }
0x6e: {  	_ =	shalt  }
0x6f: {  	_ =	shalt  }
0x70: {  	_ =	shalt  }
0x71: {  	_ =	shalt  }
0x72: {  	_ =	shalt  }
0x73: {  	_ =	shalt  }
0x74: {  	_ =	shalt  }
0x75: {  	_ =	shalt  }
0x76: {  	_ =	shalt  }
0x77: {  	_ =	shalt  }
0x78: {  	_ =	shalt  }
0x79: {  	_ =	shalt  }
0x7a: {  	_ =	shalt  }
0x7b: {  	_ =	shalt  }
0x7c: {  	_ =	shalt  }
0x7d: {  	_ =	shalt  }
0x7e: {  	_ =	shalt  }
0x7f: {  	_ =	shalt  }
0x80: {  	_ =	shalt  }
0x81: {  	_ =	shalt  }
0x82: {  	_ =	shalt  }
0x83: {  	_ =	shalt  }
0x84: {  	_ =	shalt  }
0x85: {  	_ =	shalt  }
0x86: {  	_ =	shalt  }
0x87: {  	_ =	shalt  }
.Lfunc_end0:
.L_simem_size_0:
called_computation_lowered:
.L_overlay_start_0:
0x88: {  	s2 =	sld [smem:$0x3FD9]  }
0x89: {  	s3 =	sld [smem:$0x3FFE];
	_ =	sdelay $0x1  }
0x8a: {  	s1 =	srdreg.scid  }
0x8b: {  	s0 =	sand.u32 $0x1, s1  }
0x8c: {  	s17 =	sshll.u32 s0, $0xA;
	s2 =	sadd.s32 s3, s2  }
0x8d: {  	s2 =	sadd.s32 s2, s17  }
0x8e: {  	[smem:$0x3FC3] =	sst s2  }
0x8f: {  	_ = 	snop  }
0x90: {  	s2 =	sld [smem:$0x3FC7]  }
0x91: {  	s18 =	sld [smem:$0x3FD0];
	(tm) =	ssettm $0x1  }
0x92: {  	s4 =	sld [smem:$0x3FFB];
	_ =	sdelay $0x3  }
0x93: {  	_ =	strace s4  }
0x94: {  	s4 =	sld [smem:$0x3FFC];
	_ =	sdelay $0x3  }
0x95: {  	_ =	strace s4  }
0x96: {  	s4 =	sld [smem:$0x3FFD];
	_ =	sdelay $0x3  }
0x97: {  	_ =	strace s4  }
0x98: {  	_ =	strace $0x8FFFFFFF  }
0x99: {  	s19 =	sld [smem:$0x3FDB];
	_ =	sdelay $0x1  }
0x9a: {  	s5 =	simm.s32 $_scs_section_size  }
0x9b: {  	s6 =	simm.s32 $_size__tile_overlayer_lowered;
	s7 =	simm.s32 $_tile_overlayer_lowered  }
0x9c: {  	s22 =	simm.s32 $0x1BFF;
	s21 =	sshll.u32 s7, $0x1;
	s4 =	sadd.s32 s5, s19  }
0x9d: {  	s8 =	simm.s32 $0x0;
	s20 =	sshll.u32 s6, $0x1;
	s6 =	sadd.s32 s21, s4  }
0x9e: {  	[timem:s8], [sflag:s22] =	dma.local [hbm:s6], s20  }
0x9f: {  	_ =	swait.ge [sflag:s22], s20  }
0xa0: {  	s5 =	ssub.s32 $0x0, s20;
	[sflag:s22] =	ssyncset.done $0x0  }
0xa1: {  	[sflag:s22] =	ssyncadd.s32 s5;
	_ =	sdelay $0x1  }
0xa2: {  	s23 =	simm.s32 $0x1B8B  }
0xa3: {  	_ =	swait.ge [sflag:s23], $0x1  }
0xa4: {  	[sflag:s23] =	ssyncset.done $0x0  }
0xa5: {  	s25 =	simm.s32 $0x1B8E;
	s24 =	sld [smem:$0x3FFE];
	[sflag:s23] =	ssyncadd.s32 $0xFFFFFFFF  }
0xa6: {  	s26 =	simm.s32 $execute0_lowered;
	[smem:$0x3FD2] =	sst s25  }
0xa7: {  	s6 =	sshll.u32 s26, $0x1;
	_ =	strace $0x80000046;
	[dreg:$0x1] =	wrdreg $0xFFFFFFFF  }
0xa8: {  	s28 =	simm.s32 $_size_execute0_lowered;
	s4 =	sadd.s32 s4, s6;
	[dreg:$0x0] =	wrdreg $0x0  }
0xa9: {  	s6 =	sshll.u32 s28, $0x1;
	[dreg:$0x2] =	wrdreg s4  }
0xaa: {  	[dreg:$0x3] =	wrdreg s6  }
0xab: {  	[dreg:$0x4] =	wrdreg $0xC0  }
0xac: {  	_ =	task [dreg:s8], $0x5FFFF  }
0xad: {  	[dreg:$0x1] =	wrdreg $0xFFFFFFFF  }
0xae: {  	[dreg:$0x0] =	wrdreg $0x60  }
0xaf: {  	[dreg:$0x2] =	wrdreg s18  }
0xb0: {  	[dreg:$0x3] =	wrdreg s24  }
0xb1: {  	[dreg:$0x4] =	wrdreg s2  }
0xb2: {  	[dreg:$0x5] =	wrdreg $0x1DC400  }
0xb3: {  	[dreg:$0x6] =	wrdreg $0x1DDD00  }
0xb4: {  	[dreg:$0x7] =	wrdreg $0xA3C00  }
0xb5: {  	[dreg:$0x8] =	wrdreg $0x140000  }
0xb6: {  	[dreg:$0x9] =	wrdreg $0x9  }
0xb7: {  	_ =	task.clear_ibuf [dreg:s8], $0xAFFFF;
	_ =	strace $0x90000046  }
0xb8: {  	s29 =	simm.s32 $0x9;
	_ =	strace $0x80000048  }
0xb9: {  	_ =	swait.ge [sflag:s29], $0x1  }
0xba: {  	[sflag:s29] =	ssyncadd.s32 $0xFFFFFFFF  }
0xbb: {  	_ =	strace $0x90000048  }
0xbc: {  	_ =	sfence  }
0xbd: {  	s30 =	sld [smem:$0x0];
	_ =	sdelay $0x2  }
0xbe: {  	s31 =	sshll.u32 s1, $0xD;
	s1 =	sshrl.u32 s1, $0x2  }
0xbf: {  	s3 =	sand.u32 $0x4000, s31;
	s1 =	sadd.s32 s1, s30  }
0xc0: {  	s0 =	sor.u32 s3, s0;
	s1 =	sshll.u32 s1, $0x11  }
0xc1: {  	s0 =	sor.u32 s1, s0  }
0xc2: {  	s0 =	sadd.s32 $0x8F2B, s0  }
0xc3: {  	[sflag:s0] =	ssyncadd.remote.s32 $0x1  }
0xc4: {  	_ =	sfence.sel $0xFFFF  }
0xc5: {  	[dreg:$0x0] =	wrdreg $0xFFFFFFFF;
	(pc) =	sbr.abs _section_cstart, $3  }
0xc6: {  	[dreg:$0x1] =	wrdreg $0xFFFFFFFF  }
0xc7: {  	_ =	task.clear_ibuf [dreg:s8], $0x2FFFF;
	_ =	strace $0x9FFFFFFF  }
0xc8: {  	(tm) =	ssettm $0x7FFFFFFF  }
0xc9: {  	_ =	shalt  }
tec
execute0_lowered:
.L_overlay_start_1:
0x0: {  	(tag) =	ssettag $0x1  }
0x1: {  	s0 =	rddreg [dreg:$0x1]  }
0x2: {  	s2 =	rddreg [dreg:$0x2]  }
0x3: {  	s6 =	rddreg [dreg:$0x5]  }
0x4: {  	s14 =	rddreg [dreg:$0x6];
	s20 =	stileid.u32  }
0x5: {  	s8 =	simm.s32 $0x0;
	s3 =	srdreg.scid;
	s28 =	simm.s32 $0xB  }
0x6: {  	s1 =	smul.u32 $0x9C00, s20;
	[smem:$0x7FF] =	sst s8;
	s3 =	sand.u32 $0x1, s3  }
0x7: {  	p1 =	seq.s32 s20, $0x0;
	p4 =	sne.s32 s20, $0xF;
	_ =	strace $0x80000047  }
0x8: {  	s5 =	ssub.s32 $0x2, s3;
	p0 =	seq.s32 s3, $0x1;
	s10 =	sadd.s32 s1, s6  }
0x9: {  	s9 =	sadd.s32 $0x1400, s1;
	s30 =	sadd.s32 s1, s14;
	[dreg:$0x8] =	wrdreg s10  }
0xa: {  	s23 =	sadd.s32 $0x2800, s1;
	s22 =	sadd.s32 s9, s6;
	[dreg:$0xe] =	wrdreg s30  }
0xb: {  	s24 =	sadd.s32 $0x3C00, s1;
	s11 =	sadd.s32 s23, s6;
	[dreg:$0x9] =	wrdreg s22  }
0xc: {  	s12 =	sadd.s32 $0x5000, s1;
	s13 =	sadd.s32 s24, s6;
	[dreg:$0xa] =	wrdreg s11  }
0xd: {  	s26 =	sadd.s32 $0x6400, s1;
	s25 =	sadd.s32 s12, s6;
	[dreg:$0xb] =	wrdreg s13  }
0xe: {  	s21 =	sor.u32 s20, s3;
	s15 =	sadd.s32 s26, s6;
	[dreg:$0xc] =	wrdreg s25  }
0xf: {  	p3 =	sne.s32 s3, $0x0;
	s9 =	sadd.s32 s9, s14;
	[dreg:$0xd] =	wrdreg s15  }
0x10: {  	s4 =	sshrl.u32 s1, $0x3;
	s10 =	sadd.s32 s23, s14;
	[dreg:$0xf] =	wrdreg s9  }
0x11: {  	s7 =	sshrl.u32 s5, $0x1;
	s16 =	sadd.s32 s12, s14;
	[dreg:$0x10] =	wrdreg s10  }
0x12: {  	s29 =	sadd.s32 $0x7800, s1;
	s17 =	sadd.s32 s26, s14;
	[dreg:$0x12] =	wrdreg s16  }
0x13: {  	s31 =	sadd.s32 $0x8C00, s1;
	s18 =	sadd.s32 s29, s6;
	[dreg:$0x13] =	wrdreg s17  }
0x14: {  	s5 =	ssub.s32 s5, s7;
	s7 =	sadd.s32 s29, s14;
	[dreg:$0x14] =	wrdreg s18  }
0x15: {  	p1 =	por !p1, !p0;
	s19 =	sadd.s32 s31, s6;
	[dreg:$0x15] =	wrdreg s7  }
0x16: {  	p2 =	sne.s32 s21, $0x0;
	s3 =	sadd.s32 s31, s14;
	[dreg:$0x16] =	wrdreg s19  }
0x17: {  	s4 =	sadd.s32 s4, s0;
	s15 =	sadd.s32 s24, s14;
	[dreg:$0x17] =	wrdreg s3  }
0x18: {  	s1 =	smul.u32 $0x4E20, s20;
	s9 =	sadd.s32 $0x3CE00, s4;
	[dreg:$0x11] =	wrdreg s15  }
0x19: {  	p5 =	sne.s32 @!p3 s20, $0xF;
	s10 =	sadd.s32 $0x29400, s4;
	[dreg:$0x1e] =	wrdreg s9  }
0x1a: {  	p1 =	por !p1, !p1;
	s11 =	sadd.s32 $0x29000, s0;
	[dreg:$0x1f] =	wrdreg s10  }
0x1b: {  	s26 =	sadd.s32 $0x14800, s0;
	s13 =	sadd.s32 $0x28C00, s0;
	[smem:$0x7EB] =	sst s11  }
0x1c: {  	s12 =	sadd.s32 $0xE00, s0;
	s16 =	sadd.s32 $0x28400, s0;
	[smem:$0x7EC] =	sst s13  }
0x1d: {  	p5 =	por p5, p3;
	s17 =	sadd.s32 $0x50600, s0;
	[smem:$0x7EE] =	sst s16  }
0x1e: {  	s25 =	sadd.s32 $0x1E600, s0;
	s18 =	smax.u32 s5, $0x1;
	[smem:$0x7EF] =	sst s17  }
0x1f: {  	s21 =	sshrl.u32 s1, $0x3;
	s19 =	sadd.s32 $0xA0, s1;
	[smem:$0x7F1] =	sst s18  }
0x20: {  	s4 =	simm.s32 $0x0;
	s22 =	sadd.s32 s25, s21;
	[smem:$0x7F9] =	sst s19  }
0x21: {  	s23 =	sadd.s32 $0xA, s21;
	s24 =	sadd.s32 s2, s21;
	[dreg:$0x18] =	wrdreg s22  }
0x22: {  	s3 =	sadd.s32 s26, s21;
	s15 =	sadd.s32 $0x28800, s0;
	[dreg:$0x19] =	wrdreg s24  }
0x23: {  	s0 =	sadd.s32 $0x3CC00, s0;
	s21 =	sadd.s32 $0x140, s1;
	[dreg:$0x1a] =	wrdreg s3  }
0x24: {  	s9 =	simm.s32 $0x50;
	s17 =	simm.s32 $0xA;
	[smem:$0x7ED] =	sst s15  }
0x25: {  	s18 =	simm.s32 $0xD;
	s11 =	simm.s32 $0xC;
	[smem:$0x7F0] =	sst s0  }
0x26: {  	s16 =	simm.s32 $0x1400;
	s29 =	sadd.s32 s25, s23;
	[smem:$0x7F2] =	sst s21  }
0x27: {  	s13 =	simm.s32 $0x12;
	s31 =	sadd.s32 s2, s23;
	[dreg:$0x1b] =	wrdreg s29  }
0x28: {  	s7 =	sadd.s32 s26, s23;
	s22 =	sadd.s32 $0x190, s1;
	[dreg:$0x1c] =	wrdreg s31  }
0x29: {  	s23 =	sadd.s32 $0x1E0, s1;
	s1 =	sadd.s32 $0xF0, s1;
	[dreg:$0x1d] =	wrdreg s7  }
0x2a: {  	s24 =	sadd.s32 $0x9C000, s6;
	s0 =	sshrl.u32 s19, $0x3;
	[smem:$0x7F3] =	sst s22  }
0x2b: {  	s3 =	simm.s32 $0xA050;
	s15 =	simm.s32 $0x5;
	[smem:$0x7F4] =	sst s23  }
0x2c: {  	s21 =	simm.s32 $0x11;
	[smem:$0x7F5] =	sst s1;
	s1 =	simm.s32 @!p5 $0x0  }
0x2d: {  	[smem:$0x7F8] =	sst s24;
	s29 =	sadd.s32 $0x9C000, s14;
	s31 =	sadd.s32 s25, s0  }
0x2e: {  	[smem:$0x7FC] =	sst s0;
	s0 =	sadd.s32 s2, s0;
	s24 =	simm.s32 $0xA000  }
0x2f: {  	s1 =	simm.s32 @p5 $0x1;
	p5 =	sne.s32 @p0 s20, $0xF;
	[smem:$0x7FA] =	sst s29  }
0x30: {  	s14 =	simm.s32 $0xA2D0;
	[smem:$0x7FB] =	sst s31;
	p5 =	por p5, !p0  }
0x31: {  	s7 =	simm.s32 $0x6;
	[smem:$0x7F6] =	sst s1;
	s1 =	simm.s32 @!p5 $0x0  }
0x32: {  	s22 =	simm.s32 $0xE;
	[smem:$0x7FD] =	sst s0;
	s1 =	simm.s32 @p5 $0x1  }
0x33: {  	v0 =	vimm.f32 $0.0e+00;
	s0 =	simm.s32 $0x2;
	[smem:$0x7F7] =	sst s1;
	s1 =	simm.s32 $0x9  }
.LBB2_1:
0x34: {  	s5 =	sshll.u32 @!p2 s20, $0x6;
	s20 =	sld [smem:$0x7EB]  }
0x35: {  	s23 =	rddreg [dreg:$0x3]  }
0x36: {  	[smem:$0x7EA] =	sst s4;
	s5 =	sor.u32 @!p2 $0x1C15, s5;
	s19 =	sshrl.u32 @!p2 s23, $0x3  }
0x37: {  	[spmem:s19], [sflag:s5] =	dma.local @!p2 [hbm:s20], $0x320  }
0x38: {  	s19 =	simm.s32 @!p2 $0x15  }
0x39: {  	_ =	swait.ge @!p2 [sflag:s19], $0x320  }
0x3a: {  	[sflag:s19] =	ssyncset.done @!p2 $0x0  }
0x3b: {  	s31 =	sld [smem:$0x7ED];
	[sflag:s19] =	ssyncadd.s32 @!p2 $0xFFFFFCE0  }
0x3c: {  	s29 =	rddreg [dreg:$0x4]  }
0x3d: {  	s20 =	sshrl.u32 @!p2 s29, $0x3  }
0x3e: {  	[spmem:s20], [sflag:s5] =	dma.local @!p2 [hbm:s31], $0x320  }
0x3f: {  	_ =	swait.ge @!p2 [sflag:s19], $0x320  }
0x40: {  	s20 =	sld [smem:$0x7EC]  }
0x41: {  	[sflag:s19] =	ssyncset.done @!p2 $0x0  }
0x42: {  	s5 =	sshrl.u32 @p1 s23, $0x3;
	[sflag:s19] =	ssyncadd.s32 @!p2 $0xFFFFFCE0;
	s19 =	simm.s32 @p1 $0x1C15  }
0x43: {  	[spmem:s5], [sflag:s19] =	dma.local @p1 [hbm:s20], $0x320  }
0x44: {  	s5 =	simm.s32 @p1 $0x15  }
0x45: {  	_ =	swait.ge @p1 [sflag:s5], $0x320  }
0x46: {  	s23 =	sld [smem:$0x7EE]  }
0x47: {  	[sflag:s5] =	ssyncset.done @p1 $0x0  }
0x48: {  	s20 =	sshrl.u32 @p1 s29, $0x3;
	[sflag:s5] =	ssyncadd.s32 @p1 $0xFFFFFCE0  }
0x49: {  	[spmem:s20], [sflag:s19] =	dma.local @p1 [hbm:s23], $0x320  }
0x4a: {  	_ =	swait.ge @p1 [sflag:s5], $0x320  }
0x4b: {  	[sflag:s5] =	ssyncset.done @p1 $0x0  }
0x4c: {  	s19 =	simm.s32 $0x100;
	[sflag:s5] =	ssyncadd.s32 @p1 $0xFFFFFCE0;
	s5 =	simm.s32 $0x0  }
.LBB2_2:
0x4d: {  	p5 =	sne.s32 s19, $0x4F00;
	[tilespmem:s5+$0x30] =	vst v0;
	s20 =	smov.u32 s19;
	s19 =	sadd.s32 $0x100, s19  }
.Ltmp0:
0x4e: {  	[tilespmem:s5+$0x20] =	vst v0;
	(pc) =	sbr.rel @p5 .LBB2_2-.Ltmp0, $3  }
0x4f: {  	[tilespmem:s5+$0x0] =	vst v0  }
0x50: {  	[tilespmem:s5+$0x10] =	vst v0;
	_ =	sdelay $0x1  }
0x51: {  	s5 =	sshra.s32 s20, $0x2  }
0x52: {  	[tilespmem:s5+$0x30] =	vst v0  }
0x53: {  	[tilespmem:s5+$0x20] =	vst v0  }
0x54: {  	[tilespmem:s5+$0x0] =	vst v0  }
0x55: {  	[tilespmem:s5+$0x10] =	vst v0  }
0x56: {  	s23 =	simm.s32 $0x15;
	s5 =	rddreg [dreg:$0x8]  }
0x57: {  	[spmem:s5] =	stream.linear.scatter [tilespmem:s8], [sflag:$0x15], $0x1400, $0x38;
	[tilespmem:$0x1DF60] =	vst v63  }
0x58: {  	_ =	swait.ge [sflag:s23], $0x1400  }
0x59: {  	[sflag:s23] =	ssyncset.done $0x0  }
0x5a: {  	s20 =	rddreg [dreg:$0x9];
	[sflag:s23] =	ssyncadd.s32 $0xFFFFEC00  }
0x5b: {  	[spmem:s20] =	stream.linear.scatter [tilespmem:s8], [sflag:$0x15], $0x1400, $0x38;
	[tilespmem:$0x1DF60] =	vst v63  }
0x5c: {  	_ =	swait.ge [sflag:s23], $0x1400  }
0x5d: {  	[sflag:s23] =	ssyncset.done $0x0  }
0x5e: {  	s31 =	rddreg [dreg:$0xa];
	[sflag:s23] =	ssyncadd.s32 $0xFFFFEC00  }
0x5f: {  	[spmem:s31] =	stream.linear.scatter [tilespmem:s8], [sflag:$0x15], $0x1400, $0x38;
	[tilespmem:$0x1DF60] =	vst v63  }
0x60: {  	_ =	swait.ge [sflag:s23], $0x1400  }
0x61: {  	[sflag:s23] =	ssyncset.done $0x0  }
0x62: {  	s4 =	rddreg [dreg:$0xb];
	[sflag:s23] =	ssyncadd.s32 $0xFFFFEC00  }
0x63: {  	[spmem:s4] =	stream.linear.scatter [tilespmem:s8], [sflag:$0x15], $0x1400, $0x38;
	[tilespmem:$0x1DF60] =	vst v63  }
0x64: {  	_ =	swait.ge [sflag:s23], $0x1400  }
0x65: {  	[sflag:s23] =	ssyncset.done $0x0  }
0x66: {  	s10 =	rddreg [dreg:$0xc];
	[sflag:s23] =	ssyncadd.s32 $0xFFFFEC00  }
0x67: {  	[spmem:s10] =	stream.linear.scatter [tilespmem:s8], [sflag:$0x15], $0x1400, $0x38;
	[tilespmem:$0x1DF60] =	vst v63  }
0x68: {  	_ =	swait.ge [sflag:s23], $0x1400  }
0x69: {  	[sflag:s23] =	ssyncset.done $0x0  }
0x6a: {  	s19 =	rddreg [dreg:$0xd];
	[sflag:s23] =	ssyncadd.s32 $0xFFFFEC00  }
0x6b: {  	[spmem:s19] =	stream.linear.scatter [tilespmem:s8], [sflag:$0x15], $0x1400, $0x38;
	[tilespmem:$0x1DF60] =	vst v63  }
0x6c: {  	_ =	swait.ge [sflag:s23], $0x1400  }
0x6d: {  	[sflag:s23] =	ssyncset.done $0x0  }
0x6e: {  	s20 =	rddreg [dreg:$0x14];
	[sflag:s23] =	ssyncadd.s32 $0xFFFFEC00  }
0x6f: {  	[spmem:s20] =	stream.linear.scatter [tilespmem:s8], [sflag:$0x15], $0x1400, $0x38;
	[tilespmem:$0x1DF60] =	vst v63  }
0x70: {  	_ =	swait.ge [sflag:s23], $0x1400  }
0x71: {  	[sflag:s23] =	ssyncset.done $0x0  }
0x72: {  	s31 =	rddreg [dreg:$0x16];
	[sflag:s23] =	ssyncadd.s32 $0xFFFFEC00  }
0x73: {  	[spmem:s31] =	stream.linear.scatter [tilespmem:s8], [sflag:$0x15], $0x1000, $0x38;
	[tilespmem:$0x1DF60] =	vst v63  }
0x74: {  	_ =	swait.ge [sflag:s23], $0x1000  }
0x75: {  	s19 =	sld [smem:$0x7F8]  }
0x76: {  	[sflag:s23] =	ssyncset.done $0x0  }
0x77: {  	s5 =	simm.s32 @!p4 $0x0;
	[sflag:s23] =	ssyncadd.s32 $0xFFFFF000  }
0x78: {  	[spmem:s19] =	stream.linear.scatter @!p4 [tilespmem:s5], [sflag:$0x15], $0x400, $0x38;
	[tilespmem:$0x1DF60] =	vst v63  }
0x79: {  	s19 =	simm.s32 @!p4 $0x15  }
0x7a: {  	_ =	swait.ge @!p4 [sflag:s19], $0x400  }
0x7b: {  	[sflag:s19] =	ssyncset.done @!p4 $0x0  }
0x7c: {  	[sflag:s19] =	ssyncadd.s32 @!p4 $0xFFFFFC00  }
0x7d: {  	[spmem:s30] =	stream.linear.scatter [tilespmem:s8], [sflag:$0x15], $0x1400, $0x38;
	[tilespmem:$0x1DF60] =	vst v63  }
0x7e: {  	_ =	swait.ge [sflag:s23], $0x1400  }
0x7f: {  	[sflag:s23] =	ssyncset.done $0x0  }
0x80: {  	s20 =	rddreg [dreg:$0xf];
	[sflag:s23] =	ssyncadd.s32 $0xFFFFEC00  }
0x81: {  	[spmem:s20] =	stream.linear.scatter [tilespmem:s8], [sflag:$0x15], $0x1400, $0x38;
	[tilespmem:$0x1DF60] =	vst v63  }
0x82: {  	_ =	swait.ge [sflag:s23], $0x1400  }
0x83: {  	[sflag:s23] =	ssyncset.done $0x0  }
0x84: {  	s4 =	rddreg [dreg:$0x10];
	[sflag:s23] =	ssyncadd.s32 $0xFFFFEC00  }
0x85: {  	[spmem:s4] =	stream.linear.scatter [tilespmem:s8], [sflag:$0x15], $0x1400, $0x38;
	[tilespmem:$0x1DF60] =	vst v63  }
0x86: {  	_ =	swait.ge [sflag:s23], $0x1400  }
0x87: {  	[sflag:s23] =	ssyncset.done $0x0  }
0x88: {  	s10 =	rddreg [dreg:$0x11];
	[sflag:s23] =	ssyncadd.s32 $0xFFFFEC00  }
0x89: {  	[spmem:s10] =	stream.linear.scatter [tilespmem:s8], [sflag:$0x15], $0x1400, $0x38;
	[tilespmem:$0x1DF60] =	vst v63  }
0x8a: {  	_ =	swait.ge [sflag:s23], $0x1400  }
0x8b: {  	[sflag:s23] =	ssyncset.done $0x0  }
0x8c: {  	s30 =	rddreg [dreg:$0x12];
	[sflag:s23] =	ssyncadd.s32 $0xFFFFEC00  }
0x8d: {  	[spmem:s30] =	stream.linear.scatter [tilespmem:s8], [sflag:$0x15], $0x1400, $0x38;
	[tilespmem:$0x1DF60] =	vst v63  }
0x8e: {  	_ =	swait.ge [sflag:s23], $0x1400  }
0x8f: {  	[sflag:s23] =	ssyncset.done $0x0  }
0x90: {  	s31 =	rddreg [dreg:$0x13];
	[sflag:s23] =	ssyncadd.s32 $0xFFFFEC00  }
0x91: {  	[spmem:s31] =	stream.linear.scatter [tilespmem:s8], [sflag:$0x15], $0x1400, $0x38;
	[tilespmem:$0x1DF60] =	vst v63  }
0x92: {  	_ =	swait.ge [sflag:s23], $0x1400  }
0x93: {  	[sflag:s23] =	ssyncset.done $0x0  }
0x94: {  	s4 =	rddreg [dreg:$0x15];
	[sflag:s23] =	ssyncadd.s32 $0xFFFFEC00  }
0x95: {  	[spmem:s4] =	stream.linear.scatter [tilespmem:s8], [sflag:$0x15], $0x1400, $0x38;
	[tilespmem:$0x1DF60] =	vst v63  }
0x96: {  	_ =	swait.ge [sflag:s23], $0x1400  }
0x97: {  	[sflag:s23] =	ssyncset.done $0x0  }
0x98: {  	s10 =	rddreg [dreg:$0x17];
	[sflag:s23] =	ssyncadd.s32 $0xFFFFEC00  }
0x99: {  	[spmem:s10] =	stream.linear.scatter [tilespmem:s8], [sflag:$0x15], $0x1000, $0x38;
	[tilespmem:$0x1DF60] =	vst v63  }
0x9a: {  	_ =	swait.ge [sflag:s23], $0x1000  }
0x9b: {  	s20 =	sld [smem:$0x7FA]  }
0x9c: {  	[sflag:s23] =	ssyncset.done $0x0  }
0x9d: {  	[sflag:s23] =	ssyncadd.s32 $0xFFFFF000  }
0x9e: {  	[spmem:s20] =	stream.linear.scatter @!p4 [tilespmem:s5], [sflag:$0x15], $0x400, $0x38;
	[tilespmem:$0x1DF60] =	vst v63  }
0x9f: {  	_ =	swait.ge @!p4 [sflag:s19], $0x400  }
0xa0: {  	[sflag:s19] =	ssyncset.done @!p4 $0x0  }
0xa1: {  	[sflag:s19] =	ssyncadd.s32 @!p4 $0xFFFFFC00  }
0xa2: {  	[bflag:$0x0] =	sbarrier.arrive $0xFFFF  }
0xa3: {  	s23 =	rddreg [dreg:$0x18]  }
0xa4: {  	s30 =	rddreg [dreg:$0x19]  }
0xa5: {  	[tilespmem:s24], [sflag:$0x9] =	stream.linear.gather [hbm4b:s23+s8], $0x50, $0x38;
	[tilespmem:$0x1DF60] =	vst v63  }
0xa6: {  	s29 =	simm.s32 $0xA140;
	s31 =	rddreg [dreg:$0x1b]  }
0xa7: {  	[tilespmem:s29], [sflag:$0x9] =	stream.linear.gather [hbm4b:s30+s8], $0x50, $0x38;
	[tilespmem:$0x1DF60] =	vst v63  }
0xa8: {  	s4 =	rddreg [dreg:$0x1c]  }
0xa9: {  	[tilespmem:s3], [sflag:$0xA] =	stream.linear.gather [hbm4b:s31+s8], $0x50, $0x38;
	[tilespmem:$0x1DF60] =	vst v63  }
0xaa: {  	s10 =	sld [smem:$0x7FB];
	s30 =	simm.s32 $0xA190  }
0xab: {  	[tilespmem:s30], [sflag:$0xA] =	stream.linear.gather [hbm4b:s4+s8], $0x50, $0x38;
	[tilespmem:$0x1DF60] =	vst v63  }
0xac: {  	s19 =	sld [smem:$0x7FD];
	s4 =	simm.s32 $0xA0A0  }
0xad: {  	[tilespmem:s4], [sflag:$0xB] =	stream.linear.gather [hbm4b:s10+s8], $0x50, $0x38;
	[tilespmem:$0x1DF60] =	vst v63  }
0xae: {  	s20 =	simm.s32 $0xA1E0  }
0xaf: {  	[tilespmem:s20], [sflag:$0xB] =	stream.linear.gather [hbm4b:s19+s8], $0x50, $0x38;
	[tilespmem:$0x1DF60] =	vst v63  }
0xb0: {  	s23 =	rddreg [dreg:$0x1a];
	s31 =	simm.s32 $0xA280  }
0xb1: {  	[tilespmem:s31], [sflag:$0xD] =	stream.linear.gather [hbm4b:s23+s8], $0x50, $0x38;
	[tilespmem:$0x1DF60] =	vst v63  }
0xb2: {  	s10 =	rddreg [dreg:$0x1d]  }
0xb3: {  	[tilespmem:s14], [sflag:$0xE] =	stream.linear.gather [hbm4b:s10+s8], $0x50, $0x38;
	[tilespmem:$0x1DF60] =	vst v63  }
0xb4: {  	_ =	swait.ge [sflag:s1], $0x50  }
0xb5: {  	[sflag:s1] =	ssyncset.done $0x0  }
0xb6: {  	[sflag:s1] =	ssyncadd.s32 $0xFFFFFFB0  }
0xb7: {  	_ =	swait.ge [sflag:s1], $0x50  }
0xb8: {  	[sflag:s1] =	ssyncset.done $0x0  }
0xb9: {  	s5 =	simm.s32 @!p3 $0xA000;
	[sflag:s1] =	ssyncadd.s32 $0xFFFFFFB0  }
0xba: {  	s19 =	simm.s32 @!p3 $0x0;
	s31 =	simm.s32 @!p3 $0x50;
	s20 =	rddreg [dreg:$0x0]  }
0xbb: {  	[tilespmem:s19], [sflag:$0x1] =	stream.indirect.gather @!p3 [hbm4b:s20+s31], $0x40, s5, s31, $0xb8;
	[tilespmem:$0x1DF60] =	vst v63  }
0xbc: {  	s10 =	simm.s32 @p0 $0x50;
	s5 =	simm.s32 @p0 $0xA000;
	s19 =	simm.s32 @p0 $0x0  }
0xbd: {  	[tilespmem:s19], [sflag:$0x1] =	stream.indirect.gather @p0 [hbm4b:s12+s10], $0x40, s5, s10, $0xb8;
	[tilespmem:$0x1DF60] =	vst v63  }
0xbe: {  	s23 =	rddreg [dreg:$0x3];
	s19 =	simm.s32 $0x5000  }
0xbf: {  	[tilespmem:s19], [sflag:$0x5] =	stream.indirect.gather [spmem:s23], $0x40, s29, s9, $0xb8;
	[tilespmem:$0x1DF60] =	vst v63  }
0xc0: {  	_ =	swait.ge [sflag:s17], $0x50  }
0xc1: {  	[sflag:s17] =	ssyncset.done $0x0  }
0xc2: {  	[sflag:s17] =	ssyncadd.s32 $0xFFFFFFB0  }
0xc3: {  	_ =	swait.ge [sflag:s17], $0x50  }
0xc4: {  	[sflag:s17] =	ssyncset.done $0x0  }
0xc5: {  	s5 =	simm.s32 @!p3 $0xA050;
	s19 =	simm.s32 @!p3 $0x1400;
	[sflag:s17] =	ssyncadd.s32 $0xFFFFFFB0  }
0xc6: {  	[tilespmem:s19], [sflag:$0x2] =	stream.indirect.gather @!p3 [hbm4b:s20+s31], $0x40, s5, s31, $0xb8;
	[tilespmem:$0x1DF60] =	vst v63  }
0xc7: {  	s5 =	simm.s32 @p0 $0xA050;
	s19 =	simm.s32 @p0 $0x1400  }
0xc8: {  	[tilespmem:s19], [sflag:$0x2] =	stream.indirect.gather @p0 [hbm4b:s12+s10], $0x40, s5, s10, $0xb8;
	[tilespmem:$0x1DF60] =	vst v63  }
0xc9: {  	s4 =	simm.s32 $0xA190;
	s29 =	simm.s32 $0x0;
	s31 =	simm.s32 $0x6400  }
0xca: {  	[tilespmem:s31], [sflag:$0x6] =	stream.indirect.gather [spmem:s23], $0x40, s30, s9, $0xb8;
	[tilespmem:$0x1DF60] =	vst v63  }
.LBB2_4:
0xcb: {  	p5 =	seq.s32 s29, $0x0;
	s20 =	sld [smem:$0x7F9]  }
0xcc: {  	s5 =	smul.u32 @!p5 $0x140, s29;
	s19 =	simm.s32 @!p5 $0x13  }
0xcd: {  	_ =	swait.ge @!p5 [sflag:s19], $0x1400  }
0xce: {  	s5 =	sadd.s32 @!p5 s20, s5;
	s20 =	sld [smem:$0x7FC];
	_ =	sdelay $0x1  }
0xcf: {  	s5 =	sshrl.u32 @!p5 s5, $0x3  }
0xd0: {  	[sflag:s19] =	ssyncset.done @!p5 $0x0;
	s5 =	smov.u32 @p5 s20  }
0xd1: {  	s10 =	simm.s32 $0xA320;
	[sflag:s19] =	ssyncadd.s32 @!p5 $0xFFFFEC00;
	s5 =	sadd.s32 s26, s5  }
0xd2: {  	[tilespmem:s10], [sflag:$0xF] =	stream.linear.gather [hbm4b:s5+s8], $0x50, $0x38;
	[tilespmem:$0x1DF60] =	vst v63  }
0xd3: {  	_ =	swait.ge [sflag:s28], $0x50  }
0xd4: {  	[sflag:s28] =	ssyncset.done $0x0  }
0xd5: {  	[sflag:s28] =	ssyncadd.s32 $0xFFFFFFB0  }
0xd6: {  	_ =	swait.ge [sflag:s28], $0x50  }
0xd7: {  	[sflag:s28] =	ssyncset.done $0x0  }
0xd8: {  	s23 =	simm.s32 @!p3 $0x50;
	[sflag:s28] =	ssyncadd.s32 $0xFFFFFFB0  }
0xd9: {  	s19 =	simm.s32 @!p3 $0x2800;
	s5 =	simm.s32 @!p3 $0xA0A0;
	s20 =	rddreg [dreg:$0x0]  }
0xda: {  	[tilespmem:s19], [sflag:$0x3] =	stream.indirect.gather @!p3 [hbm4b:s20+s23], $0x40, s5, s23, $0xb8;
	[tilespmem:$0x1DF60] =	vst v63  }
0xdb: {  	s5 =	simm.s32 @p0 $0xA0A0;
	s19 =	simm.s32 @p0 $0x2800;
	s20 =	simm.s32 @p0 $0x50  }
0xdc: {  	[tilespmem:s19], [sflag:$0x3] =	stream.indirect.gather @p0 [hbm4b:s12+s20], $0x40, s5, s20, $0xb8;
	[tilespmem:$0x1DF60] =	vst v63  }
0xdd: {  	s10 =	simm.s32 $0x7800;
	s23 =	simm.s32 $0xA1E0;
	s20 =	rddreg [dreg:$0x3]  }
0xde: {  	[tilespmem:s10], [sflag:$0x7] =	stream.indirect.gather [spmem:s20], $0x40, s23, s9, $0xb8;
	[tilespmem:$0x1DF60] =	vst v63  }
0xdf: {  	s23 =	sld [smem:$0x7F5]  }
0xe0: {  	s19 =	smul.u32 $0x140, s29;
	_ =	sdelay $0x1  }
0xe1: {  	s5 =	sadd.s32 s23, s19  }
0xe2: {  	s20 =	sshrl.u32 s5, $0x3  }
0xe3: {  	s10 =	simm.s32 $0xA0F0;
	s5 =	sadd.s32 s25, s20  }
0xe4: {  	[tilespmem:s10], [sflag:$0xC] =	stream.linear.gather [hbm4b:s5+s8], $0x50, $0x38;
	[tilespmem:$0x1DF60] =	vst v63  }
0xe5: {  	s23 =	sadd.s32 s2, s20;
	s10 =	simm.s32 $0xA230  }
0xe6: {  	[tilespmem:s10], [sflag:$0xC] =	stream.linear.gather [hbm4b:s23+s8], $0x50, $0x38;
	[tilespmem:$0x1DF60] =	vst v63  }
0xe7: {  	s23 =	simm.s32 $0x1  }
0xe8: {  	_ =	swait.ge [sflag:s23], $0x1400  }
0xe9: {  	[sflag:s23] =	ssyncset.done $0x0  }
0xea: {  	[sflag:s23] =	ssyncadd.s32 $0xFFFFEC00  }
0xeb: {  	_ =	swait.ge [sflag:s15], $0x1400  }
0xec: {  	[sflag:s15] =	ssyncset.done $0x0  }
0xed: {  	s5 =	simm.s32 $0x80;
	[sflag:s15] =	ssyncadd.s32 $0xFFFFEC00  }
0xee: {  	s30 =	simm.s32 $0x5080;
	v1 =	vld [tilespmem:s5+$0x40]  }
0xef: {  	v2 =	vld [tilespmem:s30+$0x40]  }
0xf0: {  	v3 =	vld [tilespmem:s5+$0xFFFFFFC0]  }
0xf1: {  	v4 =	vld [tilespmem:s30+$0xFFFFFFC0]  }
0xf2: {  	v5 =	vld [tilespmem:s5+$0x0]  }
0xf3: {  	v6 =	vld [tilespmem:s30+$0x0]  }
0xf4: {  	v7 =	vld [tilespmem:s5+$0xFFFFFF80];
	v1 =	vmul.f32 v2, v1  }
0xf5: {  	v2 =	vld [tilespmem:s30+$0xFFFFFF80]  }
0xf6: {  	[tilespmem:s5+$0x40] =	vst v1;
	v1 =	vld [tilespmem:s5+$0x50]  }
0xf7: {  	v3 =	vmul.f32 v4, v3;
	v4 =	vld [tilespmem:s30+$0x50]  }
0xf8: {  	v8 =	vld [tilespmem:s5+$0xFFFFFF90]  }
0xf9: {  	[tilespmem:s5+$0xFFFFFFC0] =	vst v3;
	v3 =	vmul.f32 v6, v5;
	v5 =	vld [tilespmem:s5+$0xFFFFFFD0]  }
0xfa: {  	v6 =	vld [tilespmem:s30+$0xFFFFFFD0];
	v2 =	vmul.f32 v2, v7  }
0xfb: {  	[tilespmem:s5+$0x0] =	vst v3;
	v3 =	vld [tilespmem:s5+$0x10]  }
0xfc: {  	v7 =	vld [tilespmem:s30+$0x10];
	[tilespmem:s5+$0xFFFFFF80] =	vst v2;
	v1 =	vmul.f32 v4, v1  }
0xfd: {  	v2 =	vld [tilespmem:s30+$0xFFFFFF90]  }
0xfe: {  	[tilespmem:s5+$0x50] =	vst v1;
	v1 =	vld [tilespmem:s5+$0x60]  }
0xff: {  	v4 =	vmul.f32 v6, v5;
	v5 =	vld [tilespmem:s30+$0x60]  }
0x100: {  	v6 =	vld [tilespmem:s5+$0xFFFFFFA0]  }
0x101: {  	[tilespmem:s5+$0xFFFFFFD0] =	vst v4;
	v3 =	vmul.f32 v7, v3;
	v4 =	vld [tilespmem:s5+$0xFFFFFFE0]  }
0x102: {  	v7 =	vld [tilespmem:s30+$0xFFFFFFE0];
	v2 =	vmul.f32 v2, v8  }
0x103: {  	[tilespmem:s5+$0x10] =	vst v3;
	v3 =	vld [tilespmem:s5+$0x20]  }
0x104: {  	v8 =	vld [tilespmem:s30+$0x20];
	[tilespmem:s5+$0xFFFFFF90] =	vst v2;
	v1 =	vmul.f32 v5, v1  }
0x105: {  	v5 =	vld [tilespmem:s30+$0xFFFFFFA0]  }
0x106: {  	v9 =	vld [tilespmem:s5+$0x70];
	[tilespmem:s5+$0x60] =	vst v1  }
0x107: {  	v2 =	vmul.f32 v7, v4;
	v7 =	vld [tilespmem:s30+$0x70]  }
0x108: {  	v1 =	vld [tilespmem:s5+$0xFFFFFFB0]  }
0x109: {  	[tilespmem:s5+$0xFFFFFFE0] =	vst v2;
	v3 =	vmul.f32 v8, v3;
	v2 =	vld [tilespmem:s5+$0xFFFFFFF0]  }
0x10a: {  	v4 =	vld [tilespmem:s30+$0xFFFFFFF0];
	v5 =	vmul.f32 v5, v6  }
0x10b: {  	[tilespmem:s5+$0x20] =	vst v3;
	v3 =	vld [tilespmem:s5+$0x30]  }
0x10c: {  	[tilespmem:s5+$0xFFFFFFA0] =	vst v5;
	v5 =	vld [tilespmem:s30+$0x30];
	v7 =	vmul.f32 v7, v9  }
0x10d: {  	s31 =	simm.s32 $0x0;
	s23 =	simm.s32 $0x180;
	v6 =	vld [tilespmem:s30+$0xFFFFFFB0]  }
.LBB2_5:
0x10e: {  	v8 =	vld [tilespmem:s23+$0x40];
	[tilespmem:s5+$0x70] =	vst v7;
	s30 =	sadd.s32 $0x100, s30  }
0x10f: {  	s31 =	sadd.s32 $0x4, s31;
	v7 =	vld [tilespmem:s30+$0x40];
	v2 =	vmul.f32 v4, v2  }
0x110: {  	p6 =	slt.u32 s31, $0x4C;
	v4 =	vld [tilespmem:s30+$0xFFFFFF80]  }
0x111: {  	v9 =	vld [tilespmem:s23+$0xFFFFFFC0];
	[tilespmem:s5+$0xFFFFFFF0] =	vst v2;
	v2 =	vmul.f32 v5, v3  }
0x112: {  	v3 =	vld [tilespmem:s30+$0xFFFFFFC0];
	v1 =	vmul.f32 v6, v1  }
0x113: {  	v5 =	vld [tilespmem:s23+$0x0];
	[tilespmem:s5+$0x30] =	vst v2  }
0x114: {  	v2 =	vld [tilespmem:s30+$0x0];
	v6 =	vmul.f32 v7, v8;
	[tilespmem:s5+$0xFFFFFFB0] =	vst v1;
	s5 =	smov.u32 s23  }
0x115: {  	v1 =	vld [tilespmem:s23+$0xFFFFFF80]  }
0x116: {  	[tilespmem:s23+$0x40] =	vst v6;
	v6 =	vld [tilespmem:s23+$0x50]  }
0x117: {  	v3 =	vmul.f32 v3, v9;
	v7 =	vld [tilespmem:s30+$0x50]  }
0x118: {  	v8 =	vld [tilespmem:s23+$0xFFFFFF90]  }
0x119: {  	[tilespmem:s23+$0xFFFFFFC0] =	vst v3;
	v3 =	vld [tilespmem:s23+$0xFFFFFFD0];
	v2 =	vmul.f32 v2, v5  }
0x11a: {  	v1 =	vmul.f32 v4, v1;
	v4 =	vld [tilespmem:s30+$0xFFFFFFD0]  }
0x11b: {  	[tilespmem:s23+$0x0] =	vst v2;
	v2 =	vld [tilespmem:s23+$0x10]  }
0x11c: {  	[tilespmem:s23+$0xFFFFFF80] =	vst v1;
	v1 =	vld [tilespmem:s30+$0x10];
	v5 =	vmul.f32 v7, v6  }
0x11d: {  	v6 =	vld [tilespmem:s30+$0xFFFFFF90]  }
0x11e: {  	[tilespmem:s23+$0x50] =	vst v5;
	v5 =	vld [tilespmem:s23+$0x60]  }
0x11f: {  	v3 =	vmul.f32 v4, v3;
	v4 =	vld [tilespmem:s30+$0x60]  }
0x120: {  	v7 =	vld [tilespmem:s23+$0xFFFFFFA0]  }
0x121: {  	[tilespmem:s23+$0xFFFFFFD0] =	vst v3;
	v3 =	vld [tilespmem:s23+$0xFFFFFFE0];
	v1 =	vmul.f32 v1, v2  }
0x122: {  	v2 =	vmul.f32 v6, v8;
	v6 =	vld [tilespmem:s30+$0xFFFFFFE0]  }
0x123: {  	[tilespmem:s23+$0x10] =	vst v1;
	v8 =	vld [tilespmem:s23+$0x20]  }
0x124: {  	[tilespmem:s23+$0xFFFFFF90] =	vst v2;
	v9 =	vld [tilespmem:s30+$0x20];
	v1 =	vmul.f32 v4, v5  }
0x125: {  	v4 =	vld [tilespmem:s30+$0xFFFFFFA0]  }
0x126: {  	[tilespmem:s23+$0x60] =	vst v1;
	v10 =	vld [tilespmem:s23+$0x70]  }
0x127: {  	v2 =	vmul.f32 v6, v3;
	v6 =	vld [tilespmem:s30+$0x70]  }
0x128: {  	v1 =	vld [tilespmem:s23+$0xFFFFFFB0]  }
.Ltmp1:
0x129: {  	[tilespmem:s23+$0xFFFFFFE0] =	vst v2;
	v2 =	vld [tilespmem:s23+$0xFFFFFFF0];
	v3 =	vmul.f32 v9, v8;
	(pc) =	sbr.rel @p6 .LBB2_5-.Ltmp1, $4  }
0x12a: {  	v5 =	vmul.f32 v4, v7;
	v4 =	vld [tilespmem:s30+$0xFFFFFFF0]  }
0x12b: {  	[tilespmem:s23+$0x20] =	vst v3;
	v3 =	vld [tilespmem:s23+$0x30]  }
0x12c: {  	[tilespmem:s23+$0xFFFFFFA0] =	vst v5;
	v5 =	vld [tilespmem:s30+$0x30];
	v7 =	vmul.f32 v6, v10  }
0x12d: {  	s23 =	sadd.s32 $0x100, s23;
	v6 =	vld [tilespmem:s30+$0xFFFFFFB0]  }
0x12e: {  	_ =	sdelay $0x1  }
0x12f: {  	v2 =	vmul.f32 v4, v2  }
0x130: {  	[tilespmem:s5+$0x70] =	vst v7;
	v3 =	vmul.f32 v5, v3  }
0x131: {  	[tilespmem:s5+$0xFFFFFFF0] =	vst v2;
	v1 =	vmul.f32 v6, v1  }
0x132: {  	[tilespmem:s5+$0x30] =	vst v3  }
0x133: {  	[tilespmem:s5+$0xFFFFFFB0] =	vst v1  }
0x134: {  	_ =	swait.ge [sflag:s18], $0x50  }
0x135: {  	[sflag:s18] =	ssyncset.done $0x0  }
0x136: {  	s10 =	simm.s32 $0xA280;
	s5 =	simm.s32 @!p5 $0x14;
	[sflag:s18] =	ssyncadd.s32 $0xFFFFFFB0  }
0x137: {  	[spmem:s6] =	stream.indirect.scatter.add.f32 [tilespmem:s8], [sflag:$0x11], $0x40, s10, s9, $0xb8;
	[tilespmem:$0x1DF60] =	vst v63  }
0x138: {  	_ =	swait.ge @!p5 [sflag:s5], $0x1400  }
0x139: {  	[sflag:s5] =	ssyncset.done @!p5 $0x0  }
0x13a: {  	s23 =	sadd.s32 s26, s20;
	s10 =	simm.s32 $0xA370;
	[sflag:s5] =	ssyncadd.s32 @!p5 $0xFFFFEC00  }
0x13b: {  	[tilespmem:s10], [sflag:$0x10] =	stream.linear.gather [hbm4b:s23+s8], $0x50, $0x38;
	[tilespmem:$0x1DF60] =	vst v63  }
0x13c: {  	_ =	swait.ge [sflag:s11], $0x50  }
0x13d: {  	[sflag:s11] =	ssyncset.done $0x0  }
0x13e: {  	[sflag:s11] =	ssyncadd.s32 $0xFFFFFFB0  }
0x13f: {  	_ =	swait.ge [sflag:s11], $0x50  }
0x140: {  	[sflag:s11] =	ssyncset.done $0x0  }
0x141: {  	s20 =	simm.s32 @!p3 $0xA0F0;
	[sflag:s11] =	ssyncadd.s32 $0xFFFFFFB0  }
0x142: {  	s5 =	simm.s32 @!p3 $0x50;
	s23 =	simm.s32 @!p3 $0x3C00;
	s30 =	rddreg [dreg:$0x0]  }
0x143: {  	[tilespmem:s23], [sflag:$0x4] =	stream.indirect.gather @!p3 [hbm4b:s30+s5], $0x40, s20, s5, $0xb8;
	[tilespmem:$0x1DF60] =	vst v63  }
0x144: {  	s5 =	simm.s32 @p0 $0x50;
	s20 =	simm.s32 @p0 $0xA0F0;
	s23 =	simm.s32 @p0 $0x3C00  }
0x145: {  	[tilespmem:s23], [sflag:$0x4] =	stream.indirect.gather @p0 [hbm4b:s12+s5], $0x40, s20, s5, $0xb8;
	[tilespmem:$0x1DF60] =	vst v63  }
0x146: {  	s10 =	simm.s32 $0x8C00;
	s20 =	rddreg [dreg:$0x3];
	s23 =	simm.s32 $0xA230  }
0x147: {  	[tilespmem:s10], [sflag:$0x8] =	stream.indirect.gather [spmem:s20], $0x40, s23, s9, $0xb8;
	[tilespmem:$0x1DF60] =	vst v63  }
0x148: {  	s20 =	sld [smem:$0x7F2];
	_ =	sdelay $0x2  }
0x149: {  	s5 =	sadd.s32 s19, s20  }
0x14a: {  	s20 =	sshrl.u32 s5, $0x3  }
0x14b: {  	s5 =	sadd.s32 s25, s20  }
0x14c: {  	[tilespmem:s24], [sflag:$0x9] =	stream.linear.gather [hbm4b:s5+s8], $0x50, $0x38;
	[tilespmem:$0x1DF60] =	vst v63  }
0x14d: {  	s10 =	simm.s32 $0xA140;
	s23 =	sadd.s32 s2, s20  }
0x14e: {  	[tilespmem:s10], [sflag:$0x9] =	stream.linear.gather [hbm4b:s23+s8], $0x50, $0x38;
	[tilespmem:$0x1DF60] =	vst v63  }
0x14f: {  	_ =	swait.ge [sflag:s0], $0x1400  }
0x150: {  	[sflag:s0] =	ssyncset.done $0x0  }
0x151: {  	[sflag:s0] =	ssyncadd.s32 $0xFFFFEC00  }
0x152: {  	_ =	swait.ge [sflag:s7], $0x1400  }
0x153: {  	[sflag:s7] =	ssyncset.done $0x0  }
0x154: {  	s5 =	simm.s32 $0x1480;
	[sflag:s7] =	ssyncadd.s32 $0xFFFFEC00  }
0x155: {  	s30 =	simm.s32 $0x6480;
	v1 =	vld [tilespmem:s5+$0x40]  }
0x156: {  	v2 =	vld [tilespmem:s30+$0x40]  }
0x157: {  	v3 =	vld [tilespmem:s5+$0xFFFFFFC0]  }
0x158: {  	v4 =	vld [tilespmem:s30+$0xFFFFFFC0]  }
0x159: {  	v5 =	vld [tilespmem:s5+$0x0]  }
0x15a: {  	v6 =	vld [tilespmem:s30+$0x0]  }
0x15b: {  	v7 =	vld [tilespmem:s5+$0xFFFFFF80];
	v1 =	vmul.f32 v2, v1  }
0x15c: {  	v2 =	vld [tilespmem:s30+$0xFFFFFF80]  }
0x15d: {  	[tilespmem:s5+$0x40] =	vst v1;
	v1 =	vld [tilespmem:s5+$0x50]  }
0x15e: {  	v3 =	vmul.f32 v4, v3;
	v4 =	vld [tilespmem:s30+$0x50]  }
0x15f: {  	v8 =	vld [tilespmem:s5+$0xFFFFFF90]  }
0x160: {  	[tilespmem:s5+$0xFFFFFFC0] =	vst v3;
	v3 =	vmul.f32 v6, v5;
	v5 =	vld [tilespmem:s5+$0xFFFFFFD0]  }
0x161: {  	v6 =	vld [tilespmem:s30+$0xFFFFFFD0];
	v2 =	vmul.f32 v2, v7  }
0x162: {  	[tilespmem:s5+$0x0] =	vst v3;
	v3 =	vld [tilespmem:s5+$0x10]  }
0x163: {  	v7 =	vld [tilespmem:s30+$0x10];
	[tilespmem:s5+$0xFFFFFF80] =	vst v2;
	v1 =	vmul.f32 v4, v1  }
0x164: {  	v2 =	vld [tilespmem:s30+$0xFFFFFF90]  }
0x165: {  	[tilespmem:s5+$0x50] =	vst v1;
	v1 =	vld [tilespmem:s5+$0x60]  }
0x166: {  	v4 =	vmul.f32 v6, v5;
	v5 =	vld [tilespmem:s30+$0x60]  }
0x167: {  	v6 =	vld [tilespmem:s5+$0xFFFFFFA0]  }
0x168: {  	[tilespmem:s5+$0xFFFFFFD0] =	vst v4;
	v3 =	vmul.f32 v7, v3;
	v4 =	vld [tilespmem:s5+$0xFFFFFFE0]  }
0x169: {  	v7 =	vld [tilespmem:s30+$0xFFFFFFE0];
	v2 =	vmul.f32 v2, v8  }
0x16a: {  	[tilespmem:s5+$0x10] =	vst v3;
	v3 =	vld [tilespmem:s5+$0x20]  }
0x16b: {  	v8 =	vld [tilespmem:s30+$0x20];
	[tilespmem:s5+$0xFFFFFF90] =	vst v2;
	v1 =	vmul.f32 v5, v1  }
0x16c: {  	v5 =	vld [tilespmem:s30+$0xFFFFFFA0]  }
0x16d: {  	v9 =	vld [tilespmem:s5+$0x70];
	[tilespmem:s5+$0x60] =	vst v1  }
0x16e: {  	v2 =	vmul.f32 v7, v4;
	v7 =	vld [tilespmem:s30+$0x70]  }
0x16f: {  	v1 =	vld [tilespmem:s5+$0xFFFFFFB0]  }
0x170: {  	[tilespmem:s5+$0xFFFFFFE0] =	vst v2;
	v3 =	vmul.f32 v8, v3;
	v2 =	vld [tilespmem:s5+$0xFFFFFFF0]  }
0x171: {  	v4 =	vld [tilespmem:s30+$0xFFFFFFF0];
	v5 =	vmul.f32 v5, v6  }
0x172: {  	[tilespmem:s5+$0x20] =	vst v3;
	v3 =	vld [tilespmem:s5+$0x30]  }
0x173: {  	[tilespmem:s5+$0xFFFFFFA0] =	vst v5;
	v5 =	vld [tilespmem:s30+$0x30];
	v7 =	vmul.f32 v7, v9  }
0x174: {  	s31 =	simm.s32 $0x0;
	s23 =	simm.s32 $0x1580;
	v6 =	vld [tilespmem:s30+$0xFFFFFFB0]  }
.LBB2_7:
0x175: {  	v8 =	vld [tilespmem:s23+$0x40];
	[tilespmem:s5+$0x70] =	vst v7;
	s30 =	sadd.s32 $0x100, s30  }
0x176: {  	s31 =	sadd.s32 $0x4, s31;
	v7 =	vld [tilespmem:s30+$0x40];
	v2 =	vmul.f32 v4, v2  }
0x177: {  	p5 =	slt.u32 s31, $0x4C;
	v4 =	vld [tilespmem:s30+$0xFFFFFF80]  }
0x178: {  	v9 =	vld [tilespmem:s23+$0xFFFFFFC0];
	[tilespmem:s5+$0xFFFFFFF0] =	vst v2;
	v2 =	vmul.f32 v5, v3  }
0x179: {  	v3 =	vld [tilespmem:s30+$0xFFFFFFC0];
	v1 =	vmul.f32 v6, v1  }
0x17a: {  	v5 =	vld [tilespmem:s23+$0x0];
	[tilespmem:s5+$0x30] =	vst v2  }
0x17b: {  	v2 =	vld [tilespmem:s30+$0x0];
	v6 =	vmul.f32 v7, v8;
	[tilespmem:s5+$0xFFFFFFB0] =	vst v1;
	s5 =	smov.u32 s23  }
0x17c: {  	v1 =	vld [tilespmem:s23+$0xFFFFFF80]  }
0x17d: {  	[tilespmem:s23+$0x40] =	vst v6;
	v6 =	vld [tilespmem:s23+$0x50]  }
0x17e: {  	v3 =	vmul.f32 v3, v9;
	v7 =	vld [tilespmem:s30+$0x50]  }
0x17f: {  	v8 =	vld [tilespmem:s23+$0xFFFFFF90]  }
0x180: {  	[tilespmem:s23+$0xFFFFFFC0] =	vst v3;
	v3 =	vld [tilespmem:s23+$0xFFFFFFD0];
	v2 =	vmul.f32 v2, v5  }
0x181: {  	v1 =	vmul.f32 v4, v1;
	v4 =	vld [tilespmem:s30+$0xFFFFFFD0]  }
0x182: {  	[tilespmem:s23+$0x0] =	vst v2;
	v2 =	vld [tilespmem:s23+$0x10]  }
0x183: {  	[tilespmem:s23+$0xFFFFFF80] =	vst v1;
	v1 =	vld [tilespmem:s30+$0x10];
	v5 =	vmul.f32 v7, v6  }
0x184: {  	v6 =	vld [tilespmem:s30+$0xFFFFFF90]  }
0x185: {  	[tilespmem:s23+$0x50] =	vst v5;
	v5 =	vld [tilespmem:s23+$0x60]  }
0x186: {  	v3 =	vmul.f32 v4, v3;
	v4 =	vld [tilespmem:s30+$0x60]  }
0x187: {  	v7 =	vld [tilespmem:s23+$0xFFFFFFA0]  }
0x188: {  	[tilespmem:s23+$0xFFFFFFD0] =	vst v3;
	v3 =	vld [tilespmem:s23+$0xFFFFFFE0];
	v1 =	vmul.f32 v1, v2  }
0x189: {  	v2 =	vmul.f32 v6, v8;
	v6 =	vld [tilespmem:s30+$0xFFFFFFE0]  }
0x18a: {  	[tilespmem:s23+$0x10] =	vst v1;
	v8 =	vld [tilespmem:s23+$0x20]  }
0x18b: {  	[tilespmem:s23+$0xFFFFFF90] =	vst v2;
	v9 =	vld [tilespmem:s30+$0x20];
	v1 =	vmul.f32 v4, v5  }
0x18c: {  	v4 =	vld [tilespmem:s30+$0xFFFFFFA0]  }
0x18d: {  	[tilespmem:s23+$0x60] =	vst v1;
	v10 =	vld [tilespmem:s23+$0x70]  }
0x18e: {  	v2 =	vmul.f32 v6, v3;
	v6 =	vld [tilespmem:s30+$0x70]  }
0x18f: {  	v1 =	vld [tilespmem:s23+$0xFFFFFFB0]  }
.Ltmp2:
0x190: {  	[tilespmem:s23+$0xFFFFFFE0] =	vst v2;
	v2 =	vld [tilespmem:s23+$0xFFFFFFF0];
	v3 =	vmul.f32 v9, v8;
	(pc) =	sbr.rel @p5 .LBB2_7-.Ltmp2, $4  }
0x191: {  	v5 =	vmul.f32 v4, v7;
	v4 =	vld [tilespmem:s30+$0xFFFFFFF0]  }
0x192: {  	[tilespmem:s23+$0x20] =	vst v3;
	v3 =	vld [tilespmem:s23+$0x30]  }
0x193: {  	[tilespmem:s23+$0xFFFFFFA0] =	vst v5;
	v5 =	vld [tilespmem:s30+$0x30];
	v7 =	vmul.f32 v6, v10  }
0x194: {  	s23 =	sadd.s32 $0x100, s23;
	v6 =	vld [tilespmem:s30+$0xFFFFFFB0]  }
0x195: {  	_ =	sdelay $0x1  }
0x196: {  	v2 =	vmul.f32 v4, v2  }
0x197: {  	[tilespmem:s5+$0x70] =	vst v7;
	v3 =	vmul.f32 v5, v3  }
0x198: {  	[tilespmem:s5+$0xFFFFFFF0] =	vst v2;
	v1 =	vmul.f32 v6, v1  }
0x199: {  	[tilespmem:s5+$0x30] =	vst v3  }
0x19a: {  	[tilespmem:s5+$0xFFFFFFB0] =	vst v1  }
0x19b: {  	_ =	swait.ge [sflag:s22], $0x50  }
0x19c: {  	[sflag:s22] =	ssyncset.done $0x0  }
0x19d: {  	[sflag:s22] =	ssyncadd.s32 $0xFFFFFFB0  }
0x19e: {  	[spmem:s6] =	stream.indirect.scatter.add.f32 [tilespmem:s16], [sflag:$0x12], $0x40, s14, s9, $0xb8;
	[tilespmem:$0x1DF60] =	vst v63  }
0x19f: {  	_ =	swait.ge [sflag:s21], $0x1400  }
0x1a0: {  	[sflag:s21] =	ssyncset.done $0x0  }
0x1a1: {  	s23 =	sadd.s32 s26, s20;
	s10 =	simm.s32 $0xA280;
	[sflag:s21] =	ssyncadd.s32 $0xFFFFEC00  }
0x1a2: {  	[tilespmem:s10], [sflag:$0xD] =	stream.linear.gather [hbm4b:s23+s8], $0x50, $0x38;
	[tilespmem:$0x1DF60] =	vst v63  }
0x1a3: {  	_ =	swait.ge [sflag:s1], $0x50  }
0x1a4: {  	[sflag:s1] =	ssyncset.done $0x0  }
0x1a5: {  	[sflag:s1] =	ssyncadd.s32 $0xFFFFFFB0  }
0x1a6: {  	_ =	swait.ge [sflag:s1], $0x50  }
0x1a7: {  	[sflag:s1] =	ssyncset.done $0x0  }
0x1a8: {  	s20 =	simm.s32 @!p3 $0xA000;
	[sflag:s1] =	ssyncadd.s32 $0xFFFFFFB0  }
0x1a9: {  	s5 =	simm.s32 @!p3 $0x50;
	s23 =	simm.s32 @!p3 $0x0;
	s30 =	rddreg [dreg:$0x0]  }
0x1aa: {  	[tilespmem:s23], [sflag:$0x1] =	stream.indirect.gather @!p3 [hbm4b:s30+s5], $0x40, s20, s5, $0xb8;
	[tilespmem:$0x1DF60] =	vst v63  }
0x1ab: {  	s5 =	simm.s32 @p0 $0x50;
	s20 =	simm.s32 @p0 $0xA000;
	s23 =	simm.s32 @p0 $0x0  }
0x1ac: {  	[tilespmem:s23], [sflag:$0x1] =	stream.indirect.gather @p0 [hbm4b:s12+s5], $0x40, s20, s5, $0xb8;
	[tilespmem:$0x1DF60] =	vst v63  }
0x1ad: {  	s10 =	simm.s32 $0xA140;
	s20 =	rddreg [dreg:$0x3];
	s23 =	simm.s32 $0x5000  }
0x1ae: {  	[tilespmem:s23], [sflag:$0x5] =	stream.indirect.gather [spmem:s20], $0x40, s10, s9, $0xb8;
	[tilespmem:$0x1DF60] =	vst v63  }
0x1af: {  	s20 =	sld [smem:$0x7F3];
	_ =	sdelay $0x2  }
0x1b0: {  	s5 =	sadd.s32 s19, s20  }
0x1b1: {  	s20 =	sshrl.u32 s5, $0x3  }
0x1b2: {  	s5 =	sadd.s32 s25, s20  }
0x1b3: {  	[tilespmem:s3], [sflag:$0xA] =	stream.linear.gather [hbm4b:s5+s8], $0x50, $0x38;
	[tilespmem:$0x1DF60] =	vst v63  }
0x1b4: {  	s10 =	simm.s32 $0x3;
	s23 =	sadd.s32 s2, s20  }
0x1b5: {  	[tilespmem:s4], [sflag:$0xA] =	stream.linear.gather [hbm4b:s23+s8], $0x50, $0x38;
	[tilespmem:$0x1DF60] =	vst v63  }
0x1b6: {  	_ =	swait.ge [sflag:s10], $0x1400  }
0x1b7: {  	[sflag:s10] =	ssyncset.done $0x0  }
0x1b8: {  	s23 =	simm.s32 $0x7;
	[sflag:s10] =	ssyncadd.s32 $0xFFFFEC00  }
0x1b9: {  	_ =	swait.ge [sflag:s23], $0x1400  }
0x1ba: {  	[sflag:s23] =	ssyncset.done $0x0  }
0x1bb: {  	s5 =	simm.s32 $0x2880;
	[sflag:s23] =	ssyncadd.s32 $0xFFFFEC00  }
0x1bc: {  	s30 =	simm.s32 $0x7880;
	v1 =	vld [tilespmem:s5+$0x40]  }
0x1bd: {  	v2 =	vld [tilespmem:s30+$0x40]  }
0x1be: {  	v3 =	vld [tilespmem:s5+$0xFFFFFFC0]  }
0x1bf: {  	v4 =	vld [tilespmem:s30+$0xFFFFFFC0]  }
0x1c0: {  	v5 =	vld [tilespmem:s5+$0x0]  }
0x1c1: {  	v6 =	vld [tilespmem:s30+$0x0]  }
0x1c2: {  	v7 =	vld [tilespmem:s5+$0xFFFFFF80];
	v1 =	vmul.f32 v2, v1  }
0x1c3: {  	v2 =	vld [tilespmem:s30+$0xFFFFFF80]  }
0x1c4: {  	[tilespmem:s5+$0x40] =	vst v1;
	v1 =	vld [tilespmem:s5+$0x50]  }
0x1c5: {  	v3 =	vmul.f32 v4, v3;
	v4 =	vld [tilespmem:s30+$0x50]  }
0x1c6: {  	v8 =	vld [tilespmem:s5+$0xFFFFFF90]  }
0x1c7: {  	[tilespmem:s5+$0xFFFFFFC0] =	vst v3;
	v3 =	vmul.f32 v6, v5;
	v5 =	vld [tilespmem:s5+$0xFFFFFFD0]  }
0x1c8: {  	v6 =	vld [tilespmem:s30+$0xFFFFFFD0];
	v2 =	vmul.f32 v2, v7  }
0x1c9: {  	[tilespmem:s5+$0x0] =	vst v3;
	v3 =	vld [tilespmem:s5+$0x10]  }
0x1ca: {  	v7 =	vld [tilespmem:s30+$0x10];
	[tilespmem:s5+$0xFFFFFF80] =	vst v2;
	v1 =	vmul.f32 v4, v1  }
0x1cb: {  	v2 =	vld [tilespmem:s30+$0xFFFFFF90]  }
0x1cc: {  	[tilespmem:s5+$0x50] =	vst v1;
	v1 =	vld [tilespmem:s5+$0x60]  }
0x1cd: {  	v4 =	vmul.f32 v6, v5;
	v5 =	vld [tilespmem:s30+$0x60]  }
0x1ce: {  	v6 =	vld [tilespmem:s5+$0xFFFFFFA0]  }
0x1cf: {  	[tilespmem:s5+$0xFFFFFFD0] =	vst v4;
	v3 =	vmul.f32 v7, v3;
	v4 =	vld [tilespmem:s5+$0xFFFFFFE0]  }
0x1d0: {  	v7 =	vld [tilespmem:s30+$0xFFFFFFE0];
	v2 =	vmul.f32 v2, v8  }
0x1d1: {  	[tilespmem:s5+$0x10] =	vst v3;
	v3 =	vld [tilespmem:s5+$0x20]  }
0x1d2: {  	v8 =	vld [tilespmem:s30+$0x20];
	[tilespmem:s5+$0xFFFFFF90] =	vst v2;
	v1 =	vmul.f32 v5, v1  }
0x1d3: {  	v5 =	vld [tilespmem:s30+$0xFFFFFFA0]  }
0x1d4: {  	v9 =	vld [tilespmem:s5+$0x70];
	[tilespmem:s5+$0x60] =	vst v1  }
0x1d5: {  	v2 =	vmul.f32 v7, v4;
	v7 =	vld [tilespmem:s30+$0x70]  }
0x1d6: {  	v1 =	vld [tilespmem:s5+$0xFFFFFFB0]  }
0x1d7: {  	[tilespmem:s5+$0xFFFFFFE0] =	vst v2;
	v3 =	vmul.f32 v8, v3;
	v2 =	vld [tilespmem:s5+$0xFFFFFFF0]  }
0x1d8: {  	v4 =	vld [tilespmem:s30+$0xFFFFFFF0];
	v5 =	vmul.f32 v5, v6  }
0x1d9: {  	[tilespmem:s5+$0x20] =	vst v3;
	v3 =	vld [tilespmem:s5+$0x30]  }
0x1da: {  	[tilespmem:s5+$0xFFFFFFA0] =	vst v5;
	v5 =	vld [tilespmem:s30+$0x30];
	v7 =	vmul.f32 v7, v9  }
0x1db: {  	s31 =	simm.s32 $0x0;
	s23 =	simm.s32 $0x2980;
	v6 =	vld [tilespmem:s30+$0xFFFFFFB0]  }
.LBB2_9:
0x1dc: {  	v8 =	vld [tilespmem:s23+$0x40];
	[tilespmem:s5+$0x70] =	vst v7;
	s30 =	sadd.s32 $0x100, s30  }
0x1dd: {  	s31 =	sadd.s32 $0x4, s31;
	v7 =	vld [tilespmem:s30+$0x40];
	v2 =	vmul.f32 v4, v2  }
0x1de: {  	p5 =	slt.u32 s31, $0x4C;
	v4 =	vld [tilespmem:s30+$0xFFFFFF80]  }
0x1df: {  	v9 =	vld [tilespmem:s23+$0xFFFFFFC0];
	[tilespmem:s5+$0xFFFFFFF0] =	vst v2;
	v2 =	vmul.f32 v5, v3  }
0x1e0: {  	v3 =	vld [tilespmem:s30+$0xFFFFFFC0];
	v1 =	vmul.f32 v6, v1  }
0x1e1: {  	v5 =	vld [tilespmem:s23+$0x0];
	[tilespmem:s5+$0x30] =	vst v2  }
0x1e2: {  	v2 =	vld [tilespmem:s30+$0x0];
	v6 =	vmul.f32 v7, v8;
	[tilespmem:s5+$0xFFFFFFB0] =	vst v1;
	s5 =	smov.u32 s23  }
0x1e3: {  	v1 =	vld [tilespmem:s23+$0xFFFFFF80]  }
0x1e4: {  	[tilespmem:s23+$0x40] =	vst v6;
	v6 =	vld [tilespmem:s23+$0x50]  }
0x1e5: {  	v3 =	vmul.f32 v3, v9;
	v7 =	vld [tilespmem:s30+$0x50]  }
0x1e6: {  	v8 =	vld [tilespmem:s23+$0xFFFFFF90]  }
0x1e7: {  	[tilespmem:s23+$0xFFFFFFC0] =	vst v3;
	v3 =	vld [tilespmem:s23+$0xFFFFFFD0];
	v2 =	vmul.f32 v2, v5  }
0x1e8: {  	v1 =	vmul.f32 v4, v1;
	v4 =	vld [tilespmem:s30+$0xFFFFFFD0]  }
0x1e9: {  	[tilespmem:s23+$0x0] =	vst v2;
	v2 =	vld [tilespmem:s23+$0x10]  }
0x1ea: {  	[tilespmem:s23+$0xFFFFFF80] =	vst v1;
	v1 =	vld [tilespmem:s30+$0x10];
	v5 =	vmul.f32 v7, v6  }
0x1eb: {  	v6 =	vld [tilespmem:s30+$0xFFFFFF90]  }
0x1ec: {  	[tilespmem:s23+$0x50] =	vst v5;
	v5 =	vld [tilespmem:s23+$0x60]  }
0x1ed: {  	v3 =	vmul.f32 v4, v3;
	v4 =	vld [tilespmem:s30+$0x60]  }
0x1ee: {  	v7 =	vld [tilespmem:s23+$0xFFFFFFA0]  }
0x1ef: {  	[tilespmem:s23+$0xFFFFFFD0] =	vst v3;
	v3 =	vld [tilespmem:s23+$0xFFFFFFE0];
	v1 =	vmul.f32 v1, v2  }
0x1f0: {  	v2 =	vmul.f32 v6, v8;
	v6 =	vld [tilespmem:s30+$0xFFFFFFE0]  }
0x1f1: {  	[tilespmem:s23+$0x10] =	vst v1;
	v8 =	vld [tilespmem:s23+$0x20]  }
0x1f2: {  	[tilespmem:s23+$0xFFFFFF90] =	vst v2;
	v9 =	vld [tilespmem:s30+$0x20];
	v1 =	vmul.f32 v4, v5  }
0x1f3: {  	v4 =	vld [tilespmem:s30+$0xFFFFFFA0]  }
0x1f4: {  	[tilespmem:s23+$0x60] =	vst v1;
	v10 =	vld [tilespmem:s23+$0x70]  }
0x1f5: {  	v2 =	vmul.f32 v6, v3;
	v6 =	vld [tilespmem:s30+$0x70]  }
0x1f6: {  	v1 =	vld [tilespmem:s23+$0xFFFFFFB0]  }
.Ltmp3:
0x1f7: {  	[tilespmem:s23+$0xFFFFFFE0] =	vst v2;
	v2 =	vld [tilespmem:s23+$0xFFFFFFF0];
	v3 =	vmul.f32 v9, v8;
	(pc) =	sbr.rel @p5 .LBB2_9-.Ltmp3, $4  }
0x1f8: {  	v5 =	vmul.f32 v4, v7;
	v4 =	vld [tilespmem:s30+$0xFFFFFFF0]  }
0x1f9: {  	[tilespmem:s23+$0x20] =	vst v3;
	v3 =	vld [tilespmem:s23+$0x30]  }
0x1fa: {  	[tilespmem:s23+$0xFFFFFFA0] =	vst v5;
	v5 =	vld [tilespmem:s30+$0x30];
	v7 =	vmul.f32 v6, v10  }
0x1fb: {  	s23 =	sadd.s32 $0x100, s23;
	v6 =	vld [tilespmem:s30+$0xFFFFFFB0]  }
0x1fc: {  	_ =	sdelay $0x1  }
0x1fd: {  	v2 =	vmul.f32 v4, v2  }
0x1fe: {  	[tilespmem:s5+$0x70] =	vst v7;
	v3 =	vmul.f32 v5, v3  }
0x1ff: {  	[tilespmem:s5+$0xFFFFFFF0] =	vst v2;
	v1 =	vmul.f32 v6, v1  }
0x200: {  	[tilespmem:s5+$0x30] =	vst v3  }
0x201: {  	s30 =	simm.s32 $0xF;
	[tilespmem:s5+$0xFFFFFFB0] =	vst v1  }
0x202: {  	_ =	swait.ge [sflag:s30], $0x50  }
0x203: {  	[sflag:s30] =	ssyncset.done $0x0  }
0x204: {  	s31 =	simm.s32 $0xA320;
	s23 =	simm.s32 $0x2800;
	[sflag:s30] =	ssyncadd.s32 $0xFFFFFFB0  }
0x205: {  	[spmem:s6] =	stream.indirect.scatter.add.f32 [tilespmem:s23], [sflag:$0x13], $0x40, s31, s9, $0xb8;
	[tilespmem:$0x1DF60] =	vst v63  }
0x206: {  	_ =	swait.ge [sflag:s13], $0x1400  }
0x207: {  	[sflag:s13] =	ssyncset.done $0x0  }
0x208: {  	s10 =	sadd.s32 s26, s20;
	[sflag:s13] =	ssyncadd.s32 $0xFFFFEC00  }
0x209: {  	[tilespmem:s14], [sflag:$0xE] =	stream.linear.gather [hbm4b:s10+s8], $0x50, $0x38;
	[tilespmem:$0x1DF60] =	vst v63  }
0x20a: {  	_ =	swait.ge [sflag:s17], $0x50  }
0x20b: {  	[sflag:s17] =	ssyncset.done $0x0  }
0x20c: {  	[sflag:s17] =	ssyncadd.s32 $0xFFFFFFB0  }
0x20d: {  	_ =	swait.ge [sflag:s17], $0x50  }
0x20e: {  	[sflag:s17] =	ssyncset.done $0x0  }
0x20f: {  	s20 =	simm.s32 @!p3 $0xA050;
	[sflag:s17] =	ssyncadd.s32 $0xFFFFFFB0  }
0x210: {  	s5 =	simm.s32 @!p3 $0x50;
	s23 =	simm.s32 @!p3 $0x1400;
	s30 =	rddreg [dreg:$0x0]  }
0x211: {  	[tilespmem:s23], [sflag:$0x2] =	stream.indirect.gather @!p3 [hbm4b:s30+s5], $0x40, s20, s5, $0xb8;
	[tilespmem:$0x1DF60] =	vst v63  }
0x212: {  	s5 =	simm.s32 @p0 $0x50;
	s20 =	simm.s32 @p0 $0xA050;
	s23 =	simm.s32 @p0 $0x1400  }
0x213: {  	[tilespmem:s23], [sflag:$0x2] =	stream.indirect.gather @p0 [hbm4b:s12+s5], $0x40, s20, s5, $0xb8;
	[tilespmem:$0x1DF60] =	vst v63  }
0x214: {  	s5 =	sld [smem:$0x7F4]  }
0x215: {  	p5 =	seq.s32 s29, $0x3D;
	s20 =	rddreg [dreg:$0x3];
	s23 =	simm.s32 $0x6400  }
0x216: {  	[tilespmem:s23], [sflag:$0x6] =	stream.indirect.gather [spmem:s20], $0x40, s4, s9, $0xb8;
	[tilespmem:$0x1DF60] =	vst v63  }
0x217: {  	s5 =	sadd.s32 @!p5 s19, s5  }
0x218: {  	s5 =	sshrl.u32 @!p5 s5, $0x3  }
0x219: {  	s20 =	simm.s32 @!p5 $0x0;
	s23 =	simm.s32 @!p5 $0xA0A0;
	s19 =	sadd.s32 @!p5 s25, s5  }
0x21a: {  	[tilespmem:s23], [sflag:$0xB] =	stream.linear.gather @!p5 [hbm4b:s19+s20], $0x50, $0x38;
	[tilespmem:$0x1DF60] =	vst v63  }
0x21b: {  	s30 =	simm.s32 $0x4;
	s5 =	sadd.s32 @!p5 s2, s5;
	s19 =	simm.s32 @!p5 $0xA1E0  }
0x21c: {  	[tilespmem:s19], [sflag:$0xB] =	stream.linear.gather @!p5 [hbm4b:s5+s20], $0x50, $0x38;
	[tilespmem:$0x1DF60] =	vst v63  }
0x21d: {  	_ =	swait.ge [sflag:s30], $0x1400  }
0x21e: {  	[sflag:s30] =	ssyncset.done $0x0  }
0x21f: {  	s31 =	simm.s32 $0x8;
	[sflag:s30] =	ssyncadd.s32 $0xFFFFEC00  }
0x220: {  	_ =	swait.ge [sflag:s31], $0x1400  }
0x221: {  	[sflag:s31] =	ssyncset.done $0x0  }
0x222: {  	s5 =	simm.s32 $0x3C80;
	[sflag:s31] =	ssyncadd.s32 $0xFFFFEC00  }
0x223: {  	s19 =	simm.s32 $0x8C80;
	v1 =	vld [tilespmem:s5+$0x40]  }
0x224: {  	v2 =	vld [tilespmem:s19+$0x40]  }
0x225: {  	v3 =	vld [tilespmem:s5+$0xFFFFFFC0]  }
0x226: {  	v4 =	vld [tilespmem:s19+$0xFFFFFFC0]  }
0x227: {  	v5 =	vld [tilespmem:s5+$0x0]  }
0x228: {  	v6 =	vld [tilespmem:s19+$0x0]  }
0x229: {  	v7 =	vld [tilespmem:s5+$0xFFFFFF80];
	v1 =	vmul.f32 v2, v1  }
0x22a: {  	v2 =	vld [tilespmem:s19+$0xFFFFFF80]  }
0x22b: {  	[tilespmem:s5+$0x40] =	vst v1;
	v1 =	vld [tilespmem:s5+$0x50]  }
0x22c: {  	v3 =	vmul.f32 v4, v3;
	v4 =	vld [tilespmem:s19+$0x50]  }
0x22d: {  	v8 =	vld [tilespmem:s5+$0xFFFFFF90]  }
0x22e: {  	[tilespmem:s5+$0xFFFFFFC0] =	vst v3;
	v3 =	vmul.f32 v6, v5;
	v5 =	vld [tilespmem:s5+$0xFFFFFFD0]  }
0x22f: {  	v6 =	vld [tilespmem:s19+$0xFFFFFFD0];
	v2 =	vmul.f32 v2, v7  }
0x230: {  	[tilespmem:s5+$0x0] =	vst v3;
	v3 =	vld [tilespmem:s5+$0x10]  }
0x231: {  	v7 =	vld [tilespmem:s19+$0x10];
	[tilespmem:s5+$0xFFFFFF80] =	vst v2;
	v1 =	vmul.f32 v4, v1  }
0x232: {  	v2 =	vld [tilespmem:s19+$0xFFFFFF90]  }
0x233: {  	[tilespmem:s5+$0x50] =	vst v1;
	v1 =	vld [tilespmem:s5+$0x60]  }
0x234: {  	v4 =	vmul.f32 v6, v5;
	v5 =	vld [tilespmem:s19+$0x60]  }
0x235: {  	v6 =	vld [tilespmem:s5+$0xFFFFFFA0]  }
0x236: {  	[tilespmem:s5+$0xFFFFFFD0] =	vst v4;
	v3 =	vmul.f32 v7, v3;
	v4 =	vld [tilespmem:s5+$0xFFFFFFE0]  }
0x237: {  	v7 =	vld [tilespmem:s19+$0xFFFFFFE0];
	v2 =	vmul.f32 v2, v8  }
0x238: {  	[tilespmem:s5+$0x10] =	vst v3;
	v3 =	vld [tilespmem:s5+$0x20]  }
0x239: {  	v8 =	vld [tilespmem:s19+$0x20];
	[tilespmem:s5+$0xFFFFFF90] =	vst v2;
	v1 =	vmul.f32 v5, v1  }
0x23a: {  	v5 =	vld [tilespmem:s19+$0xFFFFFFA0]  }
0x23b: {  	v9 =	vld [tilespmem:s5+$0x70];
	[tilespmem:s5+$0x60] =	vst v1  }
0x23c: {  	v2 =	vmul.f32 v7, v4;
	v7 =	vld [tilespmem:s19+$0x70]  }
0x23d: {  	v1 =	vld [tilespmem:s5+$0xFFFFFFB0]  }
0x23e: {  	[tilespmem:s5+$0xFFFFFFE0] =	vst v2;
	v3 =	vmul.f32 v8, v3;
	v2 =	vld [tilespmem:s5+$0xFFFFFFF0]  }
0x23f: {  	v4 =	vld [tilespmem:s19+$0xFFFFFFF0];
	v5 =	vmul.f32 v5, v6  }
0x240: {  	[tilespmem:s5+$0x20] =	vst v3;
	v3 =	vld [tilespmem:s5+$0x30]  }
0x241: {  	[tilespmem:s5+$0xFFFFFFA0] =	vst v5;
	v5 =	vld [tilespmem:s19+$0x30];
	v7 =	vmul.f32 v7, v9  }
0x242: {  	s23 =	simm.s32 $0x3D80;
	s20 =	simm.s32 $0x0;
	v6 =	vld [tilespmem:s19+$0xFFFFFFB0]  }
.LBB2_11:
0x243: {  	v8 =	vld [tilespmem:s23+$0x40];
	[tilespmem:s5+$0x70] =	vst v7;
	s19 =	sadd.s32 $0x100, s19  }
0x244: {  	s20 =	sadd.s32 $0x4, s20;
	v7 =	vld [tilespmem:s19+$0x40];
	v2 =	vmul.f32 v4, v2  }
0x245: {  	p5 =	slt.u32 s20, $0x4C;
	v4 =	vld [tilespmem:s19+$0xFFFFFF80]  }
0x246: {  	v9 =	vld [tilespmem:s23+$0xFFFFFFC0];
	[tilespmem:s5+$0xFFFFFFF0] =	vst v2;
	v2 =	vmul.f32 v5, v3  }
0x247: {  	v3 =	vld [tilespmem:s19+$0xFFFFFFC0];
	v1 =	vmul.f32 v6, v1  }
0x248: {  	v5 =	vld [tilespmem:s23+$0x0];
	[tilespmem:s5+$0x30] =	vst v2  }
0x249: {  	v2 =	vld [tilespmem:s19+$0x0];
	v6 =	vmul.f32 v7, v8;
	[tilespmem:s5+$0xFFFFFFB0] =	vst v1;
	s5 =	smov.u32 s23  }
0x24a: {  	v1 =	vld [tilespmem:s23+$0xFFFFFF80]  }
0x24b: {  	[tilespmem:s23+$0x40] =	vst v6;
	v6 =	vld [tilespmem:s23+$0x50]  }
0x24c: {  	v3 =	vmul.f32 v3, v9;
	v7 =	vld [tilespmem:s19+$0x50]  }
0x24d: {  	v8 =	vld [tilespmem:s23+$0xFFFFFF90]  }
0x24e: {  	[tilespmem:s23+$0xFFFFFFC0] =	vst v3;
	v3 =	vld [tilespmem:s23+$0xFFFFFFD0];
	v2 =	vmul.f32 v2, v5  }
0x24f: {  	v1 =	vmul.f32 v4, v1;
	v4 =	vld [tilespmem:s19+$0xFFFFFFD0]  }
0x250: {  	[tilespmem:s23+$0x0] =	vst v2;
	v2 =	vld [tilespmem:s23+$0x10]  }
0x251: {  	[tilespmem:s23+$0xFFFFFF80] =	vst v1;
	v1 =	vld [tilespmem:s19+$0x10];
	v5 =	vmul.f32 v7, v6  }
0x252: {  	v6 =	vld [tilespmem:s19+$0xFFFFFF90]  }
0x253: {  	[tilespmem:s23+$0x50] =	vst v5;
	v5 =	vld [tilespmem:s23+$0x60]  }
0x254: {  	v3 =	vmul.f32 v4, v3;
	v4 =	vld [tilespmem:s19+$0x60]  }
0x255: {  	v7 =	vld [tilespmem:s23+$0xFFFFFFA0]  }
0x256: {  	[tilespmem:s23+$0xFFFFFFD0] =	vst v3;
	v3 =	vld [tilespmem:s23+$0xFFFFFFE0];
	v1 =	vmul.f32 v1, v2  }
0x257: {  	v2 =	vmul.f32 v6, v8;
	v6 =	vld [tilespmem:s19+$0xFFFFFFE0]  }
0x258: {  	[tilespmem:s23+$0x10] =	vst v1;
	v8 =	vld [tilespmem:s23+$0x20]  }
0x259: {  	[tilespmem:s23+$0xFFFFFF90] =	vst v2;
	v9 =	vld [tilespmem:s19+$0x20];
	v1 =	vmul.f32 v4, v5  }
0x25a: {  	v4 =	vld [tilespmem:s19+$0xFFFFFFA0]  }
0x25b: {  	[tilespmem:s23+$0x60] =	vst v1;
	v10 =	vld [tilespmem:s23+$0x70]  }
0x25c: {  	v2 =	vmul.f32 v6, v3;
	v6 =	vld [tilespmem:s19+$0x70]  }
0x25d: {  	v1 =	vld [tilespmem:s23+$0xFFFFFFB0]  }
.Ltmp4:
0x25e: {  	[tilespmem:s23+$0xFFFFFFE0] =	vst v2;
	v2 =	vld [tilespmem:s23+$0xFFFFFFF0];
	v3 =	vmul.f32 v9, v8;
	(pc) =	sbr.rel @p5 .LBB2_11-.Ltmp4, $4  }
0x25f: {  	v5 =	vmul.f32 v4, v7;
	v4 =	vld [tilespmem:s19+$0xFFFFFFF0]  }
0x260: {  	[tilespmem:s23+$0x20] =	vst v3;
	v3 =	vld [tilespmem:s23+$0x30]  }
0x261: {  	[tilespmem:s23+$0xFFFFFFA0] =	vst v5;
	v5 =	vld [tilespmem:s19+$0x30];
	v7 =	vmul.f32 v6, v10  }
0x262: {  	s23 =	sadd.s32 $0x100, s23;
	v6 =	vld [tilespmem:s19+$0xFFFFFFB0]  }
0x263: {  	_ =	sdelay $0x1  }
0x264: {  	v2 =	vmul.f32 v4, v2  }
0x265: {  	[tilespmem:s5+$0x70] =	vst v7;
	v3 =	vmul.f32 v5, v3  }
0x266: {  	s29 =	sadd.s32 $0x1, s29;
	[tilespmem:s5+$0xFFFFFFF0] =	vst v2;
	v1 =	vmul.f32 v6, v1  }
0x267: {  	p5 =	sne.s32 s29, $0x3E;
	[tilespmem:s5+$0x30] =	vst v3  }
.Ltmp5:
0x268: {  	s30 =	simm.s32 $0x10;
	[tilespmem:s5+$0xFFFFFFB0] =	vst v1;
	(pc) =	sbr.rel @p5 .LBB2_4-.Ltmp5, $4  }
0x269: {  	_ =	swait.ge [sflag:s30], $0x50  }
0x26a: {  	[sflag:s30] =	ssyncset.done $0x0  }
0x26b: {  	s31 =	simm.s32 $0xA370;
	s19 =	simm.s32 $0x3C00;
	[sflag:s30] =	ssyncadd.s32 $0xFFFFFFB0  }
0x26c: {  	[spmem:s6] =	stream.indirect.scatter.add.f32 [tilespmem:s19], [sflag:$0x14], $0x40, s31, s9, $0xb8;
	[tilespmem:$0x1DF60] =	vst v63  }
0x26d: {  	s3 =	simm.s32 $0x13  }
0x26e: {  	_ =	swait.ge [sflag:s3], $0x1400  }
0x26f: {  	[sflag:s3] =	ssyncset.done $0x0  }
0x270: {  	s31 =	simm.s32 $0x1;
	[sflag:s3] =	ssyncadd.s32 $0xFFFFEC00  }
0x271: {  	_ =	swait.ge [sflag:s31], $0x1400  }
0x272: {  	[sflag:s31] =	ssyncset.done $0x0  }
0x273: {  	[sflag:s31] =	ssyncadd.s32 $0xFFFFEC00  }
0x274: {  	_ =	swait.ge [sflag:s15], $0x1400  }
0x275: {  	[sflag:s15] =	ssyncset.done $0x0  }
0x276: {  	s5 =	simm.s32 $0x80;
	[sflag:s15] =	ssyncadd.s32 $0xFFFFEC00  }
0x277: {  	s19 =	simm.s32 $0x5080;
	v1 =	vld [tilespmem:s5+$0x40]  }
0x278: {  	v2 =	vld [tilespmem:s19+$0x40]  }
0x279: {  	v3 =	vld [tilespmem:s5+$0xFFFFFFC0]  }
0x27a: {  	v4 =	vld [tilespmem:s19+$0xFFFFFFC0]  }
0x27b: {  	v5 =	vld [tilespmem:s5+$0x0]  }
0x27c: {  	v6 =	vld [tilespmem:s19+$0x0]  }
0x27d: {  	v7 =	vld [tilespmem:s5+$0xFFFFFF80];
	v1 =	vmul.f32 v2, v1  }
0x27e: {  	v2 =	vld [tilespmem:s19+$0xFFFFFF80]  }
0x27f: {  	[tilespmem:s5+$0x40] =	vst v1;
	v1 =	vld [tilespmem:s5+$0x50]  }
0x280: {  	v3 =	vmul.f32 v4, v3;
	v4 =	vld [tilespmem:s19+$0x50]  }
0x281: {  	v8 =	vld [tilespmem:s5+$0xFFFFFF90]  }
0x282: {  	[tilespmem:s5+$0xFFFFFFC0] =	vst v3;
	v3 =	vmul.f32 v6, v5;
	v5 =	vld [tilespmem:s5+$0xFFFFFFD0]  }
0x283: {  	v6 =	vld [tilespmem:s19+$0xFFFFFFD0];
	v2 =	vmul.f32 v2, v7  }
0x284: {  	[tilespmem:s5+$0x0] =	vst v3;
	v3 =	vld [tilespmem:s5+$0x10]  }
0x285: {  	v7 =	vld [tilespmem:s19+$0x10];
	[tilespmem:s5+$0xFFFFFF80] =	vst v2;
	v1 =	vmul.f32 v4, v1  }
0x286: {  	v2 =	vld [tilespmem:s19+$0xFFFFFF90]  }
0x287: {  	[tilespmem:s5+$0x50] =	vst v1;
	v1 =	vld [tilespmem:s5+$0x60]  }
0x288: {  	v4 =	vmul.f32 v6, v5;
	v5 =	vld [tilespmem:s19+$0x60]  }
0x289: {  	v6 =	vld [tilespmem:s5+$0xFFFFFFA0]  }
0x28a: {  	[tilespmem:s5+$0xFFFFFFD0] =	vst v4;
	v3 =	vmul.f32 v7, v3;
	v4 =	vld [tilespmem:s5+$0xFFFFFFE0]  }
0x28b: {  	v7 =	vld [tilespmem:s19+$0xFFFFFFE0];
	v2 =	vmul.f32 v2, v8  }
0x28c: {  	[tilespmem:s5+$0x10] =	vst v3;
	v3 =	vld [tilespmem:s5+$0x20]  }
0x28d: {  	v8 =	vld [tilespmem:s19+$0x20];
	[tilespmem:s5+$0xFFFFFF90] =	vst v2;
	v1 =	vmul.f32 v5, v1  }
0x28e: {  	v5 =	vld [tilespmem:s19+$0xFFFFFFA0]  }
0x28f: {  	v9 =	vld [tilespmem:s5+$0x70];
	[tilespmem:s5+$0x60] =	vst v1  }
0x290: {  	v2 =	vmul.f32 v7, v4;
	v7 =	vld [tilespmem:s19+$0x70]  }
0x291: {  	v1 =	vld [tilespmem:s5+$0xFFFFFFB0]  }
0x292: {  	[tilespmem:s5+$0xFFFFFFE0] =	vst v2;
	v3 =	vmul.f32 v8, v3;
	v2 =	vld [tilespmem:s5+$0xFFFFFFF0]  }
0x293: {  	v4 =	vld [tilespmem:s19+$0xFFFFFFF0];
	v5 =	vmul.f32 v5, v6  }
0x294: {  	[tilespmem:s5+$0x20] =	vst v3;
	v3 =	vld [tilespmem:s5+$0x30]  }
0x295: {  	[tilespmem:s5+$0xFFFFFFA0] =	vst v5;
	v5 =	vld [tilespmem:s19+$0x30];
	v7 =	vmul.f32 v7, v9  }
0x296: {  	s20 =	simm.s32 $0x0;
	s23 =	simm.s32 $0x180;
	v6 =	vld [tilespmem:s19+$0xFFFFFFB0]  }
.LBB2_14:
0x297: {  	v8 =	vld [tilespmem:s23+$0x40];
	[tilespmem:s5+$0x70] =	vst v7;
	s19 =	sadd.s32 $0x100, s19  }
0x298: {  	s20 =	sadd.s32 $0x4, s20;
	v7 =	vld [tilespmem:s19+$0x40];
	v2 =	vmul.f32 v4, v2  }
0x299: {  	p5 =	slt.u32 s20, $0x4C;
	v4 =	vld [tilespmem:s19+$0xFFFFFF80]  }
0x29a: {  	v9 =	vld [tilespmem:s23+$0xFFFFFFC0];
	[tilespmem:s5+$0xFFFFFFF0] =	vst v2;
	v2 =	vmul.f32 v5, v3  }
0x29b: {  	v3 =	vld [tilespmem:s19+$0xFFFFFFC0];
	v1 =	vmul.f32 v6, v1  }
0x29c: {  	v5 =	vld [tilespmem:s23+$0x0];
	[tilespmem:s5+$0x30] =	vst v2  }
0x29d: {  	v2 =	vld [tilespmem:s19+$0x0];
	v6 =	vmul.f32 v7, v8;
	[tilespmem:s5+$0xFFFFFFB0] =	vst v1;
	s5 =	smov.u32 s23  }
0x29e: {  	v1 =	vld [tilespmem:s23+$0xFFFFFF80]  }
0x29f: {  	[tilespmem:s23+$0x40] =	vst v6;
	v6 =	vld [tilespmem:s23+$0x50]  }
0x2a0: {  	v3 =	vmul.f32 v3, v9;
	v7 =	vld [tilespmem:s19+$0x50]  }
0x2a1: {  	v8 =	vld [tilespmem:s23+$0xFFFFFF90]  }
0x2a2: {  	[tilespmem:s23+$0xFFFFFFC0] =	vst v3;
	v3 =	vld [tilespmem:s23+$0xFFFFFFD0];
	v2 =	vmul.f32 v2, v5  }
0x2a3: {  	v1 =	vmul.f32 v4, v1;
	v4 =	vld [tilespmem:s19+$0xFFFFFFD0]  }
0x2a4: {  	[tilespmem:s23+$0x0] =	vst v2;
	v2 =	vld [tilespmem:s23+$0x10]  }
0x2a5: {  	[tilespmem:s23+$0xFFFFFF80] =	vst v1;
	v1 =	vld [tilespmem:s19+$0x10];
	v5 =	vmul.f32 v7, v6  }
0x2a6: {  	v6 =	vld [tilespmem:s19+$0xFFFFFF90]  }
0x2a7: {  	[tilespmem:s23+$0x50] =	vst v5;
	v5 =	vld [tilespmem:s23+$0x60]  }
0x2a8: {  	v3 =	vmul.f32 v4, v3;
	v4 =	vld [tilespmem:s19+$0x60]  }
0x2a9: {  	v7 =	vld [tilespmem:s23+$0xFFFFFFA0]  }
0x2aa: {  	[tilespmem:s23+$0xFFFFFFD0] =	vst v3;
	v3 =	vld [tilespmem:s23+$0xFFFFFFE0];
	v1 =	vmul.f32 v1, v2  }
0x2ab: {  	v2 =	vmul.f32 v6, v8;
	v6 =	vld [tilespmem:s19+$0xFFFFFFE0]  }
0x2ac: {  	[tilespmem:s23+$0x10] =	vst v1;
	v8 =	vld [tilespmem:s23+$0x20]  }
0x2ad: {  	[tilespmem:s23+$0xFFFFFF90] =	vst v2;
	v9 =	vld [tilespmem:s19+$0x20];
	v1 =	vmul.f32 v4, v5  }
0x2ae: {  	v4 =	vld [tilespmem:s19+$0xFFFFFFA0]  }
0x2af: {  	[tilespmem:s23+$0x60] =	vst v1;
	v10 =	vld [tilespmem:s23+$0x70]  }
0x2b0: {  	v2 =	vmul.f32 v6, v3;
	v6 =	vld [tilespmem:s19+$0x70]  }
0x2b1: {  	v1 =	vld [tilespmem:s23+$0xFFFFFFB0]  }
.Ltmp6:
0x2b2: {  	[tilespmem:s23+$0xFFFFFFE0] =	vst v2;
	v2 =	vld [tilespmem:s23+$0xFFFFFFF0];
	v3 =	vmul.f32 v9, v8;
	(pc) =	sbr.rel @p5 .LBB2_14-.Ltmp6, $4  }
0x2b3: {  	v5 =	vmul.f32 v4, v7;
	v4 =	vld [tilespmem:s19+$0xFFFFFFF0]  }
0x2b4: {  	[tilespmem:s23+$0x20] =	vst v3;
	v3 =	vld [tilespmem:s23+$0x30]  }
0x2b5: {  	[tilespmem:s23+$0xFFFFFFA0] =	vst v5;
	v5 =	vld [tilespmem:s19+$0x30];
	v7 =	vmul.f32 v6, v10  }
0x2b6: {  	s23 =	sadd.s32 $0x100, s23;
	v6 =	vld [tilespmem:s19+$0xFFFFFFB0]  }
0x2b7: {  	_ =	sdelay $0x1  }
0x2b8: {  	v2 =	vmul.f32 v4, v2  }
0x2b9: {  	[tilespmem:s5+$0x70] =	vst v7;
	v3 =	vmul.f32 v5, v3  }
0x2ba: {  	[tilespmem:s5+$0xFFFFFFF0] =	vst v2;
	v1 =	vmul.f32 v6, v1  }
0x2bb: {  	[tilespmem:s5+$0x30] =	vst v3  }
0x2bc: {  	[tilespmem:s5+$0xFFFFFFB0] =	vst v1  }
0x2bd: {  	_ =	swait.ge [sflag:s18], $0x50  }
0x2be: {  	[sflag:s18] =	ssyncset.done $0x0  }
0x2bf: {  	s3 =	simm.s32 $0xA280;
	s31 =	simm.s32 $0x14;
	[sflag:s18] =	ssyncadd.s32 $0xFFFFFFB0  }
0x2c0: {  	[spmem:s6] =	stream.indirect.scatter.add.f32 [tilespmem:s8], [sflag:$0x11], $0x40, s3, s9, $0xb8;
	[tilespmem:$0x1DF60] =	vst v63  }
0x2c1: {  	_ =	swait.ge [sflag:s31], $0x1400  }
0x2c2: {  	[sflag:s31] =	ssyncset.done $0x0  }
0x2c3: {  	[sflag:s31] =	ssyncadd.s32 $0xFFFFEC00  }
0x2c4: {  	_ =	swait.ge [sflag:s0], $0x1400  }
0x2c5: {  	[sflag:s0] =	ssyncset.done $0x0  }
0x2c6: {  	[sflag:s0] =	ssyncadd.s32 $0xFFFFEC00  }
0x2c7: {  	_ =	swait.ge [sflag:s7], $0x1400  }
0x2c8: {  	[sflag:s7] =	ssyncset.done $0x0  }
0x2c9: {  	s5 =	simm.s32 $0x1480;
	[sflag:s7] =	ssyncadd.s32 $0xFFFFEC00  }
0x2ca: {  	s19 =	simm.s32 $0x6480;
	v1 =	vld [tilespmem:s5+$0x40]  }
0x2cb: {  	v2 =	vld [tilespmem:s19+$0x40]  }
0x2cc: {  	v3 =	vld [tilespmem:s5+$0xFFFFFFC0]  }
0x2cd: {  	v4 =	vld [tilespmem:s19+$0xFFFFFFC0]  }
0x2ce: {  	v5 =	vld [tilespmem:s5+$0x0]  }
0x2cf: {  	v6 =	vld [tilespmem:s19+$0x0]  }
0x2d0: {  	v7 =	vld [tilespmem:s5+$0xFFFFFF80];
	v1 =	vmul.f32 v2, v1  }
0x2d1: {  	v2 =	vld [tilespmem:s19+$0xFFFFFF80]  }
0x2d2: {  	[tilespmem:s5+$0x40] =	vst v1;
	v1 =	vld [tilespmem:s5+$0x50]  }
0x2d3: {  	v3 =	vmul.f32 v4, v3;
	v4 =	vld [tilespmem:s19+$0x50]  }
0x2d4: {  	v8 =	vld [tilespmem:s5+$0xFFFFFF90]  }
0x2d5: {  	[tilespmem:s5+$0xFFFFFFC0] =	vst v3;
	v3 =	vmul.f32 v6, v5;
	v5 =	vld [tilespmem:s5+$0xFFFFFFD0]  }
0x2d6: {  	v6 =	vld [tilespmem:s19+$0xFFFFFFD0];
	v2 =	vmul.f32 v2, v7  }
0x2d7: {  	[tilespmem:s5+$0x0] =	vst v3;
	v3 =	vld [tilespmem:s5+$0x10]  }
0x2d8: {  	v7 =	vld [tilespmem:s19+$0x10];
	[tilespmem:s5+$0xFFFFFF80] =	vst v2;
	v1 =	vmul.f32 v4, v1  }
0x2d9: {  	v2 =	vld [tilespmem:s19+$0xFFFFFF90]  }
0x2da: {  	[tilespmem:s5+$0x50] =	vst v1;
	v1 =	vld [tilespmem:s5+$0x60]  }
0x2db: {  	v4 =	vmul.f32 v6, v5;
	v5 =	vld [tilespmem:s19+$0x60]  }
0x2dc: {  	v6 =	vld [tilespmem:s5+$0xFFFFFFA0]  }
0x2dd: {  	[tilespmem:s5+$0xFFFFFFD0] =	vst v4;
	v3 =	vmul.f32 v7, v3;
	v4 =	vld [tilespmem:s5+$0xFFFFFFE0]  }
0x2de: {  	v7 =	vld [tilespmem:s19+$0xFFFFFFE0];
	v2 =	vmul.f32 v2, v8  }
0x2df: {  	[tilespmem:s5+$0x10] =	vst v3;
	v3 =	vld [tilespmem:s5+$0x20]  }
0x2e0: {  	v8 =	vld [tilespmem:s19+$0x20];
	[tilespmem:s5+$0xFFFFFF90] =	vst v2;
	v1 =	vmul.f32 v5, v1  }
0x2e1: {  	v5 =	vld [tilespmem:s19+$0xFFFFFFA0]  }
0x2e2: {  	v9 =	vld [tilespmem:s5+$0x70];
	[tilespmem:s5+$0x60] =	vst v1  }
0x2e3: {  	v2 =	vmul.f32 v7, v4;
	v7 =	vld [tilespmem:s19+$0x70]  }
0x2e4: {  	v1 =	vld [tilespmem:s5+$0xFFFFFFB0]  }
0x2e5: {  	[tilespmem:s5+$0xFFFFFFE0] =	vst v2;
	v3 =	vmul.f32 v8, v3;
	v2 =	vld [tilespmem:s5+$0xFFFFFFF0]  }
0x2e6: {  	v4 =	vld [tilespmem:s19+$0xFFFFFFF0];
	v5 =	vmul.f32 v5, v6  }
0x2e7: {  	[tilespmem:s5+$0x20] =	vst v3;
	v3 =	vld [tilespmem:s5+$0x30]  }
0x2e8: {  	[tilespmem:s5+$0xFFFFFFA0] =	vst v5;
	v5 =	vld [tilespmem:s19+$0x30];
	v7 =	vmul.f32 v7, v9  }
0x2e9: {  	s20 =	simm.s32 $0x0;
	s23 =	simm.s32 $0x1580;
	v6 =	vld [tilespmem:s19+$0xFFFFFFB0]  }
.LBB2_16:
0x2ea: {  	v8 =	vld [tilespmem:s23+$0x40];
	[tilespmem:s5+$0x70] =	vst v7;
	s19 =	sadd.s32 $0x100, s19  }
0x2eb: {  	s20 =	sadd.s32 $0x4, s20;
	v7 =	vld [tilespmem:s19+$0x40];
	v2 =	vmul.f32 v4, v2  }
0x2ec: {  	p5 =	slt.u32 s20, $0x4C;
	v4 =	vld [tilespmem:s19+$0xFFFFFF80]  }
0x2ed: {  	v9 =	vld [tilespmem:s23+$0xFFFFFFC0];
	[tilespmem:s5+$0xFFFFFFF0] =	vst v2;
	v2 =	vmul.f32 v5, v3  }
0x2ee: {  	v3 =	vld [tilespmem:s19+$0xFFFFFFC0];
	v1 =	vmul.f32 v6, v1  }
0x2ef: {  	v5 =	vld [tilespmem:s23+$0x0];
	[tilespmem:s5+$0x30] =	vst v2  }
0x2f0: {  	v2 =	vld [tilespmem:s19+$0x0];
	v6 =	vmul.f32 v7, v8;
	[tilespmem:s5+$0xFFFFFFB0] =	vst v1;
	s5 =	smov.u32 s23  }
0x2f1: {  	v1 =	vld [tilespmem:s23+$0xFFFFFF80]  }
0x2f2: {  	[tilespmem:s23+$0x40] =	vst v6;
	v6 =	vld [tilespmem:s23+$0x50]  }
0x2f3: {  	v3 =	vmul.f32 v3, v9;
	v7 =	vld [tilespmem:s19+$0x50]  }
0x2f4: {  	v8 =	vld [tilespmem:s23+$0xFFFFFF90]  }
0x2f5: {  	[tilespmem:s23+$0xFFFFFFC0] =	vst v3;
	v3 =	vld [tilespmem:s23+$0xFFFFFFD0];
	v2 =	vmul.f32 v2, v5  }
0x2f6: {  	v1 =	vmul.f32 v4, v1;
	v4 =	vld [tilespmem:s19+$0xFFFFFFD0]  }
0x2f7: {  	[tilespmem:s23+$0x0] =	vst v2;
	v2 =	vld [tilespmem:s23+$0x10]  }
0x2f8: {  	[tilespmem:s23+$0xFFFFFF80] =	vst v1;
	v1 =	vld [tilespmem:s19+$0x10];
	v5 =	vmul.f32 v7, v6  }
0x2f9: {  	v6 =	vld [tilespmem:s19+$0xFFFFFF90]  }
0x2fa: {  	[tilespmem:s23+$0x50] =	vst v5;
	v5 =	vld [tilespmem:s23+$0x60]  }
0x2fb: {  	v3 =	vmul.f32 v4, v3;
	v4 =	vld [tilespmem:s19+$0x60]  }
0x2fc: {  	v7 =	vld [tilespmem:s23+$0xFFFFFFA0]  }
0x2fd: {  	[tilespmem:s23+$0xFFFFFFD0] =	vst v3;
	v3 =	vld [tilespmem:s23+$0xFFFFFFE0];
	v1 =	vmul.f32 v1, v2  }
0x2fe: {  	v2 =	vmul.f32 v6, v8;
	v6 =	vld [tilespmem:s19+$0xFFFFFFE0]  }
0x2ff: {  	[tilespmem:s23+$0x10] =	vst v1;
	v8 =	vld [tilespmem:s23+$0x20]  }
0x300: {  	[tilespmem:s23+$0xFFFFFF90] =	vst v2;
	v9 =	vld [tilespmem:s19+$0x20];
	v1 =	vmul.f32 v4, v5  }
0x301: {  	v4 =	vld [tilespmem:s19+$0xFFFFFFA0]  }
0x302: {  	[tilespmem:s23+$0x60] =	vst v1;
	v10 =	vld [tilespmem:s23+$0x70]  }
0x303: {  	v2 =	vmul.f32 v6, v3;
	v6 =	vld [tilespmem:s19+$0x70]  }
0x304: {  	v1 =	vld [tilespmem:s23+$0xFFFFFFB0]  }
.Ltmp7:
0x305: {  	[tilespmem:s23+$0xFFFFFFE0] =	vst v2;
	v2 =	vld [tilespmem:s23+$0xFFFFFFF0];
	v3 =	vmul.f32 v9, v8;
	(pc) =	sbr.rel @p5 .LBB2_16-.Ltmp7, $4  }
0x306: {  	v5 =	vmul.f32 v4, v7;
	v4 =	vld [tilespmem:s19+$0xFFFFFFF0]  }
0x307: {  	[tilespmem:s23+$0x20] =	vst v3;
	v3 =	vld [tilespmem:s23+$0x30]  }
0x308: {  	[tilespmem:s23+$0xFFFFFFA0] =	vst v5;
	v5 =	vld [tilespmem:s19+$0x30];
	v7 =	vmul.f32 v6, v10  }
0x309: {  	s23 =	sadd.s32 $0x100, s23;
	v6 =	vld [tilespmem:s19+$0xFFFFFFB0]  }
0x30a: {  	_ =	sdelay $0x1  }
0x30b: {  	v2 =	vmul.f32 v4, v2  }
0x30c: {  	[tilespmem:s5+$0x70] =	vst v7;
	v3 =	vmul.f32 v5, v3  }
0x30d: {  	[tilespmem:s5+$0xFFFFFFF0] =	vst v2;
	v1 =	vmul.f32 v6, v1  }
0x30e: {  	[tilespmem:s5+$0x30] =	vst v3  }
0x30f: {  	[tilespmem:s5+$0xFFFFFFB0] =	vst v1  }
0x310: {  	_ =	swait.ge [sflag:s22], $0x50  }
0x311: {  	[sflag:s22] =	ssyncset.done $0x0  }
0x312: {  	s4 =	simm.s32 $0xA2D0;
	s31 =	simm.s32 $0x1400;
	[sflag:s22] =	ssyncadd.s32 $0xFFFFFFB0  }
0x313: {  	[spmem:s6] =	stream.indirect.scatter.add.f32 [tilespmem:s31], [sflag:$0x12], $0x40, s4, s9, $0xb8;
	[tilespmem:$0x1DF60] =	vst v63  }
0x314: {  	_ =	swait.ge [sflag:s21], $0x1400  }
0x315: {  	[sflag:s21] =	ssyncset.done $0x0  }
0x316: {  	[sflag:s21] =	ssyncadd.s32 $0xFFFFEC00  }
0x317: {  	_ =	swait.ge [sflag:s13], $0x1400  }
0x318: {  	[sflag:s13] =	ssyncset.done $0x0  }
0x319: {  	[sflag:s13] =	ssyncadd.s32 $0xFFFFEC00  }
0x31a: {  	[bflag:$0x0] =	sbarrier.arrive $0xFFFF  }
0x31b: {  	s24 =	rddreg [dreg:$0x18]  }
0x31c: {  	s29 =	simm.s32 $0x0;
	s19 =	simm.s32 $0xA000;
	s30 =	rddreg [dreg:$0x19]  }
0x31d: {  	[tilespmem:s19], [sflag:$0x9] =	stream.linear.gather [hbm4b:s24+s29], $0x50, $0x38;
	[tilespmem:$0x1DF60] =	vst v63  }
0x31e: {  	s20 =	simm.s32 $0xA140;
	s3 =	rddreg [dreg:$0x1b]  }
0x31f: {  	[tilespmem:s20], [sflag:$0x9] =	stream.linear.gather [hbm4b:s30+s29], $0x50, $0x38;
	[tilespmem:$0x1DF60] =	vst v63  }
0x320: {  	s23 =	simm.s32 $0xA050;
	s10 =	rddreg [dreg:$0x1c]  }
0x321: {  	[tilespmem:s23], [sflag:$0xA] =	stream.linear.gather [hbm4b:s3+s29], $0x50, $0x38;
	[tilespmem:$0x1DF60] =	vst v63  }
0x322: {  	s14 =	sld [smem:$0x7FB];
	s30 =	simm.s32 $0xA190  }
0x323: {  	[tilespmem:s30], [sflag:$0xA] =	stream.linear.gather [hbm4b:s10+s29], $0x50, $0x38;
	[tilespmem:$0x1DF60] =	vst v63  }
0x324: {  	s16 =	sld [smem:$0x7FD];
	s3 =	simm.s32 $0xA0A0  }
0x325: {  	[tilespmem:s3], [sflag:$0xB] =	stream.linear.gather [hbm4b:s14+s29], $0x50, $0x38;
	[tilespmem:$0x1DF60] =	vst v63  }
0x326: {  	s24 =	simm.s32 $0xA1E0  }
0x327: {  	[tilespmem:s24], [sflag:$0xB] =	stream.linear.gather [hbm4b:s16+s29], $0x50, $0x38;
	[tilespmem:$0x1DF60] =	vst v63  }
0x328: {  	s10 =	rddreg [dreg:$0x1a];
	s14 =	simm.s32 $0xA280  }
0x329: {  	[tilespmem:s14], [sflag:$0xD] =	stream.linear.gather [hbm4b:s10+s29], $0x50, $0x38;
	[tilespmem:$0x1DF60] =	vst v63  }
0x32a: {  	s16 =	rddreg [dreg:$0x1d]  }
0x32b: {  	[tilespmem:s4], [sflag:$0xE] =	stream.linear.gather [hbm4b:s16+s29], $0x50, $0x38;
	[tilespmem:$0x1DF60] =	vst v63  }
0x32c: {  	_ =	swait.ge [sflag:s1], $0x50  }
0x32d: {  	[sflag:s1] =	ssyncset.done $0x0  }
0x32e: {  	[sflag:s1] =	ssyncadd.s32 $0xFFFFFFB0  }
0x32f: {  	_ =	swait.ge [sflag:s1], $0x50  }
0x330: {  	[sflag:s1] =	ssyncset.done $0x0  }
0x331: {  	[sflag:s1] =	ssyncadd.s32 $0xFFFFFFB0  }
0x332: {  	[tilespmem:s29], [sflag:$0x1] =	stream.indirect.gather [spmem:s6], $0x40, s19, s9, $0xb8;
	[tilespmem:$0x1DF60] =	vst v63  }
0x333: {  	s5 =	rddreg [dreg:$0x4];
	s19 =	simm.s32 $0x5000  }
0x334: {  	[tilespmem:s19], [sflag:$0x5] =	stream.indirect.gather [spmem:s5], $0x40, s20, s9, $0xb8;
	[tilespmem:$0x1DF60] =	vst v63  }
0x335: {  	_ =	swait.ge [sflag:s17], $0x50  }
0x336: {  	[sflag:s17] =	ssyncset.done $0x0  }
0x337: {  	[sflag:s17] =	ssyncadd.s32 $0xFFFFFFB0  }
0x338: {  	_ =	swait.ge [sflag:s17], $0x50  }
0x339: {  	s3 =	simm.s32 $0xA050;
	s24 =	simm.s32 $0xA000;
	[sflag:s17] =	ssyncset.done $0x0  }
0x33a: {  	s14 =	simm.s32 $0xA2D0;
	s10 =	simm.s32 $0xA140;
	[sflag:s17] =	ssyncadd.s32 $0xFFFFFFB0  }
0x33b: {  	[tilespmem:s31], [sflag:$0x2] =	stream.indirect.gather [spmem:s6], $0x40, s23, s9, $0xb8;
	[tilespmem:$0x1DF60] =	vst v63  }
0x33c: {  	s16 =	simm.s32 $0x1400;
	s4 =	simm.s32 $0xA190;
	s31 =	simm.s32 $0x6400  }
0x33d: {  	[tilespmem:s31], [sflag:$0x6] =	stream.indirect.gather [spmem:s5], $0x40, s30, s9, $0xb8;
	[tilespmem:$0x1DF60] =	vst v63  }
.LBB2_18:
0x33e: {  	p5 =	seq.s32 s29, $0x0;
	s20 =	sld [smem:$0x7F9]  }
0x33f: {  	s5 =	smul.u32 @!p5 $0x140, s29;
	s19 =	simm.s32 @!p5 $0x13  }
0x340: {  	_ =	swait.ge @!p5 [sflag:s19], $0x1400  }
0x341: {  	s5 =	sadd.s32 @!p5 s20, s5;
	s20 =	sld [smem:$0x7FC];
	_ =	sdelay $0x1  }
0x342: {  	s5 =	sshrl.u32 @!p5 s5, $0x3  }
0x343: {  	[sflag:s19] =	ssyncset.done @!p5 $0x0;
	s5 =	smov.u32 @p5 s20  }
0x344: {  	s23 =	simm.s32 $0xA320;
	[sflag:s19] =	ssyncadd.s32 @!p5 $0xFFFFEC00;
	s5 =	sadd.s32 s26, s5  }
0x345: {  	[tilespmem:s23], [sflag:$0xF] =	stream.linear.gather [hbm4b:s5+s8], $0x50, $0x38;
	[tilespmem:$0x1DF60] =	vst v63  }
0x346: {  	_ =	swait.ge [sflag:s28], $0x50  }
0x347: {  	[sflag:s28] =	ssyncset.done $0x0  }
0x348: {  	[sflag:s28] =	ssyncadd.s32 $0xFFFFFFB0  }
0x349: {  	_ =	swait.ge [sflag:s28], $0x50  }
0x34a: {  	[sflag:s28] =	ssyncset.done $0x0  }
0x34b: {  	s20 =	simm.s32 $0xA0A0;
	s23 =	simm.s32 $0x2800;
	[sflag:s28] =	ssyncadd.s32 $0xFFFFFFB0  }
0x34c: {  	[tilespmem:s23], [sflag:$0x3] =	stream.indirect.gather [spmem:s6], $0x40, s20, s9, $0xb8;
	[tilespmem:$0x1DF60] =	vst v63  }
0x34d: {  	s5 =	rddreg [dreg:$0x4];
	s20 =	simm.s32 $0xA1E0;
	s23 =	simm.s32 $0x7800  }
0x34e: {  	[tilespmem:s23], [sflag:$0x7] =	stream.indirect.gather [spmem:s5], $0x40, s20, s9, $0xb8;
	[tilespmem:$0x1DF60] =	vst v63  }
0x34f: {  	s20 =	sld [smem:$0x7F5]  }
0x350: {  	s19 =	smul.u32 $0x140, s29;
	_ =	sdelay $0x1  }
0x351: {  	s5 =	sadd.s32 s20, s19  }
0x352: {  	s20 =	sshrl.u32 s5, $0x3  }
0x353: {  	s23 =	simm.s32 $0xA0F0;
	s5 =	sadd.s32 s25, s20  }
0x354: {  	[tilespmem:s23], [sflag:$0xC] =	stream.linear.gather [hbm4b:s5+s8], $0x50, $0x38;
	[tilespmem:$0x1DF60] =	vst v63  }
0x355: {  	s5 =	sadd.s32 s2, s20;
	s23 =	simm.s32 $0xA230  }
0x356: {  	[tilespmem:s23], [sflag:$0xC] =	stream.linear.gather [hbm4b:s5+s8], $0x50, $0x38;
	[tilespmem:$0x1DF60] =	vst v63  }
0x357: {  	s23 =	simm.s32 $0x1  }
0x358: {  	_ =	swait.ge [sflag:s23], $0x1400  }
0x359: {  	[sflag:s23] =	ssyncset.done $0x0  }
0x35a: {  	[sflag:s23] =	ssyncadd.s32 $0xFFFFEC00  }
0x35b: {  	_ =	swait.ge [sflag:s15], $0x1400  }
0x35c: {  	[sflag:s15] =	ssyncset.done $0x0  }
0x35d: {  	s5 =	simm.s32 $0x80;
	[sflag:s15] =	ssyncadd.s32 $0xFFFFEC00  }
0x35e: {  	s30 =	simm.s32 $0x5080;
	v1 =	vld [tilespmem:s5+$0x40]  }
0x35f: {  	v2 =	vld [tilespmem:s30+$0x40]  }
0x360: {  	v3 =	vld [tilespmem:s5+$0xFFFFFFC0]  }
0x361: {  	v4 =	vld [tilespmem:s30+$0xFFFFFFC0]  }
0x362: {  	v5 =	vld [tilespmem:s5+$0x0]  }
0x363: {  	v6 =	vld [tilespmem:s30+$0x0]  }
0x364: {  	v7 =	vld [tilespmem:s5+$0xFFFFFF80];
	v1 =	vmul.f32 v2, v1  }
0x365: {  	v2 =	vld [tilespmem:s30+$0xFFFFFF80]  }
0x366: {  	[tilespmem:s5+$0x40] =	vst v1;
	v1 =	vld [tilespmem:s5+$0x50]  }
0x367: {  	v3 =	vmul.f32 v4, v3;
	v4 =	vld [tilespmem:s30+$0x50]  }
0x368: {  	v8 =	vld [tilespmem:s5+$0xFFFFFF90]  }
0x369: {  	[tilespmem:s5+$0xFFFFFFC0] =	vst v3;
	v3 =	vmul.f32 v6, v5;
	v5 =	vld [tilespmem:s5+$0xFFFFFFD0]  }
0x36a: {  	v6 =	vld [tilespmem:s30+$0xFFFFFFD0];
	v2 =	vmul.f32 v2, v7  }
0x36b: {  	[tilespmem:s5+$0x0] =	vst v3;
	v3 =	vld [tilespmem:s5+$0x10]  }
0x36c: {  	v7 =	vld [tilespmem:s30+$0x10];
	[tilespmem:s5+$0xFFFFFF80] =	vst v2;
	v1 =	vmul.f32 v4, v1  }
0x36d: {  	v2 =	vld [tilespmem:s30+$0xFFFFFF90]  }
0x36e: {  	[tilespmem:s5+$0x50] =	vst v1;
	v1 =	vld [tilespmem:s5+$0x60]  }
0x36f: {  	v4 =	vmul.f32 v6, v5;
	v5 =	vld [tilespmem:s30+$0x60]  }
0x370: {  	v6 =	vld [tilespmem:s5+$0xFFFFFFA0]  }
0x371: {  	[tilespmem:s5+$0xFFFFFFD0] =	vst v4;
	v3 =	vmul.f32 v7, v3;
	v4 =	vld [tilespmem:s5+$0xFFFFFFE0]  }
0x372: {  	v7 =	vld [tilespmem:s30+$0xFFFFFFE0];
	v2 =	vmul.f32 v2, v8  }
0x373: {  	[tilespmem:s5+$0x10] =	vst v3;
	v3 =	vld [tilespmem:s5+$0x20]  }
0x374: {  	v8 =	vld [tilespmem:s30+$0x20];
	[tilespmem:s5+$0xFFFFFF90] =	vst v2;
	v1 =	vmul.f32 v5, v1  }
0x375: {  	v5 =	vld [tilespmem:s30+$0xFFFFFFA0]  }
0x376: {  	v9 =	vld [tilespmem:s5+$0x70];
	[tilespmem:s5+$0x60] =	vst v1  }
0x377: {  	v2 =	vmul.f32 v7, v4;
	v7 =	vld [tilespmem:s30+$0x70]  }
0x378: {  	v1 =	vld [tilespmem:s5+$0xFFFFFFB0]  }
0x379: {  	[tilespmem:s5+$0xFFFFFFE0] =	vst v2;
	v3 =	vmul.f32 v8, v3;
	v2 =	vld [tilespmem:s5+$0xFFFFFFF0]  }
0x37a: {  	v4 =	vld [tilespmem:s30+$0xFFFFFFF0];
	v5 =	vmul.f32 v5, v6  }
0x37b: {  	[tilespmem:s5+$0x20] =	vst v3;
	v3 =	vld [tilespmem:s5+$0x30]  }
0x37c: {  	[tilespmem:s5+$0xFFFFFFA0] =	vst v5;
	v5 =	vld [tilespmem:s30+$0x30];
	v7 =	vmul.f32 v7, v9  }
0x37d: {  	s31 =	simm.s32 $0x0;
	s23 =	simm.s32 $0x180;
	v6 =	vld [tilespmem:s30+$0xFFFFFFB0]  }
.LBB2_19:
0x37e: {  	v8 =	vld [tilespmem:s23+$0x40];
	[tilespmem:s5+$0x70] =	vst v7;
	s30 =	sadd.s32 $0x100, s30  }
0x37f: {  	s31 =	sadd.s32 $0x4, s31;
	v7 =	vld [tilespmem:s30+$0x40];
	v2 =	vmul.f32 v4, v2  }
0x380: {  	p6 =	slt.u32 s31, $0x4C;
	v4 =	vld [tilespmem:s30+$0xFFFFFF80]  }
0x381: {  	v9 =	vld [tilespmem:s23+$0xFFFFFFC0];
	[tilespmem:s5+$0xFFFFFFF0] =	vst v2;
	v2 =	vmul.f32 v5, v3  }
0x382: {  	v3 =	vld [tilespmem:s30+$0xFFFFFFC0];
	v1 =	vmul.f32 v6, v1  }
0x383: {  	v5 =	vld [tilespmem:s23+$0x0];
	[tilespmem:s5+$0x30] =	vst v2  }
0x384: {  	v2 =	vld [tilespmem:s30+$0x0];
	v6 =	vmul.f32 v7, v8;
	[tilespmem:s5+$0xFFFFFFB0] =	vst v1;
	s5 =	smov.u32 s23  }
0x385: {  	v1 =	vld [tilespmem:s23+$0xFFFFFF80]  }
0x386: {  	[tilespmem:s23+$0x40] =	vst v6;
	v6 =	vld [tilespmem:s23+$0x50]  }
0x387: {  	v3 =	vmul.f32 v3, v9;
	v7 =	vld [tilespmem:s30+$0x50]  }
0x388: {  	v8 =	vld [tilespmem:s23+$0xFFFFFF90]  }
0x389: {  	[tilespmem:s23+$0xFFFFFFC0] =	vst v3;
	v3 =	vld [tilespmem:s23+$0xFFFFFFD0];
	v2 =	vmul.f32 v2, v5  }
0x38a: {  	v1 =	vmul.f32 v4, v1;
	v4 =	vld [tilespmem:s30+$0xFFFFFFD0]  }
0x38b: {  	[tilespmem:s23+$0x0] =	vst v2;
	v2 =	vld [tilespmem:s23+$0x10]  }
0x38c: {  	[tilespmem:s23+$0xFFFFFF80] =	vst v1;
	v1 =	vld [tilespmem:s30+$0x10];
	v5 =	vmul.f32 v7, v6  }
0x38d: {  	v6 =	vld [tilespmem:s30+$0xFFFFFF90]  }
0x38e: {  	[tilespmem:s23+$0x50] =	vst v5;
	v5 =	vld [tilespmem:s23+$0x60]  }
0x38f: {  	v3 =	vmul.f32 v4, v3;
	v4 =	vld [tilespmem:s30+$0x60]  }
0x390: {  	v7 =	vld [tilespmem:s23+$0xFFFFFFA0]  }
0x391: {  	[tilespmem:s23+$0xFFFFFFD0] =	vst v3;
	v3 =	vld [tilespmem:s23+$0xFFFFFFE0];
	v1 =	vmul.f32 v1, v2  }
0x392: {  	v2 =	vmul.f32 v6, v8;
	v6 =	vld [tilespmem:s30+$0xFFFFFFE0]  }
0x393: {  	[tilespmem:s23+$0x10] =	vst v1;
	v8 =	vld [tilespmem:s23+$0x20]  }
0x394: {  	[tilespmem:s23+$0xFFFFFF90] =	vst v2;
	v9 =	vld [tilespmem:s30+$0x20];
	v1 =	vmul.f32 v4, v5  }
0x395: {  	v4 =	vld [tilespmem:s30+$0xFFFFFFA0]  }
0x396: {  	[tilespmem:s23+$0x60] =	vst v1;
	v10 =	vld [tilespmem:s23+$0x70]  }
0x397: {  	v2 =	vmul.f32 v6, v3;
	v6 =	vld [tilespmem:s30+$0x70]  }
0x398: {  	v1 =	vld [tilespmem:s23+$0xFFFFFFB0]  }
.Ltmp8:
0x399: {  	[tilespmem:s23+$0xFFFFFFE0] =	vst v2;
	v2 =	vld [tilespmem:s23+$0xFFFFFFF0];
	v3 =	vmul.f32 v9, v8;
	(pc) =	sbr.rel @p6 .LBB2_19-.Ltmp8, $4  }
0x39a: {  	v5 =	vmul.f32 v4, v7;
	v4 =	vld [tilespmem:s30+$0xFFFFFFF0]  }
0x39b: {  	[tilespmem:s23+$0x20] =	vst v3;
	v3 =	vld [tilespmem:s23+$0x30]  }
0x39c: {  	[tilespmem:s23+$0xFFFFFFA0] =	vst v5;
	v5 =	vld [tilespmem:s30+$0x30];
	v7 =	vmul.f32 v6, v10  }
0x39d: {  	s23 =	sadd.s32 $0x100, s23;
	v6 =	vld [tilespmem:s30+$0xFFFFFFB0]  }
0x39e: {  	_ =	sdelay $0x1  }
0x39f: {  	v2 =	vmul.f32 v4, v2  }
0x3a0: {  	[tilespmem:s5+$0x70] =	vst v7;
	v3 =	vmul.f32 v5, v3  }
0x3a1: {  	[tilespmem:s5+$0xFFFFFFF0] =	vst v2;
	v1 =	vmul.f32 v6, v1  }
0x3a2: {  	[tilespmem:s5+$0x30] =	vst v3  }
0x3a3: {  	[tilespmem:s5+$0xFFFFFFB0] =	vst v1  }
0x3a4: {  	_ =	swait.ge [sflag:s18], $0x50  }
0x3a5: {  	[sflag:s18] =	ssyncset.done $0x0  }
0x3a6: {  	[sflag:s18] =	ssyncadd.s32 $0xFFFFFFB0  }
0x3a7: {  	s23 =	simm.s32 $0xA280;
	s5 =	rddreg [dreg:$0x6]  }
0x3a8: {  	[spmem:s5] =	stream.indirect.scatter.add.f32 [tilespmem:s8], [sflag:$0x11], $0x40, s23, s9, $0xb8;
	[tilespmem:$0x1DF60] =	vst v63  }
0x3a9: {  	s5 =	simm.s32 @!p5 $0x14  }
0x3aa: {  	_ =	swait.ge @!p5 [sflag:s5], $0x1400  }
0x3ab: {  	[sflag:s5] =	ssyncset.done @!p5 $0x0  }
0x3ac: {  	s20 =	sadd.s32 s26, s20;
	s23 =	simm.s32 $0xA370;
	[sflag:s5] =	ssyncadd.s32 @!p5 $0xFFFFEC00  }
0x3ad: {  	[tilespmem:s23], [sflag:$0x10] =	stream.linear.gather [hbm4b:s20+s8], $0x50, $0x38;
	[tilespmem:$0x1DF60] =	vst v63  }
0x3ae: {  	_ =	swait.ge [sflag:s11], $0x50  }
0x3af: {  	[sflag:s11] =	ssyncset.done $0x0  }
0x3b0: {  	[sflag:s11] =	ssyncadd.s32 $0xFFFFFFB0  }
0x3b1: {  	_ =	swait.ge [sflag:s11], $0x50  }
0x3b2: {  	[sflag:s11] =	ssyncset.done $0x0  }
0x3b3: {  	s20 =	simm.s32 $0xA0F0;
	s23 =	simm.s32 $0x3C00;
	[sflag:s11] =	ssyncadd.s32 $0xFFFFFFB0  }
0x3b4: {  	[tilespmem:s23], [sflag:$0x4] =	stream.indirect.gather [spmem:s6], $0x40, s20, s9, $0xb8;
	[tilespmem:$0x1DF60] =	vst v63  }
0x3b5: {  	s5 =	rddreg [dreg:$0x4];
	s20 =	simm.s32 $0xA230;
	s23 =	simm.s32 $0x8C00  }
0x3b6: {  	[tilespmem:s23], [sflag:$0x8] =	stream.indirect.gather [spmem:s5], $0x40, s20, s9, $0xb8;
	[tilespmem:$0x1DF60] =	vst v63  }
0x3b7: {  	s20 =	sld [smem:$0x7F2];
	_ =	sdelay $0x2  }
0x3b8: {  	s5 =	sadd.s32 s19, s20  }
0x3b9: {  	s20 =	sshrl.u32 s5, $0x3  }
0x3ba: {  	s5 =	sadd.s32 s25, s20  }
0x3bb: {  	[tilespmem:s24], [sflag:$0x9] =	stream.linear.gather [hbm4b:s5+s8], $0x50, $0x38;
	[tilespmem:$0x1DF60] =	vst v63  }
0x3bc: {  	s23 =	sadd.s32 s2, s20  }
0x3bd: {  	[tilespmem:s10], [sflag:$0x9] =	stream.linear.gather [hbm4b:s23+s8], $0x50, $0x38;
	[tilespmem:$0x1DF60] =	vst v63  }
0x3be: {  	_ =	swait.ge [sflag:s0], $0x1400  }
0x3bf: {  	[sflag:s0] =	ssyncset.done $0x0  }
0x3c0: {  	[sflag:s0] =	ssyncadd.s32 $0xFFFFEC00  }
0x3c1: {  	_ =	swait.ge [sflag:s7], $0x1400  }
0x3c2: {  	[sflag:s7] =	ssyncset.done $0x0  }
0x3c3: {  	s5 =	simm.s32 $0x1480;
	[sflag:s7] =	ssyncadd.s32 $0xFFFFEC00  }
0x3c4: {  	s30 =	simm.s32 $0x6480;
	v1 =	vld [tilespmem:s5+$0x40]  }
0x3c5: {  	v2 =	vld [tilespmem:s30+$0x40]  }
0x3c6: {  	v3 =	vld [tilespmem:s5+$0xFFFFFFC0]  }
0x3c7: {  	v4 =	vld [tilespmem:s30+$0xFFFFFFC0]  }
0x3c8: {  	v5 =	vld [tilespmem:s5+$0x0]  }
0x3c9: {  	v6 =	vld [tilespmem:s30+$0x0]  }
0x3ca: {  	v7 =	vld [tilespmem:s5+$0xFFFFFF80];
	v1 =	vmul.f32 v2, v1  }
0x3cb: {  	v2 =	vld [tilespmem:s30+$0xFFFFFF80]  }
0x3cc: {  	[tilespmem:s5+$0x40] =	vst v1;
	v1 =	vld [tilespmem:s5+$0x50]  }
0x3cd: {  	v3 =	vmul.f32 v4, v3;
	v4 =	vld [tilespmem:s30+$0x50]  }
0x3ce: {  	v8 =	vld [tilespmem:s5+$0xFFFFFF90]  }
0x3cf: {  	[tilespmem:s5+$0xFFFFFFC0] =	vst v3;
	v3 =	vmul.f32 v6, v5;
	v5 =	vld [tilespmem:s5+$0xFFFFFFD0]  }
0x3d0: {  	v6 =	vld [tilespmem:s30+$0xFFFFFFD0];
	v2 =	vmul.f32 v2, v7  }
0x3d1: {  	[tilespmem:s5+$0x0] =	vst v3;
	v3 =	vld [tilespmem:s5+$0x10]  }
0x3d2: {  	v7 =	vld [tilespmem:s30+$0x10];
	[tilespmem:s5+$0xFFFFFF80] =	vst v2;
	v1 =	vmul.f32 v4, v1  }
0x3d3: {  	v2 =	vld [tilespmem:s30+$0xFFFFFF90]  }
0x3d4: {  	[tilespmem:s5+$0x50] =	vst v1;
	v1 =	vld [tilespmem:s5+$0x60]  }
0x3d5: {  	v4 =	vmul.f32 v6, v5;
	v5 =	vld [tilespmem:s30+$0x60]  }
0x3d6: {  	v6 =	vld [tilespmem:s5+$0xFFFFFFA0]  }
0x3d7: {  	[tilespmem:s5+$0xFFFFFFD0] =	vst v4;
	v3 =	vmul.f32 v7, v3;
	v4 =	vld [tilespmem:s5+$0xFFFFFFE0]  }
0x3d8: {  	v7 =	vld [tilespmem:s30+$0xFFFFFFE0];
	v2 =	vmul.f32 v2, v8  }
0x3d9: {  	[tilespmem:s5+$0x10] =	vst v3;
	v3 =	vld [tilespmem:s5+$0x20]  }
0x3da: {  	v8 =	vld [tilespmem:s30+$0x20];
	[tilespmem:s5+$0xFFFFFF90] =	vst v2;
	v1 =	vmul.f32 v5, v1  }
0x3db: {  	v5 =	vld [tilespmem:s30+$0xFFFFFFA0]  }
0x3dc: {  	v9 =	vld [tilespmem:s5+$0x70];
	[tilespmem:s5+$0x60] =	vst v1  }
0x3dd: {  	v2 =	vmul.f32 v7, v4;
	v7 =	vld [tilespmem:s30+$0x70]  }
0x3de: {  	v1 =	vld [tilespmem:s5+$0xFFFFFFB0]  }
0x3df: {  	[tilespmem:s5+$0xFFFFFFE0] =	vst v2;
	v3 =	vmul.f32 v8, v3;
	v2 =	vld [tilespmem:s5+$0xFFFFFFF0]  }
0x3e0: {  	v4 =	vld [tilespmem:s30+$0xFFFFFFF0];
	v5 =	vmul.f32 v5, v6  }
0x3e1: {  	[tilespmem:s5+$0x20] =	vst v3;
	v3 =	vld [tilespmem:s5+$0x30]  }
0x3e2: {  	[tilespmem:s5+$0xFFFFFFA0] =	vst v5;
	v5 =	vld [tilespmem:s30+$0x30];
	v7 =	vmul.f32 v7, v9  }
0x3e3: {  	s31 =	simm.s32 $0x0;
	s23 =	simm.s32 $0x1580;
	v6 =	vld [tilespmem:s30+$0xFFFFFFB0]  }
.LBB2_21:
0x3e4: {  	v8 =	vld [tilespmem:s23+$0x40];
	[tilespmem:s5+$0x70] =	vst v7;
	s30 =	sadd.s32 $0x100, s30  }
0x3e5: {  	s31 =	sadd.s32 $0x4, s31;
	v7 =	vld [tilespmem:s30+$0x40];
	v2 =	vmul.f32 v4, v2  }
0x3e6: {  	p5 =	slt.u32 s31, $0x4C;
	v4 =	vld [tilespmem:s30+$0xFFFFFF80]  }
0x3e7: {  	v9 =	vld [tilespmem:s23+$0xFFFFFFC0];
	[tilespmem:s5+$0xFFFFFFF0] =	vst v2;
	v2 =	vmul.f32 v5, v3  }
0x3e8: {  	v3 =	vld [tilespmem:s30+$0xFFFFFFC0];
	v1 =	vmul.f32 v6, v1  }
0x3e9: {  	v5 =	vld [tilespmem:s23+$0x0];
	[tilespmem:s5+$0x30] =	vst v2  }
0x3ea: {  	v2 =	vld [tilespmem:s30+$0x0];
	v6 =	vmul.f32 v7, v8;
	[tilespmem:s5+$0xFFFFFFB0] =	vst v1;
	s5 =	smov.u32 s23  }
0x3eb: {  	v1 =	vld [tilespmem:s23+$0xFFFFFF80]  }
0x3ec: {  	[tilespmem:s23+$0x40] =	vst v6;
	v6 =	vld [tilespmem:s23+$0x50]  }
0x3ed: {  	v3 =	vmul.f32 v3, v9;
	v7 =	vld [tilespmem:s30+$0x50]  }
0x3ee: {  	v8 =	vld [tilespmem:s23+$0xFFFFFF90]  }
0x3ef: {  	[tilespmem:s23+$0xFFFFFFC0] =	vst v3;
	v3 =	vld [tilespmem:s23+$0xFFFFFFD0];
	v2 =	vmul.f32 v2, v5  }
0x3f0: {  	v1 =	vmul.f32 v4, v1;
	v4 =	vld [tilespmem:s30+$0xFFFFFFD0]  }
0x3f1: {  	[tilespmem:s23+$0x0] =	vst v2;
	v2 =	vld [tilespmem:s23+$0x10]  }
0x3f2: {  	[tilespmem:s23+$0xFFFFFF80] =	vst v1;
	v1 =	vld [tilespmem:s30+$0x10];
	v5 =	vmul.f32 v7, v6  }
0x3f3: {  	v6 =	vld [tilespmem:s30+$0xFFFFFF90]  }
0x3f4: {  	[tilespmem:s23+$0x50] =	vst v5;
	v5 =	vld [tilespmem:s23+$0x60]  }
0x3f5: {  	v3 =	vmul.f32 v4, v3;
	v4 =	vld [tilespmem:s30+$0x60]  }
0x3f6: {  	v7 =	vld [tilespmem:s23+$0xFFFFFFA0]  }
0x3f7: {  	[tilespmem:s23+$0xFFFFFFD0] =	vst v3;
	v3 =	vld [tilespmem:s23+$0xFFFFFFE0];
	v1 =	vmul.f32 v1, v2  }
0x3f8: {  	v2 =	vmul.f32 v6, v8;
	v6 =	vld [tilespmem:s30+$0xFFFFFFE0]  }
0x3f9: {  	[tilespmem:s23+$0x10] =	vst v1;
	v8 =	vld [tilespmem:s23+$0x20]  }
0x3fa: {  	[tilespmem:s23+$0xFFFFFF90] =	vst v2;
	v9 =	vld [tilespmem:s30+$0x20];
	v1 =	vmul.f32 v4, v5  }
0x3fb: {  	v4 =	vld [tilespmem:s30+$0xFFFFFFA0]  }
0x3fc: {  	[tilespmem:s23+$0x60] =	vst v1;
	v10 =	vld [tilespmem:s23+$0x70]  }
0x3fd: {  	v2 =	vmul.f32 v6, v3;
	v6 =	vld [tilespmem:s30+$0x70]  }
0x3fe: {  	v1 =	vld [tilespmem:s23+$0xFFFFFFB0]  }
.Ltmp9:
0x3ff: {  	[tilespmem:s23+$0xFFFFFFE0] =	vst v2;
	v2 =	vld [tilespmem:s23+$0xFFFFFFF0];
	v3 =	vmul.f32 v9, v8;
	(pc) =	sbr.rel @p5 .LBB2_21-.Ltmp9, $4  }
0x400: {  	v5 =	vmul.f32 v4, v7;
	v4 =	vld [tilespmem:s30+$0xFFFFFFF0]  }
0x401: {  	[tilespmem:s23+$0x20] =	vst v3;
	v3 =	vld [tilespmem:s23+$0x30]  }
0x402: {  	[tilespmem:s23+$0xFFFFFFA0] =	vst v5;
	v5 =	vld [tilespmem:s30+$0x30];
	v7 =	vmul.f32 v6, v10  }
0x403: {  	s23 =	sadd.s32 $0x100, s23;
	v6 =	vld [tilespmem:s30+$0xFFFFFFB0]  }
0x404: {  	_ =	sdelay $0x1  }
0x405: {  	v2 =	vmul.f32 v4, v2  }
0x406: {  	[tilespmem:s5+$0x70] =	vst v7;
	v3 =	vmul.f32 v5, v3  }
0x407: {  	[tilespmem:s5+$0xFFFFFFF0] =	vst v2;
	v1 =	vmul.f32 v6, v1  }
0x408: {  	[tilespmem:s5+$0x30] =	vst v3  }
0x409: {  	[tilespmem:s5+$0xFFFFFFB0] =	vst v1  }
0x40a: {  	_ =	swait.ge [sflag:s22], $0x50  }
0x40b: {  	[sflag:s22] =	ssyncset.done $0x0  }
0x40c: {  	[sflag:s22] =	ssyncadd.s32 $0xFFFFFFB0  }
0x40d: {  	s23 =	rddreg [dreg:$0x6]  }
0x40e: {  	[spmem:s23] =	stream.indirect.scatter.add.f32 [tilespmem:s16], [sflag:$0x12], $0x40, s14, s9, $0xb8;
	[tilespmem:$0x1DF60] =	vst v63  }
0x40f: {  	_ =	swait.ge [sflag:s21], $0x1400  }
0x410: {  	[sflag:s21] =	ssyncset.done $0x0  }
0x411: {  	s20 =	sadd.s32 s26, s20;
	s23 =	simm.s32 $0xA280;
	[sflag:s21] =	ssyncadd.s32 $0xFFFFEC00  }
0x412: {  	[tilespmem:s23], [sflag:$0xD] =	stream.linear.gather [hbm4b:s20+s8], $0x50, $0x38;
	[tilespmem:$0x1DF60] =	vst v63  }
0x413: {  	_ =	swait.ge [sflag:s1], $0x50  }
0x414: {  	[sflag:s1] =	ssyncset.done $0x0  }
0x415: {  	[sflag:s1] =	ssyncadd.s32 $0xFFFFFFB0  }
0x416: {  	_ =	swait.ge [sflag:s1], $0x50  }
0x417: {  	[sflag:s1] =	ssyncset.done $0x0  }
0x418: {  	[sflag:s1] =	ssyncadd.s32 $0xFFFFFFB0  }
0x419: {  	[tilespmem:s8], [sflag:$0x1] =	stream.indirect.gather [spmem:s6], $0x40, s24, s9, $0xb8;
	[tilespmem:$0x1DF60] =	vst v63  }
0x41a: {  	s23 =	simm.s32 $0x5000;
	s20 =	rddreg [dreg:$0x4]  }
0x41b: {  	[tilespmem:s23], [sflag:$0x5] =	stream.indirect.gather [spmem:s20], $0x40, s10, s9, $0xb8;
	[tilespmem:$0x1DF60] =	vst v63  }
0x41c: {  	s20 =	sld [smem:$0x7F3];
	_ =	sdelay $0x2  }
0x41d: {  	s5 =	sadd.s32 s19, s20  }
0x41e: {  	s20 =	sshrl.u32 s5, $0x3  }
0x41f: {  	s5 =	sadd.s32 s25, s20  }
0x420: {  	[tilespmem:s3], [sflag:$0xA] =	stream.linear.gather [hbm4b:s5+s8], $0x50, $0x38;
	[tilespmem:$0x1DF60] =	vst v63  }
0x421: {  	s23 =	sadd.s32 s2, s20  }
0x422: {  	[tilespmem:s4], [sflag:$0xA] =	stream.linear.gather [hbm4b:s23+s8], $0x50, $0x38;
	[tilespmem:$0x1DF60] =	vst v63  }
0x423: {  	s23 =	simm.s32 $0x3  }
0x424: {  	_ =	swait.ge [sflag:s23], $0x1400  }
0x425: {  	[sflag:s23] =	ssyncset.done $0x0  }
0x426: {  	[sflag:s23] =	ssyncadd.s32 $0xFFFFEC00;
	s23 =	simm.s32 $0x7  }
0x427: {  	_ =	swait.ge [sflag:s23], $0x1400  }
0x428: {  	[sflag:s23] =	ssyncset.done $0x0  }
0x429: {  	s5 =	simm.s32 $0x2880;
	[sflag:s23] =	ssyncadd.s32 $0xFFFFEC00  }
0x42a: {  	s30 =	simm.s32 $0x7880;
	v1 =	vld [tilespmem:s5+$0x40]  }
0x42b: {  	v2 =	vld [tilespmem:s30+$0x40]  }
0x42c: {  	v3 =	vld [tilespmem:s5+$0xFFFFFFC0]  }
0x42d: {  	v4 =	vld [tilespmem:s30+$0xFFFFFFC0]  }
0x42e: {  	v5 =	vld [tilespmem:s5+$0x0]  }
0x42f: {  	v6 =	vld [tilespmem:s30+$0x0]  }
0x430: {  	v7 =	vld [tilespmem:s5+$0xFFFFFF80];
	v1 =	vmul.f32 v2, v1  }
0x431: {  	v2 =	vld [tilespmem:s30+$0xFFFFFF80]  }
0x432: {  	[tilespmem:s5+$0x40] =	vst v1;
	v1 =	vld [tilespmem:s5+$0x50]  }
0x433: {  	v3 =	vmul.f32 v4, v3;
	v4 =	vld [tilespmem:s30+$0x50]  }
0x434: {  	v8 =	vld [tilespmem:s5+$0xFFFFFF90]  }
0x435: {  	[tilespmem:s5+$0xFFFFFFC0] =	vst v3;
	v3 =	vmul.f32 v6, v5;
	v5 =	vld [tilespmem:s5+$0xFFFFFFD0]  }
0x436: {  	v6 =	vld [tilespmem:s30+$0xFFFFFFD0];
	v2 =	vmul.f32 v2, v7  }
0x437: {  	[tilespmem:s5+$0x0] =	vst v3;
	v3 =	vld [tilespmem:s5+$0x10]  }
0x438: {  	v7 =	vld [tilespmem:s30+$0x10];
	[tilespmem:s5+$0xFFFFFF80] =	vst v2;
	v1 =	vmul.f32 v4, v1  }
0x439: {  	v2 =	vld [tilespmem:s30+$0xFFFFFF90]  }
0x43a: {  	[tilespmem:s5+$0x50] =	vst v1;
	v1 =	vld [tilespmem:s5+$0x60]  }
0x43b: {  	v4 =	vmul.f32 v6, v5;
	v5 =	vld [tilespmem:s30+$0x60]  }
0x43c: {  	v6 =	vld [tilespmem:s5+$0xFFFFFFA0]  }
0x43d: {  	[tilespmem:s5+$0xFFFFFFD0] =	vst v4;
	v3 =	vmul.f32 v7, v3;
	v4 =	vld [tilespmem:s5+$0xFFFFFFE0]  }
0x43e: {  	v7 =	vld [tilespmem:s30+$0xFFFFFFE0];
	v2 =	vmul.f32 v2, v8  }
0x43f: {  	[tilespmem:s5+$0x10] =	vst v3;
	v3 =	vld [tilespmem:s5+$0x20]  }
0x440: {  	v8 =	vld [tilespmem:s30+$0x20];
	[tilespmem:s5+$0xFFFFFF90] =	vst v2;
	v1 =	vmul.f32 v5, v1  }
0x441: {  	v5 =	vld [tilespmem:s30+$0xFFFFFFA0]  }
0x442: {  	v9 =	vld [tilespmem:s5+$0x70];
	[tilespmem:s5+$0x60] =	vst v1  }
0x443: {  	v2 =	vmul.f32 v7, v4;
	v7 =	vld [tilespmem:s30+$0x70]  }
0x444: {  	v1 =	vld [tilespmem:s5+$0xFFFFFFB0]  }
0x445: {  	[tilespmem:s5+$0xFFFFFFE0] =	vst v2;
	v3 =	vmul.f32 v8, v3;
	v2 =	vld [tilespmem:s5+$0xFFFFFFF0]  }
0x446: {  	v4 =	vld [tilespmem:s30+$0xFFFFFFF0];
	v5 =	vmul.f32 v5, v6  }
0x447: {  	[tilespmem:s5+$0x20] =	vst v3;
	v3 =	vld [tilespmem:s5+$0x30]  }
0x448: {  	[tilespmem:s5+$0xFFFFFFA0] =	vst v5;
	v5 =	vld [tilespmem:s30+$0x30];
	v7 =	vmul.f32 v7, v9  }
0x449: {  	s31 =	simm.s32 $0x0;
	s23 =	simm.s32 $0x2980;
	v6 =	vld [tilespmem:s30+$0xFFFFFFB0]  }
.LBB2_23:
0x44a: {  	v8 =	vld [tilespmem:s23+$0x40];
	[tilespmem:s5+$0x70] =	vst v7;
	s30 =	sadd.s32 $0x100, s30  }
0x44b: {  	s31 =	sadd.s32 $0x4, s31;
	v7 =	vld [tilespmem:s30+$0x40];
	v2 =	vmul.f32 v4, v2  }
0x44c: {  	p5 =	slt.u32 s31, $0x4C;
	v4 =	vld [tilespmem:s30+$0xFFFFFF80]  }
0x44d: {  	v9 =	vld [tilespmem:s23+$0xFFFFFFC0];
	[tilespmem:s5+$0xFFFFFFF0] =	vst v2;
	v2 =	vmul.f32 v5, v3  }
0x44e: {  	v3 =	vld [tilespmem:s30+$0xFFFFFFC0];
	v1 =	vmul.f32 v6, v1  }
0x44f: {  	v5 =	vld [tilespmem:s23+$0x0];
	[tilespmem:s5+$0x30] =	vst v2  }
0x450: {  	v2 =	vld [tilespmem:s30+$0x0];
	v6 =	vmul.f32 v7, v8;
	[tilespmem:s5+$0xFFFFFFB0] =	vst v1;
	s5 =	smov.u32 s23  }
0x451: {  	v1 =	vld [tilespmem:s23+$0xFFFFFF80]  }
0x452: {  	[tilespmem:s23+$0x40] =	vst v6;
	v6 =	vld [tilespmem:s23+$0x50]  }
0x453: {  	v3 =	vmul.f32 v3, v9;
	v7 =	vld [tilespmem:s30+$0x50]  }
0x454: {  	v8 =	vld [tilespmem:s23+$0xFFFFFF90]  }
0x455: {  	[tilespmem:s23+$0xFFFFFFC0] =	vst v3;
	v3 =	vld [tilespmem:s23+$0xFFFFFFD0];
	v2 =	vmul.f32 v2, v5  }
0x456: {  	v1 =	vmul.f32 v4, v1;
	v4 =	vld [tilespmem:s30+$0xFFFFFFD0]  }
0x457: {  	[tilespmem:s23+$0x0] =	vst v2;
	v2 =	vld [tilespmem:s23+$0x10]  }
0x458: {  	[tilespmem:s23+$0xFFFFFF80] =	vst v1;
	v1 =	vld [tilespmem:s30+$0x10];
	v5 =	vmul.f32 v7, v6  }
0x459: {  	v6 =	vld [tilespmem:s30+$0xFFFFFF90]  }
0x45a: {  	[tilespmem:s23+$0x50] =	vst v5;
	v5 =	vld [tilespmem:s23+$0x60]  }
0x45b: {  	v3 =	vmul.f32 v4, v3;
	v4 =	vld [tilespmem:s30+$0x60]  }
0x45c: {  	v7 =	vld [tilespmem:s23+$0xFFFFFFA0]  }
0x45d: {  	[tilespmem:s23+$0xFFFFFFD0] =	vst v3;
	v3 =	vld [tilespmem:s23+$0xFFFFFFE0];
	v1 =	vmul.f32 v1, v2  }
0x45e: {  	v2 =	vmul.f32 v6, v8;
	v6 =	vld [tilespmem:s30+$0xFFFFFFE0]  }
0x45f: {  	[tilespmem:s23+$0x10] =	vst v1;
	v8 =	vld [tilespmem:s23+$0x20]  }
0x460: {  	[tilespmem:s23+$0xFFFFFF90] =	vst v2;
	v9 =	vld [tilespmem:s30+$0x20];
	v1 =	vmul.f32 v4, v5  }
0x461: {  	v4 =	vld [tilespmem:s30+$0xFFFFFFA0]  }
0x462: {  	[tilespmem:s23+$0x60] =	vst v1;
	v10 =	vld [tilespmem:s23+$0x70]  }
0x463: {  	v2 =	vmul.f32 v6, v3;
	v6 =	vld [tilespmem:s30+$0x70]  }
0x464: {  	v1 =	vld [tilespmem:s23+$0xFFFFFFB0]  }
.Ltmp10:
0x465: {  	[tilespmem:s23+$0xFFFFFFE0] =	vst v2;
	v2 =	vld [tilespmem:s23+$0xFFFFFFF0];
	v3 =	vmul.f32 v9, v8;
	(pc) =	sbr.rel @p5 .LBB2_23-.Ltmp10, $4  }
0x466: {  	v5 =	vmul.f32 v4, v7;
	v4 =	vld [tilespmem:s30+$0xFFFFFFF0]  }
0x467: {  	[tilespmem:s23+$0x20] =	vst v3;
	v3 =	vld [tilespmem:s23+$0x30]  }
0x468: {  	[tilespmem:s23+$0xFFFFFFA0] =	vst v5;
	v5 =	vld [tilespmem:s30+$0x30];
	v7 =	vmul.f32 v6, v10  }
0x469: {  	s23 =	sadd.s32 $0x100, s23;
	v6 =	vld [tilespmem:s30+$0xFFFFFFB0]  }
0x46a: {  	_ =	sdelay $0x1  }
0x46b: {  	v2 =	vmul.f32 v4, v2  }
0x46c: {  	[tilespmem:s5+$0x70] =	vst v7;
	v3 =	vmul.f32 v5, v3  }
0x46d: {  	[tilespmem:s5+$0xFFFFFFF0] =	vst v2;
	v1 =	vmul.f32 v6, v1  }
0x46e: {  	[tilespmem:s5+$0x30] =	vst v3  }
0x46f: {  	s30 =	simm.s32 $0xF;
	[tilespmem:s5+$0xFFFFFFB0] =	vst v1  }
0x470: {  	_ =	swait.ge [sflag:s30], $0x50  }
0x471: {  	[sflag:s30] =	ssyncset.done $0x0  }
0x472: {  	[sflag:s30] =	ssyncadd.s32 $0xFFFFFFB0  }
0x473: {  	s23 =	simm.s32 $0xA320;
	s30 =	simm.s32 $0x2800;
	s5 =	rddreg [dreg:$0x6]  }
0x474: {  	[spmem:s5] =	stream.indirect.scatter.add.f32 [tilespmem:s30], [sflag:$0x13], $0x40, s23, s9, $0xb8;
	[tilespmem:$0x1DF60] =	vst v63  }
0x475: {  	_ =	swait.ge [sflag:s13], $0x1400  }
0x476: {  	[sflag:s13] =	ssyncset.done $0x0  }
0x477: {  	s31 =	sadd.s32 s26, s20;
	[sflag:s13] =	ssyncadd.s32 $0xFFFFEC00  }
0x478: {  	[tilespmem:s14], [sflag:$0xE] =	stream.linear.gather [hbm4b:s31+s8], $0x50, $0x38;
	[tilespmem:$0x1DF60] =	vst v63  }
0x479: {  	_ =	swait.ge [sflag:s17], $0x50  }
0x47a: {  	[sflag:s17] =	ssyncset.done $0x0  }
0x47b: {  	[sflag:s17] =	ssyncadd.s32 $0xFFFFFFB0  }
0x47c: {  	_ =	swait.ge [sflag:s17], $0x50  }
0x47d: {  	[sflag:s17] =	ssyncset.done $0x0;
	s5 =	sld [smem:$0x7F4]  }
0x47e: {  	p5 =	seq.s32 s29, $0x3D;
	[sflag:s17] =	ssyncadd.s32 $0xFFFFFFB0  }
0x47f: {  	[tilespmem:s16], [sflag:$0x2] =	stream.indirect.gather [spmem:s6], $0x40, s3, s9, $0xb8;
	[tilespmem:$0x1DF60] =	vst v63  }
0x480: {  	s23 =	simm.s32 $0x6400;
	s20 =	rddreg [dreg:$0x4];
	s5 =	sadd.s32 @!p5 s19, s5  }
0x481: {  	[tilespmem:s23], [sflag:$0x6] =	stream.indirect.gather [spmem:s20], $0x40, s4, s9, $0xb8;
	[tilespmem:$0x1DF60] =	vst v63  }
0x482: {  	s5 =	sshrl.u32 @!p5 s5, $0x3  }
0x483: {  	s20 =	simm.s32 @!p5 $0x0;
	s23 =	simm.s32 @!p5 $0xA0A0;
	s19 =	sadd.s32 @!p5 s25, s5  }
0x484: {  	[tilespmem:s23], [sflag:$0xB] =	stream.linear.gather @!p5 [hbm4b:s19+s20], $0x50, $0x38;
	[tilespmem:$0x1DF60] =	vst v63  }
0x485: {  	s30 =	simm.s32 $0x4;
	s5 =	sadd.s32 @!p5 s2, s5;
	s19 =	simm.s32 @!p5 $0xA1E0  }
0x486: {  	[tilespmem:s19], [sflag:$0xB] =	stream.linear.gather @!p5 [hbm4b:s5+s20], $0x50, $0x38;
	[tilespmem:$0x1DF60] =	vst v63  }
0x487: {  	_ =	swait.ge [sflag:s30], $0x1400  }
0x488: {  	[sflag:s30] =	ssyncset.done $0x0  }
0x489: {  	s31 =	simm.s32 $0x8;
	[sflag:s30] =	ssyncadd.s32 $0xFFFFEC00  }
0x48a: {  	_ =	swait.ge [sflag:s31], $0x1400  }
0x48b: {  	[sflag:s31] =	ssyncset.done $0x0  }
0x48c: {  	s5 =	simm.s32 $0x3C80;
	[sflag:s31] =	ssyncadd.s32 $0xFFFFEC00  }
0x48d: {  	s19 =	simm.s32 $0x8C80;
	v1 =	vld [tilespmem:s5+$0x40]  }
0x48e: {  	v2 =	vld [tilespmem:s19+$0x40]  }
0x48f: {  	v3 =	vld [tilespmem:s5+$0xFFFFFFC0]  }
0x490: {  	v4 =	vld [tilespmem:s19+$0xFFFFFFC0]  }
0x491: {  	v5 =	vld [tilespmem:s5+$0x0]  }
0x492: {  	v6 =	vld [tilespmem:s19+$0x0]  }
0x493: {  	v7 =	vld [tilespmem:s5+$0xFFFFFF80];
	v1 =	vmul.f32 v2, v1  }
0x494: {  	v2 =	vld [tilespmem:s19+$0xFFFFFF80]  }
0x495: {  	[tilespmem:s5+$0x40] =	vst v1;
	v1 =	vld [tilespmem:s5+$0x50]  }
0x496: {  	v3 =	vmul.f32 v4, v3;
	v4 =	vld [tilespmem:s19+$0x50]  }
0x497: {  	v8 =	vld [tilespmem:s5+$0xFFFFFF90]  }
0x498: {  	[tilespmem:s5+$0xFFFFFFC0] =	vst v3;
	v3 =	vmul.f32 v6, v5;
	v5 =	vld [tilespmem:s5+$0xFFFFFFD0]  }
0x499: {  	v6 =	vld [tilespmem:s19+$0xFFFFFFD0];
	v2 =	vmul.f32 v2, v7  }
0x49a: {  	[tilespmem:s5+$0x0] =	vst v3;
	v3 =	vld [tilespmem:s5+$0x10]  }
0x49b: {  	v7 =	vld [tilespmem:s19+$0x10];
	[tilespmem:s5+$0xFFFFFF80] =	vst v2;
	v1 =	vmul.f32 v4, v1  }
0x49c: {  	v2 =	vld [tilespmem:s19+$0xFFFFFF90]  }
0x49d: {  	[tilespmem:s5+$0x50] =	vst v1;
	v1 =	vld [tilespmem:s5+$0x60]  }
0x49e: {  	v4 =	vmul.f32 v6, v5;
	v5 =	vld [tilespmem:s19+$0x60]  }
0x49f: {  	v6 =	vld [tilespmem:s5+$0xFFFFFFA0]  }
0x4a0: {  	[tilespmem:s5+$0xFFFFFFD0] =	vst v4;
	v3 =	vmul.f32 v7, v3;
	v4 =	vld [tilespmem:s5+$0xFFFFFFE0]  }
0x4a1: {  	v7 =	vld [tilespmem:s19+$0xFFFFFFE0];
	v2 =	vmul.f32 v2, v8  }
0x4a2: {  	[tilespmem:s5+$0x10] =	vst v3;
	v3 =	vld [tilespmem:s5+$0x20]  }
0x4a3: {  	v8 =	vld [tilespmem:s19+$0x20];
	[tilespmem:s5+$0xFFFFFF90] =	vst v2;
	v1 =	vmul.f32 v5, v1  }
0x4a4: {  	v5 =	vld [tilespmem:s19+$0xFFFFFFA0]  }
0x4a5: {  	v9 =	vld [tilespmem:s5+$0x70];
	[tilespmem:s5+$0x60] =	vst v1  }
0x4a6: {  	v2 =	vmul.f32 v7, v4;
	v7 =	vld [tilespmem:s19+$0x70]  }
0x4a7: {  	v1 =	vld [tilespmem:s5+$0xFFFFFFB0]  }
0x4a8: {  	[tilespmem:s5+$0xFFFFFFE0] =	vst v2;
	v3 =	vmul.f32 v8, v3;
	v2 =	vld [tilespmem:s5+$0xFFFFFFF0]  }
0x4a9: {  	v4 =	vld [tilespmem:s19+$0xFFFFFFF0];
	v5 =	vmul.f32 v5, v6  }
0x4aa: {  	[tilespmem:s5+$0x20] =	vst v3;
	v3 =	vld [tilespmem:s5+$0x30]  }
0x4ab: {  	[tilespmem:s5+$0xFFFFFFA0] =	vst v5;
	v5 =	vld [tilespmem:s19+$0x30];
	v7 =	vmul.f32 v7, v9  }
0x4ac: {  	s23 =	simm.s32 $0x3D80;
	s20 =	simm.s32 $0x0;
	v6 =	vld [tilespmem:s19+$0xFFFFFFB0]  }
.LBB2_25:
0x4ad: {  	v8 =	vld [tilespmem:s23+$0x40];
	[tilespmem:s5+$0x70] =	vst v7;
	s19 =	sadd.s32 $0x100, s19  }
0x4ae: {  	s20 =	sadd.s32 $0x4, s20;
	v7 =	vld [tilespmem:s19+$0x40];
	v2 =	vmul.f32 v4, v2  }
0x4af: {  	p5 =	slt.u32 s20, $0x4C;
	v4 =	vld [tilespmem:s19+$0xFFFFFF80]  }
0x4b0: {  	v9 =	vld [tilespmem:s23+$0xFFFFFFC0];
	[tilespmem:s5+$0xFFFFFFF0] =	vst v2;
	v2 =	vmul.f32 v5, v3  }
0x4b1: {  	v3 =	vld [tilespmem:s19+$0xFFFFFFC0];
	v1 =	vmul.f32 v6, v1  }
0x4b2: {  	v5 =	vld [tilespmem:s23+$0x0];
	[tilespmem:s5+$0x30] =	vst v2  }
0x4b3: {  	v2 =	vld [tilespmem:s19+$0x0];
	v6 =	vmul.f32 v7, v8;
	[tilespmem:s5+$0xFFFFFFB0] =	vst v1;
	s5 =	smov.u32 s23  }
0x4b4: {  	v1 =	vld [tilespmem:s23+$0xFFFFFF80]  }
0x4b5: {  	[tilespmem:s23+$0x40] =	vst v6;
	v6 =	vld [tilespmem:s23+$0x50]  }
0x4b6: {  	v3 =	vmul.f32 v3, v9;
	v7 =	vld [tilespmem:s19+$0x50]  }
0x4b7: {  	v8 =	vld [tilespmem:s23+$0xFFFFFF90]  }
0x4b8: {  	[tilespmem:s23+$0xFFFFFFC0] =	vst v3;
	v3 =	vld [tilespmem:s23+$0xFFFFFFD0];
	v2 =	vmul.f32 v2, v5  }
0x4b9: {  	v1 =	vmul.f32 v4, v1;
	v4 =	vld [tilespmem:s19+$0xFFFFFFD0]  }
0x4ba: {  	[tilespmem:s23+$0x0] =	vst v2;
	v2 =	vld [tilespmem:s23+$0x10]  }
0x4bb: {  	[tilespmem:s23+$0xFFFFFF80] =	vst v1;
	v1 =	vld [tilespmem:s19+$0x10];
	v5 =	vmul.f32 v7, v6  }
0x4bc: {  	v6 =	vld [tilespmem:s19+$0xFFFFFF90]  }
0x4bd: {  	[tilespmem:s23+$0x50] =	vst v5;
	v5 =	vld [tilespmem:s23+$0x60]  }
0x4be: {  	v3 =	vmul.f32 v4, v3;
	v4 =	vld [tilespmem:s19+$0x60]  }
0x4bf: {  	v7 =	vld [tilespmem:s23+$0xFFFFFFA0]  }
0x4c0: {  	[tilespmem:s23+$0xFFFFFFD0] =	vst v3;
	v3 =	vld [tilespmem:s23+$0xFFFFFFE0];
	v1 =	vmul.f32 v1, v2  }
0x4c1: {  	v2 =	vmul.f32 v6, v8;
	v6 =	vld [tilespmem:s19+$0xFFFFFFE0]  }
0x4c2: {  	[tilespmem:s23+$0x10] =	vst v1;
	v8 =	vld [tilespmem:s23+$0x20]  }
0x4c3: {  	[tilespmem:s23+$0xFFFFFF90] =	vst v2;
	v9 =	vld [tilespmem:s19+$0x20];
	v1 =	vmul.f32 v4, v5  }
0x4c4: {  	v4 =	vld [tilespmem:s19+$0xFFFFFFA0]  }
0x4c5: {  	[tilespmem:s23+$0x60] =	vst v1;
	v10 =	vld [tilespmem:s23+$0x70]  }
0x4c6: {  	v2 =	vmul.f32 v6, v3;
	v6 =	vld [tilespmem:s19+$0x70]  }
0x4c7: {  	v1 =	vld [tilespmem:s23+$0xFFFFFFB0]  }
.Ltmp11:
0x4c8: {  	[tilespmem:s23+$0xFFFFFFE0] =	vst v2;
	v2 =	vld [tilespmem:s23+$0xFFFFFFF0];
	v3 =	vmul.f32 v9, v8;
	(pc) =	sbr.rel @p5 .LBB2_25-.Ltmp11, $4  }
0x4c9: {  	v5 =	vmul.f32 v4, v7;
	v4 =	vld [tilespmem:s19+$0xFFFFFFF0]  }
0x4ca: {  	[tilespmem:s23+$0x20] =	vst v3;
	v3 =	vld [tilespmem:s23+$0x30]  }
0x4cb: {  	[tilespmem:s23+$0xFFFFFFA0] =	vst v5;
	v5 =	vld [tilespmem:s19+$0x30];
	v7 =	vmul.f32 v6, v10  }
0x4cc: {  	s23 =	sadd.s32 $0x100, s23;
	v6 =	vld [tilespmem:s19+$0xFFFFFFB0]  }
0x4cd: {  	_ =	sdelay $0x1  }
0x4ce: {  	v2 =	vmul.f32 v4, v2  }
0x4cf: {  	[tilespmem:s5+$0x70] =	vst v7;
	v3 =	vmul.f32 v5, v3  }
0x4d0: {  	[tilespmem:s5+$0xFFFFFFF0] =	vst v2;
	v1 =	vmul.f32 v6, v1  }
0x4d1: {  	s29 =	sadd.s32 $0x1, s29;
	[tilespmem:s5+$0x30] =	vst v3  }
0x4d2: {  	s31 =	simm.s32 $0x10;
	p5 =	sne.s32 s29, $0x3E;
	[tilespmem:s5+$0xFFFFFFB0] =	vst v1  }
.Ltmp12:
0x4d3: {  	_ =	swait.ge [sflag:s31], $0x50;
	(pc) =	sbr.rel @p5 .LBB2_18-.Ltmp12, $4  }
0x4d4: {  	[sflag:s31] =	ssyncset.done $0x0  }
0x4d5: {  	[sflag:s31] =	ssyncadd.s32 $0xFFFFFFB0  }
0x4d6: {  	s19 =	simm.s32 $0xA370;
	s20 =	simm.s32 $0x3C00;
	s5 =	rddreg [dreg:$0x6]  }
0x4d7: {  	[spmem:s5] =	stream.indirect.scatter.add.f32 [tilespmem:s20], [sflag:$0x14], $0x40, s19, s9, $0xb8;
	[tilespmem:$0x1DF60] =	vst v63  }
0x4d8: {  	s4 =	simm.s32 $0x13  }
0x4d9: {  	_ =	swait.ge [sflag:s4], $0x1400  }
0x4da: {  	[sflag:s4] =	ssyncset.done $0x0  }
0x4db: {  	s31 =	simm.s32 $0x1;
	[sflag:s4] =	ssyncadd.s32 $0xFFFFEC00  }
0x4dc: {  	_ =	swait.ge [sflag:s31], $0x1400  }
0x4dd: {  	[sflag:s31] =	ssyncset.done $0x0  }
0x4de: {  	[sflag:s31] =	ssyncadd.s32 $0xFFFFEC00  }
0x4df: {  	_ =	swait.ge [sflag:s15], $0x1400  }
0x4e0: {  	[sflag:s15] =	ssyncset.done $0x0  }
0x4e1: {  	s5 =	simm.s32 $0x80;
	[sflag:s15] =	ssyncadd.s32 $0xFFFFEC00  }
0x4e2: {  	s19 =	simm.s32 $0x5080;
	v1 =	vld [tilespmem:s5+$0x40]  }
0x4e3: {  	v2 =	vld [tilespmem:s19+$0x40]  }
0x4e4: {  	v3 =	vld [tilespmem:s5+$0xFFFFFFC0]  }
0x4e5: {  	v4 =	vld [tilespmem:s19+$0xFFFFFFC0]  }
0x4e6: {  	v5 =	vld [tilespmem:s5+$0x0]  }
0x4e7: {  	v6 =	vld [tilespmem:s19+$0x0]  }
0x4e8: {  	v7 =	vld [tilespmem:s5+$0xFFFFFF80];
	v1 =	vmul.f32 v2, v1  }
0x4e9: {  	v2 =	vld [tilespmem:s19+$0xFFFFFF80]  }
0x4ea: {  	[tilespmem:s5+$0x40] =	vst v1;
	v1 =	vld [tilespmem:s5+$0x50]  }
0x4eb: {  	v3 =	vmul.f32 v4, v3;
	v4 =	vld [tilespmem:s19+$0x50]  }
0x4ec: {  	v8 =	vld [tilespmem:s5+$0xFFFFFF90]  }
0x4ed: {  	[tilespmem:s5+$0xFFFFFFC0] =	vst v3;
	v3 =	vmul.f32 v6, v5;
	v5 =	vld [tilespmem:s5+$0xFFFFFFD0]  }
0x4ee: {  	v6 =	vld [tilespmem:s19+$0xFFFFFFD0];
	v2 =	vmul.f32 v2, v7  }
0x4ef: {  	[tilespmem:s5+$0x0] =	vst v3;
	v3 =	vld [tilespmem:s5+$0x10]  }
0x4f0: {  	v7 =	vld [tilespmem:s19+$0x10];
	[tilespmem:s5+$0xFFFFFF80] =	vst v2;
	v1 =	vmul.f32 v4, v1  }
0x4f1: {  	v2 =	vld [tilespmem:s19+$0xFFFFFF90]  }
0x4f2: {  	[tilespmem:s5+$0x50] =	vst v1;
	v1 =	vld [tilespmem:s5+$0x60]  }
0x4f3: {  	v4 =	vmul.f32 v6, v5;
	v5 =	vld [tilespmem:s19+$0x60]  }
0x4f4: {  	v6 =	vld [tilespmem:s5+$0xFFFFFFA0]  }
0x4f5: {  	[tilespmem:s5+$0xFFFFFFD0] =	vst v4;
	v3 =	vmul.f32 v7, v3;
	v4 =	vld [tilespmem:s5+$0xFFFFFFE0]  }
0x4f6: {  	v7 =	vld [tilespmem:s19+$0xFFFFFFE0];
	v2 =	vmul.f32 v2, v8  }
0x4f7: {  	[tilespmem:s5+$0x10] =	vst v3;
	v3 =	vld [tilespmem:s5+$0x20]  }
0x4f8: {  	v8 =	vld [tilespmem:s19+$0x20];
	[tilespmem:s5+$0xFFFFFF90] =	vst v2;
	v1 =	vmul.f32 v5, v1  }
0x4f9: {  	v5 =	vld [tilespmem:s19+$0xFFFFFFA0]  }
0x4fa: {  	v9 =	vld [tilespmem:s5+$0x70];
	[tilespmem:s5+$0x60] =	vst v1  }
0x4fb: {  	v2 =	vmul.f32 v7, v4;
	v7 =	vld [tilespmem:s19+$0x70]  }
0x4fc: {  	v1 =	vld [tilespmem:s5+$0xFFFFFFB0]  }
0x4fd: {  	[tilespmem:s5+$0xFFFFFFE0] =	vst v2;
	v3 =	vmul.f32 v8, v3;
	v2 =	vld [tilespmem:s5+$0xFFFFFFF0]  }
0x4fe: {  	v4 =	vld [tilespmem:s19+$0xFFFFFFF0];
	v5 =	vmul.f32 v5, v6  }
0x4ff: {  	[tilespmem:s5+$0x20] =	vst v3;
	v3 =	vld [tilespmem:s5+$0x30]  }
0x500: {  	[tilespmem:s5+$0xFFFFFFA0] =	vst v5;
	v5 =	vld [tilespmem:s19+$0x30];
	v7 =	vmul.f32 v7, v9  }
0x501: {  	s20 =	simm.s32 $0x0;
	s23 =	simm.s32 $0x180;
	v6 =	vld [tilespmem:s19+$0xFFFFFFB0]  }
.LBB2_28:
0x502: {  	v8 =	vld [tilespmem:s23+$0x40];
	[tilespmem:s5+$0x70] =	vst v7;
	s19 =	sadd.s32 $0x100, s19  }
0x503: {  	s20 =	sadd.s32 $0x4, s20;
	v7 =	vld [tilespmem:s19+$0x40];
	v2 =	vmul.f32 v4, v2  }
0x504: {  	p5 =	slt.u32 s20, $0x4C;
	v4 =	vld [tilespmem:s19+$0xFFFFFF80]  }
0x505: {  	v9 =	vld [tilespmem:s23+$0xFFFFFFC0];
	[tilespmem:s5+$0xFFFFFFF0] =	vst v2;
	v2 =	vmul.f32 v5, v3  }
0x506: {  	v3 =	vld [tilespmem:s19+$0xFFFFFFC0];
	v1 =	vmul.f32 v6, v1  }
0x507: {  	v5 =	vld [tilespmem:s23+$0x0];
	[tilespmem:s5+$0x30] =	vst v2  }
0x508: {  	v2 =	vld [tilespmem:s19+$0x0];
	v6 =	vmul.f32 v7, v8;
	[tilespmem:s5+$0xFFFFFFB0] =	vst v1;
	s5 =	smov.u32 s23  }
0x509: {  	v1 =	vld [tilespmem:s23+$0xFFFFFF80]  }
0x50a: {  	[tilespmem:s23+$0x40] =	vst v6;
	v6 =	vld [tilespmem:s23+$0x50]  }
0x50b: {  	v3 =	vmul.f32 v3, v9;
	v7 =	vld [tilespmem:s19+$0x50]  }
0x50c: {  	v8 =	vld [tilespmem:s23+$0xFFFFFF90]  }
0x50d: {  	[tilespmem:s23+$0xFFFFFFC0] =	vst v3;
	v3 =	vld [tilespmem:s23+$0xFFFFFFD0];
	v2 =	vmul.f32 v2, v5  }
0x50e: {  	v1 =	vmul.f32 v4, v1;
	v4 =	vld [tilespmem:s19+$0xFFFFFFD0]  }
0x50f: {  	[tilespmem:s23+$0x0] =	vst v2;
	v2 =	vld [tilespmem:s23+$0x10]  }
0x510: {  	[tilespmem:s23+$0xFFFFFF80] =	vst v1;
	v1 =	vld [tilespmem:s19+$0x10];
	v5 =	vmul.f32 v7, v6  }
0x511: {  	v6 =	vld [tilespmem:s19+$0xFFFFFF90]  }
0x512: {  	[tilespmem:s23+$0x50] =	vst v5;
	v5 =	vld [tilespmem:s23+$0x60]  }
0x513: {  	v3 =	vmul.f32 v4, v3;
	v4 =	vld [tilespmem:s19+$0x60]  }
0x514: {  	v7 =	vld [tilespmem:s23+$0xFFFFFFA0]  }
0x515: {  	[tilespmem:s23+$0xFFFFFFD0] =	vst v3;
	v3 =	vld [tilespmem:s23+$0xFFFFFFE0];
	v1 =	vmul.f32 v1, v2  }
0x516: {  	v2 =	vmul.f32 v6, v8;
	v6 =	vld [tilespmem:s19+$0xFFFFFFE0]  }
0x517: {  	[tilespmem:s23+$0x10] =	vst v1;
	v8 =	vld [tilespmem:s23+$0x20]  }
0x518: {  	[tilespmem:s23+$0xFFFFFF90] =	vst v2;
	v9 =	vld [tilespmem:s19+$0x20];
	v1 =	vmul.f32 v4, v5  }
0x519: {  	v4 =	vld [tilespmem:s19+$0xFFFFFFA0]  }
0x51a: {  	[tilespmem:s23+$0x60] =	vst v1;
	v10 =	vld [tilespmem:s23+$0x70]  }
0x51b: {  	v2 =	vmul.f32 v6, v3;
	v6 =	vld [tilespmem:s19+$0x70]  }
0x51c: {  	v1 =	vld [tilespmem:s23+$0xFFFFFFB0]  }
.Ltmp13:
0x51d: {  	[tilespmem:s23+$0xFFFFFFE0] =	vst v2;
	v2 =	vld [tilespmem:s23+$0xFFFFFFF0];
	v3 =	vmul.f32 v9, v8;
	(pc) =	sbr.rel @p5 .LBB2_28-.Ltmp13, $4  }
0x51e: {  	v5 =	vmul.f32 v4, v7;
	v4 =	vld [tilespmem:s19+$0xFFFFFFF0]  }
0x51f: {  	[tilespmem:s23+$0x20] =	vst v3;
	v3 =	vld [tilespmem:s23+$0x30]  }
0x520: {  	[tilespmem:s23+$0xFFFFFFA0] =	vst v5;
	v5 =	vld [tilespmem:s19+$0x30];
	v7 =	vmul.f32 v6, v10  }
0x521: {  	s23 =	sadd.s32 $0x100, s23;
	v6 =	vld [tilespmem:s19+$0xFFFFFFB0]  }
0x522: {  	_ =	sdelay $0x1  }
0x523: {  	v2 =	vmul.f32 v4, v2  }
0x524: {  	[tilespmem:s5+$0x70] =	vst v7;
	v3 =	vmul.f32 v5, v3  }
0x525: {  	[tilespmem:s5+$0xFFFFFFF0] =	vst v2;
	v1 =	vmul.f32 v6, v1  }
0x526: {  	[tilespmem:s5+$0x30] =	vst v3  }
0x527: {  	[tilespmem:s5+$0xFFFFFFB0] =	vst v1  }
0x528: {  	_ =	swait.ge [sflag:s18], $0x50  }
0x529: {  	[sflag:s18] =	ssyncset.done $0x0  }
0x52a: {  	[sflag:s18] =	ssyncadd.s32 $0xFFFFFFB0  }
0x52b: {  	s4 =	simm.s32 $0xA280;
	s31 =	simm.s32 $0x14;
	s29 =	rddreg [dreg:$0x6]  }
0x52c: {  	[spmem:s29] =	stream.indirect.scatter.add.f32 [tilespmem:s8], [sflag:$0x11], $0x40, s4, s9, $0xb8;
	[tilespmem:$0x1DF60] =	vst v63  }
0x52d: {  	_ =	swait.ge [sflag:s31], $0x1400  }
0x52e: {  	[sflag:s31] =	ssyncset.done $0x0  }
0x52f: {  	[sflag:s31] =	ssyncadd.s32 $0xFFFFEC00  }
0x530: {  	_ =	swait.ge [sflag:s0], $0x1400  }
0x531: {  	[sflag:s0] =	ssyncset.done $0x0  }
0x532: {  	[sflag:s0] =	ssyncadd.s32 $0xFFFFEC00  }
0x533: {  	_ =	swait.ge [sflag:s7], $0x1400  }
0x534: {  	[sflag:s7] =	ssyncset.done $0x0  }
0x535: {  	s5 =	simm.s32 $0x1480;
	[sflag:s7] =	ssyncadd.s32 $0xFFFFEC00  }
0x536: {  	s19 =	simm.s32 $0x6480;
	v1 =	vld [tilespmem:s5+$0x40]  }
0x537: {  	v2 =	vld [tilespmem:s19+$0x40]  }
0x538: {  	v3 =	vld [tilespmem:s5+$0xFFFFFFC0]  }
0x539: {  	v4 =	vld [tilespmem:s19+$0xFFFFFFC0]  }
0x53a: {  	v5 =	vld [tilespmem:s5+$0x0]  }
0x53b: {  	v6 =	vld [tilespmem:s19+$0x0]  }
0x53c: {  	v7 =	vld [tilespmem:s5+$0xFFFFFF80];
	v1 =	vmul.f32 v2, v1  }
0x53d: {  	v2 =	vld [tilespmem:s19+$0xFFFFFF80]  }
0x53e: {  	[tilespmem:s5+$0x40] =	vst v1;
	v1 =	vld [tilespmem:s5+$0x50]  }
0x53f: {  	v3 =	vmul.f32 v4, v3;
	v4 =	vld [tilespmem:s19+$0x50]  }
0x540: {  	v8 =	vld [tilespmem:s5+$0xFFFFFF90]  }
0x541: {  	[tilespmem:s5+$0xFFFFFFC0] =	vst v3;
	v3 =	vmul.f32 v6, v5;
	v5 =	vld [tilespmem:s5+$0xFFFFFFD0]  }
0x542: {  	v6 =	vld [tilespmem:s19+$0xFFFFFFD0];
	v2 =	vmul.f32 v2, v7  }
0x543: {  	[tilespmem:s5+$0x0] =	vst v3;
	v3 =	vld [tilespmem:s5+$0x10]  }
0x544: {  	v7 =	vld [tilespmem:s19+$0x10];
	[tilespmem:s5+$0xFFFFFF80] =	vst v2;
	v1 =	vmul.f32 v4, v1  }
0x545: {  	v2 =	vld [tilespmem:s19+$0xFFFFFF90]  }
0x546: {  	[tilespmem:s5+$0x50] =	vst v1;
	v1 =	vld [tilespmem:s5+$0x60]  }
0x547: {  	v4 =	vmul.f32 v6, v5;
	v5 =	vld [tilespmem:s19+$0x60]  }
0x548: {  	v6 =	vld [tilespmem:s5+$0xFFFFFFA0]  }
0x549: {  	[tilespmem:s5+$0xFFFFFFD0] =	vst v4;
	v3 =	vmul.f32 v7, v3;
	v4 =	vld [tilespmem:s5+$0xFFFFFFE0]  }
0x54a: {  	v7 =	vld [tilespmem:s19+$0xFFFFFFE0];
	v2 =	vmul.f32 v2, v8  }
0x54b: {  	[tilespmem:s5+$0x10] =	vst v3;
	v3 =	vld [tilespmem:s5+$0x20]  }
0x54c: {  	v8 =	vld [tilespmem:s19+$0x20];
	[tilespmem:s5+$0xFFFFFF90] =	vst v2;
	v1 =	vmul.f32 v5, v1  }
0x54d: {  	v5 =	vld [tilespmem:s19+$0xFFFFFFA0]  }
0x54e: {  	v9 =	vld [tilespmem:s5+$0x70];
	[tilespmem:s5+$0x60] =	vst v1  }
0x54f: {  	v2 =	vmul.f32 v7, v4;
	v7 =	vld [tilespmem:s19+$0x70]  }
0x550: {  	v1 =	vld [tilespmem:s5+$0xFFFFFFB0]  }
0x551: {  	[tilespmem:s5+$0xFFFFFFE0] =	vst v2;
	v3 =	vmul.f32 v8, v3;
	v2 =	vld [tilespmem:s5+$0xFFFFFFF0]  }
0x552: {  	v4 =	vld [tilespmem:s19+$0xFFFFFFF0];
	v5 =	vmul.f32 v5, v6  }
0x553: {  	[tilespmem:s5+$0x20] =	vst v3;
	v3 =	vld [tilespmem:s5+$0x30]  }
0x554: {  	[tilespmem:s5+$0xFFFFFFA0] =	vst v5;
	v5 =	vld [tilespmem:s19+$0x30];
	v7 =	vmul.f32 v7, v9  }
0x555: {  	s20 =	simm.s32 $0x0;
	s23 =	simm.s32 $0x1580;
	v6 =	vld [tilespmem:s19+$0xFFFFFFB0];
	s30 =	rddreg [dreg:$0xe]  }
.LBB2_30:
0x556: {  	v8 =	vld [tilespmem:s23+$0x40];
	[tilespmem:s5+$0x70] =	vst v7;
	s19 =	sadd.s32 $0x100, s19  }
0x557: {  	s20 =	sadd.s32 $0x4, s20;
	v7 =	vld [tilespmem:s19+$0x40];
	v2 =	vmul.f32 v4, v2  }
0x558: {  	p5 =	slt.u32 s20, $0x4C;
	v4 =	vld [tilespmem:s19+$0xFFFFFF80]  }
0x559: {  	v9 =	vld [tilespmem:s23+$0xFFFFFFC0];
	[tilespmem:s5+$0xFFFFFFF0] =	vst v2;
	v2 =	vmul.f32 v5, v3  }
0x55a: {  	v3 =	vld [tilespmem:s19+$0xFFFFFFC0];
	v1 =	vmul.f32 v6, v1  }
0x55b: {  	v5 =	vld [tilespmem:s23+$0x0];
	[tilespmem:s5+$0x30] =	vst v2  }
0x55c: {  	v2 =	vld [tilespmem:s19+$0x0];
	v6 =	vmul.f32 v7, v8;
	[tilespmem:s5+$0xFFFFFFB0] =	vst v1;
	s5 =	smov.u32 s23  }
0x55d: {  	v1 =	vld [tilespmem:s23+$0xFFFFFF80]  }
0x55e: {  	[tilespmem:s23+$0x40] =	vst v6;
	v6 =	vld [tilespmem:s23+$0x50]  }
0x55f: {  	v3 =	vmul.f32 v3, v9;
	v7 =	vld [tilespmem:s19+$0x50]  }
0x560: {  	v8 =	vld [tilespmem:s23+$0xFFFFFF90]  }
0x561: {  	[tilespmem:s23+$0xFFFFFFC0] =	vst v3;
	v3 =	vld [tilespmem:s23+$0xFFFFFFD0];
	v2 =	vmul.f32 v2, v5  }
0x562: {  	v1 =	vmul.f32 v4, v1;
	v4 =	vld [tilespmem:s19+$0xFFFFFFD0]  }
0x563: {  	[tilespmem:s23+$0x0] =	vst v2;
	v2 =	vld [tilespmem:s23+$0x10]  }
0x564: {  	[tilespmem:s23+$0xFFFFFF80] =	vst v1;
	v1 =	vld [tilespmem:s19+$0x10];
	v5 =	vmul.f32 v7, v6  }
0x565: {  	v6 =	vld [tilespmem:s19+$0xFFFFFF90]  }
0x566: {  	[tilespmem:s23+$0x50] =	vst v5;
	v5 =	vld [tilespmem:s23+$0x60]  }
0x567: {  	v3 =	vmul.f32 v4, v3;
	v4 =	vld [tilespmem:s19+$0x60]  }
0x568: {  	v7 =	vld [tilespmem:s23+$0xFFFFFFA0]  }
0x569: {  	[tilespmem:s23+$0xFFFFFFD0] =	vst v3;
	v3 =	vld [tilespmem:s23+$0xFFFFFFE0];
	v1 =	vmul.f32 v1, v2  }
0x56a: {  	v2 =	vmul.f32 v6, v8;
	v6 =	vld [tilespmem:s19+$0xFFFFFFE0]  }
0x56b: {  	[tilespmem:s23+$0x10] =	vst v1;
	v8 =	vld [tilespmem:s23+$0x20]  }
0x56c: {  	[tilespmem:s23+$0xFFFFFF90] =	vst v2;
	v9 =	vld [tilespmem:s19+$0x20];
	v1 =	vmul.f32 v4, v5  }
0x56d: {  	v4 =	vld [tilespmem:s19+$0xFFFFFFA0]  }
0x56e: {  	[tilespmem:s23+$0x60] =	vst v1;
	v10 =	vld [tilespmem:s23+$0x70]  }
0x56f: {  	v2 =	vmul.f32 v6, v3;
	v6 =	vld [tilespmem:s19+$0x70]  }
0x570: {  	v1 =	vld [tilespmem:s23+$0xFFFFFFB0]  }
.Ltmp14:
0x571: {  	[tilespmem:s23+$0xFFFFFFE0] =	vst v2;
	v2 =	vld [tilespmem:s23+$0xFFFFFFF0];
	v3 =	vmul.f32 v9, v8;
	(pc) =	sbr.rel @p5 .LBB2_30-.Ltmp14, $4  }
0x572: {  	v5 =	vmul.f32 v4, v7;
	v4 =	vld [tilespmem:s19+$0xFFFFFFF0]  }
0x573: {  	[tilespmem:s23+$0x20] =	vst v3;
	v3 =	vld [tilespmem:s23+$0x30]  }
0x574: {  	[tilespmem:s23+$0xFFFFFFA0] =	vst v5;
	v5 =	vld [tilespmem:s19+$0x30];
	v7 =	vmul.f32 v6, v10  }
0x575: {  	s23 =	sadd.s32 $0x100, s23;
	v6 =	vld [tilespmem:s19+$0xFFFFFFB0]  }
0x576: {  	_ =	sdelay $0x1  }
0x577: {  	v2 =	vmul.f32 v4, v2  }
0x578: {  	[tilespmem:s5+$0x70] =	vst v7;
	v3 =	vmul.f32 v5, v3  }
0x579: {  	[tilespmem:s5+$0xFFFFFFF0] =	vst v2;
	v1 =	vmul.f32 v6, v1  }
0x57a: {  	[tilespmem:s5+$0x30] =	vst v3  }
0x57b: {  	[tilespmem:s5+$0xFFFFFFB0] =	vst v1  }
0x57c: {  	_ =	swait.ge [sflag:s22], $0x50  }
0x57d: {  	[sflag:s22] =	ssyncset.done $0x0  }
0x57e: {  	[sflag:s22] =	ssyncadd.s32 $0xFFFFFFB0  }
0x57f: {  	s20 =	rddreg [dreg:$0x6]  }
0x580: {  	[spmem:s20] =	stream.indirect.scatter.add.f32 [tilespmem:s16], [sflag:$0x12], $0x40, s14, s9, $0xb8;
	[tilespmem:$0x1DF60] =	vst v63  }
0x581: {  	_ =	swait.ge [sflag:s21], $0x1400  }
0x582: {  	[sflag:s21] =	ssyncset.done $0x0  }
0x583: {  	[sflag:s21] =	ssyncadd.s32 $0xFFFFEC00  }
0x584: {  	_ =	swait.ge [sflag:s13], $0x1400  }
0x585: {  	[sflag:s13] =	ssyncset.done $0x0  }
0x586: {  	s20 =	stileid.u32;
	[sflag:s13] =	ssyncadd.s32 $0xFFFFEC00  }
0x587: {  	s5 =	sshll.u32 @!p3 s20, $0x6;
	[bflag:$0x0] =	sbarrier.arrive $0xFFFF  }
0x588: {  	s19 =	sshrl.u32 @!p3 s30, $0x3;
	s5 =	sor.u32 @!p3 $0x1C15, s5;
	s23 =	rddreg [dreg:$0x1e]  }
0x589: {  	[hbm:s23], [sflag:s5] =	dma.local @!p3 [spmem:s19], $0x1380  }
0x58a: {  	s19 =	simm.s32 @!p3 $0x15  }
0x58b: {  	_ =	swait.ge @!p3 [sflag:s19], $0x1380  }
0x58c: {  	s4 =	sld [smem:$0x7F6]  }
0x58d: {  	s29 =	sld [smem:$0x7FA]  }
0x58e: {  	s23 =	sld [smem:$0x7EF]  }
0x58f: {  	[sflag:s19] =	ssyncset.done @!p3 $0x0;
	p5 =	seq.s32 s4, $0x1  }
0x590: {  	[sflag:s19] =	ssyncadd.s32 @!p3 $0xFFFFEC80;
	s19 =	sshrl.u32 @!p5 s29, $0x3  }
0x591: {  	[hbm:s23], [sflag:s5] =	dma.local @!p5 [spmem:s19], $0x80  }
0x592: {  	s5 =	simm.s32 @!p5 $0x15  }
0x593: {  	_ =	swait.ge @!p5 [sflag:s5], $0x80  }
0x594: {  	s19 =	sshll.u32 @p0 s20, $0x6;
	[sflag:s5] =	ssyncset.done @!p5 $0x0;
	s23 =	rddreg [dreg:$0x1f]  }
0x595: {  	[sflag:s5] =	ssyncadd.s32 @!p5 $0xFFFFFF80;
	s5 =	sor.u32 @p0 $0x1C15, s19;
	s19 =	sshrl.u32 @p0 s30, $0x3  }
0x596: {  	[hbm:s23], [sflag:s5] =	dma.local @p0 [spmem:s19], $0x1380  }
0x597: {  	s19 =	simm.s32 @p0 $0x15  }
0x598: {  	_ =	swait.ge @p0 [sflag:s19], $0x1380  }
0x599: {  	s23 =	sld [smem:$0x7F7];
	_ =	sdelay $0x2  }
0x59a: {  	p6 =	seq.s32 s23, $0x1;
	s23 =	sld [smem:$0x7F0]  }
0x59b: {  	[sflag:s19] =	ssyncset.done @p0 $0x0  }
0x59c: {  	[sflag:s19] =	ssyncadd.s32 @p0 $0xFFFFEC80;
	s19 =	sshrl.u32 @!p6 s29, $0x3  }
0x59d: {  	[hbm:s23], [sflag:s5] =	dma.local @!p6 [spmem:s19], $0x80  }
0x59e: {  	s5 =	simm.s32 @!p6 $0x15  }
0x59f: {  	_ =	swait.ge @!p6 [sflag:s5], $0x80  }
0x5a0: {  	s29 =	sld [smem:$0x7EA]  }
0x5a1: {  	s31 =	sld [smem:$0x7F1];
	_ =	sdelay $0x1  }
0x5a2: {  	s4 =	sadd.s32 $0x1, s29  }
0x5a3: {  	p5 =	sne.s32 s4, s31  }
.Ltmp15:
0x5a4: {  	_ = 	snop;
	(pc) =	sbr.rel @p5 .LBB2_1-.Ltmp15, $3  }
0x5a5: {  	_ =	sdelay $0x1  }
0x5a6: {  	[sflag:s5] =	ssyncset.done @!p6 $0x0  }
0x5a7: {  	[sflag:s5] =	ssyncadd.s32 @!p6 $0xFFFFFF80  }
0x5a8: {  	_ =	sfence.sel $0x180000  }
0x5a9: {  	[bflag:$0x0] =	sbarrier.arrive $0xFFFF  }
0x5aa: {  	_ =	strace $0x90000047  }
0x5ab: {  	[bflag:$0x2] =	sbarrier.arrive $0xFFFF  }
0x5ac: {  	p0 =	sne.s32 s20, $0x0;
	s0 =	rddreg [dreg:$0x7]  }
0x5ad: {  	s0 =	sadd.s32 @!p0 $0x100000, s0  }
0x5ae: {  	[sflag:s0] =	ssyncadd.tile.s32 @!p0 $0x1;
	_ =	shalt  }
.Lfunc_end2:
_tile_overlayer_lowered:
.L_overlay_start_2:
0x5af: {  	(tag) =	ssettag $0x2  }
0x5b0: {  	s0 =	rddreg [dreg:$0x0];
	s2 =	stileid.u32  }
0x5b1: {  	s1 =	rddreg [dreg:$0x1];
	p0 =	sne.s32 s2, $0x0  }
0x5b2: {  	s3 =	rddreg [dreg:$0x2];
	[bflag:$0x3] =	sbarrier.arrive $0xFFFF;
	s2 =	simm.s32 @!p0 $0x1C15  }
0x5b3: {  	[timem:s3], [sflag:s2] =	dma.local @!p0 [hbm:s0], s1  }
0x5b4: {  	s0 =	simm.s32 @!p0 $0x15  }
0x5b5: {  	_ =	swait.ge @!p0 [sflag:s0], s1  }
0x5b6: {  	s1 =	ssub.s32 @!p0 $0x0, s1;
	[sflag:s0] =	ssyncset.done @!p0 $0x0  }
0x5b7: {  	[sflag:s0] =	ssyncadd.s32 @!p0 s1  }
0x5b8: {  	[bflag:$0x3] =	sbarrier.arrive $0xFFFF  }
0x5b9: {  	_ =	shalt  }

</sc_bundles>
